<compile_context>
chip_gen: v7x
topology: tpu7x:2x2x1
jax: 0.10.2.dev20260603
libtpu: 0.0.44.dev20260713+nightly
codegen_flags: <defaults>
</compile_context>

<pallas_src>
import jax
import jax.numpy as jnp
from jax import lax
from jax.experimental import pallas as pl
from jax.experimental.pallas import tpu as pltpu
from jax.experimental.pallas import tpu_sc as plsc

N = 100000
N_PAD = 100096
NODES_PER_TILE = N_PAD // 16
WB_CHUNK = 368
WB_COPIES = NODES_PER_TILE // WB_CHUNK

SUB = 128
CHR = 8
CH = SUB * CHR
NCHUNKS = 3125


def _linear_relu_body(x_ref, w_ref, b_ref, o_ref):
    acc = jnp.dot(x_ref[...], w_ref[...], preferred_element_type=jnp.float32)
    o_ref[...] = jnp.maximum(acc + b_ref[...], 0.0)


def _linear_relu(emb_packed, w_block, b_tile):
    rows = emb_packed.shape[0]
    blk = 1000
    grid = rows // blk
    return pl.pallas_call(
        _linear_relu_body,
        grid=(grid,),
        in_specs=[
            pl.BlockSpec((blk, 128), lambda i: (i, 0)),
            pl.BlockSpec((128, 128), lambda i: (0, 0)),
            pl.BlockSpec((1, 128), lambda i: (0, 0)),
        ],
        out_specs=pl.BlockSpec((blk, 128), lambda i: (i, 0)),
        out_shape=jax.ShapeDtypeStruct((rows, 128), jnp.float32),
    )(emb_packed, w_block, b_tile)


def _scatter_body(h_hbm, idx_hbm, sums_hbm, cnts_hbm,
                  rows_v, idx_v, ones_v, z1_v, sem_s, sem_c,
                  acc_sum, acc_cnt):
    num_edges = h_hbm.shape[0]
    idx_rows_per_sec = num_edges // SUB
    cid = lax.axis_index("c")
    sid = lax.axis_index("s")
    nch = (NCHUNKS + 15 - sid) // 16

    for i in range(SUB // 16):
        ones_v[pl.ds(i * 16, 16)] = jnp.full((16,), 1.0, jnp.float32)

    def zr(i, _):
        rows_v[i] = jnp.zeros((16,), jnp.float32)
        return 0
    lax.fori_loop(0, WB_CHUNK, zr, 0)

    def zc(i, _):
        z1_v[pl.ds(i * 16, 16)] = jnp.zeros((16,), jnp.float32)
        return 0
    lax.fori_loop(0, WB_CHUNK // 16, zc, 0)

    node0 = sid * NODES_PER_TILE
    for k in range(WB_COPIES):
        off = pl.multiple_of(node0 + k * WB_CHUNK, 8)
        pltpu.sync_copy(rows_v.at[pl.ds(0, WB_CHUNK)],
                        acc_sum.at[pl.ds(off, WB_CHUNK)])
        pltpu.sync_copy(z1_v, acc_cnt.at[pl.ds(off, WB_CHUNK)])
    plsc.subcore_barrier()

    def chunk(i, _):
        c = 16 * i + sid
        irow = pl.multiple_of(cid * idx_rows_per_sec + c * CHR, 8)
        erow = pl.multiple_of(c * CH, 8)
        pltpu.sync_copy(idx_hbm.at[pl.ds(irow, CHR)], idx_v)
        pltpu.sync_copy(h_hbm.at[pl.ds(erow, CH)], rows_v)
        cps = []
        for j in range(CHR):
            cps.append(pltpu.async_copy(rows_v.at[pl.ds(j * SUB, SUB)],
                                        acc_sum.at[idx_v.at[j]], sem_s,
                                        add=True))
            cps.append(pltpu.async_copy(ones_v, acc_cnt.at[idx_v.at[j]],
                                        sem_c, add=True))
        for cp in cps:
            cp.wait()
        return 0
    lax.fori_loop(0, nch, chunk, 0)
    plsc.subcore_barrier()

    out0 = cid * N_PAD + node0
    for k in range(WB_COPIES):
        off = pl.multiple_of(node0 + k * WB_CHUNK, 8)
        off_o = pl.multiple_of(out0 + k * WB_CHUNK, 8)
        pltpu.sync_copy(acc_sum.at[pl.ds(off, WB_CHUNK)],
                        rows_v.at[pl.ds(0, WB_CHUNK)])
        pltpu.sync_copy(rows_v.at[pl.ds(0, WB_CHUNK)],
                        sums_hbm.at[pl.ds(off_o, WB_CHUNK)])
        pltpu.sync_copy(acc_cnt.at[pl.ds(off, WB_CHUNK)], z1_v)
        pltpu.sync_copy(z1_v, cnts_hbm.at[pl.ds(off_o, WB_CHUNK)])


def _sc_scatter(h, idx2d):
    mesh = plsc.VectorSubcoreMesh(core_axis_name="c", subcore_axis_name="s",
                                  num_cores=2, num_subcores=16)
    f = pl.kernel(
        _scatter_body,
        out_type=[
            jax.ShapeDtypeStruct((2 * N_PAD, 16), jnp.float32),
            jax.ShapeDtypeStruct((2 * N_PAD,), jnp.float32),
        ],
        mesh=mesh,
        scratch_types=[
            pltpu.VMEM((CH, 16), jnp.float32),
            pltpu.VMEM((CHR, SUB), jnp.int32),
            pltpu.VMEM((SUB,), jnp.float32),
            pltpu.VMEM((WB_CHUNK,), jnp.float32),
            pltpu.SemaphoreType.DMA,
            pltpu.SemaphoreType.DMA,
            pltpu.VMEM_SHARED((N_PAD, 16), jnp.float32),
            pltpu.VMEM_SHARED((N_PAD,), jnp.float32),
        ],
        compiler_params=pltpu.CompilerParams(use_tc_tiling_on_sc=False),
    )
    return f(h, idx2d)


CMB_CH = 256
CMB_NCH = N_PAD // CMB_CH


def _combine_body(s_hbm, c_hbm, o_hbm, s0v, s1v, c0v, c1v):
    cid = lax.axis_index("c")
    sid = lax.axis_index("s")
    wid = sid * 2 + cid
    nch = (CMB_NCH + 31 - wid) // 32

    def chunk(i, _):
        c = 32 * i + wid
        off = pl.multiple_of(c * CMB_CH, 8)
        off1 = pl.multiple_of(N_PAD + c * CMB_CH, 8)
        pltpu.sync_copy(s_hbm.at[pl.ds(off, CMB_CH)], s0v)
        pltpu.sync_copy(s_hbm.at[pl.ds(off1, CMB_CH)], s1v)
        pltpu.sync_copy(c_hbm.at[pl.ds(off, CMB_CH)], c0v)
        pltpu.sync_copy(c_hbm.at[pl.ds(off1, CMB_CH)], c1v)

        def grp(g, _):
            rc0 = 1.0 / jnp.maximum(c0v[pl.ds(g * 16, 16)], 1.0)
            rc1 = 1.0 / jnp.maximum(c1v[pl.ds(g * 16, 16)], 1.0)
            for k in range(16):
                n = g * 16 + k
                acc = s0v[n] * rc0[k] + s1v[n] * rc1[k]
                s0v[n] = 0.5 * acc
            return 0
        lax.fori_loop(0, CMB_CH // 16, grp, 0)
        pltpu.sync_copy(s0v, o_hbm.at[pl.ds(off, CMB_CH)])
        return 0
    lax.fori_loop(0, nch, chunk, 0)


def _sc_combine(sums, cnts):
    mesh = plsc.VectorSubcoreMesh(core_axis_name="c", subcore_axis_name="s",
                                  num_cores=2, num_subcores=16)
    f = pl.kernel(
        _combine_body,
        out_type=[jax.ShapeDtypeStruct((N_PAD, 16), jnp.float32)],
        mesh=mesh,
        scratch_types=[
            pltpu.VMEM((CMB_CH, 16), jnp.float32),
            pltpu.VMEM((CMB_CH, 16), jnp.float32),
            pltpu.VMEM((CMB_CH,), jnp.float32),
            pltpu.VMEM((CMB_CH,), jnp.float32),
        ],
        compiler_params=pltpu.CompilerParams(use_tc_tiling_on_sc=False),
    )
    out = f(sums, cnts)
    return out[0] if isinstance(out, (list, tuple)) else out


def kernel(edge_emb, edge_index, num_nodes, W, b):
    num_edges = edge_emb.shape[0]
    emb_packed = edge_emb.reshape(num_edges // 8, 128)
    w_block = jnp.kron(jnp.eye(8, dtype=jnp.float32), W.T)
    b_tile = jnp.tile(b, 8).reshape(1, 128)
    h = _linear_relu(emb_packed, w_block, b_tile).reshape(num_edges, 16)

    idx2d = edge_index.reshape(2 * num_edges // SUB, SUB)
    sums, cnts = _sc_scatter(h, idx2d)

    out = _sc_combine(sums, cnts)
    return out[:N]

# --- scband reference (transcript-rebuilt; emitter-appended) ---
"""Pipeline reference for scband-edge2-node-6691559047520 (READ-ONLY COPY).

The authoritative reference and input builder live on the scoring server;
editing this copy changes nothing except your own understanding.
"""

import jax, jax.numpy as jnp
import numpy as np

E = 3200000
N = 100000
C_IN = 16
C_OUT = 16

def setup_inputs(seed: int = 0) -> dict:
    key = jax.random.key(seed)
    k1, k2, k3, k4 = jax.random.split(key, 4)
    edge_emb = jax.random.normal(k1, (E, C_IN), dtype=jnp.float32)
    edge_index = jax.random.randint(k2, (2, E), 0, N)
    # Linear layer params (torch nn.Linear default init: U(-1/sqrt(fan_in), 1/sqrt(fan_in)))
    bound = 1.0 / np.sqrt(C_IN)
    W = jax.random.uniform(k3, (C_OUT, C_IN), minval=-bound, maxval=bound, dtype=jnp.float32)
    b = jax.random.uniform(k4, (C_OUT,), minval=-bound, maxval=bound, dtype=jnp.float32)
    return {"edge_emb": edge_emb, "edge_index": edge_index, "num_nodes": N, "W": W, "b": b}

def _scatter_mean(vals, idx, num_segments):
    s = jax.ops.segment_sum(vals, idx, num_segments=num_segments)
    cnt = jax.ops.segment_sum(jnp.ones((vals.shape[0],), dtype=vals.dtype), idx, num_segments=num_segments)
    cnt = jnp.clip(cnt, 1.0, None)
    return s / cnt[:, None]

def reference(edge_emb, edge_index, num_nodes, W, b):
    dep = (jnp.asarray(num_nodes) * 0).astype(edge_emb.dtype)
    h = jax.nn.relu(edge_emb @ W.T + b) + dep
    src = edge_index[0]
    dst = edge_index[1]
    msg_src = _scatter_mean(h, src, N)
    msg_dst = _scatter_mean(h, dst, N)
    return 0.5 * (msg_src + msg_dst)

if __name__ == "__main__":
    import jax
    _d = setup_inputs()
    print(jax.jit(kernel)(*tuple(_d.values())))

</pallas_src>

<mosaic_0001>
#map = affine_map<(d0, d1) -> (0, 0)>
#map1 = affine_map<(d0, d1) -> (0)>
module attributes {stable_mosaic.version = 14 : i64} {
  func.func @_combine_body(%arg0: i32, %arg1: i32, %arg2: memref<200192x16xf32, #tpu.memory_space<hbm>>, %arg3: memref<200192xf32, #tpu.memory_space<hbm>>, %arg4: memref<100096x16xf32, #tpu.memory_space<hbm>>, %arg5: memref<256x16xf32, #tpu.memory_space<vmem>>, %arg6: memref<256x16xf32, #tpu.memory_space<vmem>>, %arg7: memref<256xf32, #tpu.memory_space<vmem>>, %arg8: memref<256xf32, #tpu.memory_space<vmem>>) attributes {dimension_semantics = [#tpu.dimension_semantics<core_parallel>, #tpu.dimension_semantics<subcore_parallel>], iteration_bounds = array<i64: 2, 16>, scalar_prefetch = 0 : i64, scratch_operands = 4 : i64, tpu.core_type = #tpu.core_type<sc_vector_subcore>, window_params = [{transform_indices = #map}, {transform_indices = #map1}, {transform_indices = #map}]} {
    %mul3A = arith.constant 2 : i32
    %mul3A_0 = arith.muli %arg1, %mul3A : i32
    %add3A = arith.addi %mul3A_0, %arg0 : i32
    %sub3A = arith.constant 422 : i32
    %sub3A_1 = arith.subi %sub3A, %add3A : i32
    %jit3A = arith.constant 32 : i32
    %div3A = arith.divsi %sub3A_1, %jit3A : i32
    %sign3A = arith.constant 0 : i32
    %sign3A_2 = arith.cmpi sgt, %sub3A_1, %sign3A : i32
    %sign3A_3 = arith.extui %sign3A_2 : i1 to i32
    %sign3A_4 = arith.constant 0 : i32
    %sign3A_5 = arith.cmpi slt, %sub3A_1, %sign3A_4 : i32
    %sign3A_6 = arith.extui %sign3A_5 : i1 to i32
    %sign3A_7 = arith.subi %sign3A_3, %sign3A_6 : i32
    %sign3A_8 = arith.constant 0 : i32
    %sign3A_9 = arith.cmpi sgt, %jit3A, %sign3A_8 : i32
    %sign3A_10 = arith.extui %sign3A_9 : i1 to i32
    %sign3A_11 = arith.constant 0 : i32
    %sign3A_12 = arith.cmpi slt, %jit3A, %sign3A_11 : i32
    %sign3A_13 = arith.extui %sign3A_12 : i1 to i32
    %sign3A_14 = arith.subi %sign3A_10, %sign3A_13 : i32
    %ne3A = arith.cmpi ne, %sign3A_7, %sign3A_14 : i32
    %rem3A = arith.remsi %sub3A_1, %jit3A : i32
    %ne3A_15 = arith.constant 0 : i32
    %ne3A_16 = arith.cmpi ne, %rem3A, %ne3A_15 : i32
    %and3A = arith.andi %ne3A, %ne3A_16 : i1
    %sub3A_17 = arith.constant 1 : i32
    %sub3A_18 = arith.subi %div3A, %sub3A_17 : i32
    %select_n3A = arith.select %and3A, %sub3A_18, %div3A : i32
    %while3A = arith.constant 0 : i32
    %while3A_19 = arith.constant 0 : i32
    %while3A_20 = arith.subi %select_n3A, %while3A : i32
    %while3A_21 = arith.addi %while3A, %while3A_20 : i32
    %while3A_22 = arith.constant 1 : i32
    %while3A_23 = arith.divsi %while3A_20, %while3A_22 : i32
    %while3A_24 = arith.muli %while3A_23, %while3A_22 : i32
    %while3A_25 = arith.addi %while3A, %while3A_24 : i32
    %while3A_26 = arith.constant 1 : i32
    %while3A_27 = scf.for %while3A_30 = %while3A to %while3A_25 step %while3A_26 iter_args(%while3A_31 = %while3A_19) -> (i32)  : i32 {
      %mul3A_32 = arith.constant 32 : i32
      %mul3A_33 = arith.muli %mul3A_32, %while3A_30 : i32
      %add3A_34 = arith.addi %mul3A_33, %add3A : i32
      %mul3A_35 = arith.constant 256 : i32
      %mul3A_36 = arith.muli %add3A_34, %mul3A_35 : i32
      %multiple_of3A = tpu.assume_multiple %mul3A_36, 8 : i32
      %mul3A_37 = arith.constant 256 : i32
      %mul3A_38 = arith.muli %add3A_34, %mul3A_37 : i32
      %add3A_39 = arith.constant 100096 : i32
      %add3A_40 = arith.addi %add3A_39, %mul3A_38 : i32
      %multiple_of3A_41 = tpu.assume_multiple %add3A_40, 8 : i32
      "tpu.region"() ({
        %run_scoped3A = tpu.sem_alloc : memref<!tpu.dma_semaphore, #tpu.memory_space<semaphore_mem>>
        %dma_start3A = arith.constant 0 : i32
        %dma_start3A_49 = tpu.memref_slice %arg2[%multiple_of3A, %dma_start3A] : memref<200192x16xf32, #tpu.memory_space<hbm>> -> memref<256x16xf32, #tpu.memory_space<hbm>>
        %dma_start3A_50 = arith.constant 0 : i32
        %dma_start3A_51 = tpu.memref_slice %arg2[%multiple_of3A, %dma_start3A_50] : memref<200192x16xf32, #tpu.memory_space<hbm>> -> memref<256x16xf32, #tpu.memory_space<hbm>>
        tpu.enqueue_dma source(%dma_start3A_51 : memref<256x16xf32, #tpu.memory_space<hbm>>) target(%arg5 : memref<256x16xf32, #tpu.memory_space<vmem>>) target_semaphore(%run_scoped3A : memref<!tpu.dma_semaphore, #tpu.memory_space<semaphore_mem>>)
        %dma_wait3A = arith.constant 0 : i32
        %dma_wait3A_52 = tpu.memref_slice %arg2[%multiple_of3A, %dma_wait3A] : memref<200192x16xf32, #tpu.memory_space<hbm>> -> memref<256x16xf32, #tpu.memory_space<hbm>>
        %dma_wait3A_53 = arith.constant 0 : i32
        %dma_wait3A_54 = tpu.memref_slice %arg2[%multiple_of3A, %dma_wait3A_53] : memref<200192x16xf32, #tpu.memory_space<hbm>> -> memref<256x16xf32, #tpu.memory_space<hbm>>
        tpu.wait_dma2 semaphore(%run_scoped3A : memref<!tpu.dma_semaphore, #tpu.memory_space<semaphore_mem>>) src(%dma_wait3A_54 : memref<256x16xf32, #tpu.memory_space<hbm>>) dst(%arg5 : memref<256x16xf32, #tpu.memory_space<vmem>>)
        tpu.yield
      }) : () -> ()
      "tpu.region"() ({
        %run_scoped3A = tpu.sem_alloc : memref<!tpu.dma_semaphore, #tpu.memory_space<semaphore_mem>>
        %dma_start3A = arith.constant 0 : i32
        %dma_start3A_49 = tpu.memref_slice %arg2[%multiple_of3A_41, %dma_start3A] : memref<200192x16xf32, #tpu.memory_space<hbm>> -> memref<256x16xf32, #tpu.memory_space<hbm>>
        %dma_start3A_50 = arith.constant 0 : i32
        %dma_start3A_51 = tpu.memref_slice %arg2[%multiple_of3A_41, %dma_start3A_50] : memref<200192x16xf32, #tpu.memory_space<hbm>> -> memref<256x16xf32, #tpu.memory_space<hbm>>
        tpu.enqueue_dma source(%dma_start3A_51 : memref<256x16xf32, #tpu.memory_space<hbm>>) target(%arg6 : memref<256x16xf32, #tpu.memory_space<vmem>>) target_semaphore(%run_scoped3A : memref<!tpu.dma_semaphore, #tpu.memory_space<semaphore_mem>>)
        %dma_wait3A = arith.constant 0 : i32
        %dma_wait3A_52 = tpu.memref_slice %arg2[%multiple_of3A_41, %dma_wait3A] : memref<200192x16xf32, #tpu.memory_space<hbm>> -> memref<256x16xf32, #tpu.memory_space<hbm>>
        %dma_wait3A_53 = arith.constant 0 : i32
        %dma_wait3A_54 = tpu.memref_slice %arg2[%multiple_of3A_41, %dma_wait3A_53] : memref<200192x16xf32, #tpu.memory_space<hbm>> -> memref<256x16xf32, #tpu.memory_space<hbm>>
        tpu.wait_dma2 semaphore(%run_scoped3A : memref<!tpu.dma_semaphore, #tpu.memory_space<semaphore_mem>>) src(%dma_wait3A_54 : memref<256x16xf32, #tpu.memory_space<hbm>>) dst(%arg6 : memref<256x16xf32, #tpu.memory_space<vmem>>)
        tpu.yield
      }) : () -> ()
      "tpu.region"() ({
        %run_scoped3A = tpu.sem_alloc : memref<!tpu.dma_semaphore, #tpu.memory_space<semaphore_mem>>
        %dma_start3A = tpu.memref_slice %arg3[%multiple_of3A] : memref<200192xf32, #tpu.memory_space<hbm>> -> memref<256xf32, #tpu.memory_space<hbm>>
        %dma_start3A_49 = tpu.memref_slice %arg3[%multiple_of3A] : memref<200192xf32, #tpu.memory_space<hbm>> -> memref<256xf32, #tpu.memory_space<hbm>>
        tpu.enqueue_dma source(%dma_start3A_49 : memref<256xf32, #tpu.memory_space<hbm>>) target(%arg7 : memref<256xf32, #tpu.memory_space<vmem>>) target_semaphore(%run_scoped3A : memref<!tpu.dma_semaphore, #tpu.memory_space<semaphore_mem>>)
        %dma_wait3A = tpu.memref_slice %arg3[%multiple_of3A] : memref<200192xf32, #tpu.memory_space<hbm>> -> memref<256xf32, #tpu.memory_space<hbm>>
        %dma_wait3A_50 = tpu.memref_slice %arg3[%multiple_of3A] : memref<200192xf32, #tpu.memory_space<hbm>> -> memref<256xf32, #tpu.memory_space<hbm>>
        tpu.wait_dma2 semaphore(%run_scoped3A : memref<!tpu.dma_semaphore, #tpu.memory_space<semaphore_mem>>) src(%dma_wait3A_50 : memref<256xf32, #tpu.memory_space<hbm>>) dst(%arg7 : memref<256xf32, #tpu.memory_space<vmem>>)
        tpu.yield
      }) : () -> ()
      "tpu.region"() ({
        %run_scoped3A = tpu.sem_alloc : memref<!tpu.dma_semaphore, #tpu.memory_space<semaphore_mem>>
        %dma_start3A = tpu.memref_slice %arg3[%multiple_of3A_41] : memref<200192xf32, #tpu.memory_space<hbm>> -> memref<256xf32, #tpu.memory_space<hbm>>
        %dma_start3A_49 = tpu.memref_slice %arg3[%multiple_of3A_41] : memref<200192xf32, #tpu.memory_space<hbm>> -> memref<256xf32, #tpu.memory_space<hbm>>
        tpu.enqueue_dma source(%dma_start3A_49 : memref<256xf32, #tpu.memory_space<hbm>>) target(%arg8 : memref<256xf32, #tpu.memory_space<vmem>>) target_semaphore(%run_scoped3A : memref<!tpu.dma_semaphore, #tpu.memory_space<semaphore_mem>>)
        %dma_wait3A = tpu.memref_slice %arg3[%multiple_of3A_41] : memref<200192xf32, #tpu.memory_space<hbm>> -> memref<256xf32, #tpu.memory_space<hbm>>
        %dma_wait3A_50 = tpu.memref_slice %arg3[%multiple_of3A_41] : memref<200192xf32, #tpu.memory_space<hbm>> -> memref<256xf32, #tpu.memory_space<hbm>>
        tpu.wait_dma2 semaphore(%run_scoped3A : memref<!tpu.dma_semaphore, #tpu.memory_space<semaphore_mem>>) src(%dma_wait3A_50 : memref<256xf32, #tpu.memory_space<hbm>>) dst(%arg8 : memref<256xf32, #tpu.memory_space<vmem>>)
        tpu.yield
      }) : () -> ()
      %scan3A = arith.constant 0 : i32
      %scan3A_42 = arith.constant 0 : i32
      %scan3A_43 = arith.constant 16 : i32
      %scan3A_44 = arith.addi %scan3A_42, %scan3A_43 : i32
      %scan3A_45 = arith.constant 1 : i32
      %scan3A_46 = scf.for %scan3A_49 = %scan3A_42 to %scan3A_44 step %scan3A_45 iter_args(%scan3A_50 = %scan3A) -> (i32)  : i32 {
        %mul3A_51 = arith.constant 16 : i32
        %mul3A_52 = arith.muli %scan3A_49, %mul3A_51 : i32
        %get3A = arith.index_cast %mul3A_52 : i32 to index
        %get3A_53 = tpu.vector_load %arg7[%get3A] {strides = array<i32>} : memref<256xf32, #tpu.memory_space<vmem>>, vector<16xf32>,
        %get3A_54 = vector.shape_cast %get3A_53 : vector<16xf32> to vector<16xf32>
        %max3A = arith.constant 1.000000e+00 : f32
        %max3A_55 = vector.broadcast %max3A : f32 to vector<16xf32>
        %max3A_56 = arith.maximumf %get3A_54, %max3A_55 : vector<16xf32>
        %div3A_57 = arith.constant 1.000000e+00 : f32
        %div3A_58 = vector.broadcast %div3A_57 : f32 to vector<16xf32>
        %div3A_59 = arith.divf %div3A_58, %max3A_56 : vector<16xf32>
        %mul3A_60 = arith.constant 16 : i32
        %mul3A_61 = arith.muli %scan3A_49, %mul3A_60 : i32
        %get3A_62 = arith.index_cast %mul3A_61 : i32 to index
        %get3A_63 = tpu.vector_load %arg8[%get3A_62] {strides = array<i32>} : memref<256xf32, #tpu.memory_space<vmem>>, vector<16xf32>,
        %get3A_64 = vector.shape_cast %get3A_63 : vector<16xf32> to vector<16xf32>
        %max3A_65 = arith.constant 1.000000e+00 : f32
        %max3A_66 = vector.broadcast %max3A_65 : f32 to vector<16xf32>
        %max3A_67 = arith.maximumf %get3A_64, %max3A_66 : vector<16xf32>
        %div3A_68 = arith.constant 1.000000e+00 : f32
        %div3A_69 = vector.broadcast %div3A_68 : f32 to vector<16xf32>
        %div3A_70 = arith.divf %div3A_69, %max3A_67 : vector<16xf32>
        %mul3A_71 = arith.constant 16 : i32
        %mul3A_72 = arith.muli %scan3A_49, %mul3A_71 : i32
        %add3A_73 = arith.constant 0 : i32
        %add3A_74 = arith.addi %mul3A_72, %add3A_73 : i32
        %get3A_75 = arith.index_cast %add3A_74 : i32 to index
        %get3A_76 = arith.constant 0 : index
        %get3A_77 = tpu.vector_load %arg5[%get3A_75, %get3A_76] {strides = array<i32>} : memref<256x16xf32, #tpu.memory_space<vmem>>, vector<1x16xf32>,
        %get3A_78 = vector.shape_cast %get3A_77 : vector<1x16xf32> to vector<16xf32>
        %slice3A = vector.extract_strided_slice %div3A_59 {offsets = [0], sizes = [1], strides = [1]} : vector<16xf32> to vector<1xf32>
        %squeeze3A = vector.extract %slice3A[0] : f32 from vector<1xf32>
        %mul3A_79 = vector.broadcast %squeeze3A : f32 to vector<16xf32>
        %mul3A_80 = arith.mulf %get3A_78, %mul3A_79 : vector<16xf32>
        %get3A_81 = arith.index_cast %add3A_74 : i32 to index
        %get3A_82 = arith.constant 0 : index
        %get3A_83 = tpu.vector_load %arg6[%get3A_81, %get3A_82] {strides = array<i32>} : memref<256x16xf32, #tpu.memory_space<vmem>>, vector<1x16xf32>,
        %get3A_84 = vector.shape_cast %get3A_83 : vector<1x16xf32> to vector<16xf32>
        %slice3A_85 = vector.extract_strided_slice %div3A_70 {offsets = [0], sizes = [1], strides = [1]} : vector<16xf32> to vector<1xf32>
        %squeeze3A_86 = vector.extract %slice3A_85[0] : f32 from vector<1xf32>
        %mul3A_87 = vector.broadcast %squeeze3A_86 : f32 to vector<16xf32>
        %mul3A_88 = arith.mulf %get3A_84, %mul3A_87 : vector<16xf32>
        %add3A_89 = arith.addf %mul3A_80, %mul3A_88 : vector<16xf32>
        %mul3A_90 = arith.constant 5.000000e-01 : f32
        %mul3A_91 = vector.broadcast %mul3A_90 : f32 to vector<16xf32>
        %mul3A_92 = arith.mulf %mul3A_91, %add3A_89 : vector<16xf32>
        %swap3A = arith.index_cast %add3A_74 : i32 to index
        %swap3A_93 = arith.constant 0 : index
        %swap3A_94 = tpu.vector_load %arg5[%swap3A, %swap3A_93] {strides = array<i32>} : memref<256x16xf32, #tpu.memory_space<vmem>>, vector<1x16xf32>,
        %swap3A_95 = vector.shape_cast %swap3A_94 : vector<1x16xf32> to vector<16xf32>
        %swap3A_96 = vector.shape_cast %mul3A_92 : vector<16xf32> to vector<1x16xf32>
        tpu.vector_store %arg5[%swap3A, %swap3A_93], %swap3A_96 {strides = array<i32>} : memref<256x16xf32, #tpu.memory_space<vmem>>, vector<1x16xf32>,
        %mul3A_97 = arith.constant 16 : i32
        %mul3A_98 = arith.muli %scan3A_49, %mul3A_97 : i32
        %add3A_99 = arith.constant 1 : i32
        %add3A_100 = arith.addi %mul3A_98, %add3A_99 : i32
        %get3A_101 = arith.index_cast %add3A_100 : i32 to index
        %get3A_102 = arith.constant 0 : index
        %get3A_103 = tpu.vector_load %arg5[%get3A_101, %get3A_102] {strides = array<i32>} : memref<256x16xf32, #tpu.memory_space<vmem>>, vector<1x16xf32>,
        %get3A_104 = vector.shape_cast %get3A_103 : vector<1x16xf32> to vector<16xf32>
        %slice3A_105 = vector.extract_strided_slice %div3A_59 {offsets = [1], sizes = [1], strides = [1]} : vector<16xf32> to vector<1xf32>
        %squeeze3A_106 = vector.extract %slice3A_105[0] : f32 from vector<1xf32>
        %mul3A_107 = vector.broadcast %squeeze3A_106 : f32 to vector<16xf32>
        %mul3A_108 = arith.mulf %get3A_104, %mul3A_107 : vector<16xf32>
        %get3A_109 = arith.index_cast %add3A_100 : i32 to index
        %get3A_110 = arith.constant 0 : index
        %get3A_111 = tpu.vector_load %arg6[%get3A_109, %get3A_110] {strides = array<i32>} : memref<256x16xf32, #tpu.memory_space<vmem>>, vector<1x16xf32>,
        %get3A_112 = vector.shape_cast %get3A_111 : vector<1x16xf32> to vector<16xf32>
        %slice3A_113 = vector.extract_strided_slice %div3A_70 {offsets = [1], sizes = [1], strides = [1]} : vector<16xf32> to vector<1xf32>
        %squeeze3A_114 = vector.extract %slice3A_113[0] : f32 from vector<1xf32>
        %mul3A_115 = vector.broadcast %squeeze3A_114 : f32 to vector<16xf32>
        %mul3A_116 = arith.mulf %get3A_112, %mul3A_115 : vector<16xf32>
        %add3A_117 = arith.addf %mul3A_108, %mul3A_116 : vector<16xf32>
        %mul3A_118 = arith.constant 5.000000e-01 : f32
        %mul3A_119 = vector.broadcast %mul3A_118 : f32 to vector<16xf32>
        %mul3A_120 = arith.mulf %mul3A_119, %add3A_117 : vector<16xf32>
        %swap3A_121 = arith.index_cast %add3A_100 : i32 to index
        %swap3A_122 = arith.constant 0 : index
        %swap3A_123 = tpu.vector_load %arg5[%swap3A_121, %swap3A_122] {strides = array<i32>} : memref<256x16xf32, #tpu.memory_space<vmem>>, vector<1x16xf32>,
        %swap3A_124 = vector.shape_cast %swap3A_123 : vector<1x16xf32> to vector<16xf32>
        %swap3A_125 = vector.shape_cast %mul3A_120 : vector<16xf32> to vector<1x16xf32>
        tpu.vector_store %arg5[%swap3A_121, %swap3A_122], %swap3A_125 {strides = array<i32>} : memref<256x16xf32, #tpu.memory_space<vmem>>, vector<1x16xf32>,
        %mul3A_126 = arith.constant 16 : i32
        %mul3A_127 = arith.muli %scan3A_49, %mul3A_126 : i32
        %add3A_128 = arith.constant 2 : i32
        %add3A_129 = arith.addi %mul3A_127, %add3A_128 : i32
        %get3A_130 = arith.index_cast %add3A_129 : i32 to index
        %get3A_131 = arith.constant 0 : index
        %get3A_132 = tpu.vector_load %arg5[%get3A_130, %get3A_131] {strides = array<i32>} : memref<256x16xf32, #tpu.memory_space<vmem>>, vector<1x16xf32>,
        %get3A_133 = vector.shape_cast %get3A_132 : vector<1x16xf32> to vector<16xf32>
        %slice3A_134 = vector.extract_strided_slice %div3A_59 {offsets = [2], sizes = [1], strides = [1]} : vector<16xf32> to vector<1xf32>
        %squeeze3A_135 = vector.extract %slice3A_134[0] : f32 from vector<1xf32>
        %mul3A_136 = vector.broadcast %squeeze3A_135 : f32 to vector<16xf32>
        %mul3A_137 = arith.mulf %get3A_133, %mul3A_136 : vector<16xf32>
        %get3A_138 = arith.index_cast %add3A_129 : i32 to index
        %get3A_139 = arith.constant 0 : index
        %get3A_140 = tpu.vector_load %arg6[%get3A_138, %get3A_139] {strides = array<i32>} : memref<256x16xf32, #tpu.memory_space<vmem>>, vector<1x16xf32>,
        %get3A_141 = vector.shape_cast %get3A_140 : vector<1x16xf32> to vector<16xf32>
        %slice3A_142 = vector.extract_strided_slice %div3A_70 {offsets = [2], sizes = [1], strides = [1]} : vector<16xf32> to vector<1xf32>
        %squeeze3A_143 = vector.extract %slice3A_142[0] : f32 from vector<1xf32>
        %mul3A_144 = vector.broadcast %squeeze3A_143 : f32 to vector<16xf32>
        %mul3A_145 = arith.mulf %get3A_141, %mul3A_144 : vector<16xf32>
        %add3A_146 = arith.addf %mul3A_137, %mul3A_145 : vector<16xf32>
        %mul3A_147 = arith.constant 5.000000e-01 : f32
        %mul3A_148 = vector.broadcast %mul3A_147 : f32 to vector<16xf32>
        %mul3A_149 = arith.mulf %mul3A_148, %add3A_146 : vector<16xf32>
        %swap3A_150 = arith.index_cast %add3A_129 : i32 to index
        %swap3A_151 = arith.constant 0 : index
        %swap3A_152 = tpu.vector_load %arg5[%swap3A_150, %swap3A_151] {strides = array<i32>} : memref<256x16xf32, #tpu.memory_space<vmem>>, vector<1x16xf32>,
        %swap3A_153 = vector.shape_cast %swap3A_152 : vector<1x16xf32> to vector<16xf32>
        %swap3A_154 = vector.shape_cast %mul3A_149 : vector<16xf32> to vector<1x16xf32>
        tpu.vector_store %arg5[%swap3A_150, %swap3A_151], %swap3A_154 {strides = array<i32>} : memref<256x16xf32, #tpu.memory_space<vmem>>, vector<1x16xf32>,
        %mul3A_155 = arith.constant 16 : i32
        %mul3A_156 = arith.muli %scan3A_49, %mul3A_155 : i32
        %add3A_157 = arith.constant 3 : i32
        %add3A_158 = arith.addi %mul3A_156, %add3A_157 : i32
        %get3A_159 = arith.index_cast %add3A_158 : i32 to index
        %get3A_160 = arith.constant 0 : index
        %get3A_161 = tpu.vector_load %arg5[%get3A_159, %get3A_160] {strides = array<i32>} : memref<256x16xf32, #tpu.memory_space<vmem>>, vector<1x16xf32>,
        %get3A_162 = vector.shape_cast %get3A_161 : vector<1x16xf32> to vector<16xf32>
        %slice3A_163 = vector.extract_strided_slice %div3A_59 {offsets = [3], sizes = [1], strides = [1]} : vector<16xf32> to vector<1xf32>
        %squeeze3A_164 = vector.extract %slice3A_163[0] : f32 from vector<1xf32>
        %mul3A_165 = vector.broadcast %squeeze3A_164 : f32 to vector<16xf32>
        %mul3A_166 = arith.mulf %get3A_162, %mul3A_165 : vector<16xf32>
        %get3A_167 = arith.index_cast %add3A_158 : i32 to index
        %get3A_168 = arith.constant 0 : index
        %get3A_169 = tpu.vector_load %arg6[%get3A_167, %get3A_168] {strides = array<i32>} : memref<256x16xf32, #tpu.memory_space<vmem>>, vector<1x16xf32>,
        %get3A_170 = vector.shape_cast %get3A_169 : vector<1x16xf32> to vector<16xf32>
        %slice3A_171 = vector.extract_strided_slice %div3A_70 {offsets = [3], sizes = [1], strides = [1]} : vector<16xf32> to vector<1xf32>
        %squeeze3A_172 = vector.extract %slice3A_171[0] : f32 from vector<1xf32>
        %mul3A_173 = vector.broadcast %squeeze3A_172 : f32 to vector<16xf32>
        %mul3A_174 = arith.mulf %get3A_170, %mul3A_173 : vector<16xf32>
        %add3A_175 = arith.addf %mul3A_166, %mul3A_174 : vector<16xf32>
        %mul3A_176 = arith.constant 5.000000e-01 : f32
        %mul3A_177 = vector.broadcast %mul3A_176 : f32 to vector<16xf32>
        %mul3A_178 = arith.mulf %mul3A_177, %add3A_175 : vector<16xf32>
        %swap3A_179 = arith.index_cast %add3A_158 : i32 to index
        %swap3A_180 = arith.constant 0 : index
        %swap3A_181 = tpu.vector_load %arg5[%swap3A_179, %swap3A_180] {strides = array<i32>} : memref<256x16xf32, #tpu.memory_space<vmem>>, vector<1x16xf32>,
        %swap3A_182 = vector.shape_cast %swap3A_181 : vector<1x16xf32> to vector<16xf32>
        %swap3A_183 = vector.shape_cast %mul3A_178 : vector<16xf32> to vector<1x16xf32>
        tpu.vector_store %arg5[%swap3A_179, %swap3A_180], %swap3A_183 {strides = array<i32>} : memref<256x16xf32, #tpu.memory_space<vmem>>, vector<1x16xf32>,
        %mul3A_184 = arith.constant 16 : i32
        %mul3A_185 = arith.muli %scan3A_49, %mul3A_184 : i32
        %add3A_186 = arith.constant 4 : i32
        %add3A_187 = arith.addi %mul3A_185, %add3A_186 : i32
        %get3A_188 = arith.index_cast %add3A_187 : i32 to index
        %get3A_189 = arith.constant 0 : index
        %get3A_190 = tpu.vector_load %arg5[%get3A_188, %get3A_189] {strides = array<i32>} : memref<256x16xf32, #tpu.memory_space<vmem>>, vector<1x16xf32>,
        %get3A_191 = vector.shape_cast %get3A_190 : vector<1x16xf32> to vector<16xf32>
        %slice3A_192 = vector.extract_strided_slice %div3A_59 {offsets = [4], sizes = [1], strides = [1]} : vector<16xf32> to vector<1xf32>
        %squeeze3A_193 = vector.extract %slice3A_192[0] : f32 from vector<1xf32>
        %mul3A_194 = vector.broadcast %squeeze3A_193 : f32 to vector<16xf32>
        %mul3A_195 = arith.mulf %get3A_191, %mul3A_194 : vector<16xf32>
        %get3A_196 = arith.index_cast %add3A_187 : i32 to index
        %get3A_197 = arith.constant 0 : index
        %get3A_198 = tpu.vector_load %arg6[%get3A_196, %get3A_197] {strides = array<i32>} : memref<256x16xf32, #tpu.memory_space<vmem>>, vector<1x16xf32>,
        %get3A_199 = vector.shape_cast %get3A_198 : vector<1x16xf32> to vector<16xf32>
        %slice3A_200 = vector.extract_strided_slice %div3A_70 {offsets = [4], sizes = [1], strides = [1]} : vector<16xf32> to vector<1xf32>
        %squeeze3A_201 = vector.extract %slice3A_200[0] : f32 from vector<1xf32>
        %mul3A_202 = vector.broadcast %squeeze3A_201 : f32 to vector<16xf32>
        %mul3A_203 = arith.mulf %get3A_199, %mul3A_202 : vector<16xf32>
        %add3A_204 = arith.addf %mul3A_195, %mul3A_203 : vector<16xf32>
        %mul3A_205 = arith.constant 5.000000e-01 : f32
        %mul3A_206 = vector.broadcast %mul3A_205 : f32 to vector<16xf32>
        %mul3A_207 = arith.mulf %mul3A_206, %add3A_204 : vector<16xf32>
        %swap3A_208 = arith.index_cast %add3A_187 : i32 to index
        %swap3A_209 = arith.constant 0 : index
        %swap3A_210 = tpu.vector_load %arg5[%swap3A_208, %swap3A_209] {strides = array<i32>} : memref<256x16xf32, #tpu.memory_space<vmem>>, vector<1x16xf32>,
        %swap3A_211 = vector.shape_cast %swap3A_210 : vector<1x16xf32> to vector<16xf32>
        %swap3A_212 = vector.shape_cast %mul3A_207 : vector<16xf32> to vector<1x16xf32>
        tpu.vector_store %arg5[%swap3A_208, %swap3A_209], %swap3A_212 {strides = array<i32>} : memref<256x16xf32, #tpu.memory_space<vmem>>, vector<1x16xf32>,
        %mul3A_213 = arith.constant 16 : i32
        %mul3A_214 = arith.muli %scan3A_49, %mul3A_213 : i32
        %add3A_215 = arith.constant 5 : i32
        %add3A_216 = arith.addi %mul3A_214, %add3A_215 : i32
        %get3A_217 = arith.index_cast %add3A_216 : i32 to index
        %get3A_218 = arith.constant 0 : index
        %get3A_219 = tpu.vector_load %arg5[%get3A_217, %get3A_218] {strides = array<i32>} : memref<256x16xf32, #tpu.memory_space<vmem>>, vector<1x16xf32>,
        %get3A_220 = vector.shape_cast %get3A_219 : vector<1x16xf32> to vector<16xf32>
        %slice3A_221 = vector.extract_strided_slice %div3A_59 {offsets = [5], sizes = [1], strides = [1]} : vector<16xf32> to vector<1xf32>
        %squeeze3A_222 = vector.extract %slice3A_221[0] : f32 from vector<1xf32>
        %mul3A_223 = vector.broadcast %squeeze3A_222 : f32 to vector<16xf32>
        %mul3A_224 = arith.mulf %get3A_220, %mul3A_223 : vector<16xf32>
        %get3A_225 = arith.index_cast %add3A_216 : i32 to index
        %get3A_226 = arith.constant 0 : index
        %get3A_227 = tpu.vector_load %arg6[%get3A_225, %get3A_226] {strides = array<i32>} : memref<256x16xf32, #tpu.memory_space<vmem>>, vector<1x16xf32>,
        %get3A_228 = vector.shape_cast %get3A_227 : vector<1x16xf32> to vector<16xf32>
        %slice3A_229 = vector.extract_strided_slice %div3A_70 {offsets = [5], sizes = [1], strides = [1]} : vector<16xf32> to vector<1xf32>
        %squeeze3A_230 = vector.extract %slice3A_229[0] : f32 from vector<1xf32>
        %mul3A_231 = vector.broadcast %squeeze3A_230 : f32 to vector<16xf32>
        %mul3A_232 = arith.mulf %get3A_228, %mul3A_231 : vector<16xf32>
        %add3A_233 = arith.addf %mul3A_224, %mul3A_232 : vector<16xf32>
        %mul3A_234 = arith.constant 5.000000e-01 : f32
        %mul3A_235 = vector.broadcast %mul3A_234 : f32 to vector<16xf32>
        %mul3A_236 = arith.mulf %mul3A_235, %add3A_233 : vector<16xf32>
        %swap3A_237 = arith.index_cast %add3A_216 : i32 to index
        %swap3A_238 = arith.constant 0 : index
        %swap3A_239 = tpu.vector_load %arg5[%swap3A_237, %swap3A_238] {strides = array<i32>} : memref<256x16xf32, #tpu.memory_space<vmem>>, vector<1x16xf32>,
        %swap3A_240 = vector.shape_cast %swap3A_239 : vector<1x16xf32> to vector<16xf32>
        %swap3A_241 = vector.shape_cast %mul3A_236 : vector<16xf32> to vector<1x16xf32>
        tpu.vector_store %arg5[%swap3A_237, %swap3A_238], %swap3A_241 {strides = array<i32>} : memref<256x16xf32, #tpu.memory_space<vmem>>, vector<1x16xf32>,
        %mul3A_242 = arith.constant 16 : i32
        %mul3A_243 = arith.muli %scan3A_49, %mul3A_242 : i32
        %add3A_244 = arith.constant 6 : i32
        %add3A_245 = arith.addi %mul3A_243, %add3A_244 : i32
        %get3A_246 = arith.index_cast %add3A_245 : i32 to index
        %get3A_247 = arith.constant 0 : index
        %get3A_248 = tpu.vector_load %arg5[%get3A_246, %get3A_247] {strides = array<i32>} : memref<256x16xf32, #tpu.memory_space<vmem>>, vector<1x16xf32>,
        %get3A_249 = vector.shape_cast %get3A_248 : vector<1x16xf32> to vector<16xf32>
        %slice3A_250 = vector.extract_strided_slice %div3A_59 {offsets = [6], sizes = [1], strides = [1]} : vector<16xf32> to vector<1xf32>
        %squeeze3A_251 = vector.extract %slice3A_250[0] : f32 from vector<1xf32>
        %mul3A_252 = vector.broadcast %squeeze3A_251 : f32 to vector<16xf32>
        %mul3A_253 = arith.mulf %get3A_249, %mul3A_252 : vector<16xf32>
        %get3A_254 = arith.index_cast %add3A_245 : i32 to index
        %get3A_255 = arith.constant 0 : index
        %get3A_256 = tpu.vector_load %arg6[%get3A_254, %get3A_255] {strides = array<i32>} : memref<256x16xf32, #tpu.memory_space<vmem>>, vector<1x16xf32>,
        %get3A_257 = vector.shape_cast %get3A_256 : vector<1x16xf32> to vector<16xf32>
        %slice3A_258 = vector.extract_strided_slice %div3A_70 {offsets = [6], sizes = [1], strides = [1]} : vector<16xf32> to vector<1xf32>
        %squeeze3A_259 = vector.extract %slice3A_258[0] : f32 from vector<1xf32>
        %mul3A_260 = vector.broadcast %squeeze3A_259 : f32 to vector<16xf32>
        %mul3A_261 = arith.mulf %get3A_257, %mul3A_260 : vector<16xf32>
        %add3A_262 = arith.addf %mul3A_253, %mul3A_261 : vector<16xf32>
        %mul3A_263 = arith.constant 5.000000e-01 : f32
        %mul3A_264 = vector.broadcast %mul3A_263 : f32 to vector<16xf32>
        %mul3A_265 = arith.mulf %mul3A_264, %add3A_262 : vector<16xf32>
        %swap3A_266 = arith.index_cast %add3A_245 : i32 to index
        %swap3A_267 = arith.constant 0 : index
        %swap3A_268 = tpu.vector_load %arg5[%swap3A_266, %swap3A_267] {strides = array<i32>} : memref<256x16xf32, #tpu.memory_space<vmem>>, vector<1x16xf32>,
        %swap3A_269 = vector.shape_cast %swap3A_268 : vector<1x16xf32> to vector<16xf32>
        %swap3A_270 = vector.shape_cast %mul3A_265 : vector<16xf32> to vector<1x16xf32>
        tpu.vector_store %arg5[%swap3A_266, %swap3A_267], %swap3A_270 {strides = array<i32>} : memref<256x16xf32, #tpu.memory_space<vmem>>, vector<1x16xf32>,
        %mul3A_271 = arith.constant 16 : i32
        %mul3A_272 = arith.muli %scan3A_49, %mul3A_271 : i32
        %add3A_273 = arith.constant 7 : i32
        %add3A_274 = arith.addi %mul3A_272, %add3A_273 : i32
        %get3A_275 = arith.index_cast %add3A_274 : i32 to index
        %get3A_276 = arith.constant 0 : index
        %get3A_277 = tpu.vector_load %arg5[%get3A_275, %get3A_276] {strides = array<i32>} : memref<256x16xf32, #tpu.memory_space<vmem>>, vector<1x16xf32>,
        %get3A_278 = vector.shape_cast %get3A_277 : vector<1x16xf32> to vector<16xf32>
        %slice3A_279 = vector.extract_strided_slice %div3A_59 {offsets = [7], sizes = [1], strides = [1]} : vector<16xf32> to vector<1xf32>
        %squeeze3A_280 = vector.extract %slice3A_279[0] : f32 from vector<1xf32>
        %mul3A_281 = vector.broadcast %squeeze3A_280 : f32 to vector<16xf32>
        %mul3A_282 = arith.mulf %get3A_278, %mul3A_281 : vector<16xf32>
        %get3A_283 = arith.index_cast %add3A_274 : i32 to index
        %get3A_284 = arith.constant 0 : index
        %get3A_285 = tpu.vector_load %arg6[%get3A_283, %get3A_284] {strides = array<i32>} : memref<256x16xf32, #tpu.memory_space<vmem>>, vector<1x16xf32>,
        %get3A_286 = vector.shape_cast %get3A_285 : vector<1x16xf32> to vector<16xf32>
        %slice3A_287 = vector.extract_strided_slice %div3A_70 {offsets = [7], sizes = [1], strides = [1]} : vector<16xf32> to vector<1xf32>
        %squeeze3A_288 = vector.extract %slice3A_287[0] : f32 from vector<1xf32>
        %mul3A_289 = vector.broadcast %squeeze3A_288 : f32 to vector<16xf32>
        %mul3A_290 = arith.mulf %get3A_286, %mul3A_289 : vector<16xf32>
        %add3A_291 = arith.addf %mul3A_282, %mul3A_290 : vector<16xf32>
        %mul3A_292 = arith.constant 5.000000e-01 : f32
        %mul3A_293 = vector.broadcast %mul3A_292 : f32 to vector<16xf32>
        %mul3A_294 = arith.mulf %mul3A_293, %add3A_291 : vector<16xf32>
        %swap3A_295 = arith.index_cast %add3A_274 : i32 to index
        %swap3A_296 = arith.constant 0 : index
        %swap3A_297 = tpu.vector_load %arg5[%swap3A_295, %swap3A_296] {strides = array<i32>} : memref<256x16xf32, #tpu.memory_space<vmem>>, vector<1x16xf32>,
        %swap3A_298 = vector.shape_cast %swap3A_297 : vector<1x16xf32> to vector<16xf32>
        %swap3A_299 = vector.shape_cast %mul3A_294 : vector<16xf32> to vector<1x16xf32>
        tpu.vector_store %arg5[%swap3A_295, %swap3A_296], %swap3A_299 {strides = array<i32>} : memref<256x16xf32, #tpu.memory_space<vmem>>, vector<1x16xf32>,
        %mul3A_300 = arith.constant 16 : i32
        %mul3A_301 = arith.muli %scan3A_49, %mul3A_300 : i32
        %add3A_302 = arith.constant 8 : i32
        %add3A_303 = arith.addi %mul3A_301, %add3A_302 : i32
        %get3A_304 = arith.index_cast %add3A_303 : i32 to index
        %get3A_305 = arith.constant 0 : index
        %get3A_306 = tpu.vector_load %arg5[%get3A_304, %get3A_305] {strides = array<i32>} : memref<256x16xf32, #tpu.memory_space<vmem>>, vector<1x16xf32>,
        %get3A_307 = vector.shape_cast %get3A_306 : vector<1x16xf32> to vector<16xf32>
        %slice3A_308 = vector.extract_strided_slice %div3A_59 {offsets = [8], sizes = [1], strides = [1]} : vector<16xf32> to vector<1xf32>
        %squeeze3A_309 = vector.extract %slice3A_308[0] : f32 from vector<1xf32>
        %mul3A_310 = vector.broadcast %squeeze3A_309 : f32 to vector<16xf32>
        %mul3A_311 = arith.mulf %get3A_307, %mul3A_310 : vector<16xf32>
        %get3A_312 = arith.index_cast %add3A_303 : i32 to index
        %get3A_313 = arith.constant 0 : index
        %get3A_314 = tpu.vector_load %arg6[%get3A_312, %get3A_313] {strides = array<i32>} : memref<256x16xf32, #tpu.memory_space<vmem>>, vector<1x16xf32>,
        %get3A_315 = vector.shape_cast %get3A_314 : vector<1x16xf32> to vector<16xf32>
        %slice3A_316 = vector.extract_strided_slice %div3A_70 {offsets = [8], sizes = [1], strides = [1]} : vector<16xf32> to vector<1xf32>
        %squeeze3A_317 = vector.extract %slice3A_316[0] : f32 from vector<1xf32>
        %mul3A_318 = vector.broadcast %squeeze3A_317 : f32 to vector<16xf32>
        %mul3A_319 = arith.mulf %get3A_315, %mul3A_318 : vector<16xf32>
        %add3A_320 = arith.addf %mul3A_311, %mul3A_319 : vector<16xf32>
        %mul3A_321 = arith.constant 5.000000e-01 : f32
        %mul3A_322 = vector.broadcast %mul3A_321 : f32 to vector<16xf32>
        %mul3A_323 = arith.mulf %mul3A_322, %add3A_320 : vector<16xf32>
        %swap3A_324 = arith.index_cast %add3A_303 : i32 to index
        %swap3A_325 = arith.constant 0 : index
        %swap3A_326 = tpu.vector_load %arg5[%swap3A_324, %swap3A_325] {strides = array<i32>} : memref<256x16xf32, #tpu.memory_space<vmem>>, vector<1x16xf32>,
        %swap3A_327 = vector.shape_cast %swap3A_326 : vector<1x16xf32> to vector<16xf32>
        %swap3A_328 = vector.shape_cast %mul3A_323 : vector<16xf32> to vector<1x16xf32>
        tpu.vector_store %arg5[%swap3A_324, %swap3A_325], %swap3A_328 {strides = array<i32>} : memref<256x16xf32, #tpu.memory_space<vmem>>, vector<1x16xf32>,
        %mul3A_329 = arith.constant 16 : i32
        %mul3A_330 = arith.muli %scan3A_49, %mul3A_329 : i32
        %add3A_331 = arith.constant 9 : i32
        %add3A_332 = arith.addi %mul3A_330, %add3A_331 : i32
        %get3A_333 = arith.index_cast %add3A_332 : i32 to index
        %get3A_334 = arith.constant 0 : index
        %get3A_335 = tpu.vector_load %arg5[%get3A_333, %get3A_334] {strides = array<i32>} : memref<256x16xf32, #tpu.memory_space<vmem>>, vector<1x16xf32>,
        %get3A_336 = vector.shape_cast %get3A_335 : vector<1x16xf32> to vector<16xf32>
        %slice3A_337 = vector.extract_strided_slice %div3A_59 {offsets = [9], sizes = [1], strides = [1]} : vector<16xf32> to vector<1xf32>
        %squeeze3A_338 = vector.extract %slice3A_337[0] : f32 from vector<1xf32>
        %mul3A_339 = vector.broadcast %squeeze3A_338 : f32 to vector<16xf32>
        %mul3A_340 = arith.mulf %get3A_336, %mul3A_339 : vector<16xf32>
        %get3A_341 = arith.index_cast %add3A_332 : i32 to index
        %get3A_342 = arith.constant 0 : index
        %get3A_343 = tpu.vector_load %arg6[%get3A_341, %get3A_342] {strides = array<i32>} : memref<256x16xf32, #tpu.memory_space<vmem>>, vector<1x16xf32>,
        %get3A_344 = vector.shape_cast %get3A_343 : vector<1x16xf32> to vector<16xf32>
        %slice3A_345 = vector.extract_strided_slice %div3A_70 {offsets = [9], sizes = [1], strides = [1]} : vector<16xf32> to vector<1xf32>
        %squeeze3A_346 = vector.extract %slice3A_345[0] : f32 from vector<1xf32>
        %mul3A_347 = vector.broadcast %squeeze3A_346 : f32 to vector<16xf32>
        %mul3A_348 = arith.mulf %get3A_344, %mul3A_347 : vector<16xf32>
        %add3A_349 = arith.addf %mul3A_340, %mul3A_348 : vector<16xf32>
        %mul3A_350 = arith.constant 5.000000e-01 : f32
        %mul3A_351 = vector.broadcast %mul3A_350 : f32 to vector<16xf32>
        %mul3A_352 = arith.mulf %mul3A_351, %add3A_349 : vector<16xf32>
        %swap3A_353 = arith.index_cast %add3A_332 : i32 to index
        %swap3A_354 = arith.constant 0 : index
        %swap3A_355 = tpu.vector_load %arg5[%swap3A_353, %swap3A_354] {strides = array<i32>} : memref<256x16xf32, #tpu.memory_space<vmem>>, vector<1x16xf32>,
        %swap3A_356 = vector.shape_cast %swap3A_355 : vector<1x16xf32> to vector<16xf32>
        %swap3A_357 = vector.shape_cast %mul3A_352 : vector<16xf32> to vector<1x16xf32>
        tpu.vector_store %arg5[%swap3A_353, %swap3A_354], %swap3A_357 {strides = array<i32>} : memref<256x16xf32, #tpu.memory_space<vmem>>, vector<1x16xf32>,
        %mul3A_358 = arith.constant 16 : i32
        %mul3A_359 = arith.muli %scan3A_49, %mul3A_358 : i32
        %add3A_360 = arith.constant 10 : i32
        %add3A_361 = arith.addi %mul3A_359, %add3A_360 : i32
        %get3A_362 = arith.index_cast %add3A_361 : i32 to index
        %get3A_363 = arith.constant 0 : index
        %get3A_364 = tpu.vector_load %arg5[%get3A_362, %get3A_363] {strides = array<i32>} : memref<256x16xf32, #tpu.memory_space<vmem>>, vector<1x16xf32>,
        %get3A_365 = vector.shape_cast %get3A_364 : vector<1x16xf32> to vector<16xf32>
        %slice3A_366 = vector.extract_strided_slice %div3A_59 {offsets = [10], sizes = [1], strides = [1]} : vector<16xf32> to vector<1xf32>
        %squeeze3A_367 = vector.extract %slice3A_366[0] : f32 from vector<1xf32>
        %mul3A_368 = vector.broadcast %squeeze3A_367 : f32 to vector<16xf32>
        %mul3A_369 = arith.mulf %get3A_365, %mul3A_368 : vector<16xf32>
        %get3A_370 = arith.index_cast %add3A_361 : i32 to index
        %get3A_371 = arith.constant 0 : index
        %get3A_372 = tpu.vector_load %arg6[%get3A_370, %get3A_371] {strides = array<i32>} : memref<256x16xf32, #tpu.memory_space<vmem>>, vector<1x16xf32>,
        %get3A_373 = vector.shape_cast %get3A_372 : vector<1x16xf32> to vector<16xf32>
        %slice3A_374 = vector.extract_strided_slice %div3A_70 {offsets = [10], sizes = [1], strides = [1]} : vector<16xf32> to vector<1xf32>
        %squeeze3A_375 = vector.extract %slice3A_374[0] : f32 from vector<1xf32>
        %mul3A_376 = vector.broadcast %squeeze3A_375 : f32 to vector<16xf32>
        %mul3A_377 = arith.mulf %get3A_373, %mul3A_376 : vector<16xf32>
        %add3A_378 = arith.addf %mul3A_369, %mul3A_377 : vector<16xf32>
        %mul3A_379 = arith.constant 5.000000e-01 : f32
        %mul3A_380 = vector.broadcast %mul3A_379 : f32 to vector<16xf32>
        %mul3A_381 = arith.mulf %mul3A_380, %add3A_378 : vector<16xf32>
        %swap3A_382 = arith.index_cast %add3A_361 : i32 to index
        %swap3A_383 = arith.constant 0 : index
        %swap3A_384 = tpu.vector_load %arg5[%swap3A_382, %swap3A_383] {strides = array<i32>} : memref<256x16xf32, #tpu.memory_space<vmem>>, vector<1x16xf32>,
        %swap3A_385 = vector.shape_cast %swap3A_384 : vector<1x16xf32> to vector<16xf32>
        %swap3A_386 = vector.shape_cast %mul3A_381 : vector<16xf32> to vector<1x16xf32>
        tpu.vector_store %arg5[%swap3A_382, %swap3A_383], %swap3A_386 {strides = array<i32>} : memref<256x16xf32, #tpu.memory_space<vmem>>, vector<1x16xf32>,
        %mul3A_387 = arith.constant 16 : i32
        %mul3A_388 = arith.muli %scan3A_49, %mul3A_387 : i32
        %add3A_389 = arith.constant 11 : i32
        %add3A_390 = arith.addi %mul3A_388, %add3A_389 : i32
        %get3A_391 = arith.index_cast %add3A_390 : i32 to index
        %get3A_392 = arith.constant 0 : index
        %get3A_393 = tpu.vector_load %arg5[%get3A_391, %get3A_392] {strides = array<i32>} : memref<256x16xf32, #tpu.memory_space<vmem>>, vector<1x16xf32>,
        %get3A_394 = vector.shape_cast %get3A_393 : vector<1x16xf32> to vector<16xf32>
        %slice3A_395 = vector.extract_strided_slice %div3A_59 {offsets = [11], sizes = [1], strides = [1]} : vector<16xf32> to vector<1xf32>
        %squeeze3A_396 = vector.extract %slice3A_395[0] : f32 from vector<1xf32>
        %mul3A_397 = vector.broadcast %squeeze3A_396 : f32 to vector<16xf32>
        %mul3A_398 = arith.mulf %get3A_394, %mul3A_397 : vector<16xf32>
        %get3A_399 = arith.index_cast %add3A_390 : i32 to index
        %get3A_400 = arith.constant 0 : index
        %get3A_401 = tpu.vector_load %arg6[%get3A_399, %get3A_400] {strides = array<i32>} : memref<256x16xf32, #tpu.memory_space<vmem>>, vector<1x16xf32>,
        %get3A_402 = vector.shape_cast %get3A_401 : vector<1x16xf32> to vector<16xf32>
        %slice3A_403 = vector.extract_strided_slice %div3A_70 {offsets = [11], sizes = [1], strides = [1]} : vector<16xf32> to vector<1xf32>
        %squeeze3A_404 = vector.extract %slice3A_403[0] : f32 from vector<1xf32>
        %mul3A_405 = vector.broadcast %squeeze3A_404 : f32 to vector<16xf32>
        %mul3A_406 = arith.mulf %get3A_402, %mul3A_405 : vector<16xf32>
        %add3A_407 = arith.addf %mul3A_398, %mul3A_406 : vector<16xf32>
        %mul3A_408 = arith.constant 5.000000e-01 : f32
        %mul3A_409 = vector.broadcast %mul3A_408 : f32 to vector<16xf32>
        %mul3A_410 = arith.mulf %mul3A_409, %add3A_407 : vector<16xf32>
        %swap3A_411 = arith.index_cast %add3A_390 : i32 to index
        %swap3A_412 = arith.constant 0 : index
        %swap3A_413 = tpu.vector_load %arg5[%swap3A_411, %swap3A_412] {strides = array<i32>} : memref<256x16xf32, #tpu.memory_space<vmem>>, vector<1x16xf32>,
        %swap3A_414 = vector.shape_cast %swap3A_413 : vector<1x16xf32> to vector<16xf32>
        %swap3A_415 = vector.shape_cast %mul3A_410 : vector<16xf32> to vector<1x16xf32>
        tpu.vector_store %arg5[%swap3A_411, %swap3A_412], %swap3A_415 {strides = array<i32>} : memref<256x16xf32, #tpu.memory_space<vmem>>, vector<1x16xf32>,
        %mul3A_416 = arith.constant 16 : i32
        %mul3A_417 = arith.muli %scan3A_49, %mul3A_416 : i32
        %add3A_418 = arith.constant 12 : i32
        %add3A_419 = arith.addi %mul3A_417, %add3A_418 : i32
        %get3A_420 = arith.index_cast %add3A_419 : i32 to index
        %get3A_421 = arith.constant 0 : index
        %get3A_422 = tpu.vector_load %arg5[%get3A_420, %get3A_421] {strides = array<i32>} : memref<256x16xf32, #tpu.memory_space<vmem>>, vector<1x16xf32>,
        %get3A_423 = vector.shape_cast %get3A_422 : vector<1x16xf32> to vector<16xf32>
        %slice3A_424 = vector.extract_strided_slice %div3A_59 {offsets = [12], sizes = [1], strides = [1]} : vector<16xf32> to vector<1xf32>
        %squeeze3A_425 = vector.extract %slice3A_424[0] : f32 from vector<1xf32>
        %mul3A_426 = vector.broadcast %squeeze3A_425 : f32 to vector<16xf32>
        %mul3A_427 = arith.mulf %get3A_423, %mul3A_426 : vector<16xf32>
        %get3A_428 = arith.index_cast %add3A_419 : i32 to index
        %get3A_429 = arith.constant 0 : index
        %get3A_430 = tpu.vector_load %arg6[%get3A_428, %get3A_429] {strides = array<i32>} : memref<256x16xf32, #tpu.memory_space<vmem>>, vector<1x16xf32>,
        %get3A_431 = vector.shape_cast %get3A_430 : vector<1x16xf32> to vector<16xf32>
        %slice3A_432 = vector.extract_strided_slice %div3A_70 {offsets = [12], sizes = [1], strides = [1]} : vector<16xf32> to vector<1xf32>
        %squeeze3A_433 = vector.extract %slice3A_432[0] : f32 from vector<1xf32>
        %mul3A_434 = vector.broadcast %squeeze3A_433 : f32 to vector<16xf32>
        %mul3A_435 = arith.mulf %get3A_431, %mul3A_434 : vector<16xf32>
        %add3A_436 = arith.addf %mul3A_427, %mul3A_435 : vector<16xf32>
        %mul3A_437 = arith.constant 5.000000e-01 : f32
        %mul3A_438 = vector.broadcast %mul3A_437 : f32 to vector<16xf32>
        %mul3A_439 = arith.mulf %mul3A_438, %add3A_436 : vector<16xf32>
        %swap3A_440 = arith.index_cast %add3A_419 : i32 to index
        %swap3A_441 = arith.constant 0 : index
        %swap3A_442 = tpu.vector_load %arg5[%swap3A_440, %swap3A_441] {strides = array<i32>} : memref<256x16xf32, #tpu.memory_space<vmem>>, vector<1x16xf32>,
        %swap3A_443 = vector.shape_cast %swap3A_442 : vector<1x16xf32> to vector<16xf32>
        %swap3A_444 = vector.shape_cast %mul3A_439 : vector<16xf32> to vector<1x16xf32>
        tpu.vector_store %arg5[%swap3A_440, %swap3A_441], %swap3A_444 {strides = array<i32>} : memref<256x16xf32, #tpu.memory_space<vmem>>, vector<1x16xf32>,
        %mul3A_445 = arith.constant 16 : i32
        %mul3A_446 = arith.muli %scan3A_49, %mul3A_445 : i32
        %add3A_447 = arith.constant 13 : i32
        %add3A_448 = arith.addi %mul3A_446, %add3A_447 : i32
        %get3A_449 = arith.index_cast %add3A_448 : i32 to index
        %get3A_450 = arith.constant 0 : index
        %get3A_451 = tpu.vector_load %arg5[%get3A_449, %get3A_450] {strides = array<i32>} : memref<256x16xf32, #tpu.memory_space<vmem>>, vector<1x16xf32>,
        %get3A_452 = vector.shape_cast %get3A_451 : vector<1x16xf32> to vector<16xf32>
        %slice3A_453 = vector.extract_strided_slice %div3A_59 {offsets = [13], sizes = [1], strides = [1]} : vector<16xf32> to vector<1xf32>
        %squeeze3A_454 = vector.extract %slice3A_453[0] : f32 from vector<1xf32>
        %mul3A_455 = vector.broadcast %squeeze3A_454 : f32 to vector<16xf32>
        %mul3A_456 = arith.mulf %get3A_452, %mul3A_455 : vector<16xf32>
        %get3A_457 = arith.index_cast %add3A_448 : i32 to index
        %get3A_458 = arith.constant 0 : index
        %get3A_459 = tpu.vector_load %arg6[%get3A_457, %get3A_458] {strides = array<i32>} : memref<256x16xf32, #tpu.memory_space<vmem>>, vector<1x16xf32>,
        %get3A_460 = vector.shape_cast %get3A_459 : vector<1x16xf32> to vector<16xf32>
        %slice3A_461 = vector.extract_strided_slice %div3A_70 {offsets = [13], sizes = [1], strides = [1]} : vector<16xf32> to vector<1xf32>
        %squeeze3A_462 = vector.extract %slice3A_461[0] : f32 from vector<1xf32>
        %mul3A_463 = vector.broadcast %squeeze3A_462 : f32 to vector<16xf32>
        %mul3A_464 = arith.mulf %get3A_460, %mul3A_463 : vector<16xf32>
        %add3A_465 = arith.addf %mul3A_456, %mul3A_464 : vector<16xf32>
        %mul3A_466 = arith.constant 5.000000e-01 : f32
        %mul3A_467 = vector.broadcast %mul3A_466 : f32 to vector<16xf32>
        %mul3A_468 = arith.mulf %mul3A_467, %add3A_465 : vector<16xf32>
        %swap3A_469 = arith.index_cast %add3A_448 : i32 to index
        %swap3A_470 = arith.constant 0 : index
        %swap3A_471 = tpu.vector_load %arg5[%swap3A_469, %swap3A_470] {strides = array<i32>} : memref<256x16xf32, #tpu.memory_space<vmem>>, vector<1x16xf32>,
        %swap3A_472 = vector.shape_cast %swap3A_471 : vector<1x16xf32> to vector<16xf32>
        %swap3A_473 = vector.shape_cast %mul3A_468 : vector<16xf32> to vector<1x16xf32>
        tpu.vector_store %arg5[%swap3A_469, %swap3A_470], %swap3A_473 {strides = array<i32>} : memref<256x16xf32, #tpu.memory_space<vmem>>, vector<1x16xf32>,
        %mul3A_474 = arith.constant 16 : i32
        %mul3A_475 = arith.muli %scan3A_49, %mul3A_474 : i32
        %add3A_476 = arith.constant 14 : i32
        %add3A_477 = arith.addi %mul3A_475, %add3A_476 : i32
        %get3A_478 = arith.index_cast %add3A_477 : i32 to index
        %get3A_479 = arith.constant 0 : index
        %get3A_480 = tpu.vector_load %arg5[%get3A_478, %get3A_479] {strides = array<i32>} : memref<256x16xf32, #tpu.memory_space<vmem>>, vector<1x16xf32>,
        %get3A_481 = vector.shape_cast %get3A_480 : vector<1x16xf32> to vector<16xf32>
        %slice3A_482 = vector.extract_strided_slice %div3A_59 {offsets = [14], sizes = [1], strides = [1]} : vector<16xf32> to vector<1xf32>
        %squeeze3A_483 = vector.extract %slice3A_482[0] : f32 from vector<1xf32>
        %mul3A_484 = vector.broadcast %squeeze3A_483 : f32 to vector<16xf32>
        %mul3A_485 = arith.mulf %get3A_481, %mul3A_484 : vector<16xf32>
        %get3A_486 = arith.index_cast %add3A_477 : i32 to index
        %get3A_487 = arith.constant 0 : index
        %get3A_488 = tpu.vector_load %arg6[%get3A_486, %get3A_487] {strides = array<i32>} : memref<256x16xf32, #tpu.memory_space<vmem>>, vector<1x16xf32>,
        %get3A_489 = vector.shape_cast %get3A_488 : vector<1x16xf32> to vector<16xf32>
        %slice3A_490 = vector.extract_strided_slice %div3A_70 {offsets = [14], sizes = [1], strides = [1]} : vector<16xf32> to vector<1xf32>
        %squeeze3A_491 = vector.extract %slice3A_490[0] : f32 from vector<1xf32>
        %mul3A_492 = vector.broadcast %squeeze3A_491 : f32 to vector<16xf32>
        %mul3A_493 = arith.mulf %get3A_489, %mul3A_492 : vector<16xf32>
        %add3A_494 = arith.addf %mul3A_485, %mul3A_493 : vector<16xf32>
        %mul3A_495 = arith.constant 5.000000e-01 : f32
        %mul3A_496 = vector.broadcast %mul3A_495 : f32 to vector<16xf32>
        %mul3A_497 = arith.mulf %mul3A_496, %add3A_494 : vector<16xf32>
        %swap3A_498 = arith.index_cast %add3A_477 : i32 to index
        %swap3A_499 = arith.constant 0 : index
        %swap3A_500 = tpu.vector_load %arg5[%swap3A_498, %swap3A_499] {strides = array<i32>} : memref<256x16xf32, #tpu.memory_space<vmem>>, vector<1x16xf32>,
        %swap3A_501 = vector.shape_cast %swap3A_500 : vector<1x16xf32> to vector<16xf32>
        %swap3A_502 = vector.shape_cast %mul3A_497 : vector<16xf32> to vector<1x16xf32>
        tpu.vector_store %arg5[%swap3A_498, %swap3A_499], %swap3A_502 {strides = array<i32>} : memref<256x16xf32, #tpu.memory_space<vmem>>, vector<1x16xf32>,
        %mul3A_503 = arith.constant 16 : i32
        %mul3A_504 = arith.muli %scan3A_49, %mul3A_503 : i32
        %add3A_505 = arith.constant 15 : i32
        %add3A_506 = arith.addi %mul3A_504, %add3A_505 : i32
        %get3A_507 = arith.index_cast %add3A_506 : i32 to index
        %get3A_508 = arith.constant 0 : index
        %get3A_509 = tpu.vector_load %arg5[%get3A_507, %get3A_508] {strides = array<i32>} : memref<256x16xf32, #tpu.memory_space<vmem>>, vector<1x16xf32>,
        %get3A_510 = vector.shape_cast %get3A_509 : vector<1x16xf32> to vector<16xf32>
        %slice3A_511 = vector.extract_strided_slice %div3A_59 {offsets = [15], sizes = [1], strides = [1]} : vector<16xf32> to vector<1xf32>
        %squeeze3A_512 = vector.extract %slice3A_511[0] : f32 from vector<1xf32>
        %mul3A_513 = vector.broadcast %squeeze3A_512 : f32 to vector<16xf32>
        %mul3A_514 = arith.mulf %get3A_510, %mul3A_513 : vector<16xf32>
        %get3A_515 = arith.index_cast %add3A_506 : i32 to index
        %get3A_516 = arith.constant 0 : index
        %get3A_517 = tpu.vector_load %arg6[%get3A_515, %get3A_516] {strides = array<i32>} : memref<256x16xf32, #tpu.memory_space<vmem>>, vector<1x16xf32>,
        %get3A_518 = vector.shape_cast %get3A_517 : vector<1x16xf32> to vector<16xf32>
        %slice3A_519 = vector.extract_strided_slice %div3A_70 {offsets = [15], sizes = [1], strides = [1]} : vector<16xf32> to vector<1xf32>
        %squeeze3A_520 = vector.extract %slice3A_519[0] : f32 from vector<1xf32>
        %mul3A_521 = vector.broadcast %squeeze3A_520 : f32 to vector<16xf32>
        %mul3A_522 = arith.mulf %get3A_518, %mul3A_521 : vector<16xf32>
        %add3A_523 = arith.addf %mul3A_514, %mul3A_522 : vector<16xf32>
        %mul3A_524 = arith.constant 5.000000e-01 : f32
        %mul3A_525 = vector.broadcast %mul3A_524 : f32 to vector<16xf32>
        %mul3A_526 = arith.mulf %mul3A_525, %add3A_523 : vector<16xf32>
        %swap3A_527 = arith.index_cast %add3A_506 : i32 to index
        %swap3A_528 = arith.constant 0 : index
        %swap3A_529 = tpu.vector_load %arg5[%swap3A_527, %swap3A_528] {strides = array<i32>} : memref<256x16xf32, #tpu.memory_space<vmem>>, vector<1x16xf32>,
        %swap3A_530 = vector.shape_cast %swap3A_529 : vector<1x16xf32> to vector<16xf32>
        %swap3A_531 = vector.shape_cast %mul3A_526 : vector<16xf32> to vector<1x16xf32>
        tpu.vector_store %arg5[%swap3A_527, %swap3A_528], %swap3A_531 {strides = array<i32>} : memref<256x16xf32, #tpu.memory_space<vmem>>, vector<1x16xf32>,
        %scan3A_532 = arith.constant 0 : i32
        scf.yield %scan3A_532 : i32
      }
      %scan3A_47 = arith.constant 16 : i32
      "tpu.region"() ({
        %run_scoped3A = tpu.sem_alloc : memref<!tpu.dma_semaphore, #tpu.memory_space<semaphore_mem>>
        %dma_start3A = arith.constant 0 : i32
        %dma_start3A_49 = tpu.memref_slice %arg4[%multiple_of3A, %dma_start3A] : memref<100096x16xf32, #tpu.memory_space<hbm>> -> memref<256x16xf32, #tpu.memory_space<hbm>>
        %dma_start3A_50 = arith.constant 0 : i32
        %dma_start3A_51 = tpu.memref_slice %arg4[%multiple_of3A, %dma_start3A_50] : memref<100096x16xf32, #tpu.memory_space<hbm>> -> memref<256x16xf32, #tpu.memory_space<hbm>>
        tpu.enqueue_dma source(%arg5 : memref<256x16xf32, #tpu.memory_space<vmem>>) target(%dma_start3A_51 : memref<256x16xf32, #tpu.memory_space<hbm>>) target_semaphore(%run_scoped3A : memref<!tpu.dma_semaphore, #tpu.memory_space<semaphore_mem>>)
        %dma_wait3A = arith.constant 0 : i32
        %dma_wait3A_52 = tpu.memref_slice %arg4[%multiple_of3A, %dma_wait3A] : memref<100096x16xf32, #tpu.memory_space<hbm>> -> memref<256x16xf32, #tpu.memory_space<hbm>>
        %dma_wait3A_53 = arith.constant 0 : i32
        %dma_wait3A_54 = tpu.memref_slice %arg4[%multiple_of3A, %dma_wait3A_53] : memref<100096x16xf32, #tpu.memory_space<hbm>> -> memref<256x16xf32, #tpu.memory_space<hbm>>
        tpu.wait_dma2 semaphore(%run_scoped3A : memref<!tpu.dma_semaphore, #tpu.memory_space<semaphore_mem>>) src(%arg5 : memref<256x16xf32, #tpu.memory_space<vmem>>) dst(%dma_wait3A_54 : memref<256x16xf32, #tpu.memory_space<hbm>>)
        tpu.yield
      }) : () -> ()
      %while3A_48 = arith.constant 0 : i32
      scf.yield %while3A_48 : i32
    }
    %while3A_28 = arith.constant 1 : i32
    %while3A_29 = scf.for %while3A_30 = %while3A_25 to %while3A_21 step %while3A_28 iter_args(%while3A_31 = %while3A_27) -> (i32)  : i32 {
      %mul3A_32 = arith.constant 32 : i32
      %mul3A_33 = arith.muli %mul3A_32, %while3A_30 : i32
      %add3A_34 = arith.addi %mul3A_33, %add3A : i32
      %mul3A_35 = arith.constant 256 : i32
      %mul3A_36 = arith.muli %add3A_34, %mul3A_35 : i32
      %multiple_of3A = tpu.assume_multiple %mul3A_36, 8 : i32
      %mul3A_37 = arith.constant 256 : i32
      %mul3A_38 = arith.muli %add3A_34, %mul3A_37 : i32
      %add3A_39 = arith.constant 100096 : i32
      %add3A_40 = arith.addi %add3A_39, %mul3A_38 : i32
      %multiple_of3A_41 = tpu.assume_multiple %add3A_40, 8 : i32
      "tpu.region"() ({
        %run_scoped3A = tpu.sem_alloc : memref<!tpu.dma_semaphore, #tpu.memory_space<semaphore_mem>>
        %dma_start3A = arith.constant 0 : i32
        %dma_start3A_49 = tpu.memref_slice %arg2[%multiple_of3A, %dma_start3A] : memref<200192x16xf32, #tpu.memory_space<hbm>> -> memref<256x16xf32, #tpu.memory_space<hbm>>
        %dma_start3A_50 = arith.constant 0 : i32
        %dma_start3A_51 = tpu.memref_slice %arg2[%multiple_of3A, %dma_start3A_50] : memref<200192x16xf32, #tpu.memory_space<hbm>> -> memref<256x16xf32, #tpu.memory_space<hbm>>
        tpu.enqueue_dma source(%dma_start3A_51 : memref<256x16xf32, #tpu.memory_space<hbm>>) target(%arg5 : memref<256x16xf32, #tpu.memory_space<vmem>>) target_semaphore(%run_scoped3A : memref<!tpu.dma_semaphore, #tpu.memory_space<semaphore_mem>>)
        %dma_wait3A = arith.constant 0 : i32
        %dma_wait3A_52 = tpu.memref_slice %arg2[%multiple_of3A, %dma_wait3A] : memref<200192x16xf32, #tpu.memory_space<hbm>> -> memref<256x16xf32, #tpu.memory_space<hbm>>
        %dma_wait3A_53 = arith.constant 0 : i32
        %dma_wait3A_54 = tpu.memref_slice %arg2[%multiple_of3A, %dma_wait3A_53] : memref<200192x16xf32, #tpu.memory_space<hbm>> -> memref<256x16xf32, #tpu.memory_space<hbm>>
        tpu.wait_dma2 semaphore(%run_scoped3A : memref<!tpu.dma_semaphore, #tpu.memory_space<semaphore_mem>>) src(%dma_wait3A_54 : memref<256x16xf32, #tpu.memory_space<hbm>>) dst(%arg5 : memref<256x16xf32, #tpu.memory_space<vmem>>)
        tpu.yield
      }) : () -> ()
      "tpu.region"() ({
        %run_scoped3A = tpu.sem_alloc : memref<!tpu.dma_semaphore, #tpu.memory_space<semaphore_mem>>
        %dma_start3A = arith.constant 0 : i32
        %dma_start3A_49 = tpu.memref_slice %arg2[%multiple_of3A_41, %dma_start3A] : memref<200192x16xf32, #tpu.memory_space<hbm>> -> memref<256x16xf32, #tpu.memory_space<hbm>>
        %dma_start3A_50 = arith.constant 0 : i32
        %dma_start3A_51 = tpu.memref_slice %arg2[%multiple_of3A_41, %dma_start3A_50] : memref<200192x16xf32, #tpu.memory_space<hbm>> -> memref<256x16xf32, #tpu.memory_space<hbm>>
        tpu.enqueue_dma source(%dma_start3A_51 : memref<256x16xf32, #tpu.memory_space<hbm>>) target(%arg6 : memref<256x16xf32, #tpu.memory_space<vmem>>) target_semaphore(%run_scoped3A : memref<!tpu.dma_semaphore, #tpu.memory_space<semaphore_mem>>)
        %dma_wait3A = arith.constant 0 : i32
        %dma_wait3A_52 = tpu.memref_slice %arg2[%multiple_of3A_41, %dma_wait3A] : memref<200192x16xf32, #tpu.memory_space<hbm>> -> memref<256x16xf32, #tpu.memory_space<hbm>>
        %dma_wait3A_53 = arith.constant 0 : i32
        %dma_wait3A_54 = tpu.memref_slice %arg2[%multiple_of3A_41, %dma_wait3A_53] : memref<200192x16xf32, #tpu.memory_space<hbm>> -> memref<256x16xf32, #tpu.memory_space<hbm>>
        tpu.wait_dma2 semaphore(%run_scoped3A : memref<!tpu.dma_semaphore, #tpu.memory_space<semaphore_mem>>) src(%dma_wait3A_54 : memref<256x16xf32, #tpu.memory_space<hbm>>) dst(%arg6 : memref<256x16xf32, #tpu.memory_space<vmem>>)
        tpu.yield
      }) : () -> ()
      "tpu.region"() ({
        %run_scoped3A = tpu.sem_alloc : memref<!tpu.dma_semaphore, #tpu.memory_space<semaphore_mem>>
        %dma_start3A = tpu.memref_slice %arg3[%multiple_of3A] : memref<200192xf32, #tpu.memory_space<hbm>> -> memref<256xf32, #tpu.memory_space<hbm>>
        %dma_start3A_49 = tpu.memref_slice %arg3[%multiple_of3A] : memref<200192xf32, #tpu.memory_space<hbm>> -> memref<256xf32, #tpu.memory_space<hbm>>
        tpu.enqueue_dma source(%dma_start3A_49 : memref<256xf32, #tpu.memory_space<hbm>>) target(%arg7 : memref<256xf32, #tpu.memory_space<vmem>>) target_semaphore(%run_scoped3A : memref<!tpu.dma_semaphore, #tpu.memory_space<semaphore_mem>>)
        %dma_wait3A = tpu.memref_slice %arg3[%multiple_of3A] : memref<200192xf32, #tpu.memory_space<hbm>> -> memref<256xf32, #tpu.memory_space<hbm>>
        %dma_wait3A_50 = tpu.memref_slice %arg3[%multiple_of3A] : memref<200192xf32, #tpu.memory_space<hbm>> -> memref<256xf32, #tpu.memory_space<hbm>>
        tpu.wait_dma2 semaphore(%run_scoped3A : memref<!tpu.dma_semaphore, #tpu.memory_space<semaphore_mem>>) src(%dma_wait3A_50 : memref<256xf32, #tpu.memory_space<hbm>>) dst(%arg7 : memref<256xf32, #tpu.memory_space<vmem>>)
        tpu.yield
      }) : () -> ()
      "tpu.region"() ({
        %run_scoped3A = tpu.sem_alloc : memref<!tpu.dma_semaphore, #tpu.memory_space<semaphore_mem>>
        %dma_start3A = tpu.memref_slice %arg3[%multiple_of3A_41] : memref<200192xf32, #tpu.memory_space<hbm>> -> memref<256xf32, #tpu.memory_space<hbm>>
        %dma_start3A_49 = tpu.memref_slice %arg3[%multiple_of3A_41] : memref<200192xf32, #tpu.memory_space<hbm>> -> memref<256xf32, #tpu.memory_space<hbm>>
        tpu.enqueue_dma source(%dma_start3A_49 : memref<256xf32, #tpu.memory_space<hbm>>) target(%arg8 : memref<256xf32, #tpu.memory_space<vmem>>) target_semaphore(%run_scoped3A : memref<!tpu.dma_semaphore, #tpu.memory_space<semaphore_mem>>)
        %dma_wait3A = tpu.memref_slice %arg3[%multiple_of3A_41] : memref<200192xf32, #tpu.memory_space<hbm>> -> memref<256xf32, #tpu.memory_space<hbm>>
        %dma_wait3A_50 = tpu.memref_slice %arg3[%multiple_of3A_41] : memref<200192xf32, #tpu.memory_space<hbm>> -> memref<256xf32, #tpu.memory_space<hbm>>
        tpu.wait_dma2 semaphore(%run_scoped3A : memref<!tpu.dma_semaphore, #tpu.memory_space<semaphore_mem>>) src(%dma_wait3A_50 : memref<256xf32, #tpu.memory_space<hbm>>) dst(%arg8 : memref<256xf32, #tpu.memory_space<vmem>>)
        tpu.yield
      }) : () -> ()
      %scan3A = arith.constant 0 : i32
      %scan3A_42 = arith.constant 0 : i32
      %scan3A_43 = arith.constant 16 : i32
      %scan3A_44 = arith.addi %scan3A_42, %scan3A_43 : i32
      %scan3A_45 = arith.constant 1 : i32
      %scan3A_46 = scf.for %scan3A_49 = %scan3A_42 to %scan3A_44 step %scan3A_45 iter_args(%scan3A_50 = %scan3A) -> (i32)  : i32 {
        %mul3A_51 = arith.constant 16 : i32
        %mul3A_52 = arith.muli %scan3A_49, %mul3A_51 : i32
        %get3A = arith.index_cast %mul3A_52 : i32 to index
        %get3A_53 = tpu.vector_load %arg7[%get3A] {strides = array<i32>} : memref<256xf32, #tpu.memory_space<vmem>>, vector<16xf32>,
        %get3A_54 = vector.shape_cast %get3A_53 : vector<16xf32> to vector<16xf32>
        %max3A = arith.constant 1.000000e+00 : f32
        %max3A_55 = vector.broadcast %max3A : f32 to vector<16xf32>
        %max3A_56 = arith.maximumf %get3A_54, %max3A_55 : vector<16xf32>
        %div3A_57 = arith.constant 1.000000e+00 : f32
        %div3A_58 = vector.broadcast %div3A_57 : f32 to vector<16xf32>
        %div3A_59 = arith.divf %div3A_58, %max3A_56 : vector<16xf32>
        %mul3A_60 = arith.constant 16 : i32
        %mul3A_61 = arith.muli %scan3A_49, %mul3A_60 : i32
        %get3A_62 = arith.index_cast %mul3A_61 : i32 to index
        %get3A_63 = tpu.vector_load %arg8[%get3A_62] {strides = array<i32>} : memref<256xf32, #tpu.memory_space<vmem>>, vector<16xf32>,
        %get3A_64 = vector.shape_cast %get3A_63 : vector<16xf32> to vector<16xf32>
        %max3A_65 = arith.constant 1.000000e+00 : f32
        %max3A_66 = vector.broadcast %max3A_65 : f32 to vector<16xf32>
        %max3A_67 = arith.maximumf %get3A_64, %max3A_66 : vector<16xf32>
        %div3A_68 = arith.constant 1.000000e+00 : f32
        %div3A_69 = vector.broadcast %div3A_68 : f32 to vector<16xf32>
        %div3A_70 = arith.divf %div3A_69, %max3A_67 : vector<16xf32>
        %mul3A_71 = arith.constant 16 : i32
        %mul3A_72 = arith.muli %scan3A_49, %mul3A_71 : i32
        %add3A_73 = arith.constant 0 : i32
        %add3A_74 = arith.addi %mul3A_72, %add3A_73 : i32
        %get3A_75 = arith.index_cast %add3A_74 : i32 to index
        %get3A_76 = arith.constant 0 : index
        %get3A_77 = tpu.vector_load %arg5[%get3A_75, %get3A_76] {strides = array<i32>} : memref<256x16xf32, #tpu.memory_space<vmem>>, vector<1x16xf32>,
        %get3A_78 = vector.shape_cast %get3A_77 : vector<1x16xf32> to vector<16xf32>
        %slice3A = vector.extract_strided_slice %div3A_59 {offsets = [0], sizes = [1], strides = [1]} : vector<16xf32> to vector<1xf32>
        %squeeze3A = vector.extract %slice3A[0] : f32 from vector<1xf32>
        %mul3A_79 = vector.broadcast %squeeze3A : f32 to vector<16xf32>
        %mul3A_80 = arith.mulf %get3A_78, %mul3A_79 : vector<16xf32>
        %get3A_81 = arith.index_cast %add3A_74 : i32 to index
        %get3A_82 = arith.constant 0 : index
        %get3A_83 = tpu.vector_load %arg6[%get3A_81, %get3A_82] {strides = array<i32>} : memref<256x16xf32, #tpu.memory_space<vmem>>, vector<1x16xf32>,
        %get3A_84 = vector.shape_cast %get3A_83 : vector<1x16xf32> to vector<16xf32>
        %slice3A_85 = vector.extract_strided_slice %div3A_70 {offsets = [0], sizes = [1], strides = [1]} : vector<16xf32> to vector<1xf32>
        %squeeze3A_86 = vector.extract %slice3A_85[0] : f32 from vector<1xf32>
        %mul3A_87 = vector.broadcast %squeeze3A_86 : f32 to vector<16xf32>
        %mul3A_88 = arith.mulf %get3A_84, %mul3A_87 : vector<16xf32>
        %add3A_89 = arith.addf %mul3A_80, %mul3A_88 : vector<16xf32>
        %mul3A_90 = arith.constant 5.000000e-01 : f32
        %mul3A_91 = vector.broadcast %mul3A_90 : f32 to vector<16xf32>
        %mul3A_92 = arith.mulf %mul3A_91, %add3A_89 : vector<16xf32>
        %swap3A = arith.index_cast %add3A_74 : i32 to index
        %swap3A_93 = arith.constant 0 : index
        %swap3A_94 = tpu.vector_load %arg5[%swap3A, %swap3A_93] {strides = array<i32>} : memref<256x16xf32, #tpu.memory_space<vmem>>, vector<1x16xf32>,
        %swap3A_95 = vector.shape_cast %swap3A_94 : vector<1x16xf32> to vector<16xf32>
        %swap3A_96 = vector.shape_cast %mul3A_92 : vector<16xf32> to vector<1x16xf32>
        tpu.vector_store %arg5[%swap3A, %swap3A_93], %swap3A_96 {strides = array<i32>} : memref<256x16xf32, #tpu.memory_space<vmem>>, vector<1x16xf32>,
        %mul3A_97 = arith.constant 16 : i32
        %mul3A_98 = arith.muli %scan3A_49, %mul3A_97 : i32
        %add3A_99 = arith.constant 1 : i32
        %add3A_100 = arith.addi %mul3A_98, %add3A_99 : i32
        %get3A_101 = arith.index_cast %add3A_100 : i32 to index
        %get3A_102 = arith.constant 0 : index
        %get3A_103 = tpu.vector_load %arg5[%get3A_101, %get3A_102] {strides = array<i32>} : memref<256x16xf32, #tpu.memory_space<vmem>>, vector<1x16xf32>,
        %get3A_104 = vector.shape_cast %get3A_103 : vector<1x16xf32> to vector<16xf32>
        %slice3A_105 = vector.extract_strided_slice %div3A_59 {offsets = [1], sizes = [1], strides = [1]} : vector<16xf32> to vector<1xf32>
        %squeeze3A_106 = vector.extract %slice3A_105[0] : f32 from vector<1xf32>
        %mul3A_107 = vector.broadcast %squeeze3A_106 : f32 to vector<16xf32>
        %mul3A_108 = arith.mulf %get3A_104, %mul3A_107 : vector<16xf32>
        %get3A_109 = arith.index_cast %add3A_100 : i32 to index
        %get3A_110 = arith.constant 0 : index
        %get3A_111 = tpu.vector_load %arg6[%get3A_109, %get3A_110] {strides = array<i32>} : memref<256x16xf32, #tpu.memory_space<vmem>>, vector<1x16xf32>,
        %get3A_112 = vector.shape_cast %get3A_111 : vector<1x16xf32> to vector<16xf32>
        %slice3A_113 = vector.extract_strided_slice %div3A_70 {offsets = [1], sizes = [1], strides = [1]} : vector<16xf32> to vector<1xf32>
        %squeeze3A_114 = vector.extract %slice3A_113[0] : f32 from vector<1xf32>
        %mul3A_115 = vector.broadcast %squeeze3A_114 : f32 to vector<16xf32>
        %mul3A_116 = arith.mulf %get3A_112, %mul3A_115 : vector<16xf32>
        %add3A_117 = arith.addf %mul3A_108, %mul3A_116 : vector<16xf32>
        %mul3A_118 = arith.constant 5.000000e-01 : f32
        %mul3A_119 = vector.broadcast %mul3A_118 : f32 to vector<16xf32>
        %mul3A_120 = arith.mulf %mul3A_119, %add3A_117 : vector<16xf32>
        %swap3A_121 = arith.index_cast %add3A_100 : i32 to index
        %swap3A_122 = arith.constant 0 : index
        %swap3A_123 = tpu.vector_load %arg5[%swap3A_121, %swap3A_122] {strides = array<i32>} : memref<256x16xf32, #tpu.memory_space<vmem>>, vector<1x16xf32>,
        %swap3A_124 = vector.shape_cast %swap3A_123 : vector<1x16xf32> to vector<16xf32>
        %swap3A_125 = vector.shape_cast %mul3A_120 : vector<16xf32> to vector<1x16xf32>
        tpu.vector_store %arg5[%swap3A_121, %swap3A_122], %swap3A_125 {strides = array<i32>} : memref<256x16xf32, #tpu.memory_space<vmem>>, vector<1x16xf32>,
        %mul3A_126 = arith.constant 16 : i32
        %mul3A_127 = arith.muli %scan3A_49, %mul3A_126 : i32
        %add3A_128 = arith.constant 2 : i32
        %add3A_129 = arith.addi %mul3A_127, %add3A_128 : i32
        %get3A_130 = arith.index_cast %add3A_129 : i32 to index
        %get3A_131 = arith.constant 0 : index
        %get3A_132 = tpu.vector_load %arg5[%get3A_130, %get3A_131] {strides = array<i32>} : memref<256x16xf32, #tpu.memory_space<vmem>>, vector<1x16xf32>,
        %get3A_133 = vector.shape_cast %get3A_132 : vector<1x16xf32> to vector<16xf32>
        %slice3A_134 = vector.extract_strided_slice %div3A_59 {offsets = [2], sizes = [1], strides = [1]} : vector<16xf32> to vector<1xf32>
        %squeeze3A_135 = vector.extract %slice3A_134[0] : f32 from vector<1xf32>
        %mul3A_136 = vector.broadcast %squeeze3A_135 : f32 to vector<16xf32>
        %mul3A_137 = arith.mulf %get3A_133, %mul3A_136 : vector<16xf32>
        %get3A_138 = arith.index_cast %add3A_129 : i32 to index
        %get3A_139 = arith.constant 0 : index
        %get3A_140 = tpu.vector_load %arg6[%get3A_138, %get3A_139] {strides = array<i32>} : memref<256x16xf32, #tpu.memory_space<vmem>>, vector<1x16xf32>,
        %get3A_141 = vector.shape_cast %get3A_140 : vector<1x16xf32> to vector<16xf32>
        %slice3A_142 = vector.extract_strided_slice %div3A_70 {offsets = [2], sizes = [1], strides = [1]} : vector<16xf32> to vector<1xf32>
        %squeeze3A_143 = vector.extract %slice3A_142[0] : f32 from vector<1xf32>
        %mul3A_144 = vector.broadcast %squeeze3A_143 : f32 to vector<16xf32>
        %mul3A_145 = arith.mulf %get3A_141, %mul3A_144 : vector<16xf32>
        %add3A_146 = arith.addf %mul3A_137, %mul3A_145 : vector<16xf32>
        %mul3A_147 = arith.constant 5.000000e-01 : f32
        %mul3A_148 = vector.broadcast %mul3A_147 : f32 to vector<16xf32>
        %mul3A_149 = arith.mulf %mul3A_148, %add3A_146 : vector<16xf32>
        %swap3A_150 = arith.index_cast %add3A_129 : i32 to index
        %swap3A_151 = arith.constant 0 : index
        %swap3A_152 = tpu.vector_load %arg5[%swap3A_150, %swap3A_151] {strides = array<i32>} : memref<256x16xf32, #tpu.memory_space<vmem>>, vector<1x16xf32>,
        %swap3A_153 = vector.shape_cast %swap3A_152 : vector<1x16xf32> to vector<16xf32>
        %swap3A_154 = vector.shape_cast %mul3A_149 : vector<16xf32> to vector<1x16xf32>
        tpu.vector_store %arg5[%swap3A_150, %swap3A_151], %swap3A_154 {strides = array<i32>} : memref<256x16xf32, #tpu.memory_space<vmem>>, vector<1x16xf32>,
        %mul3A_155 = arith.constant 16 : i32
        %mul3A_156 = arith.muli %scan3A_49, %mul3A_155 : i32
        %add3A_157 = arith.constant 3 : i32
        %add3A_158 = arith.addi %mul3A_156, %add3A_157 : i32
        %get3A_159 = arith.index_cast %add3A_158 : i32 to index
        %get3A_160 = arith.constant 0 : index
        %get3A_161 = tpu.vector_load %arg5[%get3A_159, %get3A_160] {strides = array<i32>} : memref<256x16xf32, #tpu.memory_space<vmem>>, vector<1x16xf32>,
        %get3A_162 = vector.shape_cast %get3A_161 : vector<1x16xf32> to vector<16xf32>
        %slice3A_163 = vector.extract_strided_slice %div3A_59 {offsets = [3], sizes = [1], strides = [1]} : vector<16xf32> to vector<1xf32>
        %squeeze3A_164 = vector.extract %slice3A_163[0] : f32 from vector<1xf32>
        %mul3A_165 = vector.broadcast %squeeze3A_164 : f32 to vector<16xf32>
        %mul3A_166 = arith.mulf %get3A_162, %mul3A_165 : vector<16xf32>
        %get3A_167 = arith.index_cast %add3A_158 : i32 to index
        %get3A_168 = arith.constant 0 : index
        %get3A_169 = tpu.vector_load %arg6[%get3A_167, %get3A_168] {strides = array<i32>} : memref<256x16xf32, #tpu.memory_space<vmem>>, vector<1x16xf32>,
        %get3A_170 = vector.shape_cast %get3A_169 : vector<1x16xf32> to vector<16xf32>
        %slice3A_171 = vector.extract_strided_slice %div3A_70 {offsets = [3], sizes = [1], strides = [1]} : vector<16xf32> to vector<1xf32>
        %squeeze3A_172 = vector.extract %slice3A_171[0] : f32 from vector<1xf32>
        %mul3A_173 = vector.broadcast %squeeze3A_172 : f32 to vector<16xf32>
        %mul3A_174 = arith.mulf %get3A_170, %mul3A_173 : vector<16xf32>
        %add3A_175 = arith.addf %mul3A_166, %mul3A_174 : vector<16xf32>
        %mul3A_176 = arith.constant 5.000000e-01 : f32
        %mul3A_177 = vector.broadcast %mul3A_176 : f32 to vector<16xf32>
        %mul3A_178 = arith.mulf %mul3A_177, %add3A_175 : vector<16xf32>
        %swap3A_179 = arith.index_cast %add3A_158 : i32 to index
        %swap3A_180 = arith.constant 0 : index
        %swap3A_181 = tpu.vector_load %arg5[%swap3A_179, %swap3A_180] {strides = array<i32>} : memref<256x16xf32, #tpu.memory_space<vmem>>, vector<1x16xf32>,
        %swap3A_182 = vector.shape_cast %swap3A_181 : vector<1x16xf32> to vector<16xf32>
        %swap3A_183 = vector.shape_cast %mul3A_178 : vector<16xf32> to vector<1x16xf32>
        tpu.vector_store %arg5[%swap3A_179, %swap3A_180], %swap3A_183 {strides = array<i32>} : memref<256x16xf32, #tpu.memory_space<vmem>>, vector<1x16xf32>,
        %mul3A_184 = arith.constant 16 : i32
        %mul3A_185 = arith.muli %scan3A_49, %mul3A_184 : i32
        %add3A_186 = arith.constant 4 : i32
        %add3A_187 = arith.addi %mul3A_185, %add3A_186 : i32
        %get3A_188 = arith.index_cast %add3A_187 : i32 to index
        %get3A_189 = arith.constant 0 : index
        %get3A_190 = tpu.vector_load %arg5[%get3A_188, %get3A_189] {strides = array<i32>} : memref<256x16xf32, #tpu.memory_space<vmem>>, vector<1x16xf32>,
        %get3A_191 = vector.shape_cast %get3A_190 : vector<1x16xf32> to vector<16xf32>
        %slice3A_192 = vector.extract_strided_slice %div3A_59 {offsets = [4], sizes = [1], strides = [1]} : vector<16xf32> to vector<1xf32>
        %squeeze3A_193 = vector.extract %slice3A_192[0] : f32 from vector<1xf32>
        %mul3A_194 = vector.broadcast %squeeze3A_193 : f32 to vector<16xf32>
        %mul3A_195 = arith.mulf %get3A_191, %mul3A_194 : vector<16xf32>
        %get3A_196 = arith.index_cast %add3A_187 : i32 to index
        %get3A_197 = arith.constant 0 : index
        %get3A_198 = tpu.vector_load %arg6[%get3A_196, %get3A_197] {strides = array<i32>} : memref<256x16xf32, #tpu.memory_space<vmem>>, vector<1x16xf32>,
        %get3A_199 = vector.shape_cast %get3A_198 : vector<1x16xf32> to vector<16xf32>
        %slice3A_200 = vector.extract_strided_slice %div3A_70 {offsets = [4], sizes = [1], strides = [1]} : vector<16xf32> to vector<1xf32>
        %squeeze3A_201 = vector.extract %slice3A_200[0] : f32 from vector<1xf32>
        %mul3A_202 = vector.broadcast %squeeze3A_201 : f32 to vector<16xf32>
        %mul3A_203 = arith.mulf %get3A_199, %mul3A_202 : vector<16xf32>
        %add3A_204 = arith.addf %mul3A_195, %mul3A_203 : vector<16xf32>
        %mul3A_205 = arith.constant 5.000000e-01 : f32
        %mul3A_206 = vector.broadcast %mul3A_205 : f32 to vector<16xf32>
        %mul3A_207 = arith.mulf %mul3A_206, %add3A_204 : vector<16xf32>
        %swap3A_208 = arith.index_cast %add3A_187 : i32 to index
        %swap3A_209 = arith.constant 0 : index
        %swap3A_210 = tpu.vector_load %arg5[%swap3A_208, %swap3A_209] {strides = array<i32>} : memref<256x16xf32, #tpu.memory_space<vmem>>, vector<1x16xf32>,
        %swap3A_211 = vector.shape_cast %swap3A_210 : vector<1x16xf32> to vector<16xf32>
        %swap3A_212 = vector.shape_cast %mul3A_207 : vector<16xf32> to vector<1x16xf32>
        tpu.vector_store %arg5[%swap3A_208, %swap3A_209], %swap3A_212 {strides = array<i32>} : memref<256x16xf32, #tpu.memory_space<vmem>>, vector<1x16xf32>,
        %mul3A_213 = arith.constant 16 : i32
        %mul3A_214 = arith.muli %scan3A_49, %mul3A_213 : i32
        %add3A_215 = arith.constant 5 : i32
        %add3A_216 = arith.addi %mul3A_214, %add3A_215 : i32
        %get3A_217 = arith.index_cast %add3A_216 : i32 to index
        %get3A_218 = arith.constant 0 : index
        %get3A_219 = tpu.vector_load %arg5[%get3A_217, %get3A_218] {strides = array<i32>} : memref<256x16xf32, #tpu.memory_space<vmem>>, vector<1x16xf32>,
        %get3A_220 = vector.shape_cast %get3A_219 : vector<1x16xf32> to vector<16xf32>
        %slice3A_221 = vector.extract_strided_slice %div3A_59 {offsets = [5], sizes = [1], strides = [1]} : vector<16xf32> to vector<1xf32>
        %squeeze3A_222 = vector.extract %slice3A_221[0] : f32 from vector<1xf32>
        %mul3A_223 = vector.broadcast %squeeze3A_222 : f32 to vector<16xf32>
        %mul3A_224 = arith.mulf %get3A_220, %mul3A_223 : vector<16xf32>
        %get3A_225 = arith.index_cast %add3A_216 : i32 to index
        %get3A_226 = arith.constant 0 : index
        %get3A_227 = tpu.vector_load %arg6[%get3A_225, %get3A_226] {strides = array<i32>} : memref<256x16xf32, #tpu.memory_space<vmem>>, vector<1x16xf32>,
        %get3A_228 = vector.shape_cast %get3A_227 : vector<1x16xf32> to vector<16xf32>
        %slice3A_229 = vector.extract_strided_slice %div3A_70 {offsets = [5], sizes = [1], strides = [1]} : vector<16xf32> to vector<1xf32>
        %squeeze3A_230 = vector.extract %slice3A_229[0] : f32 from vector<1xf32>
        %mul3A_231 = vector.broadcast %squeeze3A_230 : f32 to vector<16xf32>
        %mul3A_232 = arith.mulf %get3A_228, %mul3A_231 : vector<16xf32>
        %add3A_233 = arith.addf %mul3A_224, %mul3A_232 : vector<16xf32>
        %mul3A_234 = arith.constant 5.000000e-01 : f32
        %mul3A_235 = vector.broadcast %mul3A_234 : f32 to vector<16xf32>
        %mul3A_236 = arith.mulf %mul3A_235, %add3A_233 : vector<16xf32>
        %swap3A_237 = arith.index_cast %add3A_216 : i32 to index
        %swap3A_238 = arith.constant 0 : index
        %swap3A_239 = tpu.vector_load %arg5[%swap3A_237, %swap3A_238] {strides = array<i32>} : memref<256x16xf32, #tpu.memory_space<vmem>>, vector<1x16xf32>,
        %swap3A_240 = vector.shape_cast %swap3A_239 : vector<1x16xf32> to vector<16xf32>
        %swap3A_241 = vector.shape_cast %mul3A_236 : vector<16xf32> to vector<1x16xf32>
        tpu.vector_store %arg5[%swap3A_237, %swap3A_238], %swap3A_241 {strides = array<i32>} : memref<256x16xf32, #tpu.memory_space<vmem>>, vector<1x16xf32>,
        %mul3A_242 = arith.constant 16 : i32
        %mul3A_243 = arith.muli %scan3A_49, %mul3A_242 : i32
        %add3A_244 = arith.constant 6 : i32
        %add3A_245 = arith.addi %mul3A_243, %add3A_244 : i32
        %get3A_246 = arith.index_cast %add3A_245 : i32 to index
        %get3A_247 = arith.constant 0 : index
        %get3A_248 = tpu.vector_load %arg5[%get3A_246, %get3A_247] {strides = array<i32>} : memref<256x16xf32, #tpu.memory_space<vmem>>, vector<1x16xf32>,
        %get3A_249 = vector.shape_cast %get3A_248 : vector<1x16xf32> to vector<16xf32>
        %slice3A_250 = vector.extract_strided_slice %div3A_59 {offsets = [6], sizes = [1], strides = [1]} : vector<16xf32> to vector<1xf32>
        %squeeze3A_251 = vector.extract %slice3A_250[0] : f32 from vector<1xf32>
        %mul3A_252 = vector.broadcast %squeeze3A_251 : f32 to vector<16xf32>
        %mul3A_253 = arith.mulf %get3A_249, %mul3A_252 : vector<16xf32>
        %get3A_254 = arith.index_cast %add3A_245 : i32 to index
        %get3A_255 = arith.constant 0 : index
        %get3A_256 = tpu.vector_load %arg6[%get3A_254, %get3A_255] {strides = array<i32>} : memref<256x16xf32, #tpu.memory_space<vmem>>, vector<1x16xf32>,
        %get3A_257 = vector.shape_cast %get3A_256 : vector<1x16xf32> to vector<16xf32>
        %slice3A_258 = vector.extract_strided_slice %div3A_70 {offsets = [6], sizes = [1], strides = [1]} : vector<16xf32> to vector<1xf32>
        %squeeze3A_259 = vector.extract %slice3A_258[0] : f32 from vector<1xf32>
        %mul3A_260 = vector.broadcast %squeeze3A_259 : f32 to vector<16xf32>
        %mul3A_261 = arith.mulf %get3A_257, %mul3A_260 : vector<16xf32>
        %add3A_262 = arith.addf %mul3A_253, %mul3A_261 : vector<16xf32>
        %mul3A_263 = arith.constant 5.000000e-01 : f32
        %mul3A_264 = vector.broadcast %mul3A_263 : f32 to vector<16xf32>
        %mul3A_265 = arith.mulf %mul3A_264, %add3A_262 : vector<16xf32>
        %swap3A_266 = arith.index_cast %add3A_245 : i32 to index
        %swap3A_267 = arith.constant 0 : index
        %swap3A_268 = tpu.vector_load %arg5[%swap3A_266, %swap3A_267] {strides = array<i32>} : memref<256x16xf32, #tpu.memory_space<vmem>>, vector<1x16xf32>,
        %swap3A_269 = vector.shape_cast %swap3A_268 : vector<1x16xf32> to vector<16xf32>
        %swap3A_270 = vector.shape_cast %mul3A_265 : vector<16xf32> to vector<1x16xf32>
        tpu.vector_store %arg5[%swap3A_266, %swap3A_267], %swap3A_270 {strides = array<i32>} : memref<256x16xf32, #tpu.memory_space<vmem>>, vector<1x16xf32>,
        %mul3A_271 = arith.constant 16 : i32
        %mul3A_272 = arith.muli %scan3A_49, %mul3A_271 : i32
        %add3A_273 = arith.constant 7 : i32
        %add3A_274 = arith.addi %mul3A_272, %add3A_273 : i32
        %get3A_275 = arith.index_cast %add3A_274 : i32 to index
        %get3A_276 = arith.constant 0 : index
        %get3A_277 = tpu.vector_load %arg5[%get3A_275, %get3A_276] {strides = array<i32>} : memref<256x16xf32, #tpu.memory_space<vmem>>, vector<1x16xf32>,
        %get3A_278 = vector.shape_cast %get3A_277 : vector<1x16xf32> to vector<16xf32>
        %slice3A_279 = vector.extract_strided_slice %div3A_59 {offsets = [7], sizes = [1], strides = [1]} : vector<16xf32> to vector<1xf32>
        %squeeze3A_280 = vector.extract %slice3A_279[0] : f32 from vector<1xf32>
        %mul3A_281 = vector.broadcast %squeeze3A_280 : f32 to vector<16xf32>
        %mul3A_282 = arith.mulf %get3A_278, %mul3A_281 : vector<16xf32>
        %get3A_283 = arith.index_cast %add3A_274 : i32 to index
        %get3A_284 = arith.constant 0 : index
        %get3A_285 = tpu.vector_load %arg6[%get3A_283, %get3A_284] {strides = array<i32>} : memref<256x16xf32, #tpu.memory_space<vmem>>, vector<1x16xf32>,
        %get3A_286 = vector.shape_cast %get3A_285 : vector<1x16xf32> to vector<16xf32>
        %slice3A_287 = vector.extract_strided_slice %div3A_70 {offsets = [7], sizes = [1], strides = [1]} : vector<16xf32> to vector<1xf32>
        %squeeze3A_288 = vector.extract %slice3A_287[0] : f32 from vector<1xf32>
        %mul3A_289 = vector.broadcast %squeeze3A_288 : f32 to vector<16xf32>
        %mul3A_290 = arith.mulf %get3A_286, %mul3A_289 : vector<16xf32>
        %add3A_291 = arith.addf %mul3A_282, %mul3A_290 : vector<16xf32>
        %mul3A_292 = arith.constant 5.000000e-01 : f32
        %mul3A_293 = vector.broadcast %mul3A_292 : f32 to vector<16xf32>
        %mul3A_294 = arith.mulf %mul3A_293, %add3A_291 : vector<16xf32>
        %swap3A_295 = arith.index_cast %add3A_274 : i32 to index
        %swap3A_296 = arith.constant 0 : index
        %swap3A_297 = tpu.vector_load %arg5[%swap3A_295, %swap3A_296] {strides = array<i32>} : memref<256x16xf32, #tpu.memory_space<vmem>>, vector<1x16xf32>,
        %swap3A_298 = vector.shape_cast %swap3A_297 : vector<1x16xf32> to vector<16xf32>
        %swap3A_299 = vector.shape_cast %mul3A_294 : vector<16xf32> to vector<1x16xf32>
        tpu.vector_store %arg5[%swap3A_295, %swap3A_296], %swap3A_299 {strides = array<i32>} : memref<256x16xf32, #tpu.memory_space<vmem>>, vector<1x16xf32>,
        %mul3A_300 = arith.constant 16 : i32
        %mul3A_301 = arith.muli %scan3A_49, %mul3A_300 : i32
        %add3A_302 = arith.constant 8 : i32
        %add3A_303 = arith.addi %mul3A_301, %add3A_302 : i32
        %get3A_304 = arith.index_cast %add3A_303 : i32 to index
        %get3A_305 = arith.constant 0 : index
        %get3A_306 = tpu.vector_load %arg5[%get3A_304, %get3A_305] {strides = array<i32>} : memref<256x16xf32, #tpu.memory_space<vmem>>, vector<1x16xf32>,
        %get3A_307 = vector.shape_cast %get3A_306 : vector<1x16xf32> to vector<16xf32>
        %slice3A_308 = vector.extract_strided_slice %div3A_59 {offsets = [8], sizes = [1], strides = [1]} : vector<16xf32> to vector<1xf32>
        %squeeze3A_309 = vector.extract %slice3A_308[0] : f32 from vector<1xf32>
        %mul3A_310 = vector.broadcast %squeeze3A_309 : f32 to vector<16xf32>
        %mul3A_311 = arith.mulf %get3A_307, %mul3A_310 : vector<16xf32>
        %get3A_312 = arith.index_cast %add3A_303 : i32 to index
        %get3A_313 = arith.constant 0 : index
        %get3A_314 = tpu.vector_load %arg6[%get3A_312, %get3A_313] {strides = array<i32>} : memref<256x16xf32, #tpu.memory_space<vmem>>, vector<1x16xf32>,
        %get3A_315 = vector.shape_cast %get3A_314 : vector<1x16xf32> to vector<16xf32>
        %slice3A_316 = vector.extract_strided_slice %div3A_70 {offsets = [8], sizes = [1], strides = [1]} : vector<16xf32> to vector<1xf32>
        %squeeze3A_317 = vector.extract %slice3A_316[0] : f32 from vector<1xf32>
        %mul3A_318 = vector.broadcast %squeeze3A_317 : f32 to vector<16xf32>
        %mul3A_319 = arith.mulf %get3A_315, %mul3A_318 : vector<16xf32>
        %add3A_320 = arith.addf %mul3A_311, %mul3A_319 : vector<16xf32>
        %mul3A_321 = arith.constant 5.000000e-01 : f32
        %mul3A_322 = vector.broadcast %mul3A_321 : f32 to vector<16xf32>
        %mul3A_323 = arith.mulf %mul3A_322, %add3A_320 : vector<16xf32>
        %swap3A_324 = arith.index_cast %add3A_303 : i32 to index
        %swap3A_325 = arith.constant 0 : index
        %swap3A_326 = tpu.vector_load %arg5[%swap3A_324, %swap3A_325] {strides = array<i32>} : memref<256x16xf32, #tpu.memory_space<vmem>>, vector<1x16xf32>,
        %swap3A_327 = vector.shape_cast %swap3A_326 : vector<1x16xf32> to vector<16xf32>
        %swap3A_328 = vector.shape_cast %mul3A_323 : vector<16xf32> to vector<1x16xf32>
        tpu.vector_store %arg5[%swap3A_324, %swap3A_325], %swap3A_328 {strides = array<i32>} : memref<256x16xf32, #tpu.memory_space<vmem>>, vector<1x16xf32>,
        %mul3A_329 = arith.constant 16 : i32
        %mul3A_330 = arith.muli %scan3A_49, %mul3A_329 : i32
        %add3A_331 = arith.constant 9 : i32
        %add3A_332 = arith.addi %mul3A_330, %add3A_331 : i32
        %get3A_333 = arith.index_cast %add3A_332 : i32 to index
        %get3A_334 = arith.constant 0 : index
        %get3A_335 = tpu.vector_load %arg5[%get3A_333, %get3A_334] {strides = array<i32>} : memref<256x16xf32, #tpu.memory_space<vmem>>, vector<1x16xf32>,
        %get3A_336 = vector.shape_cast %get3A_335 : vector<1x16xf32> to vector<16xf32>
        %slice3A_337 = vector.extract_strided_slice %div3A_59 {offsets = [9], sizes = [1], strides = [1]} : vector<16xf32> to vector<1xf32>
        %squeeze3A_338 = vector.extract %slice3A_337[0] : f32 from vector<1xf32>
        %mul3A_339 = vector.broadcast %squeeze3A_338 : f32 to vector<16xf32>
        %mul3A_340 = arith.mulf %get3A_336, %mul3A_339 : vector<16xf32>
        %get3A_341 = arith.index_cast %add3A_332 : i32 to index
        %get3A_342 = arith.constant 0 : index
        %get3A_343 = tpu.vector_load %arg6[%get3A_341, %get3A_342] {strides = array<i32>} : memref<256x16xf32, #tpu.memory_space<vmem>>, vector<1x16xf32>,
        %get3A_344 = vector.shape_cast %get3A_343 : vector<1x16xf32> to vector<16xf32>
        %slice3A_345 = vector.extract_strided_slice %div3A_70 {offsets = [9], sizes = [1], strides = [1]} : vector<16xf32> to vector<1xf32>
        %squeeze3A_346 = vector.extract %slice3A_345[0] : f32 from vector<1xf32>
        %mul3A_347 = vector.broadcast %squeeze3A_346 : f32 to vector<16xf32>
        %mul3A_348 = arith.mulf %get3A_344, %mul3A_347 : vector<16xf32>
        %add3A_349 = arith.addf %mul3A_340, %mul3A_348 : vector<16xf32>
        %mul3A_350 = arith.constant 5.000000e-01 : f32
        %mul3A_351 = vector.broadcast %mul3A_350 : f32 to vector<16xf32>
        %mul3A_352 = arith.mulf %mul3A_351, %add3A_349 : vector<16xf32>
        %swap3A_353 = arith.index_cast %add3A_332 : i32 to index
        %swap3A_354 = arith.constant 0 : index
        %swap3A_355 = tpu.vector_load %arg5[%swap3A_353, %swap3A_354] {strides = array<i32>} : memref<256x16xf32, #tpu.memory_space<vmem>>, vector<1x16xf32>,
        %swap3A_356 = vector.shape_cast %swap3A_355 : vector<1x16xf32> to vector<16xf32>
        %swap3A_357 = vector.shape_cast %mul3A_352 : vector<16xf32> to vector<1x16xf32>
        tpu.vector_store %arg5[%swap3A_353, %swap3A_354], %swap3A_357 {strides = array<i32>} : memref<256x16xf32, #tpu.memory_space<vmem>>, vector<1x16xf32>,
        %mul3A_358 = arith.constant 16 : i32
        %mul3A_359 = arith.muli %scan3A_49, %mul3A_358 : i32
        %add3A_360 = arith.constant 10 : i32
        %add3A_361 = arith.addi %mul3A_359, %add3A_360 : i32
        %get3A_362 = arith.index_cast %add3A_361 : i32 to index
        %get3A_363 = arith.constant 0 : index
        %get3A_364 = tpu.vector_load %arg5[%get3A_362, %get3A_363] {strides = array<i32>} : memref<256x16xf32, #tpu.memory_space<vmem>>, vector<1x16xf32>,
        %get3A_365 = vector.shape_cast %get3A_364 : vector<1x16xf32> to vector<16xf32>
        %slice3A_366 = vector.extract_strided_slice %div3A_59 {offsets = [10], sizes = [1], strides = [1]} : vector<16xf32> to vector<1xf32>
        %squeeze3A_367 = vector.extract %slice3A_366[0] : f32 from vector<1xf32>
        %mul3A_368 = vector.broadcast %squeeze3A_367 : f32 to vector<16xf32>
        %mul3A_369 = arith.mulf %get3A_365, %mul3A_368 : vector<16xf32>
        %get3A_370 = arith.index_cast %add3A_361 : i32 to index
        %get3A_371 = arith.constant 0 : index
        %get3A_372 = tpu.vector_load %arg6[%get3A_370, %get3A_371] {strides = array<i32>} : memref<256x16xf32, #tpu.memory_space<vmem>>, vector<1x16xf32>,
        %get3A_373 = vector.shape_cast %get3A_372 : vector<1x16xf32> to vector<16xf32>
        %slice3A_374 = vector.extract_strided_slice %div3A_70 {offsets = [10], sizes = [1], strides = [1]} : vector<16xf32> to vector<1xf32>
        %squeeze3A_375 = vector.extract %slice3A_374[0] : f32 from vector<1xf32>
        %mul3A_376 = vector.broadcast %squeeze3A_375 : f32 to vector<16xf32>
        %mul3A_377 = arith.mulf %get3A_373, %mul3A_376 : vector<16xf32>
        %add3A_378 = arith.addf %mul3A_369, %mul3A_377 : vector<16xf32>
        %mul3A_379 = arith.constant 5.000000e-01 : f32
        %mul3A_380 = vector.broadcast %mul3A_379 : f32 to vector<16xf32>
        %mul3A_381 = arith.mulf %mul3A_380, %add3A_378 : vector<16xf32>
        %swap3A_382 = arith.index_cast %add3A_361 : i32 to index
        %swap3A_383 = arith.constant 0 : index
        %swap3A_384 = tpu.vector_load %arg5[%swap3A_382, %swap3A_383] {strides = array<i32>} : memref<256x16xf32, #tpu.memory_space<vmem>>, vector<1x16xf32>,
        %swap3A_385 = vector.shape_cast %swap3A_384 : vector<1x16xf32> to vector<16xf32>
        %swap3A_386 = vector.shape_cast %mul3A_381 : vector<16xf32> to vector<1x16xf32>
        tpu.vector_store %arg5[%swap3A_382, %swap3A_383], %swap3A_386 {strides = array<i32>} : memref<256x16xf32, #tpu.memory_space<vmem>>, vector<1x16xf32>,
        %mul3A_387 = arith.constant 16 : i32
        %mul3A_388 = arith.muli %scan3A_49, %mul3A_387 : i32
        %add3A_389 = arith.constant 11 : i32
        %add3A_390 = arith.addi %mul3A_388, %add3A_389 : i32
        %get3A_391 = arith.index_cast %add3A_390 : i32 to index
        %get3A_392 = arith.constant 0 : index
        %get3A_393 = tpu.vector_load %arg5[%get3A_391, %get3A_392] {strides = array<i32>} : memref<256x16xf32, #tpu.memory_space<vmem>>, vector<1x16xf32>,
        %get3A_394 = vector.shape_cast %get3A_393 : vector<1x16xf32> to vector<16xf32>
        %slice3A_395 = vector.extract_strided_slice %div3A_59 {offsets = [11], sizes = [1], strides = [1]} : vector<16xf32> to vector<1xf32>
        %squeeze3A_396 = vector.extract %slice3A_395[0] : f32 from vector<1xf32>
        %mul3A_397 = vector.broadcast %squeeze3A_396 : f32 to vector<16xf32>
        %mul3A_398 = arith.mulf %get3A_394, %mul3A_397 : vector<16xf32>
        %get3A_399 = arith.index_cast %add3A_390 : i32 to index
        %get3A_400 = arith.constant 0 : index
        %get3A_401 = tpu.vector_load %arg6[%get3A_399, %get3A_400] {strides = array<i32>} : memref<256x16xf32, #tpu.memory_space<vmem>>, vector<1x16xf32>,
        %get3A_402 = vector.shape_cast %get3A_401 : vector<1x16xf32> to vector<16xf32>
        %slice3A_403 = vector.extract_strided_slice %div3A_70 {offsets = [11], sizes = [1], strides = [1]} : vector<16xf32> to vector<1xf32>
        %squeeze3A_404 = vector.extract %slice3A_403[0] : f32 from vector<1xf32>
        %mul3A_405 = vector.broadcast %squeeze3A_404 : f32 to vector<16xf32>
        %mul3A_406 = arith.mulf %get3A_402, %mul3A_405 : vector<16xf32>
        %add3A_407 = arith.addf %mul3A_398, %mul3A_406 : vector<16xf32>
        %mul3A_408 = arith.constant 5.000000e-01 : f32
        %mul3A_409 = vector.broadcast %mul3A_408 : f32 to vector<16xf32>
        %mul3A_410 = arith.mulf %mul3A_409, %add3A_407 : vector<16xf32>
        %swap3A_411 = arith.index_cast %add3A_390 : i32 to index
        %swap3A_412 = arith.constant 0 : index
        %swap3A_413 = tpu.vector_load %arg5[%swap3A_411, %swap3A_412] {strides = array<i32>} : memref<256x16xf32, #tpu.memory_space<vmem>>, vector<1x16xf32>,
        %swap3A_414 = vector.shape_cast %swap3A_413 : vector<1x16xf32> to vector<16xf32>
        %swap3A_415 = vector.shape_cast %mul3A_410 : vector<16xf32> to vector<1x16xf32>
        tpu.vector_store %arg5[%swap3A_411, %swap3A_412], %swap3A_415 {strides = array<i32>} : memref<256x16xf32, #tpu.memory_space<vmem>>, vector<1x16xf32>,
        %mul3A_416 = arith.constant 16 : i32
        %mul3A_417 = arith.muli %scan3A_49, %mul3A_416 : i32
        %add3A_418 = arith.constant 12 : i32
        %add3A_419 = arith.addi %mul3A_417, %add3A_418 : i32
        %get3A_420 = arith.index_cast %add3A_419 : i32 to index
        %get3A_421 = arith.constant 0 : index
        %get3A_422 = tpu.vector_load %arg5[%get3A_420, %get3A_421] {strides = array<i32>} : memref<256x16xf32, #tpu.memory_space<vmem>>, vector<1x16xf32>,
        %get3A_423 = vector.shape_cast %get3A_422 : vector<1x16xf32> to vector<16xf32>
        %slice3A_424 = vector.extract_strided_slice %div3A_59 {offsets = [12], sizes = [1], strides = [1]} : vector<16xf32> to vector<1xf32>
        %squeeze3A_425 = vector.extract %slice3A_424[0] : f32 from vector<1xf32>
        %mul3A_426 = vector.broadcast %squeeze3A_425 : f32 to vector<16xf32>
        %mul3A_427 = arith.mulf %get3A_423, %mul3A_426 : vector<16xf32>
        %get3A_428 = arith.index_cast %add3A_419 : i32 to index
        %get3A_429 = arith.constant 0 : index
        %get3A_430 = tpu.vector_load %arg6[%get3A_428, %get3A_429] {strides = array<i32>} : memref<256x16xf32, #tpu.memory_space<vmem>>, vector<1x16xf32>,
        %get3A_431 = vector.shape_cast %get3A_430 : vector<1x16xf32> to vector<16xf32>
        %slice3A_432 = vector.extract_strided_slice %div3A_70 {offsets = [12], sizes = [1], strides = [1]} : vector<16xf32> to vector<1xf32>
        %squeeze3A_433 = vector.extract %slice3A_432[0] : f32 from vector<1xf32>
        %mul3A_434 = vector.broadcast %squeeze3A_433 : f32 to vector<16xf32>
        %mul3A_435 = arith.mulf %get3A_431, %mul3A_434 : vector<16xf32>
        %add3A_436 = arith.addf %mul3A_427, %mul3A_435 : vector<16xf32>
        %mul3A_437 = arith.constant 5.000000e-01 : f32
        %mul3A_438 = vector.broadcast %mul3A_437 : f32 to vector<16xf32>
        %mul3A_439 = arith.mulf %mul3A_438, %add3A_436 : vector<16xf32>
        %swap3A_440 = arith.index_cast %add3A_419 : i32 to index
        %swap3A_441 = arith.constant 0 : index
        %swap3A_442 = tpu.vector_load %arg5[%swap3A_440, %swap3A_441] {strides = array<i32>} : memref<256x16xf32, #tpu.memory_space<vmem>>, vector<1x16xf32>,
        %swap3A_443 = vector.shape_cast %swap3A_442 : vector<1x16xf32> to vector<16xf32>
        %swap3A_444 = vector.shape_cast %mul3A_439 : vector<16xf32> to vector<1x16xf32>
        tpu.vector_store %arg5[%swap3A_440, %swap3A_441], %swap3A_444 {strides = array<i32>} : memref<256x16xf32, #tpu.memory_space<vmem>>, vector<1x16xf32>,
        %mul3A_445 = arith.constant 16 : i32
        %mul3A_446 = arith.muli %scan3A_49, %mul3A_445 : i32
        %add3A_447 = arith.constant 13 : i32
        %add3A_448 = arith.addi %mul3A_446, %add3A_447 : i32
        %get3A_449 = arith.index_cast %add3A_448 : i32 to index
        %get3A_450 = arith.constant 0 : index
        %get3A_451 = tpu.vector_load %arg5[%get3A_449, %get3A_450] {strides = array<i32>} : memref<256x16xf32, #tpu.memory_space<vmem>>, vector<1x16xf32>,
        %get3A_452 = vector.shape_cast %get3A_451 : vector<1x16xf32> to vector<16xf32>
        %slice3A_453 = vector.extract_strided_slice %div3A_59 {offsets = [13], sizes = [1], strides = [1]} : vector<16xf32> to vector<1xf32>
        %squeeze3A_454 = vector.extract %slice3A_453[0] : f32 from vector<1xf32>
        %mul3A_455 = vector.broadcast %squeeze3A_454 : f32 to vector<16xf32>
        %mul3A_456 = arith.mulf %get3A_452, %mul3A_455 : vector<16xf32>
        %get3A_457 = arith.index_cast %add3A_448 : i32 to index
        %get3A_458 = arith.constant 0 : index
        %get3A_459 = tpu.vector_load %arg6[%get3A_457, %get3A_458] {strides = array<i32>} : memref<256x16xf32, #tpu.memory_space<vmem>>, vector<1x16xf32>,
        %get3A_460 = vector.shape_cast %get3A_459 : vector<1x16xf32> to vector<16xf32>
        %slice3A_461 = vector.extract_strided_slice %div3A_70 {offsets = [13], sizes = [1], strides = [1]} : vector<16xf32> to vector<1xf32>
        %squeeze3A_462 = vector.extract %slice3A_461[0] : f32 from vector<1xf32>
        %mul3A_463 = vector.broadcast %squeeze3A_462 : f32 to vector<16xf32>
        %mul3A_464 = arith.mulf %get3A_460, %mul3A_463 : vector<16xf32>
        %add3A_465 = arith.addf %mul3A_456, %mul3A_464 : vector<16xf32>
        %mul3A_466 = arith.constant 5.000000e-01 : f32
        %mul3A_467 = vector.broadcast %mul3A_466 : f32 to vector<16xf32>
        %mul3A_468 = arith.mulf %mul3A_467, %add3A_465 : vector<16xf32>
        %swap3A_469 = arith.index_cast %add3A_448 : i32 to index
        %swap3A_470 = arith.constant 0 : index
        %swap3A_471 = tpu.vector_load %arg5[%swap3A_469, %swap3A_470] {strides = array<i32>} : memref<256x16xf32, #tpu.memory_space<vmem>>, vector<1x16xf32>,
        %swap3A_472 = vector.shape_cast %swap3A_471 : vector<1x16xf32> to vector<16xf32>
        %swap3A_473 = vector.shape_cast %mul3A_468 : vector<16xf32> to vector<1x16xf32>
        tpu.vector_store %arg5[%swap3A_469, %swap3A_470], %swap3A_473 {strides = array<i32>} : memref<256x16xf32, #tpu.memory_space<vmem>>, vector<1x16xf32>,
        %mul3A_474 = arith.constant 16 : i32
        %mul3A_475 = arith.muli %scan3A_49, %mul3A_474 : i32
        %add3A_476 = arith.constant 14 : i32
        %add3A_477 = arith.addi %mul3A_475, %add3A_476 : i32
        %get3A_478 = arith.index_cast %add3A_477 : i32 to index
        %get3A_479 = arith.constant 0 : index
        %get3A_480 = tpu.vector_load %arg5[%get3A_478, %get3A_479] {strides = array<i32>} : memref<256x16xf32, #tpu.memory_space<vmem>>, vector<1x16xf32>,
        %get3A_481 = vector.shape_cast %get3A_480 : vector<1x16xf32> to vector<16xf32>
        %slice3A_482 = vector.extract_strided_slice %div3A_59 {offsets = [14], sizes = [1], strides = [1]} : vector<16xf32> to vector<1xf32>
        %squeeze3A_483 = vector.extract %slice3A_482[0] : f32 from vector<1xf32>
        %mul3A_484 = vector.broadcast %squeeze3A_483 : f32 to vector<16xf32>
        %mul3A_485 = arith.mulf %get3A_481, %mul3A_484 : vector<16xf32>
        %get3A_486 = arith.index_cast %add3A_477 : i32 to index
        %get3A_487 = arith.constant 0 : index
        %get3A_488 = tpu.vector_load %arg6[%get3A_486, %get3A_487] {strides = array<i32>} : memref<256x16xf32, #tpu.memory_space<vmem>>, vector<1x16xf32>,
        %get3A_489 = vector.shape_cast %get3A_488 : vector<1x16xf32> to vector<16xf32>
        %slice3A_490 = vector.extract_strided_slice %div3A_70 {offsets = [14], sizes = [1], strides = [1]} : vector<16xf32> to vector<1xf32>
        %squeeze3A_491 = vector.extract %slice3A_490[0] : f32 from vector<1xf32>
        %mul3A_492 = vector.broadcast %squeeze3A_491 : f32 to vector<16xf32>
        %mul3A_493 = arith.mulf %get3A_489, %mul3A_492 : vector<16xf32>
        %add3A_494 = arith.addf %mul3A_485, %mul3A_493 : vector<16xf32>
        %mul3A_495 = arith.constant 5.000000e-01 : f32
        %mul3A_496 = vector.broadcast %mul3A_495 : f32 to vector<16xf32>
        %mul3A_497 = arith.mulf %mul3A_496, %add3A_494 : vector<16xf32>
        %swap3A_498 = arith.index_cast %add3A_477 : i32 to index
        %swap3A_499 = arith.constant 0 : index
        %swap3A_500 = tpu.vector_load %arg5[%swap3A_498, %swap3A_499] {strides = array<i32>} : memref<256x16xf32, #tpu.memory_space<vmem>>, vector<1x16xf32>,
        %swap3A_501 = vector.shape_cast %swap3A_500 : vector<1x16xf32> to vector<16xf32>
        %swap3A_502 = vector.shape_cast %mul3A_497 : vector<16xf32> to vector<1x16xf32>
        tpu.vector_store %arg5[%swap3A_498, %swap3A_499], %swap3A_502 {strides = array<i32>} : memref<256x16xf32, #tpu.memory_space<vmem>>, vector<1x16xf32>,
        %mul3A_503 = arith.constant 16 : i32
        %mul3A_504 = arith.muli %scan3A_49, %mul3A_503 : i32
        %add3A_505 = arith.constant 15 : i32
        %add3A_506 = arith.addi %mul3A_504, %add3A_505 : i32
        %get3A_507 = arith.index_cast %add3A_506 : i32 to index
        %get3A_508 = arith.constant 0 : index
        %get3A_509 = tpu.vector_load %arg5[%get3A_507, %get3A_508] {strides = array<i32>} : memref<256x16xf32, #tpu.memory_space<vmem>>, vector<1x16xf32>,
        %get3A_510 = vector.shape_cast %get3A_509 : vector<1x16xf32> to vector<16xf32>
        %slice3A_511 = vector.extract_strided_slice %div3A_59 {offsets = [15], sizes = [1], strides = [1]} : vector<16xf32> to vector<1xf32>
        %squeeze3A_512 = vector.extract %slice3A_511[0] : f32 from vector<1xf32>
        %mul3A_513 = vector.broadcast %squeeze3A_512 : f32 to vector<16xf32>
        %mul3A_514 = arith.mulf %get3A_510, %mul3A_513 : vector<16xf32>
        %get3A_515 = arith.index_cast %add3A_506 : i32 to index
        %get3A_516 = arith.constant 0 : index
        %get3A_517 = tpu.vector_load %arg6[%get3A_515, %get3A_516] {strides = array<i32>} : memref<256x16xf32, #tpu.memory_space<vmem>>, vector<1x16xf32>,
        %get3A_518 = vector.shape_cast %get3A_517 : vector<1x16xf32> to vector<16xf32>
        %slice3A_519 = vector.extract_strided_slice %div3A_70 {offsets = [15], sizes = [1], strides = [1]} : vector<16xf32> to vector<1xf32>
        %squeeze3A_520 = vector.extract %slice3A_519[0] : f32 from vector<1xf32>
        %mul3A_521 = vector.broadcast %squeeze3A_520 : f32 to vector<16xf32>
        %mul3A_522 = arith.mulf %get3A_518, %mul3A_521 : vector<16xf32>
        %add3A_523 = arith.addf %mul3A_514, %mul3A_522 : vector<16xf32>
        %mul3A_524 = arith.constant 5.000000e-01 : f32
        %mul3A_525 = vector.broadcast %mul3A_524 : f32 to vector<16xf32>
        %mul3A_526 = arith.mulf %mul3A_525, %add3A_523 : vector<16xf32>
        %swap3A_527 = arith.index_cast %add3A_506 : i32 to index
        %swap3A_528 = arith.constant 0 : index
        %swap3A_529 = tpu.vector_load %arg5[%swap3A_527, %swap3A_528] {strides = array<i32>} : memref<256x16xf32, #tpu.memory_space<vmem>>, vector<1x16xf32>,
        %swap3A_530 = vector.shape_cast %swap3A_529 : vector<1x16xf32> to vector<16xf32>
        %swap3A_531 = vector.shape_cast %mul3A_526 : vector<16xf32> to vector<1x16xf32>
        tpu.vector_store %arg5[%swap3A_527, %swap3A_528], %swap3A_531 {strides = array<i32>} : memref<256x16xf32, #tpu.memory_space<vmem>>, vector<1x16xf32>,
        %scan3A_532 = arith.constant 0 : i32
        scf.yield %scan3A_532 : i32
      }
      %scan3A_47 = arith.constant 16 : i32
      "tpu.region"() ({
        %run_scoped3A = tpu.sem_alloc : memref<!tpu.dma_semaphore, #tpu.memory_space<semaphore_mem>>
        %dma_start3A = arith.constant 0 : i32
        %dma_start3A_49 = tpu.memref_slice %arg4[%multiple_of3A, %dma_start3A] : memref<100096x16xf32, #tpu.memory_space<hbm>> -> memref<256x16xf32, #tpu.memory_space<hbm>>
        %dma_start3A_50 = arith.constant 0 : i32
        %dma_start3A_51 = tpu.memref_slice %arg4[%multiple_of3A, %dma_start3A_50] : memref<100096x16xf32, #tpu.memory_space<hbm>> -> memref<256x16xf32, #tpu.memory_space<hbm>>
        tpu.enqueue_dma source(%arg5 : memref<256x16xf32, #tpu.memory_space<vmem>>) target(%dma_start3A_51 : memref<256x16xf32, #tpu.memory_space<hbm>>) target_semaphore(%run_scoped3A : memref<!tpu.dma_semaphore, #tpu.memory_space<semaphore_mem>>)
        %dma_wait3A = arith.constant 0 : i32
        %dma_wait3A_52 = tpu.memref_slice %arg4[%multiple_of3A, %dma_wait3A] : memref<100096x16xf32, #tpu.memory_space<hbm>> -> memref<256x16xf32, #tpu.memory_space<hbm>>
        %dma_wait3A_53 = arith.constant 0 : i32
        %dma_wait3A_54 = tpu.memref_slice %arg4[%multiple_of3A, %dma_wait3A_53] : memref<100096x16xf32, #tpu.memory_space<hbm>> -> memref<256x16xf32, #tpu.memory_space<hbm>>
        tpu.wait_dma2 semaphore(%run_scoped3A : memref<!tpu.dma_semaphore, #tpu.memory_space<semaphore_mem>>) src(%arg5 : memref<256x16xf32, #tpu.memory_space<vmem>>) dst(%dma_wait3A_54 : memref<256x16xf32, #tpu.memory_space<hbm>>)
        tpu.yield
      }) : () -> ()
      %while3A_48 = arith.constant 0 : i32
      scf.yield %while3A_48 : i32
    }
    return
  }
}

#map = affine_map<(d0, d1) -> (0, 0)>
#map1 = affine_map<(d0, d1) -> (0)>
module attributes {stable_mosaic.version = 14 : i64} {
  func.func @_scatter_body(%arg0: i32, %arg1: i32, %arg2: memref<3200000x16xf32, #tpu.memory_space<hbm>>, %arg3: memref<50000x128xi32, #tpu.memory_space<hbm>>, %arg4: memref<200192x16xf32, #tpu.memory_space<hbm>>, %arg5: memref<200192xf32, #tpu.memory_space<hbm>>, %arg6: memref<1024x16xf32, #tpu.memory_space<vmem>>, %arg7: memref<8x128xi32, #tpu.memory_space<vmem>>, %arg8: memref<128xf32, #tpu.memory_space<vmem>>, %arg9: memref<368xf32, #tpu.memory_space<vmem>>, %arg10: memref<!tpu.dma_semaphore, #tpu.memory_space<semaphore_mem>>, %arg11: memref<!tpu.dma_semaphore, #tpu.memory_space<semaphore_mem>>, %arg12: memref<100096x16xf32, #tpu.memory_space<vmem_shared>>, %arg13: memref<100096xf32, #tpu.memory_space<vmem_shared>>) attributes {dimension_semantics = [#tpu.dimension_semantics<core_parallel>, #tpu.dimension_semantics<subcore_parallel>], iteration_bounds = array<i64: 2, 16>, scalar_prefetch = 0 : i64, scratch_operands = 8 : i64, tpu.core_type = #tpu.core_type<sc_vector_subcore>, window_params = [{transform_indices = #map}, {transform_indices = #map}, {transform_indices = #map}, {transform_indices = #map1}]} {
    %sub3A = arith.constant 3140 : i32
    %sub3A_0 = arith.subi %sub3A, %arg1 : i32
    %jit3A = arith.constant 16 : i32
    %div3A = arith.divsi %sub3A_0, %jit3A : i32
    %sign3A = arith.constant 0 : i32
    %sign3A_1 = arith.cmpi sgt, %sub3A_0, %sign3A : i32
    %sign3A_2 = arith.extui %sign3A_1 : i1 to i32
    %sign3A_3 = arith.constant 0 : i32
    %sign3A_4 = arith.cmpi slt, %sub3A_0, %sign3A_3 : i32
    %sign3A_5 = arith.extui %sign3A_4 : i1 to i32
    %sign3A_6 = arith.subi %sign3A_2, %sign3A_5 : i32
    %sign3A_7 = arith.constant 0 : i32
    %sign3A_8 = arith.cmpi sgt, %jit3A, %sign3A_7 : i32
    %sign3A_9 = arith.extui %sign3A_8 : i1 to i32
    %sign3A_10 = arith.constant 0 : i32
    %sign3A_11 = arith.cmpi slt, %jit3A, %sign3A_10 : i32
    %sign3A_12 = arith.extui %sign3A_11 : i1 to i32
    %sign3A_13 = arith.subi %sign3A_9, %sign3A_12 : i32
    %ne3A = arith.cmpi ne, %sign3A_6, %sign3A_13 : i32
    %rem3A = arith.remsi %sub3A_0, %jit3A : i32
    %ne3A_14 = arith.constant 0 : i32
    %ne3A_15 = arith.cmpi ne, %rem3A, %ne3A_14 : i32
    %and3A = arith.andi %ne3A, %ne3A_15 : i1
    %sub3A_16 = arith.constant 1 : i32
    %sub3A_17 = arith.subi %div3A, %sub3A_16 : i32
    %select_n3A = arith.select %and3A, %sub3A_17, %div3A : i32
    %broadcast_in_dim3A = arith.constant 1.000000e+00 : f32
    %broadcast_in_dim3A_18 = vector.broadcast %broadcast_in_dim3A : f32 to vector<16xf32>
    %swap3A = arith.constant 0 : index
    %swap3A_19 = tpu.vector_load %arg8[%swap3A] {strides = array<i32>} : memref<128xf32, #tpu.memory_space<vmem>>, vector<16xf32>,
    %swap3A_20 = vector.shape_cast %swap3A_19 : vector<16xf32> to vector<16xf32>
    %swap3A_21 = vector.shape_cast %broadcast_in_dim3A_18 : vector<16xf32> to vector<16xf32>
    tpu.vector_store %arg8[%swap3A], %swap3A_21 {strides = array<i32>} : memref<128xf32, #tpu.memory_space<vmem>>, vector<16xf32>,
    %broadcast_in_dim3A_22 = arith.constant 1.000000e+00 : f32
    %broadcast_in_dim3A_23 = vector.broadcast %broadcast_in_dim3A_22 : f32 to vector<16xf32>
    %swap3A_24 = arith.constant 16 : index
    %swap3A_25 = tpu.vector_load %arg8[%swap3A_24] {strides = array<i32>} : memref<128xf32, #tpu.memory_space<vmem>>, vector<16xf32>,
    %swap3A_26 = vector.shape_cast %swap3A_25 : vector<16xf32> to vector<16xf32>
    %swap3A_27 = vector.shape_cast %broadcast_in_dim3A_23 : vector<16xf32> to vector<16xf32>
    tpu.vector_store %arg8[%swap3A_24], %swap3A_27 {strides = array<i32>} : memref<128xf32, #tpu.memory_space<vmem>>, vector<16xf32>,
    %broadcast_in_dim3A_28 = arith.constant 1.000000e+00 : f32
    %broadcast_in_dim3A_29 = vector.broadcast %broadcast_in_dim3A_28 : f32 to vector<16xf32>
    %swap3A_30 = arith.constant 32 : index
    %swap3A_31 = tpu.vector_load %arg8[%swap3A_30] {strides = array<i32>} : memref<128xf32, #tpu.memory_space<vmem>>, vector<16xf32>,
    %swap3A_32 = vector.shape_cast %swap3A_31 : vector<16xf32> to vector<16xf32>
    %swap3A_33 = vector.shape_cast %broadcast_in_dim3A_29 : vector<16xf32> to vector<16xf32>
    tpu.vector_store %arg8[%swap3A_30], %swap3A_33 {strides = array<i32>} : memref<128xf32, #tpu.memory_space<vmem>>, vector<16xf32>,
    %broadcast_in_dim3A_34 = arith.constant 1.000000e+00 : f32
    %broadcast_in_dim3A_35 = vector.broadcast %broadcast_in_dim3A_34 : f32 to vector<16xf32>
    %swap3A_36 = arith.constant 48 : index
    %swap3A_37 = tpu.vector_load %arg8[%swap3A_36] {strides = array<i32>} : memref<128xf32, #tpu.memory_space<vmem>>, vector<16xf32>,
    %swap3A_38 = vector.shape_cast %swap3A_37 : vector<16xf32> to vector<16xf32>
    %swap3A_39 = vector.shape_cast %broadcast_in_dim3A_35 : vector<16xf32> to vector<16xf32>
    tpu.vector_store %arg8[%swap3A_36], %swap3A_39 {strides = array<i32>} : memref<128xf32, #tpu.memory_space<vmem>>, vector<16xf32>,
    %broadcast_in_dim3A_40 = arith.constant 1.000000e+00 : f32
    %broadcast_in_dim3A_41 = vector.broadcast %broadcast_in_dim3A_40 : f32 to vector<16xf32>
    %swap3A_42 = arith.constant 64 : index
    %swap3A_43 = tpu.vector_load %arg8[%swap3A_42] {strides = array<i32>} : memref<128xf32, #tpu.memory_space<vmem>>, vector<16xf32>,
    %swap3A_44 = vector.shape_cast %swap3A_43 : vector<16xf32> to vector<16xf32>
    %swap3A_45 = vector.shape_cast %broadcast_in_dim3A_41 : vector<16xf32> to vector<16xf32>
    tpu.vector_store %arg8[%swap3A_42], %swap3A_45 {strides = array<i32>} : memref<128xf32, #tpu.memory_space<vmem>>, vector<16xf32>,
    %broadcast_in_dim3A_46 = arith.constant 1.000000e+00 : f32
    %broadcast_in_dim3A_47 = vector.broadcast %broadcast_in_dim3A_46 : f32 to vector<16xf32>
    %swap3A_48 = arith.constant 80 : index
    %swap3A_49 = tpu.vector_load %arg8[%swap3A_48] {strides = array<i32>} : memref<128xf32, #tpu.memory_space<vmem>>, vector<16xf32>,
    %swap3A_50 = vector.shape_cast %swap3A_49 : vector<16xf32> to vector<16xf32>
    %swap3A_51 = vector.shape_cast %broadcast_in_dim3A_47 : vector<16xf32> to vector<16xf32>
    tpu.vector_store %arg8[%swap3A_48], %swap3A_51 {strides = array<i32>} : memref<128xf32, #tpu.memory_space<vmem>>, vector<16xf32>,
    %broadcast_in_dim3A_52 = arith.constant 1.000000e+00 : f32
    %broadcast_in_dim3A_53 = vector.broadcast %broadcast_in_dim3A_52 : f32 to vector<16xf32>
    %swap3A_54 = arith.constant 96 : index
    %swap3A_55 = tpu.vector_load %arg8[%swap3A_54] {strides = array<i32>} : memref<128xf32, #tpu.memory_space<vmem>>, vector<16xf32>,
    %swap3A_56 = vector.shape_cast %swap3A_55 : vector<16xf32> to vector<16xf32>
    %swap3A_57 = vector.shape_cast %broadcast_in_dim3A_53 : vector<16xf32> to vector<16xf32>
    tpu.vector_store %arg8[%swap3A_54], %swap3A_57 {strides = array<i32>} : memref<128xf32, #tpu.memory_space<vmem>>, vector<16xf32>,
    %broadcast_in_dim3A_58 = arith.constant 1.000000e+00 : f32
    %broadcast_in_dim3A_59 = vector.broadcast %broadcast_in_dim3A_58 : f32 to vector<16xf32>
    %swap3A_60 = arith.constant 112 : index
    %swap3A_61 = tpu.vector_load %arg8[%swap3A_60] {strides = array<i32>} : memref<128xf32, #tpu.memory_space<vmem>>, vector<16xf32>,
    %swap3A_62 = vector.shape_cast %swap3A_61 : vector<16xf32> to vector<16xf32>
    %swap3A_63 = vector.shape_cast %broadcast_in_dim3A_59 : vector<16xf32> to vector<16xf32>
    tpu.vector_store %arg8[%swap3A_60], %swap3A_63 {strides = array<i32>} : memref<128xf32, #tpu.memory_space<vmem>>, vector<16xf32>,
    %scan3A = arith.constant 0 : i32
    %scan3A_64 = arith.constant 0 : i32
    %scan3A_65 = arith.constant 368 : i32
    %scan3A_66 = arith.addi %scan3A_64, %scan3A_65 : i32
    %scan3A_67 = arith.constant 1 : i32
    %scan3A_68 = scf.for %scan3A_244 = %scan3A_64 to %scan3A_66 step %scan3A_67 iter_args(%scan3A_245 = %scan3A) -> (i32)  : i32 {
      %broadcast_in_dim3A_246 = arith.constant 0.000000e+00 : f32
      %broadcast_in_dim3A_247 = vector.broadcast %broadcast_in_dim3A_246 : f32 to vector<16xf32>
      %swap3A_248 = arith.index_cast %scan3A_244 : i32 to index
      %swap3A_249 = arith.constant 0 : index
      %swap3A_250 = tpu.vector_load %arg6[%swap3A_248, %swap3A_249] {strides = array<i32>} : memref<1024x16xf32, #tpu.memory_space<vmem>>, vector<1x16xf32>,
      %swap3A_251 = vector.shape_cast %swap3A_250 : vector<1x16xf32> to vector<16xf32>
      %swap3A_252 = vector.shape_cast %broadcast_in_dim3A_247 : vector<16xf32> to vector<1x16xf32>
      tpu.vector_store %arg6[%swap3A_248, %swap3A_249], %swap3A_252 {strides = array<i32>} : memref<1024x16xf32, #tpu.memory_space<vmem>>, vector<1x16xf32>,
      %scan3A_253 = arith.constant 0 : i32
      scf.yield %scan3A_253 : i32
    }
    %scan3A_69 = arith.constant 368 : i32
    %scan3A_70 = arith.constant 0 : i32
    %scan3A_71 = arith.constant 0 : i32
    %scan3A_72 = arith.constant 23 : i32
    %scan3A_73 = arith.addi %scan3A_71, %scan3A_72 : i32
    %scan3A_74 = arith.constant 1 : i32
    %scan3A_75 = scf.for %scan3A_244 = %scan3A_71 to %scan3A_73 step %scan3A_74 iter_args(%scan3A_245 = %scan3A_70) -> (i32)  : i32 {
      %broadcast_in_dim3A_246 = arith.constant 0.000000e+00 : f32
      %broadcast_in_dim3A_247 = vector.broadcast %broadcast_in_dim3A_246 : f32 to vector<16xf32>
      %mul3A_248 = arith.constant 16 : i32
      %mul3A_249 = arith.muli %scan3A_244, %mul3A_248 : i32
      %swap3A_250 = arith.index_cast %mul3A_249 : i32 to index
      %swap3A_251 = tpu.vector_load %arg9[%swap3A_250] {strides = array<i32>} : memref<368xf32, #tpu.memory_space<vmem>>, vector<16xf32>,
      %swap3A_252 = vector.shape_cast %swap3A_251 : vector<16xf32> to vector<16xf32>
      %swap3A_253 = vector.shape_cast %broadcast_in_dim3A_247 : vector<16xf32> to vector<16xf32>
      tpu.vector_store %arg9[%swap3A_250], %swap3A_253 {strides = array<i32>} : memref<368xf32, #tpu.memory_space<vmem>>, vector<16xf32>,
      %scan3A_254 = arith.constant 0 : i32
      scf.yield %scan3A_254 : i32
    }
    %scan3A_76 = arith.constant 23 : i32
    %mul3A = arith.constant 6256 : i32
    %mul3A_77 = arith.muli %arg1, %mul3A : i32
    %add3A = arith.constant 0 : i32
    %add3A_78 = arith.addi %mul3A_77, %add3A : i32
    %multiple_of3A = tpu.assume_multiple %add3A_78, 8 : i32
    "tpu.region"() ({
      %run_scoped3A = tpu.sem_alloc : memref<!tpu.dma_semaphore, #tpu.memory_space<semaphore_mem>>
      %dma_start3A = arith.constant 0 : i32
      %dma_start3A_244 = arith.constant 0 : i32
      %dma_start3A_245 = tpu.memref_slice %arg6[%dma_start3A, %dma_start3A_244] : memref<1024x16xf32, #tpu.memory_space<vmem>> -> memref<368x16xf32, #tpu.memory_space<vmem>>
      %dma_start3A_246 = arith.constant 0 : i32
      %dma_start3A_247 = tpu.memref_slice %arg12[%multiple_of3A, %dma_start3A_246] : memref<100096x16xf32, #tpu.memory_space<vmem_shared>> -> memref<368x16xf32, #tpu.memory_space<vmem_shared>>
      %dma_start3A_248 = arith.constant 0 : i32
      %dma_start3A_249 = tpu.memref_slice %arg12[%multiple_of3A, %dma_start3A_248] : memref<100096x16xf32, #tpu.memory_space<vmem_shared>> -> memref<368x16xf32, #tpu.memory_space<vmem_shared>>
      %dma_start3A_250 = arith.constant 0 : i32
      %dma_start3A_251 = arith.constant 0 : i32
      %dma_start3A_252 = tpu.memref_slice %arg6[%dma_start3A_250, %dma_start3A_251] : memref<1024x16xf32, #tpu.memory_space<vmem>> -> memref<368x16xf32, #tpu.memory_space<vmem>>
      tpu.enqueue_dma source(%dma_start3A_252 : memref<368x16xf32, #tpu.memory_space<vmem>>) target(%dma_start3A_249 : memref<368x16xf32, #tpu.memory_space<vmem_shared>>) target_semaphore(%run_scoped3A : memref<!tpu.dma_semaphore, #tpu.memory_space<semaphore_mem>>)
      %dma_wait3A = arith.constant 0 : i32
      %dma_wait3A_253 = arith.constant 0 : i32
      %dma_wait3A_254 = tpu.memref_slice %arg6[%dma_wait3A, %dma_wait3A_253] : memref<1024x16xf32, #tpu.memory_space<vmem>> -> memref<368x16xf32, #tpu.memory_space<vmem>>
      %dma_wait3A_255 = arith.constant 0 : i32
      %dma_wait3A_256 = tpu.memref_slice %arg12[%multiple_of3A, %dma_wait3A_255] : memref<100096x16xf32, #tpu.memory_space<vmem_shared>> -> memref<368x16xf32, #tpu.memory_space<vmem_shared>>
      %dma_wait3A_257 = arith.constant 0 : i32
      %dma_wait3A_258 = tpu.memref_slice %arg12[%multiple_of3A, %dma_wait3A_257] : memref<100096x16xf32, #tpu.memory_space<vmem_shared>> -> memref<368x16xf32, #tpu.memory_space<vmem_shared>>
      %dma_wait3A_259 = arith.constant 0 : i32
      %dma_wait3A_260 = arith.constant 0 : i32
      %dma_wait3A_261 = tpu.memref_slice %arg6[%dma_wait3A_259, %dma_wait3A_260] : memref<1024x16xf32, #tpu.memory_space<vmem>> -> memref<368x16xf32, #tpu.memory_space<vmem>>
      tpu.wait_dma2 semaphore(%run_scoped3A : memref<!tpu.dma_semaphore, #tpu.memory_space<semaphore_mem>>) src(%dma_wait3A_261 : memref<368x16xf32, #tpu.memory_space<vmem>>) dst(%dma_wait3A_258 : memref<368x16xf32, #tpu.memory_space<vmem_shared>>)
      tpu.yield
    }) : () -> ()
    "tpu.region"() ({
      %run_scoped3A = tpu.sem_alloc : memref<!tpu.dma_semaphore, #tpu.memory_space<semaphore_mem>>
      %dma_start3A = tpu.memref_slice %arg13[%multiple_of3A] : memref<100096xf32, #tpu.memory_space<vmem_shared>> -> memref<368xf32, #tpu.memory_space<vmem_shared>>
      %dma_start3A_244 = tpu.memref_slice %arg13[%multiple_of3A] : memref<100096xf32, #tpu.memory_space<vmem_shared>> -> memref<368xf32, #tpu.memory_space<vmem_shared>>
      tpu.enqueue_dma source(%arg9 : memref<368xf32, #tpu.memory_space<vmem>>) target(%dma_start3A_244 : memref<368xf32, #tpu.memory_space<vmem_shared>>) target_semaphore(%run_scoped3A : memref<!tpu.dma_semaphore, #tpu.memory_space<semaphore_mem>>)
      %dma_wait3A = tpu.memref_slice %arg13[%multiple_of3A] : memref<100096xf32, #tpu.memory_space<vmem_shared>> -> memref<368xf32, #tpu.memory_space<vmem_shared>>
      %dma_wait3A_245 = tpu.memref_slice %arg13[%multiple_of3A] : memref<100096xf32, #tpu.memory_space<vmem_shared>> -> memref<368xf32, #tpu.memory_space<vmem_shared>>
      tpu.wait_dma2 semaphore(%run_scoped3A : memref<!tpu.dma_semaphore, #tpu.memory_space<semaphore_mem>>) src(%arg9 : memref<368xf32, #tpu.memory_space<vmem>>) dst(%dma_wait3A_245 : memref<368xf32, #tpu.memory_space<vmem_shared>>)
      tpu.yield
    }) : () -> ()
    %add3A_79 = arith.constant 368 : i32
    %add3A_80 = arith.addi %mul3A_77, %add3A_79 : i32
    %multiple_of3A_81 = tpu.assume_multiple %add3A_80, 8 : i32
    "tpu.region"() ({
      %run_scoped3A = tpu.sem_alloc : memref<!tpu.dma_semaphore, #tpu.memory_space<semaphore_mem>>
      %dma_start3A = arith.constant 0 : i32
      %dma_start3A_244 = arith.constant 0 : i32
      %dma_start3A_245 = tpu.memref_slice %arg6[%dma_start3A, %dma_start3A_244] : memref<1024x16xf32, #tpu.memory_space<vmem>> -> memref<368x16xf32, #tpu.memory_space<vmem>>
      %dma_start3A_246 = arith.constant 0 : i32
      %dma_start3A_247 = tpu.memref_slice %arg12[%multiple_of3A_81, %dma_start3A_246] : memref<100096x16xf32, #tpu.memory_space<vmem_shared>> -> memref<368x16xf32, #tpu.memory_space<vmem_shared>>
      %dma_start3A_248 = arith.constant 0 : i32
      %dma_start3A_249 = tpu.memref_slice %arg12[%multiple_of3A_81, %dma_start3A_248] : memref<100096x16xf32, #tpu.memory_space<vmem_shared>> -> memref<368x16xf32, #tpu.memory_space<vmem_shared>>
      %dma_start3A_250 = arith.constant 0 : i32
      %dma_start3A_251 = arith.constant 0 : i32
      %dma_start3A_252 = tpu.memref_slice %arg6[%dma_start3A_250, %dma_start3A_251] : memref<1024x16xf32, #tpu.memory_space<vmem>> -> memref<368x16xf32, #tpu.memory_space<vmem>>
      tpu.enqueue_dma source(%dma_start3A_252 : memref<368x16xf32, #tpu.memory_space<vmem>>) target(%dma_start3A_249 : memref<368x16xf32, #tpu.memory_space<vmem_shared>>) target_semaphore(%run_scoped3A : memref<!tpu.dma_semaphore, #tpu.memory_space<semaphore_mem>>)
      %dma_wait3A = arith.constant 0 : i32
      %dma_wait3A_253 = arith.constant 0 : i32
      %dma_wait3A_254 = tpu.memref_slice %arg6[%dma_wait3A, %dma_wait3A_253] : memref<1024x16xf32, #tpu.memory_space<vmem>> -> memref<368x16xf32, #tpu.memory_space<vmem>>
      %dma_wait3A_255 = arith.constant 0 : i32
      %dma_wait3A_256 = tpu.memref_slice %arg12[%multiple_of3A_81, %dma_wait3A_255] : memref<100096x16xf32, #tpu.memory_space<vmem_shared>> -> memref<368x16xf32, #tpu.memory_space<vmem_shared>>
      %dma_wait3A_257 = arith.constant 0 : i32
      %dma_wait3A_258 = tpu.memref_slice %arg12[%multiple_of3A_81, %dma_wait3A_257] : memref<100096x16xf32, #tpu.memory_space<vmem_shared>> -> memref<368x16xf32, #tpu.memory_space<vmem_shared>>
      %dma_wait3A_259 = arith.constant 0 : i32
      %dma_wait3A_260 = arith.constant 0 : i32
      %dma_wait3A_261 = tpu.memref_slice %arg6[%dma_wait3A_259, %dma_wait3A_260] : memref<1024x16xf32, #tpu.memory_space<vmem>> -> memref<368x16xf32, #tpu.memory_space<vmem>>
      tpu.wait_dma2 semaphore(%run_scoped3A : memref<!tpu.dma_semaphore, #tpu.memory_space<semaphore_mem>>) src(%dma_wait3A_261 : memref<368x16xf32, #tpu.memory_space<vmem>>) dst(%dma_wait3A_258 : memref<368x16xf32, #tpu.memory_space<vmem_shared>>)
      tpu.yield
    }) : () -> ()
    "tpu.region"() ({
      %run_scoped3A = tpu.sem_alloc : memref<!tpu.dma_semaphore, #tpu.memory_space<semaphore_mem>>
      %dma_start3A = tpu.memref_slice %arg13[%multiple_of3A_81] : memref<100096xf32, #tpu.memory_space<vmem_shared>> -> memref<368xf32, #tpu.memory_space<vmem_shared>>
      %dma_start3A_244 = tpu.memref_slice %arg13[%multiple_of3A_81] : memref<100096xf32, #tpu.memory_space<vmem_shared>> -> memref<368xf32, #tpu.memory_space<vmem_shared>>
      tpu.enqueue_dma source(%arg9 : memref<368xf32, #tpu.memory_space<vmem>>) target(%dma_start3A_244 : memref<368xf32, #tpu.memory_space<vmem_shared>>) target_semaphore(%run_scoped3A : memref<!tpu.dma_semaphore, #tpu.memory_space<semaphore_mem>>)
      %dma_wait3A = tpu.memref_slice %arg13[%multiple_of3A_81] : memref<100096xf32, #tpu.memory_space<vmem_shared>> -> memref<368xf32, #tpu.memory_space<vmem_shared>>
      %dma_wait3A_245 = tpu.memref_slice %arg13[%multiple_of3A_81] : memref<100096xf32, #tpu.memory_space<vmem_shared>> -> memref<368xf32, #tpu.memory_space<vmem_shared>>
      tpu.wait_dma2 semaphore(%run_scoped3A : memref<!tpu.dma_semaphore, #tpu.memory_space<semaphore_mem>>) src(%arg9 : memref<368xf32, #tpu.memory_space<vmem>>) dst(%dma_wait3A_245 : memref<368xf32, #tpu.memory_space<vmem_shared>>)
      tpu.yield
    }) : () -> ()
    %add3A_82 = arith.constant 736 : i32
    %add3A_83 = arith.addi %mul3A_77, %add3A_82 : i32
    %multiple_of3A_84 = tpu.assume_multiple %add3A_83, 8 : i32
    "tpu.region"() ({
      %run_scoped3A = tpu.sem_alloc : memref<!tpu.dma_semaphore, #tpu.memory_space<semaphore_mem>>
      %dma_start3A = arith.constant 0 : i32
      %dma_start3A_244 = arith.constant 0 : i32
      %dma_start3A_245 = tpu.memref_slice %arg6[%dma_start3A, %dma_start3A_244] : memref<1024x16xf32, #tpu.memory_space<vmem>> -> memref<368x16xf32, #tpu.memory_space<vmem>>
      %dma_start3A_246 = arith.constant 0 : i32
      %dma_start3A_247 = tpu.memref_slice %arg12[%multiple_of3A_84, %dma_start3A_246] : memref<100096x16xf32, #tpu.memory_space<vmem_shared>> -> memref<368x16xf32, #tpu.memory_space<vmem_shared>>
      %dma_start3A_248 = arith.constant 0 : i32
      %dma_start3A_249 = tpu.memref_slice %arg12[%multiple_of3A_84, %dma_start3A_248] : memref<100096x16xf32, #tpu.memory_space<vmem_shared>> -> memref<368x16xf32, #tpu.memory_space<vmem_shared>>
      %dma_start3A_250 = arith.constant 0 : i32
      %dma_start3A_251 = arith.constant 0 : i32
      %dma_start3A_252 = tpu.memref_slice %arg6[%dma_start3A_250, %dma_start3A_251] : memref<1024x16xf32, #tpu.memory_space<vmem>> -> memref<368x16xf32, #tpu.memory_space<vmem>>
      tpu.enqueue_dma source(%dma_start3A_252 : memref<368x16xf32, #tpu.memory_space<vmem>>) target(%dma_start3A_249 : memref<368x16xf32, #tpu.memory_space<vmem_shared>>) target_semaphore(%run_scoped3A : memref<!tpu.dma_semaphore, #tpu.memory_space<semaphore_mem>>)
      %dma_wait3A = arith.constant 0 : i32
      %dma_wait3A_253 = arith.constant 0 : i32
      %dma_wait3A_254 = tpu.memref_slice %arg6[%dma_wait3A, %dma_wait3A_253] : memref<1024x16xf32, #tpu.memory_space<vmem>> -> memref<368x16xf32, #tpu.memory_space<vmem>>
      %dma_wait3A_255 = arith.constant 0 : i32
      %dma_wait3A_256 = tpu.memref_slice %arg12[%multiple_of3A_84, %dma_wait3A_255] : memref<100096x16xf32, #tpu.memory_space<vmem_shared>> -> memref<368x16xf32, #tpu.memory_space<vmem_shared>>
      %dma_wait3A_257 = arith.constant 0 : i32
      %dma_wait3A_258 = tpu.memref_slice %arg12[%multiple_of3A_84, %dma_wait3A_257] : memref<100096x16xf32, #tpu.memory_space<vmem_shared>> -> memref<368x16xf32, #tpu.memory_space<vmem_shared>>
      %dma_wait3A_259 = arith.constant 0 : i32
      %dma_wait3A_260 = arith.constant 0 : i32
      %dma_wait3A_261 = tpu.memref_slice %arg6[%dma_wait3A_259, %dma_wait3A_260] : memref<1024x16xf32, #tpu.memory_space<vmem>> -> memref<368x16xf32, #tpu.memory_space<vmem>>
      tpu.wait_dma2 semaphore(%run_scoped3A : memref<!tpu.dma_semaphore, #tpu.memory_space<semaphore_mem>>) src(%dma_wait3A_261 : memref<368x16xf32, #tpu.memory_space<vmem>>) dst(%dma_wait3A_258 : memref<368x16xf32, #tpu.memory_space<vmem_shared>>)
      tpu.yield
    }) : () -> ()
    "tpu.region"() ({
      %run_scoped3A = tpu.sem_alloc : memref<!tpu.dma_semaphore, #tpu.memory_space<semaphore_mem>>
      %dma_start3A = tpu.memref_slice %arg13[%multiple_of3A_84] : memref<100096xf32, #tpu.memory_space<vmem_shared>> -> memref<368xf32, #tpu.memory_space<vmem_shared>>
      %dma_start3A_244 = tpu.memref_slice %arg13[%multiple_of3A_84] : memref<100096xf32, #tpu.memory_space<vmem_shared>> -> memref<368xf32, #tpu.memory_space<vmem_shared>>
      tpu.enqueue_dma source(%arg9 : memref<368xf32, #tpu.memory_space<vmem>>) target(%dma_start3A_244 : memref<368xf32, #tpu.memory_space<vmem_shared>>) target_semaphore(%run_scoped3A : memref<!tpu.dma_semaphore, #tpu.memory_space<semaphore_mem>>)
      %dma_wait3A = tpu.memref_slice %arg13[%multiple_of3A_84] : memref<100096xf32, #tpu.memory_space<vmem_shared>> -> memref<368xf32, #tpu.memory_space<vmem_shared>>
      %dma_wait3A_245 = tpu.memref_slice %arg13[%multiple_of3A_84] : memref<100096xf32, #tpu.memory_space<vmem_shared>> -> memref<368xf32, #tpu.memory_space<vmem_shared>>
      tpu.wait_dma2 semaphore(%run_scoped3A : memref<!tpu.dma_semaphore, #tpu.memory_space<semaphore_mem>>) src(%arg9 : memref<368xf32, #tpu.memory_space<vmem>>) dst(%dma_wait3A_245 : memref<368xf32, #tpu.memory_space<vmem_shared>>)
      tpu.yield
    }) : () -> ()
    %add3A_85 = arith.constant 1104 : i32
    %add3A_86 = arith.addi %mul3A_77, %add3A_85 : i32
    %multiple_of3A_87 = tpu.assume_multiple %add3A_86, 8 : i32
    "tpu.region"() ({
      %run_scoped3A = tpu.sem_alloc : memref<!tpu.dma_semaphore, #tpu.memory_space<semaphore_mem>>
      %dma_start3A = arith.constant 0 : i32
      %dma_start3A_244 = arith.constant 0 : i32
      %dma_start3A_245 = tpu.memref_slice %arg6[%dma_start3A, %dma_start3A_244] : memref<1024x16xf32, #tpu.memory_space<vmem>> -> memref<368x16xf32, #tpu.memory_space<vmem>>
      %dma_start3A_246 = arith.constant 0 : i32
      %dma_start3A_247 = tpu.memref_slice %arg12[%multiple_of3A_87, %dma_start3A_246] : memref<100096x16xf32, #tpu.memory_space<vmem_shared>> -> memref<368x16xf32, #tpu.memory_space<vmem_shared>>
      %dma_start3A_248 = arith.constant 0 : i32
      %dma_start3A_249 = tpu.memref_slice %arg12[%multiple_of3A_87, %dma_start3A_248] : memref<100096x16xf32, #tpu.memory_space<vmem_shared>> -> memref<368x16xf32, #tpu.memory_space<vmem_shared>>
      %dma_start3A_250 = arith.constant 0 : i32
      %dma_start3A_251 = arith.constant 0 : i32
      %dma_start3A_252 = tpu.memref_slice %arg6[%dma_start3A_250, %dma_start3A_251] : memref<1024x16xf32, #tpu.memory_space<vmem>> -> memref<368x16xf32, #tpu.memory_space<vmem>>
      tpu.enqueue_dma source(%dma_start3A_252 : memref<368x16xf32, #tpu.memory_space<vmem>>) target(%dma_start3A_249 : memref<368x16xf32, #tpu.memory_space<vmem_shared>>) target_semaphore(%run_scoped3A : memref<!tpu.dma_semaphore, #tpu.memory_space<semaphore_mem>>)
      %dma_wait3A = arith.constant 0 : i32
      %dma_wait3A_253 = arith.constant 0 : i32
      %dma_wait3A_254 = tpu.memref_slice %arg6[%dma_wait3A, %dma_wait3A_253] : memref<1024x16xf32, #tpu.memory_space<vmem>> -> memref<368x16xf32, #tpu.memory_space<vmem>>
      %dma_wait3A_255 = arith.constant 0 : i32
      %dma_wait3A_256 = tpu.memref_slice %arg12[%multiple_of3A_87, %dma_wait3A_255] : memref<100096x16xf32, #tpu.memory_space<vmem_shared>> -> memref<368x16xf32, #tpu.memory_space<vmem_shared>>
      %dma_wait3A_257 = arith.constant 0 : i32
      %dma_wait3A_258 = tpu.memref_slice %arg12[%multiple_of3A_87, %dma_wait3A_257] : memref<100096x16xf32, #tpu.memory_space<vmem_shared>> -> memref<368x16xf32, #tpu.memory_space<vmem_shared>>
      %dma_wait3A_259 = arith.constant 0 : i32
      %dma_wait3A_260 = arith.constant 0 : i32
      %dma_wait3A_261 = tpu.memref_slice %arg6[%dma_wait3A_259, %dma_wait3A_260] : memref<1024x16xf32, #tpu.memory_space<vmem>> -> memref<368x16xf32, #tpu.memory_space<vmem>>
      tpu.wait_dma2 semaphore(%run_scoped3A : memref<!tpu.dma_semaphore, #tpu.memory_space<semaphore_mem>>) src(%dma_wait3A_261 : memref<368x16xf32, #tpu.memory_space<vmem>>) dst(%dma_wait3A_258 : memref<368x16xf32, #tpu.memory_space<vmem_shared>>)
      tpu.yield
    }) : () -> ()
    "tpu.region"() ({
      %run_scoped3A = tpu.sem_alloc : memref<!tpu.dma_semaphore, #tpu.memory_space<semaphore_mem>>
      %dma_start3A = tpu.memref_slice %arg13[%multiple_of3A_87] : memref<100096xf32, #tpu.memory_space<vmem_shared>> -> memref<368xf32, #tpu.memory_space<vmem_shared>>
      %dma_start3A_244 = tpu.memref_slice %arg13[%multiple_of3A_87] : memref<100096xf32, #tpu.memory_space<vmem_shared>> -> memref<368xf32, #tpu.memory_space<vmem_shared>>
      tpu.enqueue_dma source(%arg9 : memref<368xf32, #tpu.memory_space<vmem>>) target(%dma_start3A_244 : memref<368xf32, #tpu.memory_space<vmem_shared>>) target_semaphore(%run_scoped3A : memref<!tpu.dma_semaphore, #tpu.memory_space<semaphore_mem>>)
      %dma_wait3A = tpu.memref_slice %arg13[%multiple_of3A_87] : memref<100096xf32, #tpu.memory_space<vmem_shared>> -> memref<368xf32, #tpu.memory_space<vmem_shared>>
      %dma_wait3A_245 = tpu.memref_slice %arg13[%multiple_of3A_87] : memref<100096xf32, #tpu.memory_space<vmem_shared>> -> memref<368xf32, #tpu.memory_space<vmem_shared>>
      tpu.wait_dma2 semaphore(%run_scoped3A : memref<!tpu.dma_semaphore, #tpu.memory_space<semaphore_mem>>) src(%arg9 : memref<368xf32, #tpu.memory_space<vmem>>) dst(%dma_wait3A_245 : memref<368xf32, #tpu.memory_space<vmem_shared>>)
      tpu.yield
    }) : () -> ()
    %add3A_88 = arith.constant 1472 : i32
    %add3A_89 = arith.addi %mul3A_77, %add3A_88 : i32
    %multiple_of3A_90 = tpu.assume_multiple %add3A_89, 8 : i32
    "tpu.region"() ({
      %run_scoped3A = tpu.sem_alloc : memref<!tpu.dma_semaphore, #tpu.memory_space<semaphore_mem>>
      %dma_start3A = arith.constant 0 : i32
      %dma_start3A_244 = arith.constant 0 : i32
      %dma_start3A_245 = tpu.memref_slice %arg6[%dma_start3A, %dma_start3A_244] : memref<1024x16xf32, #tpu.memory_space<vmem>> -> memref<368x16xf32, #tpu.memory_space<vmem>>
      %dma_start3A_246 = arith.constant 0 : i32
      %dma_start3A_247 = tpu.memref_slice %arg12[%multiple_of3A_90, %dma_start3A_246] : memref<100096x16xf32, #tpu.memory_space<vmem_shared>> -> memref<368x16xf32, #tpu.memory_space<vmem_shared>>
      %dma_start3A_248 = arith.constant 0 : i32
      %dma_start3A_249 = tpu.memref_slice %arg12[%multiple_of3A_90, %dma_start3A_248] : memref<100096x16xf32, #tpu.memory_space<vmem_shared>> -> memref<368x16xf32, #tpu.memory_space<vmem_shared>>
      %dma_start3A_250 = arith.constant 0 : i32
      %dma_start3A_251 = arith.constant 0 : i32
      %dma_start3A_252 = tpu.memref_slice %arg6[%dma_start3A_250, %dma_start3A_251] : memref<1024x16xf32, #tpu.memory_space<vmem>> -> memref<368x16xf32, #tpu.memory_space<vmem>>
      tpu.enqueue_dma source(%dma_start3A_252 : memref<368x16xf32, #tpu.memory_space<vmem>>) target(%dma_start3A_249 : memref<368x16xf32, #tpu.memory_space<vmem_shared>>) target_semaphore(%run_scoped3A : memref<!tpu.dma_semaphore, #tpu.memory_space<semaphore_mem>>)
      %dma_wait3A = arith.constant 0 : i32
      %dma_wait3A_253 = arith.constant 0 : i32
      %dma_wait3A_254 = tpu.memref_slice %arg6[%dma_wait3A, %dma_wait3A_253] : memref<1024x16xf32, #tpu.memory_space<vmem>> -> memref<368x16xf32, #tpu.memory_space<vmem>>
      %dma_wait3A_255 = arith.constant 0 : i32
      %dma_wait3A_256 = tpu.memref_slice %arg12[%multiple_of3A_90, %dma_wait3A_255] : memref<100096x16xf32, #tpu.memory_space<vmem_shared>> -> memref<368x16xf32, #tpu.memory_space<vmem_shared>>
      %dma_wait3A_257 = arith.constant 0 : i32
      %dma_wait3A_258 = tpu.memref_slice %arg12[%multiple_of3A_90, %dma_wait3A_257] : memref<100096x16xf32, #tpu.memory_space<vmem_shared>> -> memref<368x16xf32, #tpu.memory_space<vmem_shared>>
      %dma_wait3A_259 = arith.constant 0 : i32
      %dma_wait3A_260 = arith.constant 0 : i32
      %dma_wait3A_261 = tpu.memref_slice %arg6[%dma_wait3A_259, %dma_wait3A_260] : memref<1024x16xf32, #tpu.memory_space<vmem>> -> memref<368x16xf32, #tpu.memory_space<vmem>>
      tpu.wait_dma2 semaphore(%run_scoped3A : memref<!tpu.dma_semaphore, #tpu.memory_space<semaphore_mem>>) src(%dma_wait3A_261 : memref<368x16xf32, #tpu.memory_space<vmem>>) dst(%dma_wait3A_258 : memref<368x16xf32, #tpu.memory_space<vmem_shared>>)
      tpu.yield
    }) : () -> ()
    "tpu.region"() ({
      %run_scoped3A = tpu.sem_alloc : memref<!tpu.dma_semaphore, #tpu.memory_space<semaphore_mem>>
      %dma_start3A = tpu.memref_slice %arg13[%multiple_of3A_90] : memref<100096xf32, #tpu.memory_space<vmem_shared>> -> memref<368xf32, #tpu.memory_space<vmem_shared>>
      %dma_start3A_244 = tpu.memref_slice %arg13[%multiple_of3A_90] : memref<100096xf32, #tpu.memory_space<vmem_shared>> -> memref<368xf32, #tpu.memory_space<vmem_shared>>
      tpu.enqueue_dma source(%arg9 : memref<368xf32, #tpu.memory_space<vmem>>) target(%dma_start3A_244 : memref<368xf32, #tpu.memory_space<vmem_shared>>) target_semaphore(%run_scoped3A : memref<!tpu.dma_semaphore, #tpu.memory_space<semaphore_mem>>)
      %dma_wait3A = tpu.memref_slice %arg13[%multiple_of3A_90] : memref<100096xf32, #tpu.memory_space<vmem_shared>> -> memref<368xf32, #tpu.memory_space<vmem_shared>>
      %dma_wait3A_245 = tpu.memref_slice %arg13[%multiple_of3A_90] : memref<100096xf32, #tpu.memory_space<vmem_shared>> -> memref<368xf32, #tpu.memory_space<vmem_shared>>
      tpu.wait_dma2 semaphore(%run_scoped3A : memref<!tpu.dma_semaphore, #tpu.memory_space<semaphore_mem>>) src(%arg9 : memref<368xf32, #tpu.memory_space<vmem>>) dst(%dma_wait3A_245 : memref<368xf32, #tpu.memory_space<vmem_shared>>)
      tpu.yield
    }) : () -> ()
    %add3A_91 = arith.constant 1840 : i32
    %add3A_92 = arith.addi %mul3A_77, %add3A_91 : i32
    %multiple_of3A_93 = tpu.assume_multiple %add3A_92, 8 : i32
    "tpu.region"() ({
      %run_scoped3A = tpu.sem_alloc : memref<!tpu.dma_semaphore, #tpu.memory_space<semaphore_mem>>
      %dma_start3A = arith.constant 0 : i32
      %dma_start3A_244 = arith.constant 0 : i32
      %dma_start3A_245 = tpu.memref_slice %arg6[%dma_start3A, %dma_start3A_244] : memref<1024x16xf32, #tpu.memory_space<vmem>> -> memref<368x16xf32, #tpu.memory_space<vmem>>
      %dma_start3A_246 = arith.constant 0 : i32
      %dma_start3A_247 = tpu.memref_slice %arg12[%multiple_of3A_93, %dma_start3A_246] : memref<100096x16xf32, #tpu.memory_space<vmem_shared>> -> memref<368x16xf32, #tpu.memory_space<vmem_shared>>
      %dma_start3A_248 = arith.constant 0 : i32
      %dma_start3A_249 = tpu.memref_slice %arg12[%multiple_of3A_93, %dma_start3A_248] : memref<100096x16xf32, #tpu.memory_space<vmem_shared>> -> memref<368x16xf32, #tpu.memory_space<vmem_shared>>
      %dma_start3A_250 = arith.constant 0 : i32
      %dma_start3A_251 = arith.constant 0 : i32
      %dma_start3A_252 = tpu.memref_slice %arg6[%dma_start3A_250, %dma_start3A_251] : memref<1024x16xf32, #tpu.memory_space<vmem>> -> memref<368x16xf32, #tpu.memory_space<vmem>>
      tpu.enqueue_dma source(%dma_start3A_252 : memref<368x16xf32, #tpu.memory_space<vmem>>) target(%dma_start3A_249 : memref<368x16xf32, #tpu.memory_space<vmem_shared>>) target_semaphore(%run_scoped3A : memref<!tpu.dma_semaphore, #tpu.memory_space<semaphore_mem>>)
      %dma_wait3A = arith.constant 0 : i32
      %dma_wait3A_253 = arith.constant 0 : i32
      %dma_wait3A_254 = tpu.memref_slice %arg6[%dma_wait3A, %dma_wait3A_253] : memref<1024x16xf32, #tpu.memory_space<vmem>> -> memref<368x16xf32, #tpu.memory_space<vmem>>
      %dma_wait3A_255 = arith.constant 0 : i32
      %dma_wait3A_256 = tpu.memref_slice %arg12[%multiple_of3A_93, %dma_wait3A_255] : memref<100096x16xf32, #tpu.memory_space<vmem_shared>> -> memref<368x16xf32, #tpu.memory_space<vmem_shared>>
      %dma_wait3A_257 = arith.constant 0 : i32
      %dma_wait3A_258 = tpu.memref_slice %arg12[%multiple_of3A_93, %dma_wait3A_257] : memref<100096x16xf32, #tpu.memory_space<vmem_shared>> -> memref<368x16xf32, #tpu.memory_space<vmem_shared>>
      %dma_wait3A_259 = arith.constant 0 : i32
      %dma_wait3A_260 = arith.constant 0 : i32
      %dma_wait3A_261 = tpu.memref_slice %arg6[%dma_wait3A_259, %dma_wait3A_260] : memref<1024x16xf32, #tpu.memory_space<vmem>> -> memref<368x16xf32, #tpu.memory_space<vmem>>
      tpu.wait_dma2 semaphore(%run_scoped3A : memref<!tpu.dma_semaphore, #tpu.memory_space<semaphore_mem>>) src(%dma_wait3A_261 : memref<368x16xf32, #tpu.memory_space<vmem>>) dst(%dma_wait3A_258 : memref<368x16xf32, #tpu.memory_space<vmem_shared>>)
      tpu.yield
    }) : () -> ()
    "tpu.region"() ({
      %run_scoped3A = tpu.sem_alloc : memref<!tpu.dma_semaphore, #tpu.memory_space<semaphore_mem>>
      %dma_start3A = tpu.memref_slice %arg13[%multiple_of3A_93] : memref<100096xf32, #tpu.memory_space<vmem_shared>> -> memref<368xf32, #tpu.memory_space<vmem_shared>>
      %dma_start3A_244 = tpu.memref_slice %arg13[%multiple_of3A_93] : memref<100096xf32, #tpu.memory_space<vmem_shared>> -> memref<368xf32, #tpu.memory_space<vmem_shared>>
      tpu.enqueue_dma source(%arg9 : memref<368xf32, #tpu.memory_space<vmem>>) target(%dma_start3A_244 : memref<368xf32, #tpu.memory_space<vmem_shared>>) target_semaphore(%run_scoped3A : memref<!tpu.dma_semaphore, #tpu.memory_space<semaphore_mem>>)
      %dma_wait3A = tpu.memref_slice %arg13[%multiple_of3A_93] : memref<100096xf32, #tpu.memory_space<vmem_shared>> -> memref<368xf32, #tpu.memory_space<vmem_shared>>
      %dma_wait3A_245 = tpu.memref_slice %arg13[%multiple_of3A_93] : memref<100096xf32, #tpu.memory_space<vmem_shared>> -> memref<368xf32, #tpu.memory_space<vmem_shared>>
      tpu.wait_dma2 semaphore(%run_scoped3A : memref<!tpu.dma_semaphore, #tpu.memory_space<semaphore_mem>>) src(%arg9 : memref<368xf32, #tpu.memory_space<vmem>>) dst(%dma_wait3A_245 : memref<368xf32, #tpu.memory_space<vmem_shared>>)
      tpu.yield
    }) : () -> ()
    %add3A_94 = arith.constant 2208 : i32
    %add3A_95 = arith.addi %mul3A_77, %add3A_94 : i32
    %multiple_of3A_96 = tpu.assume_multiple %add3A_95, 8 : i32
    "tpu.region"() ({
      %run_scoped3A = tpu.sem_alloc : memref<!tpu.dma_semaphore, #tpu.memory_space<semaphore_mem>>
      %dma_start3A = arith.constant 0 : i32
      %dma_start3A_244 = arith.constant 0 : i32
      %dma_start3A_245 = tpu.memref_slice %arg6[%dma_start3A, %dma_start3A_244] : memref<1024x16xf32, #tpu.memory_space<vmem>> -> memref<368x16xf32, #tpu.memory_space<vmem>>
      %dma_start3A_246 = arith.constant 0 : i32
      %dma_start3A_247 = tpu.memref_slice %arg12[%multiple_of3A_96, %dma_start3A_246] : memref<100096x16xf32, #tpu.memory_space<vmem_shared>> -> memref<368x16xf32, #tpu.memory_space<vmem_shared>>
      %dma_start3A_248 = arith.constant 0 : i32
      %dma_start3A_249 = tpu.memref_slice %arg12[%multiple_of3A_96, %dma_start3A_248] : memref<100096x16xf32, #tpu.memory_space<vmem_shared>> -> memref<368x16xf32, #tpu.memory_space<vmem_shared>>
      %dma_start3A_250 = arith.constant 0 : i32
      %dma_start3A_251 = arith.constant 0 : i32
      %dma_start3A_252 = tpu.memref_slice %arg6[%dma_start3A_250, %dma_start3A_251] : memref<1024x16xf32, #tpu.memory_space<vmem>> -> memref<368x16xf32, #tpu.memory_space<vmem>>
      tpu.enqueue_dma source(%dma_start3A_252 : memref<368x16xf32, #tpu.memory_space<vmem>>) target(%dma_start3A_249 : memref<368x16xf32, #tpu.memory_space<vmem_shared>>) target_semaphore(%run_scoped3A : memref<!tpu.dma_semaphore, #tpu.memory_space<semaphore_mem>>)
      %dma_wait3A = arith.constant 0 : i32
      %dma_wait3A_253 = arith.constant 0 : i32
      %dma_wait3A_254 = tpu.memref_slice %arg6[%dma_wait3A, %dma_wait3A_253] : memref<1024x16xf32, #tpu.memory_space<vmem>> -> memref<368x16xf32, #tpu.memory_space<vmem>>
      %dma_wait3A_255 = arith.constant 0 : i32
      %dma_wait3A_256 = tpu.memref_slice %arg12[%multiple_of3A_96, %dma_wait3A_255] : memref<100096x16xf32, #tpu.memory_space<vmem_shared>> -> memref<368x16xf32, #tpu.memory_space<vmem_shared>>
      %dma_wait3A_257 = arith.constant 0 : i32
      %dma_wait3A_258 = tpu.memref_slice %arg12[%multiple_of3A_96, %dma_wait3A_257] : memref<100096x16xf32, #tpu.memory_space<vmem_shared>> -> memref<368x16xf32, #tpu.memory_space<vmem_shared>>
      %dma_wait3A_259 = arith.constant 0 : i32
      %dma_wait3A_260 = arith.constant 0 : i32
      %dma_wait3A_261 = tpu.memref_slice %arg6[%dma_wait3A_259, %dma_wait3A_260] : memref<1024x16xf32, #tpu.memory_space<vmem>> -> memref<368x16xf32, #tpu.memory_space<vmem>>
      tpu.wait_dma2 semaphore(%run_scoped3A : memref<!tpu.dma_semaphore, #tpu.memory_space<semaphore_mem>>) src(%dma_wait3A_261 : memref<368x16xf32, #tpu.memory_space<vmem>>) dst(%dma_wait3A_258 : memref<368x16xf32, #tpu.memory_space<vmem_shared>>)
      tpu.yield
    }) : () -> ()
    "tpu.region"() ({
      %run_scoped3A = tpu.sem_alloc : memref<!tpu.dma_semaphore, #tpu.memory_space<semaphore_mem>>
      %dma_start3A = tpu.memref_slice %arg13[%multiple_of3A_96] : memref<100096xf32, #tpu.memory_space<vmem_shared>> -> memref<368xf32, #tpu.memory_space<vmem_shared>>
      %dma_start3A_244 = tpu.memref_slice %arg13[%multiple_of3A_96] : memref<100096xf32, #tpu.memory_space<vmem_shared>> -> memref<368xf32, #tpu.memory_space<vmem_shared>>
      tpu.enqueue_dma source(%arg9 : memref<368xf32, #tpu.memory_space<vmem>>) target(%dma_start3A_244 : memref<368xf32, #tpu.memory_space<vmem_shared>>) target_semaphore(%run_scoped3A : memref<!tpu.dma_semaphore, #tpu.memory_space<semaphore_mem>>)
      %dma_wait3A = tpu.memref_slice %arg13[%multiple_of3A_96] : memref<100096xf32, #tpu.memory_space<vmem_shared>> -> memref<368xf32, #tpu.memory_space<vmem_shared>>
      %dma_wait3A_245 = tpu.memref_slice %arg13[%multiple_of3A_96] : memref<100096xf32, #tpu.memory_space<vmem_shared>> -> memref<368xf32, #tpu.memory_space<vmem_shared>>
      tpu.wait_dma2 semaphore(%run_scoped3A : memref<!tpu.dma_semaphore, #tpu.memory_space<semaphore_mem>>) src(%arg9 : memref<368xf32, #tpu.memory_space<vmem>>) dst(%dma_wait3A_245 : memref<368xf32, #tpu.memory_space<vmem_shared>>)
      tpu.yield
    }) : () -> ()
    %add3A_97 = arith.constant 2576 : i32
    %add3A_98 = arith.addi %mul3A_77, %add3A_97 : i32
    %multiple_of3A_99 = tpu.assume_multiple %add3A_98, 8 : i32
    "tpu.region"() ({
      %run_scoped3A = tpu.sem_alloc : memref<!tpu.dma_semaphore, #tpu.memory_space<semaphore_mem>>
      %dma_start3A = arith.constant 0 : i32
      %dma_start3A_244 = arith.constant 0 : i32
      %dma_start3A_245 = tpu.memref_slice %arg6[%dma_start3A, %dma_start3A_244] : memref<1024x16xf32, #tpu.memory_space<vmem>> -> memref<368x16xf32, #tpu.memory_space<vmem>>
      %dma_start3A_246 = arith.constant 0 : i32
      %dma_start3A_247 = tpu.memref_slice %arg12[%multiple_of3A_99, %dma_start3A_246] : memref<100096x16xf32, #tpu.memory_space<vmem_shared>> -> memref<368x16xf32, #tpu.memory_space<vmem_shared>>
      %dma_start3A_248 = arith.constant 0 : i32
      %dma_start3A_249 = tpu.memref_slice %arg12[%multiple_of3A_99, %dma_start3A_248] : memref<100096x16xf32, #tpu.memory_space<vmem_shared>> -> memref<368x16xf32, #tpu.memory_space<vmem_shared>>
      %dma_start3A_250 = arith.constant 0 : i32
      %dma_start3A_251 = arith.constant 0 : i32
      %dma_start3A_252 = tpu.memref_slice %arg6[%dma_start3A_250, %dma_start3A_251] : memref<1024x16xf32, #tpu.memory_space<vmem>> -> memref<368x16xf32, #tpu.memory_space<vmem>>
      tpu.enqueue_dma source(%dma_start3A_252 : memref<368x16xf32, #tpu.memory_space<vmem>>) target(%dma_start3A_249 : memref<368x16xf32, #tpu.memory_space<vmem_shared>>) target_semaphore(%run_scoped3A : memref<!tpu.dma_semaphore, #tpu.memory_space<semaphore_mem>>)
      %dma_wait3A = arith.constant 0 : i32
      %dma_wait3A_253 = arith.constant 0 : i32
      %dma_wait3A_254 = tpu.memref_slice %arg6[%dma_wait3A, %dma_wait3A_253] : memref<1024x16xf32, #tpu.memory_space<vmem>> -> memref<368x16xf32, #tpu.memory_space<vmem>>
      %dma_wait3A_255 = arith.constant 0 : i32
      %dma_wait3A_256 = tpu.memref_slice %arg12[%multiple_of3A_99, %dma_wait3A_255] : memref<100096x16xf32, #tpu.memory_space<vmem_shared>> -> memref<368x16xf32, #tpu.memory_space<vmem_shared>>
      %dma_wait3A_257 = arith.constant 0 : i32
      %dma_wait3A_258 = tpu.memref_slice %arg12[%multiple_of3A_99, %dma_wait3A_257] : memref<100096x16xf32, #tpu.memory_space<vmem_shared>> -> memref<368x16xf32, #tpu.memory_space<vmem_shared>>
      %dma_wait3A_259 = arith.constant 0 : i32
      %dma_wait3A_260 = arith.constant 0 : i32
      %dma_wait3A_261 = tpu.memref_slice %arg6[%dma_wait3A_259, %dma_wait3A_260] : memref<1024x16xf32, #tpu.memory_space<vmem>> -> memref<368x16xf32, #tpu.memory_space<vmem>>
      tpu.wait_dma2 semaphore(%run_scoped3A : memref<!tpu.dma_semaphore, #tpu.memory_space<semaphore_mem>>) src(%dma_wait3A_261 : memref<368x16xf32, #tpu.memory_space<vmem>>) dst(%dma_wait3A_258 : memref<368x16xf32, #tpu.memory_space<vmem_shared>>)
      tpu.yield
    }) : () -> ()
    "tpu.region"() ({
      %run_scoped3A = tpu.sem_alloc : memref<!tpu.dma_semaphore, #tpu.memory_space<semaphore_mem>>
      %dma_start3A = tpu.memref_slice %arg13[%multiple_of3A_99] : memref<100096xf32, #tpu.memory_space<vmem_shared>> -> memref<368xf32, #tpu.memory_space<vmem_shared>>
      %dma_start3A_244 = tpu.memref_slice %arg13[%multiple_of3A_99] : memref<100096xf32, #tpu.memory_space<vmem_shared>> -> memref<368xf32, #tpu.memory_space<vmem_shared>>
      tpu.enqueue_dma source(%arg9 : memref<368xf32, #tpu.memory_space<vmem>>) target(%dma_start3A_244 : memref<368xf32, #tpu.memory_space<vmem_shared>>) target_semaphore(%run_scoped3A : memref<!tpu.dma_semaphore, #tpu.memory_space<semaphore_mem>>)
      %dma_wait3A = tpu.memref_slice %arg13[%multiple_of3A_99] : memref<100096xf32, #tpu.memory_space<vmem_shared>> -> memref<368xf32, #tpu.memory_space<vmem_shared>>
      %dma_wait3A_245 = tpu.memref_slice %arg13[%multiple_of3A_99] : memref<100096xf32, #tpu.memory_space<vmem_shared>> -> memref<368xf32, #tpu.memory_space<vmem_shared>>
      tpu.wait_dma2 semaphore(%run_scoped3A : memref<!tpu.dma_semaphore, #tpu.memory_space<semaphore_mem>>) src(%arg9 : memref<368xf32, #tpu.memory_space<vmem>>) dst(%dma_wait3A_245 : memref<368xf32, #tpu.memory_space<vmem_shared>>)
      tpu.yield
    }) : () -> ()
    %add3A_100 = arith.constant 2944 : i32
    %add3A_101 = arith.addi %mul3A_77, %add3A_100 : i32
    %multiple_of3A_102 = tpu.assume_multiple %add3A_101, 8 : i32
    "tpu.region"() ({
      %run_scoped3A = tpu.sem_alloc : memref<!tpu.dma_semaphore, #tpu.memory_space<semaphore_mem>>
      %dma_start3A = arith.constant 0 : i32
      %dma_start3A_244 = arith.constant 0 : i32
      %dma_start3A_245 = tpu.memref_slice %arg6[%dma_start3A, %dma_start3A_244] : memref<1024x16xf32, #tpu.memory_space<vmem>> -> memref<368x16xf32, #tpu.memory_space<vmem>>
      %dma_start3A_246 = arith.constant 0 : i32
      %dma_start3A_247 = tpu.memref_slice %arg12[%multiple_of3A_102, %dma_start3A_246] : memref<100096x16xf32, #tpu.memory_space<vmem_shared>> -> memref<368x16xf32, #tpu.memory_space<vmem_shared>>
      %dma_start3A_248 = arith.constant 0 : i32
      %dma_start3A_249 = tpu.memref_slice %arg12[%multiple_of3A_102, %dma_start3A_248] : memref<100096x16xf32, #tpu.memory_space<vmem_shared>> -> memref<368x16xf32, #tpu.memory_space<vmem_shared>>
      %dma_start3A_250 = arith.constant 0 : i32
      %dma_start3A_251 = arith.constant 0 : i32
      %dma_start3A_252 = tpu.memref_slice %arg6[%dma_start3A_250, %dma_start3A_251] : memref<1024x16xf32, #tpu.memory_space<vmem>> -> memref<368x16xf32, #tpu.memory_space<vmem>>
      tpu.enqueue_dma source(%dma_start3A_252 : memref<368x16xf32, #tpu.memory_space<vmem>>) target(%dma_start3A_249 : memref<368x16xf32, #tpu.memory_space<vmem_shared>>) target_semaphore(%run_scoped3A : memref<!tpu.dma_semaphore, #tpu.memory_space<semaphore_mem>>)
      %dma_wait3A = arith.constant 0 : i32
      %dma_wait3A_253 = arith.constant 0 : i32
      %dma_wait3A_254 = tpu.memref_slice %arg6[%dma_wait3A, %dma_wait3A_253] : memref<1024x16xf32, #tpu.memory_space<vmem>> -> memref<368x16xf32, #tpu.memory_space<vmem>>
      %dma_wait3A_255 = arith.constant 0 : i32
      %dma_wait3A_256 = tpu.memref_slice %arg12[%multiple_of3A_102, %dma_wait3A_255] : memref<100096x16xf32, #tpu.memory_space<vmem_shared>> -> memref<368x16xf32, #tpu.memory_space<vmem_shared>>
      %dma_wait3A_257 = arith.constant 0 : i32
      %dma_wait3A_258 = tpu.memref_slice %arg12[%multiple_of3A_102, %dma_wait3A_257] : memref<100096x16xf32, #tpu.memory_space<vmem_shared>> -> memref<368x16xf32, #tpu.memory_space<vmem_shared>>
      %dma_wait3A_259 = arith.constant 0 : i32
      %dma_wait3A_260 = arith.constant 0 : i32
      %dma_wait3A_261 = tpu.memref_slice %arg6[%dma_wait3A_259, %dma_wait3A_260] : memref<1024x16xf32, #tpu.memory_space<vmem>> -> memref<368x16xf32, #tpu.memory_space<vmem>>
      tpu.wait_dma2 semaphore(%run_scoped3A : memref<!tpu.dma_semaphore, #tpu.memory_space<semaphore_mem>>) src(%dma_wait3A_261 : memref<368x16xf32, #tpu.memory_space<vmem>>) dst(%dma_wait3A_258 : memref<368x16xf32, #tpu.memory_space<vmem_shared>>)
      tpu.yield
    }) : () -> ()
    "tpu.region"() ({
      %run_scoped3A = tpu.sem_alloc : memref<!tpu.dma_semaphore, #tpu.memory_space<semaphore_mem>>
      %dma_start3A = tpu.memref_slice %arg13[%multiple_of3A_102] : memref<100096xf32, #tpu.memory_space<vmem_shared>> -> memref<368xf32, #tpu.memory_space<vmem_shared>>
      %dma_start3A_244 = tpu.memref_slice %arg13[%multiple_of3A_102] : memref<100096xf32, #tpu.memory_space<vmem_shared>> -> memref<368xf32, #tpu.memory_space<vmem_shared>>
      tpu.enqueue_dma source(%arg9 : memref<368xf32, #tpu.memory_space<vmem>>) target(%dma_start3A_244 : memref<368xf32, #tpu.memory_space<vmem_shared>>) target_semaphore(%run_scoped3A : memref<!tpu.dma_semaphore, #tpu.memory_space<semaphore_mem>>)
      %dma_wait3A = tpu.memref_slice %arg13[%multiple_of3A_102] : memref<100096xf32, #tpu.memory_space<vmem_shared>> -> memref<368xf32, #tpu.memory_space<vmem_shared>>
      %dma_wait3A_245 = tpu.memref_slice %arg13[%multiple_of3A_102] : memref<100096xf32, #tpu.memory_space<vmem_shared>> -> memref<368xf32, #tpu.memory_space<vmem_shared>>
      tpu.wait_dma2 semaphore(%run_scoped3A : memref<!tpu.dma_semaphore, #tpu.memory_space<semaphore_mem>>) src(%arg9 : memref<368xf32, #tpu.memory_space<vmem>>) dst(%dma_wait3A_245 : memref<368xf32, #tpu.memory_space<vmem_shared>>)
      tpu.yield
    }) : () -> ()
    %add3A_103 = arith.constant 3312 : i32
    %add3A_104 = arith.addi %mul3A_77, %add3A_103 : i32
    %multiple_of3A_105 = tpu.assume_multiple %add3A_104, 8 : i32
    "tpu.region"() ({
      %run_scoped3A = tpu.sem_alloc : memref<!tpu.dma_semaphore, #tpu.memory_space<semaphore_mem>>
      %dma_start3A = arith.constant 0 : i32
      %dma_start3A_244 = arith.constant 0 : i32
      %dma_start3A_245 = tpu.memref_slice %arg6[%dma_start3A, %dma_start3A_244] : memref<1024x16xf32, #tpu.memory_space<vmem>> -> memref<368x16xf32, #tpu.memory_space<vmem>>
      %dma_start3A_246 = arith.constant 0 : i32
      %dma_start3A_247 = tpu.memref_slice %arg12[%multiple_of3A_105, %dma_start3A_246] : memref<100096x16xf32, #tpu.memory_space<vmem_shared>> -> memref<368x16xf32, #tpu.memory_space<vmem_shared>>
      %dma_start3A_248 = arith.constant 0 : i32
      %dma_start3A_249 = tpu.memref_slice %arg12[%multiple_of3A_105, %dma_start3A_248] : memref<100096x16xf32, #tpu.memory_space<vmem_shared>> -> memref<368x16xf32, #tpu.memory_space<vmem_shared>>
      %dma_start3A_250 = arith.constant 0 : i32
      %dma_start3A_251 = arith.constant 0 : i32
      %dma_start3A_252 = tpu.memref_slice %arg6[%dma_start3A_250, %dma_start3A_251] : memref<1024x16xf32, #tpu.memory_space<vmem>> -> memref<368x16xf32, #tpu.memory_space<vmem>>
      tpu.enqueue_dma source(%dma_start3A_252 : memref<368x16xf32, #tpu.memory_space<vmem>>) target(%dma_start3A_249 : memref<368x16xf32, #tpu.memory_space<vmem_shared>>) target_semaphore(%run_scoped3A : memref<!tpu.dma_semaphore, #tpu.memory_space<semaphore_mem>>)
      %dma_wait3A = arith.constant 0 : i32
      %dma_wait3A_253 = arith.constant 0 : i32
      %dma_wait3A_254 = tpu.memref_slice %arg6[%dma_wait3A, %dma_wait3A_253] : memref<1024x16xf32, #tpu.memory_space<vmem>> -> memref<368x16xf32, #tpu.memory_space<vmem>>
      %dma_wait3A_255 = arith.constant 0 : i32
      %dma_wait3A_256 = tpu.memref_slice %arg12[%multiple_of3A_105, %dma_wait3A_255] : memref<100096x16xf32, #tpu.memory_space<vmem_shared>> -> memref<368x16xf32, #tpu.memory_space<vmem_shared>>
      %dma_wait3A_257 = arith.constant 0 : i32
      %dma_wait3A_258 = tpu.memref_slice %arg12[%multiple_of3A_105, %dma_wait3A_257] : memref<100096x16xf32, #tpu.memory_space<vmem_shared>> -> memref<368x16xf32, #tpu.memory_space<vmem_shared>>
      %dma_wait3A_259 = arith.constant 0 : i32
      %dma_wait3A_260 = arith.constant 0 : i32
      %dma_wait3A_261 = tpu.memref_slice %arg6[%dma_wait3A_259, %dma_wait3A_260] : memref<1024x16xf32, #tpu.memory_space<vmem>> -> memref<368x16xf32, #tpu.memory_space<vmem>>
      tpu.wait_dma2 semaphore(%run_scoped3A : memref<!tpu.dma_semaphore, #tpu.memory_space<semaphore_mem>>) src(%dma_wait3A_261 : memref<368x16xf32, #tpu.memory_space<vmem>>) dst(%dma_wait3A_258 : memref<368x16xf32, #tpu.memory_space<vmem_shared>>)
      tpu.yield
    }) : () -> ()
    "tpu.region"() ({
      %run_scoped3A = tpu.sem_alloc : memref<!tpu.dma_semaphore, #tpu.memory_space<semaphore_mem>>
      %dma_start3A = tpu.memref_slice %arg13[%multiple_of3A_105] : memref<100096xf32, #tpu.memory_space<vmem_shared>> -> memref<368xf32, #tpu.memory_space<vmem_shared>>
      %dma_start3A_244 = tpu.memref_slice %arg13[%multiple_of3A_105] : memref<100096xf32, #tpu.memory_space<vmem_shared>> -> memref<368xf32, #tpu.memory_space<vmem_shared>>
      tpu.enqueue_dma source(%arg9 : memref<368xf32, #tpu.memory_space<vmem>>) target(%dma_start3A_244 : memref<368xf32, #tpu.memory_space<vmem_shared>>) target_semaphore(%run_scoped3A : memref<!tpu.dma_semaphore, #tpu.memory_space<semaphore_mem>>)
      %dma_wait3A = tpu.memref_slice %arg13[%multiple_of3A_105] : memref<100096xf32, #tpu.memory_space<vmem_shared>> -> memref<368xf32, #tpu.memory_space<vmem_shared>>
      %dma_wait3A_245 = tpu.memref_slice %arg13[%multiple_of3A_105] : memref<100096xf32, #tpu.memory_space<vmem_shared>> -> memref<368xf32, #tpu.memory_space<vmem_shared>>
      tpu.wait_dma2 semaphore(%run_scoped3A : memref<!tpu.dma_semaphore, #tpu.memory_space<semaphore_mem>>) src(%arg9 : memref<368xf32, #tpu.memory_space<vmem>>) dst(%dma_wait3A_245 : memref<368xf32, #tpu.memory_space<vmem_shared>>)
      tpu.yield
    }) : () -> ()
    %add3A_106 = arith.constant 3680 : i32
    %add3A_107 = arith.addi %mul3A_77, %add3A_106 : i32
    %multiple_of3A_108 = tpu.assume_multiple %add3A_107, 8 : i32
    "tpu.region"() ({
      %run_scoped3A = tpu.sem_alloc : memref<!tpu.dma_semaphore, #tpu.memory_space<semaphore_mem>>
      %dma_start3A = arith.constant 0 : i32
      %dma_start3A_244 = arith.constant 0 : i32
      %dma_start3A_245 = tpu.memref_slice %arg6[%dma_start3A, %dma_start3A_244] : memref<1024x16xf32, #tpu.memory_space<vmem>> -> memref<368x16xf32, #tpu.memory_space<vmem>>
      %dma_start3A_246 = arith.constant 0 : i32
      %dma_start3A_247 = tpu.memref_slice %arg12[%multiple_of3A_108, %dma_start3A_246] : memref<100096x16xf32, #tpu.memory_space<vmem_shared>> -> memref<368x16xf32, #tpu.memory_space<vmem_shared>>
      %dma_start3A_248 = arith.constant 0 : i32
      %dma_start3A_249 = tpu.memref_slice %arg12[%multiple_of3A_108, %dma_start3A_248] : memref<100096x16xf32, #tpu.memory_space<vmem_shared>> -> memref<368x16xf32, #tpu.memory_space<vmem_shared>>
      %dma_start3A_250 = arith.constant 0 : i32
      %dma_start3A_251 = arith.constant 0 : i32
      %dma_start3A_252 = tpu.memref_slice %arg6[%dma_start3A_250, %dma_start3A_251] : memref<1024x16xf32, #tpu.memory_space<vmem>> -> memref<368x16xf32, #tpu.memory_space<vmem>>
      tpu.enqueue_dma source(%dma_start3A_252 : memref<368x16xf32, #tpu.memory_space<vmem>>) target(%dma_start3A_249 : memref<368x16xf32, #tpu.memory_space<vmem_shared>>) target_semaphore(%run_scoped3A : memref<!tpu.dma_semaphore, #tpu.memory_space<semaphore_mem>>)
      %dma_wait3A = arith.constant 0 : i32
      %dma_wait3A_253 = arith.constant 0 : i32
      %dma_wait3A_254 = tpu.memref_slice %arg6[%dma_wait3A, %dma_wait3A_253] : memref<1024x16xf32, #tpu.memory_space<vmem>> -> memref<368x16xf32, #tpu.memory_space<vmem>>
      %dma_wait3A_255 = arith.constant 0 : i32
      %dma_wait3A_256 = tpu.memref_slice %arg12[%multiple_of3A_108, %dma_wait3A_255] : memref<100096x16xf32, #tpu.memory_space<vmem_shared>> -> memref<368x16xf32, #tpu.memory_space<vmem_shared>>
      %dma_wait3A_257 = arith.constant 0 : i32
      %dma_wait3A_258 = tpu.memref_slice %arg12[%multiple_of3A_108, %dma_wait3A_257] : memref<100096x16xf32, #tpu.memory_space<vmem_shared>> -> memref<368x16xf32, #tpu.memory_space<vmem_shared>>
      %dma_wait3A_259 = arith.constant 0 : i32
      %dma_wait3A_260 = arith.constant 0 : i32
      %dma_wait3A_261 = tpu.memref_slice %arg6[%dma_wait3A_259, %dma_wait3A_260] : memref<1024x16xf32, #tpu.memory_space<vmem>> -> memref<368x16xf32, #tpu.memory_space<vmem>>
      tpu.wait_dma2 semaphore(%run_scoped3A : memref<!tpu.dma_semaphore, #tpu.memory_space<semaphore_mem>>) src(%dma_wait3A_261 : memref<368x16xf32, #tpu.memory_space<vmem>>) dst(%dma_wait3A_258 : memref<368x16xf32, #tpu.memory_space<vmem_shared>>)
      tpu.yield
    }) : () -> ()
    "tpu.region"() ({
      %run_scoped3A = tpu.sem_alloc : memref<!tpu.dma_semaphore, #tpu.memory_space<semaphore_mem>>
      %dma_start3A = tpu.memref_slice %arg13[%multiple_of3A_108] : memref<100096xf32, #tpu.memory_space<vmem_shared>> -> memref<368xf32, #tpu.memory_space<vmem_shared>>
      %dma_start3A_244 = tpu.memref_slice %arg13[%multiple_of3A_108] : memref<100096xf32, #tpu.memory_space<vmem_shared>> -> memref<368xf32, #tpu.memory_space<vmem_shared>>
      tpu.enqueue_dma source(%arg9 : memref<368xf32, #tpu.memory_space<vmem>>) target(%dma_start3A_244 : memref<368xf32, #tpu.memory_space<vmem_shared>>) target_semaphore(%run_scoped3A : memref<!tpu.dma_semaphore, #tpu.memory_space<semaphore_mem>>)
      %dma_wait3A = tpu.memref_slice %arg13[%multiple_of3A_108] : memref<100096xf32, #tpu.memory_space<vmem_shared>> -> memref<368xf32, #tpu.memory_space<vmem_shared>>
      %dma_wait3A_245 = tpu.memref_slice %arg13[%multiple_of3A_108] : memref<100096xf32, #tpu.memory_space<vmem_shared>> -> memref<368xf32, #tpu.memory_space<vmem_shared>>
      tpu.wait_dma2 semaphore(%run_scoped3A : memref<!tpu.dma_semaphore, #tpu.memory_space<semaphore_mem>>) src(%arg9 : memref<368xf32, #tpu.memory_space<vmem>>) dst(%dma_wait3A_245 : memref<368xf32, #tpu.memory_space<vmem_shared>>)
      tpu.yield
    }) : () -> ()
    %add3A_109 = arith.constant 4048 : i32
    %add3A_110 = arith.addi %mul3A_77, %add3A_109 : i32
    %multiple_of3A_111 = tpu.assume_multiple %add3A_110, 8 : i32
    "tpu.region"() ({
      %run_scoped3A = tpu.sem_alloc : memref<!tpu.dma_semaphore, #tpu.memory_space<semaphore_mem>>
      %dma_start3A = arith.constant 0 : i32
      %dma_start3A_244 = arith.constant 0 : i32
      %dma_start3A_245 = tpu.memref_slice %arg6[%dma_start3A, %dma_start3A_244] : memref<1024x16xf32, #tpu.memory_space<vmem>> -> memref<368x16xf32, #tpu.memory_space<vmem>>
      %dma_start3A_246 = arith.constant 0 : i32
      %dma_start3A_247 = tpu.memref_slice %arg12[%multiple_of3A_111, %dma_start3A_246] : memref<100096x16xf32, #tpu.memory_space<vmem_shared>> -> memref<368x16xf32, #tpu.memory_space<vmem_shared>>
      %dma_start3A_248 = arith.constant 0 : i32
      %dma_start3A_249 = tpu.memref_slice %arg12[%multiple_of3A_111, %dma_start3A_248] : memref<100096x16xf32, #tpu.memory_space<vmem_shared>> -> memref<368x16xf32, #tpu.memory_space<vmem_shared>>
      %dma_start3A_250 = arith.constant 0 : i32
      %dma_start3A_251 = arith.constant 0 : i32
      %dma_start3A_252 = tpu.memref_slice %arg6[%dma_start3A_250, %dma_start3A_251] : memref<1024x16xf32, #tpu.memory_space<vmem>> -> memref<368x16xf32, #tpu.memory_space<vmem>>
      tpu.enqueue_dma source(%dma_start3A_252 : memref<368x16xf32, #tpu.memory_space<vmem>>) target(%dma_start3A_249 : memref<368x16xf32, #tpu.memory_space<vmem_shared>>) target_semaphore(%run_scoped3A : memref<!tpu.dma_semaphore, #tpu.memory_space<semaphore_mem>>)
      %dma_wait3A = arith.constant 0 : i32
      %dma_wait3A_253 = arith.constant 0 : i32
      %dma_wait3A_254 = tpu.memref_slice %arg6[%dma_wait3A, %dma_wait3A_253] : memref<1024x16xf32, #tpu.memory_space<vmem>> -> memref<368x16xf32, #tpu.memory_space<vmem>>
      %dma_wait3A_255 = arith.constant 0 : i32
      %dma_wait3A_256 = tpu.memref_slice %arg12[%multiple_of3A_111, %dma_wait3A_255] : memref<100096x16xf32, #tpu.memory_space<vmem_shared>> -> memref<368x16xf32, #tpu.memory_space<vmem_shared>>
      %dma_wait3A_257 = arith.constant 0 : i32
      %dma_wait3A_258 = tpu.memref_slice %arg12[%multiple_of3A_111, %dma_wait3A_257] : memref<100096x16xf32, #tpu.memory_space<vmem_shared>> -> memref<368x16xf32, #tpu.memory_space<vmem_shared>>
      %dma_wait3A_259 = arith.constant 0 : i32
      %dma_wait3A_260 = arith.constant 0 : i32
      %dma_wait3A_261 = tpu.memref_slice %arg6[%dma_wait3A_259, %dma_wait3A_260] : memref<1024x16xf32, #tpu.memory_space<vmem>> -> memref<368x16xf32, #tpu.memory_space<vmem>>
      tpu.wait_dma2 semaphore(%run_scoped3A : memref<!tpu.dma_semaphore, #tpu.memory_space<semaphore_mem>>) src(%dma_wait3A_261 : memref<368x16xf32, #tpu.memory_space<vmem>>) dst(%dma_wait3A_258 : memref<368x16xf32, #tpu.memory_space<vmem_shared>>)
      tpu.yield
    }) : () -> ()
    "tpu.region"() ({
      %run_scoped3A = tpu.sem_alloc : memref<!tpu.dma_semaphore, #tpu.memory_space<semaphore_mem>>
      %dma_start3A = tpu.memref_slice %arg13[%multiple_of3A_111] : memref<100096xf32, #tpu.memory_space<vmem_shared>> -> memref<368xf32, #tpu.memory_space<vmem_shared>>
      %dma_start3A_244 = tpu.memref_slice %arg13[%multiple_of3A_111] : memref<100096xf32, #tpu.memory_space<vmem_shared>> -> memref<368xf32, #tpu.memory_space<vmem_shared>>
      tpu.enqueue_dma source(%arg9 : memref<368xf32, #tpu.memory_space<vmem>>) target(%dma_start3A_244 : memref<368xf32, #tpu.memory_space<vmem_shared>>) target_semaphore(%run_scoped3A : memref<!tpu.dma_semaphore, #tpu.memory_space<semaphore_mem>>)
      %dma_wait3A = tpu.memref_slice %arg13[%multiple_of3A_111] : memref<100096xf32, #tpu.memory_space<vmem_shared>> -> memref<368xf32, #tpu.memory_space<vmem_shared>>
      %dma_wait3A_245 = tpu.memref_slice %arg13[%multiple_of3A_111] : memref<100096xf32, #tpu.memory_space<vmem_shared>> -> memref<368xf32, #tpu.memory_space<vmem_shared>>
      tpu.wait_dma2 semaphore(%run_scoped3A : memref<!tpu.dma_semaphore, #tpu.memory_space<semaphore_mem>>) src(%arg9 : memref<368xf32, #tpu.memory_space<vmem>>) dst(%dma_wait3A_245 : memref<368xf32, #tpu.memory_space<vmem_shared>>)
      tpu.yield
    }) : () -> ()
    %add3A_112 = arith.constant 4416 : i32
    %add3A_113 = arith.addi %mul3A_77, %add3A_112 : i32
    %multiple_of3A_114 = tpu.assume_multiple %add3A_113, 8 : i32
    "tpu.region"() ({
      %run_scoped3A = tpu.sem_alloc : memref<!tpu.dma_semaphore, #tpu.memory_space<semaphore_mem>>
      %dma_start3A = arith.constant 0 : i32
      %dma_start3A_244 = arith.constant 0 : i32
      %dma_start3A_245 = tpu.memref_slice %arg6[%dma_start3A, %dma_start3A_244] : memref<1024x16xf32, #tpu.memory_space<vmem>> -> memref<368x16xf32, #tpu.memory_space<vmem>>
      %dma_start3A_246 = arith.constant 0 : i32
      %dma_start3A_247 = tpu.memref_slice %arg12[%multiple_of3A_114, %dma_start3A_246] : memref<100096x16xf32, #tpu.memory_space<vmem_shared>> -> memref<368x16xf32, #tpu.memory_space<vmem_shared>>
      %dma_start3A_248 = arith.constant 0 : i32
      %dma_start3A_249 = tpu.memref_slice %arg12[%multiple_of3A_114, %dma_start3A_248] : memref<100096x16xf32, #tpu.memory_space<vmem_shared>> -> memref<368x16xf32, #tpu.memory_space<vmem_shared>>
      %dma_start3A_250 = arith.constant 0 : i32
      %dma_start3A_251 = arith.constant 0 : i32
      %dma_start3A_252 = tpu.memref_slice %arg6[%dma_start3A_250, %dma_start3A_251] : memref<1024x16xf32, #tpu.memory_space<vmem>> -> memref<368x16xf32, #tpu.memory_space<vmem>>
      tpu.enqueue_dma source(%dma_start3A_252 : memref<368x16xf32, #tpu.memory_space<vmem>>) target(%dma_start3A_249 : memref<368x16xf32, #tpu.memory_space<vmem_shared>>) target_semaphore(%run_scoped3A : memref<!tpu.dma_semaphore, #tpu.memory_space<semaphore_mem>>)
      %dma_wait3A = arith.constant 0 : i32
      %dma_wait3A_253 = arith.constant 0 : i32
      %dma_wait3A_254 = tpu.memref_slice %arg6[%dma_wait3A, %dma_wait3A_253] : memref<1024x16xf32, #tpu.memory_space<vmem>> -> memref<368x16xf32, #tpu.memory_space<vmem>>
      %dma_wait3A_255 = arith.constant 0 : i32
      %dma_wait3A_256 = tpu.memref_slice %arg12[%multiple_of3A_114, %dma_wait3A_255] : memref<100096x16xf32, #tpu.memory_space<vmem_shared>> -> memref<368x16xf32, #tpu.memory_space<vmem_shared>>
      %dma_wait3A_257 = arith.constant 0 : i32
      %dma_wait3A_258 = tpu.memref_slice %arg12[%multiple_of3A_114, %dma_wait3A_257] : memref<100096x16xf32, #tpu.memory_space<vmem_shared>> -> memref<368x16xf32, #tpu.memory_space<vmem_shared>>
      %dma_wait3A_259 = arith.constant 0 : i32
      %dma_wait3A_260 = arith.constant 0 : i32
      %dma_wait3A_261 = tpu.memref_slice %arg6[%dma_wait3A_259, %dma_wait3A_260] : memref<1024x16xf32, #tpu.memory_space<vmem>> -> memref<368x16xf32, #tpu.memory_space<vmem>>
      tpu.wait_dma2 semaphore(%run_scoped3A : memref<!tpu.dma_semaphore, #tpu.memory_space<semaphore_mem>>) src(%dma_wait3A_261 : memref<368x16xf32, #tpu.memory_space<vmem>>) dst(%dma_wait3A_258 : memref<368x16xf32, #tpu.memory_space<vmem_shared>>)
      tpu.yield
    }) : () -> ()
    "tpu.region"() ({
      %run_scoped3A = tpu.sem_alloc : memref<!tpu.dma_semaphore, #tpu.memory_space<semaphore_mem>>
      %dma_start3A = tpu.memref_slice %arg13[%multiple_of3A_114] : memref<100096xf32, #tpu.memory_space<vmem_shared>> -> memref<368xf32, #tpu.memory_space<vmem_shared>>
      %dma_start3A_244 = tpu.memref_slice %arg13[%multiple_of3A_114] : memref<100096xf32, #tpu.memory_space<vmem_shared>> -> memref<368xf32, #tpu.memory_space<vmem_shared>>
      tpu.enqueue_dma source(%arg9 : memref<368xf32, #tpu.memory_space<vmem>>) target(%dma_start3A_244 : memref<368xf32, #tpu.memory_space<vmem_shared>>) target_semaphore(%run_scoped3A : memref<!tpu.dma_semaphore, #tpu.memory_space<semaphore_mem>>)
      %dma_wait3A = tpu.memref_slice %arg13[%multiple_of3A_114] : memref<100096xf32, #tpu.memory_space<vmem_shared>> -> memref<368xf32, #tpu.memory_space<vmem_shared>>
      %dma_wait3A_245 = tpu.memref_slice %arg13[%multiple_of3A_114] : memref<100096xf32, #tpu.memory_space<vmem_shared>> -> memref<368xf32, #tpu.memory_space<vmem_shared>>
      tpu.wait_dma2 semaphore(%run_scoped3A : memref<!tpu.dma_semaphore, #tpu.memory_space<semaphore_mem>>) src(%arg9 : memref<368xf32, #tpu.memory_space<vmem>>) dst(%dma_wait3A_245 : memref<368xf32, #tpu.memory_space<vmem_shared>>)
      tpu.yield
    }) : () -> ()
    %add3A_115 = arith.constant 4784 : i32
    %add3A_116 = arith.addi %mul3A_77, %add3A_115 : i32
    %multiple_of3A_117 = tpu.assume_multiple %add3A_116, 8 : i32
    "tpu.region"() ({
      %run_scoped3A = tpu.sem_alloc : memref<!tpu.dma_semaphore, #tpu.memory_space<semaphore_mem>>
      %dma_start3A = arith.constant 0 : i32
      %dma_start3A_244 = arith.constant 0 : i32
      %dma_start3A_245 = tpu.memref_slice %arg6[%dma_start3A, %dma_start3A_244] : memref<1024x16xf32, #tpu.memory_space<vmem>> -> memref<368x16xf32, #tpu.memory_space<vmem>>
      %dma_start3A_246 = arith.constant 0 : i32
      %dma_start3A_247 = tpu.memref_slice %arg12[%multiple_of3A_117, %dma_start3A_246] : memref<100096x16xf32, #tpu.memory_space<vmem_shared>> -> memref<368x16xf32, #tpu.memory_space<vmem_shared>>
      %dma_start3A_248 = arith.constant 0 : i32
      %dma_start3A_249 = tpu.memref_slice %arg12[%multiple_of3A_117, %dma_start3A_248] : memref<100096x16xf32, #tpu.memory_space<vmem_shared>> -> memref<368x16xf32, #tpu.memory_space<vmem_shared>>
      %dma_start3A_250 = arith.constant 0 : i32
      %dma_start3A_251 = arith.constant 0 : i32
      %dma_start3A_252 = tpu.memref_slice %arg6[%dma_start3A_250, %dma_start3A_251] : memref<1024x16xf32, #tpu.memory_space<vmem>> -> memref<368x16xf32, #tpu.memory_space<vmem>>
      tpu.enqueue_dma source(%dma_start3A_252 : memref<368x16xf32, #tpu.memory_space<vmem>>) target(%dma_start3A_249 : memref<368x16xf32, #tpu.memory_space<vmem_shared>>) target_semaphore(%run_scoped3A : memref<!tpu.dma_semaphore, #tpu.memory_space<semaphore_mem>>)
      %dma_wait3A = arith.constant 0 : i32
      %dma_wait3A_253 = arith.constant 0 : i32
      %dma_wait3A_254 = tpu.memref_slice %arg6[%dma_wait3A, %dma_wait3A_253] : memref<1024x16xf32, #tpu.memory_space<vmem>> -> memref<368x16xf32, #tpu.memory_space<vmem>>
      %dma_wait3A_255 = arith.constant 0 : i32
      %dma_wait3A_256 = tpu.memref_slice %arg12[%multiple_of3A_117, %dma_wait3A_255] : memref<100096x16xf32, #tpu.memory_space<vmem_shared>> -> memref<368x16xf32, #tpu.memory_space<vmem_shared>>
      %dma_wait3A_257 = arith.constant 0 : i32
      %dma_wait3A_258 = tpu.memref_slice %arg12[%multiple_of3A_117, %dma_wait3A_257] : memref<100096x16xf32, #tpu.memory_space<vmem_shared>> -> memref<368x16xf32, #tpu.memory_space<vmem_shared>>
      %dma_wait3A_259 = arith.constant 0 : i32
      %dma_wait3A_260 = arith.constant 0 : i32
      %dma_wait3A_261 = tpu.memref_slice %arg6[%dma_wait3A_259, %dma_wait3A_260] : memref<1024x16xf32, #tpu.memory_space<vmem>> -> memref<368x16xf32, #tpu.memory_space<vmem>>
      tpu.wait_dma2 semaphore(%run_scoped3A : memref<!tpu.dma_semaphore, #tpu.memory_space<semaphore_mem>>) src(%dma_wait3A_261 : memref<368x16xf32, #tpu.memory_space<vmem>>) dst(%dma_wait3A_258 : memref<368x16xf32, #tpu.memory_space<vmem_shared>>)
      tpu.yield
    }) : () -> ()
    "tpu.region"() ({
      %run_scoped3A = tpu.sem_alloc : memref<!tpu.dma_semaphore, #tpu.memory_space<semaphore_mem>>
      %dma_start3A = tpu.memref_slice %arg13[%multiple_of3A_117] : memref<100096xf32, #tpu.memory_space<vmem_shared>> -> memref<368xf32, #tpu.memory_space<vmem_shared>>
      %dma_start3A_244 = tpu.memref_slice %arg13[%multiple_of3A_117] : memref<100096xf32, #tpu.memory_space<vmem_shared>> -> memref<368xf32, #tpu.memory_space<vmem_shared>>
      tpu.enqueue_dma source(%arg9 : memref<368xf32, #tpu.memory_space<vmem>>) target(%dma_start3A_244 : memref<368xf32, #tpu.memory_space<vmem_shared>>) target_semaphore(%run_scoped3A : memref<!tpu.dma_semaphore, #tpu.memory_space<semaphore_mem>>)
      %dma_wait3A = tpu.memref_slice %arg13[%multiple_of3A_117] : memref<100096xf32, #tpu.memory_space<vmem_shared>> -> memref<368xf32, #tpu.memory_space<vmem_shared>>
      %dma_wait3A_245 = tpu.memref_slice %arg13[%multiple_of3A_117] : memref<100096xf32, #tpu.memory_space<vmem_shared>> -> memref<368xf32, #tpu.memory_space<vmem_shared>>
      tpu.wait_dma2 semaphore(%run_scoped3A : memref<!tpu.dma_semaphore, #tpu.memory_space<semaphore_mem>>) src(%arg9 : memref<368xf32, #tpu.memory_space<vmem>>) dst(%dma_wait3A_245 : memref<368xf32, #tpu.memory_space<vmem_shared>>)
      tpu.yield
    }) : () -> ()
    %add3A_118 = arith.constant 5152 : i32
    %add3A_119 = arith.addi %mul3A_77, %add3A_118 : i32
    %multiple_of3A_120 = tpu.assume_multiple %add3A_119, 8 : i32
    "tpu.region"() ({
      %run_scoped3A = tpu.sem_alloc : memref<!tpu.dma_semaphore, #tpu.memory_space<semaphore_mem>>
      %dma_start3A = arith.constant 0 : i32
      %dma_start3A_244 = arith.constant 0 : i32
      %dma_start3A_245 = tpu.memref_slice %arg6[%dma_start3A, %dma_start3A_244] : memref<1024x16xf32, #tpu.memory_space<vmem>> -> memref<368x16xf32, #tpu.memory_space<vmem>>
      %dma_start3A_246 = arith.constant 0 : i32
      %dma_start3A_247 = tpu.memref_slice %arg12[%multiple_of3A_120, %dma_start3A_246] : memref<100096x16xf32, #tpu.memory_space<vmem_shared>> -> memref<368x16xf32, #tpu.memory_space<vmem_shared>>
      %dma_start3A_248 = arith.constant 0 : i32
      %dma_start3A_249 = tpu.memref_slice %arg12[%multiple_of3A_120, %dma_start3A_248] : memref<100096x16xf32, #tpu.memory_space<vmem_shared>> -> memref<368x16xf32, #tpu.memory_space<vmem_shared>>
      %dma_start3A_250 = arith.constant 0 : i32
      %dma_start3A_251 = arith.constant 0 : i32
      %dma_start3A_252 = tpu.memref_slice %arg6[%dma_start3A_250, %dma_start3A_251] : memref<1024x16xf32, #tpu.memory_space<vmem>> -> memref<368x16xf32, #tpu.memory_space<vmem>>
      tpu.enqueue_dma source(%dma_start3A_252 : memref<368x16xf32, #tpu.memory_space<vmem>>) target(%dma_start3A_249 : memref<368x16xf32, #tpu.memory_space<vmem_shared>>) target_semaphore(%run_scoped3A : memref<!tpu.dma_semaphore, #tpu.memory_space<semaphore_mem>>)
      %dma_wait3A = arith.constant 0 : i32
      %dma_wait3A_253 = arith.constant 0 : i32
      %dma_wait3A_254 = tpu.memref_slice %arg6[%dma_wait3A, %dma_wait3A_253] : memref<1024x16xf32, #tpu.memory_space<vmem>> -> memref<368x16xf32, #tpu.memory_space<vmem>>
      %dma_wait3A_255 = arith.constant 0 : i32
      %dma_wait3A_256 = tpu.memref_slice %arg12[%multiple_of3A_120, %dma_wait3A_255] : memref<100096x16xf32, #tpu.memory_space<vmem_shared>> -> memref<368x16xf32, #tpu.memory_space<vmem_shared>>
      %dma_wait3A_257 = arith.constant 0 : i32
      %dma_wait3A_258 = tpu.memref_slice %arg12[%multiple_of3A_120, %dma_wait3A_257] : memref<100096x16xf32, #tpu.memory_space<vmem_shared>> -> memref<368x16xf32, #tpu.memory_space<vmem_shared>>
      %dma_wait3A_259 = arith.constant 0 : i32
      %dma_wait3A_260 = arith.constant 0 : i32
      %dma_wait3A_261 = tpu.memref_slice %arg6[%dma_wait3A_259, %dma_wait3A_260] : memref<1024x16xf32, #tpu.memory_space<vmem>> -> memref<368x16xf32, #tpu.memory_space<vmem>>
      tpu.wait_dma2 semaphore(%run_scoped3A : memref<!tpu.dma_semaphore, #tpu.memory_space<semaphore_mem>>) src(%dma_wait3A_261 : memref<368x16xf32, #tpu.memory_space<vmem>>) dst(%dma_wait3A_258 : memref<368x16xf32, #tpu.memory_space<vmem_shared>>)
      tpu.yield
    }) : () -> ()
    "tpu.region"() ({
      %run_scoped3A = tpu.sem_alloc : memref<!tpu.dma_semaphore, #tpu.memory_space<semaphore_mem>>
      %dma_start3A = tpu.memref_slice %arg13[%multiple_of3A_120] : memref<100096xf32, #tpu.memory_space<vmem_shared>> -> memref<368xf32, #tpu.memory_space<vmem_shared>>
      %dma_start3A_244 = tpu.memref_slice %arg13[%multiple_of3A_120] : memref<100096xf32, #tpu.memory_space<vmem_shared>> -> memref<368xf32, #tpu.memory_space<vmem_shared>>
      tpu.enqueue_dma source(%arg9 : memref<368xf32, #tpu.memory_space<vmem>>) target(%dma_start3A_244 : memref<368xf32, #tpu.memory_space<vmem_shared>>) target_semaphore(%run_scoped3A : memref<!tpu.dma_semaphore, #tpu.memory_space<semaphore_mem>>)
      %dma_wait3A = tpu.memref_slice %arg13[%multiple_of3A_120] : memref<100096xf32, #tpu.memory_space<vmem_shared>> -> memref<368xf32, #tpu.memory_space<vmem_shared>>
      %dma_wait3A_245 = tpu.memref_slice %arg13[%multiple_of3A_120] : memref<100096xf32, #tpu.memory_space<vmem_shared>> -> memref<368xf32, #tpu.memory_space<vmem_shared>>
      tpu.wait_dma2 semaphore(%run_scoped3A : memref<!tpu.dma_semaphore, #tpu.memory_space<semaphore_mem>>) src(%arg9 : memref<368xf32, #tpu.memory_space<vmem>>) dst(%dma_wait3A_245 : memref<368xf32, #tpu.memory_space<vmem_shared>>)
      tpu.yield
    }) : () -> ()
    %add3A_121 = arith.constant 5520 : i32
    %add3A_122 = arith.addi %mul3A_77, %add3A_121 : i32
    %multiple_of3A_123 = tpu.assume_multiple %add3A_122, 8 : i32
    "tpu.region"() ({
      %run_scoped3A = tpu.sem_alloc : memref<!tpu.dma_semaphore, #tpu.memory_space<semaphore_mem>>
      %dma_start3A = arith.constant 0 : i32
      %dma_start3A_244 = arith.constant 0 : i32
      %dma_start3A_245 = tpu.memref_slice %arg6[%dma_start3A, %dma_start3A_244] : memref<1024x16xf32, #tpu.memory_space<vmem>> -> memref<368x16xf32, #tpu.memory_space<vmem>>
      %dma_start3A_246 = arith.constant 0 : i32
      %dma_start3A_247 = tpu.memref_slice %arg12[%multiple_of3A_123, %dma_start3A_246] : memref<100096x16xf32, #tpu.memory_space<vmem_shared>> -> memref<368x16xf32, #tpu.memory_space<vmem_shared>>
      %dma_start3A_248 = arith.constant 0 : i32
      %dma_start3A_249 = tpu.memref_slice %arg12[%multiple_of3A_123, %dma_start3A_248] : memref<100096x16xf32, #tpu.memory_space<vmem_shared>> -> memref<368x16xf32, #tpu.memory_space<vmem_shared>>
      %dma_start3A_250 = arith.constant 0 : i32
      %dma_start3A_251 = arith.constant 0 : i32
      %dma_start3A_252 = tpu.memref_slice %arg6[%dma_start3A_250, %dma_start3A_251] : memref<1024x16xf32, #tpu.memory_space<vmem>> -> memref<368x16xf32, #tpu.memory_space<vmem>>
      tpu.enqueue_dma source(%dma_start3A_252 : memref<368x16xf32, #tpu.memory_space<vmem>>) target(%dma_start3A_249 : memref<368x16xf32, #tpu.memory_space<vmem_shared>>) target_semaphore(%run_scoped3A : memref<!tpu.dma_semaphore, #tpu.memory_space<semaphore_mem>>)
      %dma_wait3A = arith.constant 0 : i32
      %dma_wait3A_253 = arith.constant 0 : i32
      %dma_wait3A_254 = tpu.memref_slice %arg6[%dma_wait3A, %dma_wait3A_253] : memref<1024x16xf32, #tpu.memory_space<vmem>> -> memref<368x16xf32, #tpu.memory_space<vmem>>
      %dma_wait3A_255 = arith.constant 0 : i32
      %dma_wait3A_256 = tpu.memref_slice %arg12[%multiple_of3A_123, %dma_wait3A_255] : memref<100096x16xf32, #tpu.memory_space<vmem_shared>> -> memref<368x16xf32, #tpu.memory_space<vmem_shared>>
      %dma_wait3A_257 = arith.constant 0 : i32
      %dma_wait3A_258 = tpu.memref_slice %arg12[%multiple_of3A_123, %dma_wait3A_257] : memref<100096x16xf32, #tpu.memory_space<vmem_shared>> -> memref<368x16xf32, #tpu.memory_space<vmem_shared>>
      %dma_wait3A_259 = arith.constant 0 : i32
      %dma_wait3A_260 = arith.constant 0 : i32
      %dma_wait3A_261 = tpu.memref_slice %arg6[%dma_wait3A_259, %dma_wait3A_260] : memref<1024x16xf32, #tpu.memory_space<vmem>> -> memref<368x16xf32, #tpu.memory_space<vmem>>
      tpu.wait_dma2 semaphore(%run_scoped3A : memref<!tpu.dma_semaphore, #tpu.memory_space<semaphore_mem>>) src(%dma_wait3A_261 : memref<368x16xf32, #tpu.memory_space<vmem>>) dst(%dma_wait3A_258 : memref<368x16xf32, #tpu.memory_space<vmem_shared>>)
      tpu.yield
    }) : () -> ()
    "tpu.region"() ({
      %run_scoped3A = tpu.sem_alloc : memref<!tpu.dma_semaphore, #tpu.memory_space<semaphore_mem>>
      %dma_start3A = tpu.memref_slice %arg13[%multiple_of3A_123] : memref<100096xf32, #tpu.memory_space<vmem_shared>> -> memref<368xf32, #tpu.memory_space<vmem_shared>>
      %dma_start3A_244 = tpu.memref_slice %arg13[%multiple_of3A_123] : memref<100096xf32, #tpu.memory_space<vmem_shared>> -> memref<368xf32, #tpu.memory_space<vmem_shared>>
      tpu.enqueue_dma source(%arg9 : memref<368xf32, #tpu.memory_space<vmem>>) target(%dma_start3A_244 : memref<368xf32, #tpu.memory_space<vmem_shared>>) target_semaphore(%run_scoped3A : memref<!tpu.dma_semaphore, #tpu.memory_space<semaphore_mem>>)
      %dma_wait3A = tpu.memref_slice %arg13[%multiple_of3A_123] : memref<100096xf32, #tpu.memory_space<vmem_shared>> -> memref<368xf32, #tpu.memory_space<vmem_shared>>
      %dma_wait3A_245 = tpu.memref_slice %arg13[%multiple_of3A_123] : memref<100096xf32, #tpu.memory_space<vmem_shared>> -> memref<368xf32, #tpu.memory_space<vmem_shared>>
      tpu.wait_dma2 semaphore(%run_scoped3A : memref<!tpu.dma_semaphore, #tpu.memory_space<semaphore_mem>>) src(%arg9 : memref<368xf32, #tpu.memory_space<vmem>>) dst(%dma_wait3A_245 : memref<368xf32, #tpu.memory_space<vmem_shared>>)
      tpu.yield
    }) : () -> ()
    %add3A_124 = arith.constant 5888 : i32
    %add3A_125 = arith.addi %mul3A_77, %add3A_124 : i32
    %multiple_of3A_126 = tpu.assume_multiple %add3A_125, 8 : i32
    "tpu.region"() ({
      %run_scoped3A = tpu.sem_alloc : memref<!tpu.dma_semaphore, #tpu.memory_space<semaphore_mem>>
      %dma_start3A = arith.constant 0 : i32
      %dma_start3A_244 = arith.constant 0 : i32
      %dma_start3A_245 = tpu.memref_slice %arg6[%dma_start3A, %dma_start3A_244] : memref<1024x16xf32, #tpu.memory_space<vmem>> -> memref<368x16xf32, #tpu.memory_space<vmem>>
      %dma_start3A_246 = arith.constant 0 : i32
      %dma_start3A_247 = tpu.memref_slice %arg12[%multiple_of3A_126, %dma_start3A_246] : memref<100096x16xf32, #tpu.memory_space<vmem_shared>> -> memref<368x16xf32, #tpu.memory_space<vmem_shared>>
      %dma_start3A_248 = arith.constant 0 : i32
      %dma_start3A_249 = tpu.memref_slice %arg12[%multiple_of3A_126, %dma_start3A_248] : memref<100096x16xf32, #tpu.memory_space<vmem_shared>> -> memref<368x16xf32, #tpu.memory_space<vmem_shared>>
      %dma_start3A_250 = arith.constant 0 : i32
      %dma_start3A_251 = arith.constant 0 : i32
      %dma_start3A_252 = tpu.memref_slice %arg6[%dma_start3A_250, %dma_start3A_251] : memref<1024x16xf32, #tpu.memory_space<vmem>> -> memref<368x16xf32, #tpu.memory_space<vmem>>
      tpu.enqueue_dma source(%dma_start3A_252 : memref<368x16xf32, #tpu.memory_space<vmem>>) target(%dma_start3A_249 : memref<368x16xf32, #tpu.memory_space<vmem_shared>>) target_semaphore(%run_scoped3A : memref<!tpu.dma_semaphore, #tpu.memory_space<semaphore_mem>>)
      %dma_wait3A = arith.constant 0 : i32
      %dma_wait3A_253 = arith.constant 0 : i32
      %dma_wait3A_254 = tpu.memref_slice %arg6[%dma_wait3A, %dma_wait3A_253] : memref<1024x16xf32, #tpu.memory_space<vmem>> -> memref<368x16xf32, #tpu.memory_space<vmem>>
      %dma_wait3A_255 = arith.constant 0 : i32
      %dma_wait3A_256 = tpu.memref_slice %arg12[%multiple_of3A_126, %dma_wait3A_255] : memref<100096x16xf32, #tpu.memory_space<vmem_shared>> -> memref<368x16xf32, #tpu.memory_space<vmem_shared>>
      %dma_wait3A_257 = arith.constant 0 : i32
      %dma_wait3A_258 = tpu.memref_slice %arg12[%multiple_of3A_126, %dma_wait3A_257] : memref<100096x16xf32, #tpu.memory_space<vmem_shared>> -> memref<368x16xf32, #tpu.memory_space<vmem_shared>>
      %dma_wait3A_259 = arith.constant 0 : i32
      %dma_wait3A_260 = arith.constant 0 : i32
      %dma_wait3A_261 = tpu.memref_slice %arg6[%dma_wait3A_259, %dma_wait3A_260] : memref<1024x16xf32, #tpu.memory_space<vmem>> -> memref<368x16xf32, #tpu.memory_space<vmem>>
      tpu.wait_dma2 semaphore(%run_scoped3A : memref<!tpu.dma_semaphore, #tpu.memory_space<semaphore_mem>>) src(%dma_wait3A_261 : memref<368x16xf32, #tpu.memory_space<vmem>>) dst(%dma_wait3A_258 : memref<368x16xf32, #tpu.memory_space<vmem_shared>>)
      tpu.yield
    }) : () -> ()
    "tpu.region"() ({
      %run_scoped3A = tpu.sem_alloc : memref<!tpu.dma_semaphore, #tpu.memory_space<semaphore_mem>>
      %dma_start3A = tpu.memref_slice %arg13[%multiple_of3A_126] : memref<100096xf32, #tpu.memory_space<vmem_shared>> -> memref<368xf32, #tpu.memory_space<vmem_shared>>
      %dma_start3A_244 = tpu.memref_slice %arg13[%multiple_of3A_126] : memref<100096xf32, #tpu.memory_space<vmem_shared>> -> memref<368xf32, #tpu.memory_space<vmem_shared>>
      tpu.enqueue_dma source(%arg9 : memref<368xf32, #tpu.memory_space<vmem>>) target(%dma_start3A_244 : memref<368xf32, #tpu.memory_space<vmem_shared>>) target_semaphore(%run_scoped3A : memref<!tpu.dma_semaphore, #tpu.memory_space<semaphore_mem>>)
      %dma_wait3A = tpu.memref_slice %arg13[%multiple_of3A_126] : memref<100096xf32, #tpu.memory_space<vmem_shared>> -> memref<368xf32, #tpu.memory_space<vmem_shared>>
      %dma_wait3A_245 = tpu.memref_slice %arg13[%multiple_of3A_126] : memref<100096xf32, #tpu.memory_space<vmem_shared>> -> memref<368xf32, #tpu.memory_space<vmem_shared>>
      tpu.wait_dma2 semaphore(%run_scoped3A : memref<!tpu.dma_semaphore, #tpu.memory_space<semaphore_mem>>) src(%arg9 : memref<368xf32, #tpu.memory_space<vmem>>) dst(%dma_wait3A_245 : memref<368xf32, #tpu.memory_space<vmem_shared>>)
      tpu.yield
    }) : () -> ()
    %barrier3A = arith.constant 0 : index
    tpu.barrier barrier_id(%barrier3A)
    %while3A = arith.constant 0 : i32
    %while3A_127 = arith.constant 0 : i32
    %while3A_128 = arith.subi %select_n3A, %while3A : i32
    %while3A_129 = arith.addi %while3A, %while3A_128 : i32
    %while3A_130 = arith.constant 1 : i32
    %while3A_131 = arith.divsi %while3A_128, %while3A_130 : i32
    %while3A_132 = arith.muli %while3A_131, %while3A_130 : i32
    %while3A_133 = arith.addi %while3A, %while3A_132 : i32
    %while3A_134 = arith.constant 1 : i32
    %while3A_135 = scf.for %while3A_244 = %while3A to %while3A_133 step %while3A_134 iter_args(%while3A_245 = %while3A_127) -> (i32)  : i32 {
      %mul3A_246 = arith.constant 16 : i32
      %mul3A_247 = arith.muli %mul3A_246, %while3A_244 : i32
      %add3A_248 = arith.addi %mul3A_247, %arg1 : i32
      %mul3A_249 = arith.constant 25000 : i32
      %mul3A_250 = arith.muli %arg0, %mul3A_249 : i32
      %mul3A_251 = arith.constant 8 : i32
      %mul3A_252 = arith.muli %add3A_248, %mul3A_251 : i32
      %add3A_253 = arith.addi %mul3A_250, %mul3A_252 : i32
      %multiple_of3A_254 = tpu.assume_multiple %add3A_253, 8 : i32
      %mul3A_255 = arith.constant 1024 : i32
      %mul3A_256 = arith.muli %add3A_248, %mul3A_255 : i32
      %multiple_of3A_257 = tpu.assume_multiple %mul3A_256, 8 : i32
      "tpu.region"() ({
        %run_scoped3A = tpu.sem_alloc : memref<!tpu.dma_semaphore, #tpu.memory_space<semaphore_mem>>
        %dma_start3A_513 = arith.constant 0 : i32
        %dma_start3A_514 = tpu.memref_slice %arg3[%multiple_of3A_254, %dma_start3A_513] : memref<50000x128xi32, #tpu.memory_space<hbm>> -> memref<8x128xi32, #tpu.memory_space<hbm>>
        %dma_start3A_515 = arith.constant 0 : i32
        %dma_start3A_516 = tpu.memref_slice %arg3[%multiple_of3A_254, %dma_start3A_515] : memref<50000x128xi32, #tpu.memory_space<hbm>> -> memref<8x128xi32, #tpu.memory_space<hbm>>
        tpu.enqueue_dma source(%dma_start3A_516 : memref<8x128xi32, #tpu.memory_space<hbm>>) target(%arg7 : memref<8x128xi32, #tpu.memory_space<vmem>>) target_semaphore(%run_scoped3A : memref<!tpu.dma_semaphore, #tpu.memory_space<semaphore_mem>>)
        %dma_wait3A_517 = arith.constant 0 : i32
        %dma_wait3A_518 = tpu.memref_slice %arg3[%multiple_of3A_254, %dma_wait3A_517] : memref<50000x128xi32, #tpu.memory_space<hbm>> -> memref<8x128xi32, #tpu.memory_space<hbm>>
        %dma_wait3A_519 = arith.constant 0 : i32
        %dma_wait3A_520 = tpu.memref_slice %arg3[%multiple_of3A_254, %dma_wait3A_519] : memref<50000x128xi32, #tpu.memory_space<hbm>> -> memref<8x128xi32, #tpu.memory_space<hbm>>
        tpu.wait_dma2 semaphore(%run_scoped3A : memref<!tpu.dma_semaphore, #tpu.memory_space<semaphore_mem>>) src(%dma_wait3A_520 : memref<8x128xi32, #tpu.memory_space<hbm>>) dst(%arg7 : memref<8x128xi32, #tpu.memory_space<vmem>>)
        tpu.yield
      }) : () -> ()
      "tpu.region"() ({
        %run_scoped3A = tpu.sem_alloc : memref<!tpu.dma_semaphore, #tpu.memory_space<semaphore_mem>>
        %dma_start3A_513 = arith.constant 0 : i32
        %dma_start3A_514 = tpu.memref_slice %arg2[%multiple_of3A_257, %dma_start3A_513] : memref<3200000x16xf32, #tpu.memory_space<hbm>> -> memref<1024x16xf32, #tpu.memory_space<hbm>>
        %dma_start3A_515 = arith.constant 0 : i32
        %dma_start3A_516 = tpu.memref_slice %arg2[%multiple_of3A_257, %dma_start3A_515] : memref<3200000x16xf32, #tpu.memory_space<hbm>> -> memref<1024x16xf32, #tpu.memory_space<hbm>>
        tpu.enqueue_dma source(%dma_start3A_516 : memref<1024x16xf32, #tpu.memory_space<hbm>>) target(%arg6 : memref<1024x16xf32, #tpu.memory_space<vmem>>) target_semaphore(%run_scoped3A : memref<!tpu.dma_semaphore, #tpu.memory_space<semaphore_mem>>)
        %dma_wait3A_517 = arith.constant 0 : i32
        %dma_wait3A_518 = tpu.memref_slice %arg2[%multiple_of3A_257, %dma_wait3A_517] : memref<3200000x16xf32, #tpu.memory_space<hbm>> -> memref<1024x16xf32, #tpu.memory_space<hbm>>
        %dma_wait3A_519 = arith.constant 0 : i32
        %dma_wait3A_520 = tpu.memref_slice %arg2[%multiple_of3A_257, %dma_wait3A_519] : memref<3200000x16xf32, #tpu.memory_space<hbm>> -> memref<1024x16xf32, #tpu.memory_space<hbm>>
        tpu.wait_dma2 semaphore(%run_scoped3A : memref<!tpu.dma_semaphore, #tpu.memory_space<semaphore_mem>>) src(%dma_wait3A_520 : memref<1024x16xf32, #tpu.memory_space<hbm>>) dst(%arg6 : memref<1024x16xf32, #tpu.memory_space<vmem>>)
        tpu.yield
      }) : () -> ()
      %dma_start3A = arith.constant 0 : i32
      %dma_start3A_258 = arith.constant 0 : i32
      %dma_start3A_259 = arith.constant 0 : i32
      %dma_start3A_260 = tpu.memref_slice %arg6[%dma_start3A_258, %dma_start3A_259] : memref<1024x16xf32, #tpu.memory_space<vmem>> -> memref<128x16xf32, #tpu.memory_space<vmem>>
      %dma_start3A_261 = arith.constant 0 : i32
      %dma_start3A_262 = tpu.memref_slice %arg7[%dma_start3A, %dma_start3A_261] : memref<8x128xi32, #tpu.memory_space<vmem>> -> memref<1x128xi32, #tpu.memory_space<vmem>>
      %dma_start3A_263 = tpu.memref_squeeze %dma_start3A_262 : memref<1x128xi32, #tpu.memory_space<vmem>> -> memref<128xi32, #tpu.memory_space<vmem>>
      %dma_start3A_264 = arith.constant 0 : i32
      %dma_start3A_265 = arith.constant 0 : i32
      %dma_start3A_266 = tpu.memref_slice %arg12[%dma_start3A_264, %dma_start3A_265] : memref<100096x16xf32, #tpu.memory_space<vmem_shared>> -> memref<100096x16xf32, #tpu.memory_space<vmem_shared>>
      tpu.enqueue_indirect_dma source(%dma_start3A_260 : memref<128x16xf32, #tpu.memory_space<vmem>>) target(%dma_start3A_266 : memref<100096x16xf32, #tpu.memory_space<vmem_shared>>) offsets(%dma_start3A_263 : memref<128xi32, #tpu.memory_space<vmem>>) semaphore(%arg10 : memref<!tpu.dma_semaphore, #tpu.memory_space<semaphore_mem>>) {add = true}
      %dma_start3A_267 = arith.constant 0 : i32
      %dma_start3A_268 = arith.constant 0 : i32
      %dma_start3A_269 = tpu.memref_slice %arg7[%dma_start3A_267, %dma_start3A_268] : memref<8x128xi32, #tpu.memory_space<vmem>> -> memref<1x128xi32, #tpu.memory_space<vmem>>
      %dma_start3A_270 = tpu.memref_squeeze %dma_start3A_269 : memref<1x128xi32, #tpu.memory_space<vmem>> -> memref<128xi32, #tpu.memory_space<vmem>>
      %dma_start3A_271 = arith.constant 0 : i32
      %dma_start3A_272 = tpu.memref_slice %arg13[%dma_start3A_271] : memref<100096xf32, #tpu.memory_space<vmem_shared>> -> memref<100096xf32, #tpu.memory_space<vmem_shared>>
      tpu.enqueue_indirect_dma source(%arg8 : memref<128xf32, #tpu.memory_space<vmem>>) target(%dma_start3A_272 : memref<100096xf32, #tpu.memory_space<vmem_shared>>) offsets(%dma_start3A_270 : memref<128xi32, #tpu.memory_space<vmem>>) semaphore(%arg11 : memref<!tpu.dma_semaphore, #tpu.memory_space<semaphore_mem>>) {add = true}
      %dma_start3A_273 = arith.constant 1 : i32
      %dma_start3A_274 = arith.constant 128 : i32
      %dma_start3A_275 = arith.constant 0 : i32
      %dma_start3A_276 = tpu.memref_slice %arg6[%dma_start3A_274, %dma_start3A_275] : memref<1024x16xf32, #tpu.memory_space<vmem>> -> memref<128x16xf32, #tpu.memory_space<vmem>>
      %dma_start3A_277 = arith.constant 0 : i32
      %dma_start3A_278 = tpu.memref_slice %arg7[%dma_start3A_273, %dma_start3A_277] : memref<8x128xi32, #tpu.memory_space<vmem>> -> memref<1x128xi32, #tpu.memory_space<vmem>>
      %dma_start3A_279 = tpu.memref_squeeze %dma_start3A_278 : memref<1x128xi32, #tpu.memory_space<vmem>> -> memref<128xi32, #tpu.memory_space<vmem>>
      %dma_start3A_280 = arith.constant 0 : i32
      %dma_start3A_281 = arith.constant 0 : i32
      %dma_start3A_282 = tpu.memref_slice %arg12[%dma_start3A_280, %dma_start3A_281] : memref<100096x16xf32, #tpu.memory_space<vmem_shared>> -> memref<100096x16xf32, #tpu.memory_space<vmem_shared>>
      tpu.enqueue_indirect_dma source(%dma_start3A_276 : memref<128x16xf32, #tpu.memory_space<vmem>>) target(%dma_start3A_282 : memref<100096x16xf32, #tpu.memory_space<vmem_shared>>) offsets(%dma_start3A_279 : memref<128xi32, #tpu.memory_space<vmem>>) semaphore(%arg10 : memref<!tpu.dma_semaphore, #tpu.memory_space<semaphore_mem>>) {add = true}
      %dma_start3A_283 = arith.constant 1 : i32
      %dma_start3A_284 = arith.constant 0 : i32
      %dma_start3A_285 = tpu.memref_slice %arg7[%dma_start3A_283, %dma_start3A_284] : memref<8x128xi32, #tpu.memory_space<vmem>> -> memref<1x128xi32, #tpu.memory_space<vmem>>
      %dma_start3A_286 = tpu.memref_squeeze %dma_start3A_285 : memref<1x128xi32, #tpu.memory_space<vmem>> -> memref<128xi32, #tpu.memory_space<vmem>>
      %dma_start3A_287 = arith.constant 0 : i32
      %dma_start3A_288 = tpu.memref_slice %arg13[%dma_start3A_287] : memref<100096xf32, #tpu.memory_space<vmem_shared>> -> memref<100096xf32, #tpu.memory_space<vmem_shared>>
      tpu.enqueue_indirect_dma source(%arg8 : memref<128xf32, #tpu.memory_space<vmem>>) target(%dma_start3A_288 : memref<100096xf32, #tpu.memory_space<vmem_shared>>) offsets(%dma_start3A_286 : memref<128xi32, #tpu.memory_space<vmem>>) semaphore(%arg11 : memref<!tpu.dma_semaphore, #tpu.memory_space<semaphore_mem>>) {add = true}
      %dma_start3A_289 = arith.constant 2 : i32
      %dma_start3A_290 = arith.constant 256 : i32
      %dma_start3A_291 = arith.constant 0 : i32
      %dma_start3A_292 = tpu.memref_slice %arg6[%dma_start3A_290, %dma_start3A_291] : memref<1024x16xf32, #tpu.memory_space<vmem>> -> memref<128x16xf32, #tpu.memory_space<vmem>>
      %dma_start3A_293 = arith.constant 0 : i32
      %dma_start3A_294 = tpu.memref_slice %arg7[%dma_start3A_289, %dma_start3A_293] : memref<8x128xi32, #tpu.memory_space<vmem>> -> memref<1x128xi32, #tpu.memory_space<vmem>>
      %dma_start3A_295 = tpu.memref_squeeze %dma_start3A_294 : memref<1x128xi32, #tpu.memory_space<vmem>> -> memref<128xi32, #tpu.memory_space<vmem>>
      %dma_start3A_296 = arith.constant 0 : i32
      %dma_start3A_297 = arith.constant 0 : i32
      %dma_start3A_298 = tpu.memref_slice %arg12[%dma_start3A_296, %dma_start3A_297] : memref<100096x16xf32, #tpu.memory_space<vmem_shared>> -> memref<100096x16xf32, #tpu.memory_space<vmem_shared>>
      tpu.enqueue_indirect_dma source(%dma_start3A_292 : memref<128x16xf32, #tpu.memory_space<vmem>>) target(%dma_start3A_298 : memref<100096x16xf32, #tpu.memory_space<vmem_shared>>) offsets(%dma_start3A_295 : memref<128xi32, #tpu.memory_space<vmem>>) semaphore(%arg10 : memref<!tpu.dma_semaphore, #tpu.memory_space<semaphore_mem>>) {add = true}
      %dma_start3A_299 = arith.constant 2 : i32
      %dma_start3A_300 = arith.constant 0 : i32
      %dma_start3A_301 = tpu.memref_slice %arg7[%dma_start3A_299, %dma_start3A_300] : memref<8x128xi32, #tpu.memory_space<vmem>> -> memref<1x128xi32, #tpu.memory_space<vmem>>
      %dma_start3A_302 = tpu.memref_squeeze %dma_start3A_301 : memref<1x128xi32, #tpu.memory_space<vmem>> -> memref<128xi32, #tpu.memory_space<vmem>>
      %dma_start3A_303 = arith.constant 0 : i32
      %dma_start3A_304 = tpu.memref_slice %arg13[%dma_start3A_303] : memref<100096xf32, #tpu.memory_space<vmem_shared>> -> memref<100096xf32, #tpu.memory_space<vmem_shared>>
      tpu.enqueue_indirect_dma source(%arg8 : memref<128xf32, #tpu.memory_space<vmem>>) target(%dma_start3A_304 : memref<100096xf32, #tpu.memory_space<vmem_shared>>) offsets(%dma_start3A_302 : memref<128xi32, #tpu.memory_space<vmem>>) semaphore(%arg11 : memref<!tpu.dma_semaphore, #tpu.memory_space<semaphore_mem>>) {add = true}
      %dma_start3A_305 = arith.constant 3 : i32
      %dma_start3A_306 = arith.constant 384 : i32
      %dma_start3A_307 = arith.constant 0 : i32
      %dma_start3A_308 = tpu.memref_slice %arg6[%dma_start3A_306, %dma_start3A_307] : memref<1024x16xf32, #tpu.memory_space<vmem>> -> memref<128x16xf32, #tpu.memory_space<vmem>>
      %dma_start3A_309 = arith.constant 0 : i32
      %dma_start3A_310 = tpu.memref_slice %arg7[%dma_start3A_305, %dma_start3A_309] : memref<8x128xi32, #tpu.memory_space<vmem>> -> memref<1x128xi32, #tpu.memory_space<vmem>>
      %dma_start3A_311 = tpu.memref_squeeze %dma_start3A_310 : memref<1x128xi32, #tpu.memory_space<vmem>> -> memref<128xi32, #tpu.memory_space<vmem>>
      %dma_start3A_312 = arith.constant 0 : i32
      %dma_start3A_313 = arith.constant 0 : i32
      %dma_start3A_314 = tpu.memref_slice %arg12[%dma_start3A_312, %dma_start3A_313] : memref<100096x16xf32, #tpu.memory_space<vmem_shared>> -> memref<100096x16xf32, #tpu.memory_space<vmem_shared>>
      tpu.enqueue_indirect_dma source(%dma_start3A_308 : memref<128x16xf32, #tpu.memory_space<vmem>>) target(%dma_start3A_314 : memref<100096x16xf32, #tpu.memory_space<vmem_shared>>) offsets(%dma_start3A_311 : memref<128xi32, #tpu.memory_space<vmem>>) semaphore(%arg10 : memref<!tpu.dma_semaphore, #tpu.memory_space<semaphore_mem>>) {add = true}
      %dma_start3A_315 = arith.constant 3 : i32
      %dma_start3A_316 = arith.constant 0 : i32
      %dma_start3A_317 = tpu.memref_slice %arg7[%dma_start3A_315, %dma_start3A_316] : memref<8x128xi32, #tpu.memory_space<vmem>> -> memref<1x128xi32, #tpu.memory_space<vmem>>
      %dma_start3A_318 = tpu.memref_squeeze %dma_start3A_317 : memref<1x128xi32, #tpu.memory_space<vmem>> -> memref<128xi32, #tpu.memory_space<vmem>>
      %dma_start3A_319 = arith.constant 0 : i32
      %dma_start3A_320 = tpu.memref_slice %arg13[%dma_start3A_319] : memref<100096xf32, #tpu.memory_space<vmem_shared>> -> memref<100096xf32, #tpu.memory_space<vmem_shared>>
      tpu.enqueue_indirect_dma source(%arg8 : memref<128xf32, #tpu.memory_space<vmem>>) target(%dma_start3A_320 : memref<100096xf32, #tpu.memory_space<vmem_shared>>) offsets(%dma_start3A_318 : memref<128xi32, #tpu.memory_space<vmem>>) semaphore(%arg11 : memref<!tpu.dma_semaphore, #tpu.memory_space<semaphore_mem>>) {add = true}
      %dma_start3A_321 = arith.constant 4 : i32
      %dma_start3A_322 = arith.constant 512 : i32
      %dma_start3A_323 = arith.constant 0 : i32
      %dma_start3A_324 = tpu.memref_slice %arg6[%dma_start3A_322, %dma_start3A_323] : memref<1024x16xf32, #tpu.memory_space<vmem>> -> memref<128x16xf32, #tpu.memory_space<vmem>>
      %dma_start3A_325 = arith.constant 0 : i32
      %dma_start3A_326 = tpu.memref_slice %arg7[%dma_start3A_321, %dma_start3A_325] : memref<8x128xi32, #tpu.memory_space<vmem>> -> memref<1x128xi32, #tpu.memory_space<vmem>>
      %dma_start3A_327 = tpu.memref_squeeze %dma_start3A_326 : memref<1x128xi32, #tpu.memory_space<vmem>> -> memref<128xi32, #tpu.memory_space<vmem>>
      %dma_start3A_328 = arith.constant 0 : i32
      %dma_start3A_329 = arith.constant 0 : i32
      %dma_start3A_330 = tpu.memref_slice %arg12[%dma_start3A_328, %dma_start3A_329] : memref<100096x16xf32, #tpu.memory_space<vmem_shared>> -> memref<100096x16xf32, #tpu.memory_space<vmem_shared>>
      tpu.enqueue_indirect_dma source(%dma_start3A_324 : memref<128x16xf32, #tpu.memory_space<vmem>>) target(%dma_start3A_330 : memref<100096x16xf32, #tpu.memory_space<vmem_shared>>) offsets(%dma_start3A_327 : memref<128xi32, #tpu.memory_space<vmem>>) semaphore(%arg10 : memref<!tpu.dma_semaphore, #tpu.memory_space<semaphore_mem>>) {add = true}
      %dma_start3A_331 = arith.constant 4 : i32
      %dma_start3A_332 = arith.constant 0 : i32
      %dma_start3A_333 = tpu.memref_slice %arg7[%dma_start3A_331, %dma_start3A_332] : memref<8x128xi32, #tpu.memory_space<vmem>> -> memref<1x128xi32, #tpu.memory_space<vmem>>
      %dma_start3A_334 = tpu.memref_squeeze %dma_start3A_333 : memref<1x128xi32, #tpu.memory_space<vmem>> -> memref<128xi32, #tpu.memory_space<vmem>>
      %dma_start3A_335 = arith.constant 0 : i32
      %dma_start3A_336 = tpu.memref_slice %arg13[%dma_start3A_335] : memref<100096xf32, #tpu.memory_space<vmem_shared>> -> memref<100096xf32, #tpu.memory_space<vmem_shared>>
      tpu.enqueue_indirect_dma source(%arg8 : memref<128xf32, #tpu.memory_space<vmem>>) target(%dma_start3A_336 : memref<100096xf32, #tpu.memory_space<vmem_shared>>) offsets(%dma_start3A_334 : memref<128xi32, #tpu.memory_space<vmem>>) semaphore(%arg11 : memref<!tpu.dma_semaphore, #tpu.memory_space<semaphore_mem>>) {add = true}
      %dma_start3A_337 = arith.constant 5 : i32
      %dma_start3A_338 = arith.constant 640 : i32
      %dma_start3A_339 = arith.constant 0 : i32
      %dma_start3A_340 = tpu.memref_slice %arg6[%dma_start3A_338, %dma_start3A_339] : memref<1024x16xf32, #tpu.memory_space<vmem>> -> memref<128x16xf32, #tpu.memory_space<vmem>>
      %dma_start3A_341 = arith.constant 0 : i32
      %dma_start3A_342 = tpu.memref_slice %arg7[%dma_start3A_337, %dma_start3A_341] : memref<8x128xi32, #tpu.memory_space<vmem>> -> memref<1x128xi32, #tpu.memory_space<vmem>>
      %dma_start3A_343 = tpu.memref_squeeze %dma_start3A_342 : memref<1x128xi32, #tpu.memory_space<vmem>> -> memref<128xi32, #tpu.memory_space<vmem>>
      %dma_start3A_344 = arith.constant 0 : i32
      %dma_start3A_345 = arith.constant 0 : i32
      %dma_start3A_346 = tpu.memref_slice %arg12[%dma_start3A_344, %dma_start3A_345] : memref<100096x16xf32, #tpu.memory_space<vmem_shared>> -> memref<100096x16xf32, #tpu.memory_space<vmem_shared>>
      tpu.enqueue_indirect_dma source(%dma_start3A_340 : memref<128x16xf32, #tpu.memory_space<vmem>>) target(%dma_start3A_346 : memref<100096x16xf32, #tpu.memory_space<vmem_shared>>) offsets(%dma_start3A_343 : memref<128xi32, #tpu.memory_space<vmem>>) semaphore(%arg10 : memref<!tpu.dma_semaphore, #tpu.memory_space<semaphore_mem>>) {add = true}
      %dma_start3A_347 = arith.constant 5 : i32
      %dma_start3A_348 = arith.constant 0 : i32
      %dma_start3A_349 = tpu.memref_slice %arg7[%dma_start3A_347, %dma_start3A_348] : memref<8x128xi32, #tpu.memory_space<vmem>> -> memref<1x128xi32, #tpu.memory_space<vmem>>
      %dma_start3A_350 = tpu.memref_squeeze %dma_start3A_349 : memref<1x128xi32, #tpu.memory_space<vmem>> -> memref<128xi32, #tpu.memory_space<vmem>>
      %dma_start3A_351 = arith.constant 0 : i32
      %dma_start3A_352 = tpu.memref_slice %arg13[%dma_start3A_351] : memref<100096xf32, #tpu.memory_space<vmem_shared>> -> memref<100096xf32, #tpu.memory_space<vmem_shared>>
      tpu.enqueue_indirect_dma source(%arg8 : memref<128xf32, #tpu.memory_space<vmem>>) target(%dma_start3A_352 : memref<100096xf32, #tpu.memory_space<vmem_shared>>) offsets(%dma_start3A_350 : memref<128xi32, #tpu.memory_space<vmem>>) semaphore(%arg11 : memref<!tpu.dma_semaphore, #tpu.memory_space<semaphore_mem>>) {add = true}
      %dma_start3A_353 = arith.constant 6 : i32
      %dma_start3A_354 = arith.constant 768 : i32
      %dma_start3A_355 = arith.constant 0 : i32
      %dma_start3A_356 = tpu.memref_slice %arg6[%dma_start3A_354, %dma_start3A_355] : memref<1024x16xf32, #tpu.memory_space<vmem>> -> memref<128x16xf32, #tpu.memory_space<vmem>>
      %dma_start3A_357 = arith.constant 0 : i32
      %dma_start3A_358 = tpu.memref_slice %arg7[%dma_start3A_353, %dma_start3A_357] : memref<8x128xi32, #tpu.memory_space<vmem>> -> memref<1x128xi32, #tpu.memory_space<vmem>>
      %dma_start3A_359 = tpu.memref_squeeze %dma_start3A_358 : memref<1x128xi32, #tpu.memory_space<vmem>> -> memref<128xi32, #tpu.memory_space<vmem>>
      %dma_start3A_360 = arith.constant 0 : i32
      %dma_start3A_361 = arith.constant 0 : i32
      %dma_start3A_362 = tpu.memref_slice %arg12[%dma_start3A_360, %dma_start3A_361] : memref<100096x16xf32, #tpu.memory_space<vmem_shared>> -> memref<100096x16xf32, #tpu.memory_space<vmem_shared>>
      tpu.enqueue_indirect_dma source(%dma_start3A_356 : memref<128x16xf32, #tpu.memory_space<vmem>>) target(%dma_start3A_362 : memref<100096x16xf32, #tpu.memory_space<vmem_shared>>) offsets(%dma_start3A_359 : memref<128xi32, #tpu.memory_space<vmem>>) semaphore(%arg10 : memref<!tpu.dma_semaphore, #tpu.memory_space<semaphore_mem>>) {add = true}
      %dma_start3A_363 = arith.constant 6 : i32
      %dma_start3A_364 = arith.constant 0 : i32
      %dma_start3A_365 = tpu.memref_slice %arg7[%dma_start3A_363, %dma_start3A_364] : memref<8x128xi32, #tpu.memory_space<vmem>> -> memref<1x128xi32, #tpu.memory_space<vmem>>
      %dma_start3A_366 = tpu.memref_squeeze %dma_start3A_365 : memref<1x128xi32, #tpu.memory_space<vmem>> -> memref<128xi32, #tpu.memory_space<vmem>>
      %dma_start3A_367 = arith.constant 0 : i32
      %dma_start3A_368 = tpu.memref_slice %arg13[%dma_start3A_367] : memref<100096xf32, #tpu.memory_space<vmem_shared>> -> memref<100096xf32, #tpu.memory_space<vmem_shared>>
      tpu.enqueue_indirect_dma source(%arg8 : memref<128xf32, #tpu.memory_space<vmem>>) target(%dma_start3A_368 : memref<100096xf32, #tpu.memory_space<vmem_shared>>) offsets(%dma_start3A_366 : memref<128xi32, #tpu.memory_space<vmem>>) semaphore(%arg11 : memref<!tpu.dma_semaphore, #tpu.memory_space<semaphore_mem>>) {add = true}
      %dma_start3A_369 = arith.constant 7 : i32
      %dma_start3A_370 = arith.constant 896 : i32
      %dma_start3A_371 = arith.constant 0 : i32
      %dma_start3A_372 = tpu.memref_slice %arg6[%dma_start3A_370, %dma_start3A_371] : memref<1024x16xf32, #tpu.memory_space<vmem>> -> memref<128x16xf32, #tpu.memory_space<vmem>>
      %dma_start3A_373 = arith.constant 0 : i32
      %dma_start3A_374 = tpu.memref_slice %arg7[%dma_start3A_369, %dma_start3A_373] : memref<8x128xi32, #tpu.memory_space<vmem>> -> memref<1x128xi32, #tpu.memory_space<vmem>>
      %dma_start3A_375 = tpu.memref_squeeze %dma_start3A_374 : memref<1x128xi32, #tpu.memory_space<vmem>> -> memref<128xi32, #tpu.memory_space<vmem>>
      %dma_start3A_376 = arith.constant 0 : i32
      %dma_start3A_377 = arith.constant 0 : i32
      %dma_start3A_378 = tpu.memref_slice %arg12[%dma_start3A_376, %dma_start3A_377] : memref<100096x16xf32, #tpu.memory_space<vmem_shared>> -> memref<100096x16xf32, #tpu.memory_space<vmem_shared>>
      tpu.enqueue_indirect_dma source(%dma_start3A_372 : memref<128x16xf32, #tpu.memory_space<vmem>>) target(%dma_start3A_378 : memref<100096x16xf32, #tpu.memory_space<vmem_shared>>) offsets(%dma_start3A_375 : memref<128xi32, #tpu.memory_space<vmem>>) semaphore(%arg10 : memref<!tpu.dma_semaphore, #tpu.memory_space<semaphore_mem>>) {add = true}
      %dma_start3A_379 = arith.constant 7 : i32
      %dma_start3A_380 = arith.constant 0 : i32
      %dma_start3A_381 = tpu.memref_slice %arg7[%dma_start3A_379, %dma_start3A_380] : memref<8x128xi32, #tpu.memory_space<vmem>> -> memref<1x128xi32, #tpu.memory_space<vmem>>
      %dma_start3A_382 = tpu.memref_squeeze %dma_start3A_381 : memref<1x128xi32, #tpu.memory_space<vmem>> -> memref<128xi32, #tpu.memory_space<vmem>>
      %dma_start3A_383 = arith.constant 0 : i32
      %dma_start3A_384 = tpu.memref_slice %arg13[%dma_start3A_383] : memref<100096xf32, #tpu.memory_space<vmem_shared>> -> memref<100096xf32, #tpu.memory_space<vmem_shared>>
      tpu.enqueue_indirect_dma source(%arg8 : memref<128xf32, #tpu.memory_space<vmem>>) target(%dma_start3A_384 : memref<100096xf32, #tpu.memory_space<vmem_shared>>) offsets(%dma_start3A_382 : memref<128xi32, #tpu.memory_space<vmem>>) semaphore(%arg11 : memref<!tpu.dma_semaphore, #tpu.memory_space<semaphore_mem>>) {add = true}
      %dma_wait3A = arith.constant 0 : i32
      %dma_wait3A_385 = arith.constant 0 : i32
      %dma_wait3A_386 = arith.constant 0 : i32
      %dma_wait3A_387 = tpu.memref_slice %arg6[%dma_wait3A_385, %dma_wait3A_386] : memref<1024x16xf32, #tpu.memory_space<vmem>> -> memref<128x16xf32, #tpu.memory_space<vmem>>
      %dma_wait3A_388 = arith.constant 0 : i32
      %dma_wait3A_389 = tpu.memref_slice %arg7[%dma_wait3A, %dma_wait3A_388] : memref<8x128xi32, #tpu.memory_space<vmem>> -> memref<1x128xi32, #tpu.memory_space<vmem>>
      %dma_wait3A_390 = tpu.memref_squeeze %dma_wait3A_389 : memref<1x128xi32, #tpu.memory_space<vmem>> -> memref<128xi32, #tpu.memory_space<vmem>>
      %dma_wait3A_391 = arith.constant 0 : i32
      %dma_wait3A_392 = arith.constant 0 : i32
      %dma_wait3A_393 = tpu.memref_slice %arg12[%dma_wait3A_391, %dma_wait3A_392] : memref<100096x16xf32, #tpu.memory_space<vmem_shared>> -> memref<100096x16xf32, #tpu.memory_space<vmem_shared>>
      tpu.wait_indirect_dma semaphore(%arg10 : memref<!tpu.dma_semaphore, #tpu.memory_space<semaphore_mem>>) src(%dma_wait3A_387 : memref<128x16xf32, #tpu.memory_space<vmem>>) dst(%dma_wait3A_393 : memref<100096x16xf32, #tpu.memory_space<vmem_shared>>)
      %dma_wait3A_394 = arith.constant 0 : i32
      %dma_wait3A_395 = arith.constant 0 : i32
      %dma_wait3A_396 = tpu.memref_slice %arg7[%dma_wait3A_394, %dma_wait3A_395] : memref<8x128xi32, #tpu.memory_space<vmem>> -> memref<1x128xi32, #tpu.memory_space<vmem>>
      %dma_wait3A_397 = tpu.memref_squeeze %dma_wait3A_396 : memref<1x128xi32, #tpu.memory_space<vmem>> -> memref<128xi32, #tpu.memory_space<vmem>>
      %dma_wait3A_398 = arith.constant 0 : i32
      %dma_wait3A_399 = tpu.memref_slice %arg13[%dma_wait3A_398] : memref<100096xf32, #tpu.memory_space<vmem_shared>> -> memref<100096xf32, #tpu.memory_space<vmem_shared>>
      tpu.wait_indirect_dma semaphore(%arg11 : memref<!tpu.dma_semaphore, #tpu.memory_space<semaphore_mem>>) src(%arg8 : memref<128xf32, #tpu.memory_space<vmem>>) dst(%dma_wait3A_399 : memref<100096xf32, #tpu.memory_space<vmem_shared>>)
      %dma_wait3A_400 = arith.constant 1 : i32
      %dma_wait3A_401 = arith.constant 128 : i32
      %dma_wait3A_402 = arith.constant 0 : i32
      %dma_wait3A_403 = tpu.memref_slice %arg6[%dma_wait3A_401, %dma_wait3A_402] : memref<1024x16xf32, #tpu.memory_space<vmem>> -> memref<128x16xf32, #tpu.memory_space<vmem>>
      %dma_wait3A_404 = arith.constant 0 : i32
      %dma_wait3A_405 = tpu.memref_slice %arg7[%dma_wait3A_400, %dma_wait3A_404] : memref<8x128xi32, #tpu.memory_space<vmem>> -> memref<1x128xi32, #tpu.memory_space<vmem>>
      %dma_wait3A_406 = tpu.memref_squeeze %dma_wait3A_405 : memref<1x128xi32, #tpu.memory_space<vmem>> -> memref<128xi32, #tpu.memory_space<vmem>>
      %dma_wait3A_407 = arith.constant 0 : i32
      %dma_wait3A_408 = arith.constant 0 : i32
      %dma_wait3A_409 = tpu.memref_slice %arg12[%dma_wait3A_407, %dma_wait3A_408] : memref<100096x16xf32, #tpu.memory_space<vmem_shared>> -> memref<100096x16xf32, #tpu.memory_space<vmem_shared>>
      tpu.wait_indirect_dma semaphore(%arg10 : memref<!tpu.dma_semaphore, #tpu.memory_space<semaphore_mem>>) src(%dma_wait3A_403 : memref<128x16xf32, #tpu.memory_space<vmem>>) dst(%dma_wait3A_409 : memref<100096x16xf32, #tpu.memory_space<vmem_shared>>)
      %dma_wait3A_410 = arith.constant 1 : i32
      %dma_wait3A_411 = arith.constant 0 : i32
      %dma_wait3A_412 = tpu.memref_slice %arg7[%dma_wait3A_410, %dma_wait3A_411] : memref<8x128xi32, #tpu.memory_space<vmem>> -> memref<1x128xi32, #tpu.memory_space<vmem>>
      %dma_wait3A_413 = tpu.memref_squeeze %dma_wait3A_412 : memref<1x128xi32, #tpu.memory_space<vmem>> -> memref<128xi32, #tpu.memory_space<vmem>>
      %dma_wait3A_414 = arith.constant 0 : i32
      %dma_wait3A_415 = tpu.memref_slice %arg13[%dma_wait3A_414] : memref<100096xf32, #tpu.memory_space<vmem_shared>> -> memref<100096xf32, #tpu.memory_space<vmem_shared>>
      tpu.wait_indirect_dma semaphore(%arg11 : memref<!tpu.dma_semaphore, #tpu.memory_space<semaphore_mem>>) src(%arg8 : memref<128xf32, #tpu.memory_space<vmem>>) dst(%dma_wait3A_415 : memref<100096xf32, #tpu.memory_space<vmem_shared>>)
      %dma_wait3A_416 = arith.constant 2 : i32
      %dma_wait3A_417 = arith.constant 256 : i32
      %dma_wait3A_418 = arith.constant 0 : i32
      %dma_wait3A_419 = tpu.memref_slice %arg6[%dma_wait3A_417, %dma_wait3A_418] : memref<1024x16xf32, #tpu.memory_space<vmem>> -> memref<128x16xf32, #tpu.memory_space<vmem>>
      %dma_wait3A_420 = arith.constant 0 : i32
      %dma_wait3A_421 = tpu.memref_slice %arg7[%dma_wait3A_416, %dma_wait3A_420] : memref<8x128xi32, #tpu.memory_space<vmem>> -> memref<1x128xi32, #tpu.memory_space<vmem>>
      %dma_wait3A_422 = tpu.memref_squeeze %dma_wait3A_421 : memref<1x128xi32, #tpu.memory_space<vmem>> -> memref<128xi32, #tpu.memory_space<vmem>>
      %dma_wait3A_423 = arith.constant 0 : i32
      %dma_wait3A_424 = arith.constant 0 : i32
      %dma_wait3A_425 = tpu.memref_slice %arg12[%dma_wait3A_423, %dma_wait3A_424] : memref<100096x16xf32, #tpu.memory_space<vmem_shared>> -> memref<100096x16xf32, #tpu.memory_space<vmem_shared>>
      tpu.wait_indirect_dma semaphore(%arg10 : memref<!tpu.dma_semaphore, #tpu.memory_space<semaphore_mem>>) src(%dma_wait3A_419 : memref<128x16xf32, #tpu.memory_space<vmem>>) dst(%dma_wait3A_425 : memref<100096x16xf32, #tpu.memory_space<vmem_shared>>)
      %dma_wait3A_426 = arith.constant 2 : i32
      %dma_wait3A_427 = arith.constant 0 : i32
      %dma_wait3A_428 = tpu.memref_slice %arg7[%dma_wait3A_426, %dma_wait3A_427] : memref<8x128xi32, #tpu.memory_space<vmem>> -> memref<1x128xi32, #tpu.memory_space<vmem>>
      %dma_wait3A_429 = tpu.memref_squeeze %dma_wait3A_428 : memref<1x128xi32, #tpu.memory_space<vmem>> -> memref<128xi32, #tpu.memory_space<vmem>>
      %dma_wait3A_430 = arith.constant 0 : i32
      %dma_wait3A_431 = tpu.memref_slice %arg13[%dma_wait3A_430] : memref<100096xf32, #tpu.memory_space<vmem_shared>> -> memref<100096xf32, #tpu.memory_space<vmem_shared>>
      tpu.wait_indirect_dma semaphore(%arg11 : memref<!tpu.dma_semaphore, #tpu.memory_space<semaphore_mem>>) src(%arg8 : memref<128xf32, #tpu.memory_space<vmem>>) dst(%dma_wait3A_431 : memref<100096xf32, #tpu.memory_space<vmem_shared>>)
      %dma_wait3A_432 = arith.constant 3 : i32
      %dma_wait3A_433 = arith.constant 384 : i32
      %dma_wait3A_434 = arith.constant 0 : i32
      %dma_wait3A_435 = tpu.memref_slice %arg6[%dma_wait3A_433, %dma_wait3A_434] : memref<1024x16xf32, #tpu.memory_space<vmem>> -> memref<128x16xf32, #tpu.memory_space<vmem>>
      %dma_wait3A_436 = arith.constant 0 : i32
      %dma_wait3A_437 = tpu.memref_slice %arg7[%dma_wait3A_432, %dma_wait3A_436] : memref<8x128xi32, #tpu.memory_space<vmem>> -> memref<1x128xi32, #tpu.memory_space<vmem>>
      %dma_wait3A_438 = tpu.memref_squeeze %dma_wait3A_437 : memref<1x128xi32, #tpu.memory_space<vmem>> -> memref<128xi32, #tpu.memory_space<vmem>>
      %dma_wait3A_439 = arith.constant 0 : i32
      %dma_wait3A_440 = arith.constant 0 : i32
      %dma_wait3A_441 = tpu.memref_slice %arg12[%dma_wait3A_439, %dma_wait3A_440] : memref<100096x16xf32, #tpu.memory_space<vmem_shared>> -> memref<100096x16xf32, #tpu.memory_space<vmem_shared>>
      tpu.wait_indirect_dma semaphore(%arg10 : memref<!tpu.dma_semaphore, #tpu.memory_space<semaphore_mem>>) src(%dma_wait3A_435 : memref<128x16xf32, #tpu.memory_space<vmem>>) dst(%dma_wait3A_441 : memref<100096x16xf32, #tpu.memory_space<vmem_shared>>)
      %dma_wait3A_442 = arith.constant 3 : i32
      %dma_wait3A_443 = arith.constant 0 : i32
      %dma_wait3A_444 = tpu.memref_slice %arg7[%dma_wait3A_442, %dma_wait3A_443] : memref<8x128xi32, #tpu.memory_space<vmem>> -> memref<1x128xi32, #tpu.memory_space<vmem>>
      %dma_wait3A_445 = tpu.memref_squeeze %dma_wait3A_444 : memref<1x128xi32, #tpu.memory_space<vmem>> -> memref<128xi32, #tpu.memory_space<vmem>>
      %dma_wait3A_446 = arith.constant 0 : i32
      %dma_wait3A_447 = tpu.memref_slice %arg13[%dma_wait3A_446] : memref<100096xf32, #tpu.memory_space<vmem_shared>> -> memref<100096xf32, #tpu.memory_space<vmem_shared>>
      tpu.wait_indirect_dma semaphore(%arg11 : memref<!tpu.dma_semaphore, #tpu.memory_space<semaphore_mem>>) src(%arg8 : memref<128xf32, #tpu.memory_space<vmem>>) dst(%dma_wait3A_447 : memref<100096xf32, #tpu.memory_space<vmem_shared>>)
      %dma_wait3A_448 = arith.constant 4 : i32
      %dma_wait3A_449 = arith.constant 512 : i32
      %dma_wait3A_450 = arith.constant 0 : i32
      %dma_wait3A_451 = tpu.memref_slice %arg6[%dma_wait3A_449, %dma_wait3A_450] : memref<1024x16xf32, #tpu.memory_space<vmem>> -> memref<128x16xf32, #tpu.memory_space<vmem>>
      %dma_wait3A_452 = arith.constant 0 : i32
      %dma_wait3A_453 = tpu.memref_slice %arg7[%dma_wait3A_448, %dma_wait3A_452] : memref<8x128xi32, #tpu.memory_space<vmem>> -> memref<1x128xi32, #tpu.memory_space<vmem>>
      %dma_wait3A_454 = tpu.memref_squeeze %dma_wait3A_453 : memref<1x128xi32, #tpu.memory_space<vmem>> -> memref<128xi32, #tpu.memory_space<vmem>>
      %dma_wait3A_455 = arith.constant 0 : i32
      %dma_wait3A_456 = arith.constant 0 : i32
      %dma_wait3A_457 = tpu.memref_slice %arg12[%dma_wait3A_455, %dma_wait3A_456] : memref<100096x16xf32, #tpu.memory_space<vmem_shared>> -> memref<100096x16xf32, #tpu.memory_space<vmem_shared>>
      tpu.wait_indirect_dma semaphore(%arg10 : memref<!tpu.dma_semaphore, #tpu.memory_space<semaphore_mem>>) src(%dma_wait3A_451 : memref<128x16xf32, #tpu.memory_space<vmem>>) dst(%dma_wait3A_457 : memref<100096x16xf32, #tpu.memory_space<vmem_shared>>)
      %dma_wait3A_458 = arith.constant 4 : i32
      %dma_wait3A_459 = arith.constant 0 : i32
      %dma_wait3A_460 = tpu.memref_slice %arg7[%dma_wait3A_458, %dma_wait3A_459] : memref<8x128xi32, #tpu.memory_space<vmem>> -> memref<1x128xi32, #tpu.memory_space<vmem>>
      %dma_wait3A_461 = tpu.memref_squeeze %dma_wait3A_460 : memref<1x128xi32, #tpu.memory_space<vmem>> -> memref<128xi32, #tpu.memory_space<vmem>>
      %dma_wait3A_462 = arith.constant 0 : i32
      %dma_wait3A_463 = tpu.memref_slice %arg13[%dma_wait3A_462] : memref<100096xf32, #tpu.memory_space<vmem_shared>> -> memref<100096xf32, #tpu.memory_space<vmem_shared>>
      tpu.wait_indirect_dma semaphore(%arg11 : memref<!tpu.dma_semaphore, #tpu.memory_space<semaphore_mem>>) src(%arg8 : memref<128xf32, #tpu.memory_space<vmem>>) dst(%dma_wait3A_463 : memref<100096xf32, #tpu.memory_space<vmem_shared>>)
      %dma_wait3A_464 = arith.constant 5 : i32
      %dma_wait3A_465 = arith.constant 640 : i32
      %dma_wait3A_466 = arith.constant 0 : i32
      %dma_wait3A_467 = tpu.memref_slice %arg6[%dma_wait3A_465, %dma_wait3A_466] : memref<1024x16xf32, #tpu.memory_space<vmem>> -> memref<128x16xf32, #tpu.memory_space<vmem>>
      %dma_wait3A_468 = arith.constant 0 : i32
      %dma_wait3A_469 = tpu.memref_slice %arg7[%dma_wait3A_464, %dma_wait3A_468] : memref<8x128xi32, #tpu.memory_space<vmem>> -> memref<1x128xi32, #tpu.memory_space<vmem>>
      %dma_wait3A_470 = tpu.memref_squeeze %dma_wait3A_469 : memref<1x128xi32, #tpu.memory_space<vmem>> -> memref<128xi32, #tpu.memory_space<vmem>>
      %dma_wait3A_471 = arith.constant 0 : i32
      %dma_wait3A_472 = arith.constant 0 : i32
      %dma_wait3A_473 = tpu.memref_slice %arg12[%dma_wait3A_471, %dma_wait3A_472] : memref<100096x16xf32, #tpu.memory_space<vmem_shared>> -> memref<100096x16xf32, #tpu.memory_space<vmem_shared>>
      tpu.wait_indirect_dma semaphore(%arg10 : memref<!tpu.dma_semaphore, #tpu.memory_space<semaphore_mem>>) src(%dma_wait3A_467 : memref<128x16xf32, #tpu.memory_space<vmem>>) dst(%dma_wait3A_473 : memref<100096x16xf32, #tpu.memory_space<vmem_shared>>)
      %dma_wait3A_474 = arith.constant 5 : i32
      %dma_wait3A_475 = arith.constant 0 : i32
      %dma_wait3A_476 = tpu.memref_slice %arg7[%dma_wait3A_474, %dma_wait3A_475] : memref<8x128xi32, #tpu.memory_space<vmem>> -> memref<1x128xi32, #tpu.memory_space<vmem>>
      %dma_wait3A_477 = tpu.memref_squeeze %dma_wait3A_476 : memref<1x128xi32, #tpu.memory_space<vmem>> -> memref<128xi32, #tpu.memory_space<vmem>>
      %dma_wait3A_478 = arith.constant 0 : i32
      %dma_wait3A_479 = tpu.memref_slice %arg13[%dma_wait3A_478] : memref<100096xf32, #tpu.memory_space<vmem_shared>> -> memref<100096xf32, #tpu.memory_space<vmem_shared>>
      tpu.wait_indirect_dma semaphore(%arg11 : memref<!tpu.dma_semaphore, #tpu.memory_space<semaphore_mem>>) src(%arg8 : memref<128xf32, #tpu.memory_space<vmem>>) dst(%dma_wait3A_479 : memref<100096xf32, #tpu.memory_space<vmem_shared>>)
      %dma_wait3A_480 = arith.constant 6 : i32
      %dma_wait3A_481 = arith.constant 768 : i32
      %dma_wait3A_482 = arith.constant 0 : i32
      %dma_wait3A_483 = tpu.memref_slice %arg6[%dma_wait3A_481, %dma_wait3A_482] : memref<1024x16xf32, #tpu.memory_space<vmem>> -> memref<128x16xf32, #tpu.memory_space<vmem>>
      %dma_wait3A_484 = arith.constant 0 : i32
      %dma_wait3A_485 = tpu.memref_slice %arg7[%dma_wait3A_480, %dma_wait3A_484] : memref<8x128xi32, #tpu.memory_space<vmem>> -> memref<1x128xi32, #tpu.memory_space<vmem>>
      %dma_wait3A_486 = tpu.memref_squeeze %dma_wait3A_485 : memref<1x128xi32, #tpu.memory_space<vmem>> -> memref<128xi32, #tpu.memory_space<vmem>>
      %dma_wait3A_487 = arith.constant 0 : i32
      %dma_wait3A_488 = arith.constant 0 : i32
      %dma_wait3A_489 = tpu.memref_slice %arg12[%dma_wait3A_487, %dma_wait3A_488] : memref<100096x16xf32, #tpu.memory_space<vmem_shared>> -> memref<100096x16xf32, #tpu.memory_space<vmem_shared>>
      tpu.wait_indirect_dma semaphore(%arg10 : memref<!tpu.dma_semaphore, #tpu.memory_space<semaphore_mem>>) src(%dma_wait3A_483 : memref<128x16xf32, #tpu.memory_space<vmem>>) dst(%dma_wait3A_489 : memref<100096x16xf32, #tpu.memory_space<vmem_shared>>)
      %dma_wait3A_490 = arith.constant 6 : i32
      %dma_wait3A_491 = arith.constant 0 : i32
      %dma_wait3A_492 = tpu.memref_slice %arg7[%dma_wait3A_490, %dma_wait3A_491] : memref<8x128xi32, #tpu.memory_space<vmem>> -> memref<1x128xi32, #tpu.memory_space<vmem>>
      %dma_wait3A_493 = tpu.memref_squeeze %dma_wait3A_492 : memref<1x128xi32, #tpu.memory_space<vmem>> -> memref<128xi32, #tpu.memory_space<vmem>>
      %dma_wait3A_494 = arith.constant 0 : i32
      %dma_wait3A_495 = tpu.memref_slice %arg13[%dma_wait3A_494] : memref<100096xf32, #tpu.memory_space<vmem_shared>> -> memref<100096xf32, #tpu.memory_space<vmem_shared>>
      tpu.wait_indirect_dma semaphore(%arg11 : memref<!tpu.dma_semaphore, #tpu.memory_space<semaphore_mem>>) src(%arg8 : memref<128xf32, #tpu.memory_space<vmem>>) dst(%dma_wait3A_495 : memref<100096xf32, #tpu.memory_space<vmem_shared>>)
      %dma_wait3A_496 = arith.constant 7 : i32
      %dma_wait3A_497 = arith.constant 896 : i32
      %dma_wait3A_498 = arith.constant 0 : i32
      %dma_wait3A_499 = tpu.memref_slice %arg6[%dma_wait3A_497, %dma_wait3A_498] : memref<1024x16xf32, #tpu.memory_space<vmem>> -> memref<128x16xf32, #tpu.memory_space<vmem>>
      %dma_wait3A_500 = arith.constant 0 : i32
      %dma_wait3A_501 = tpu.memref_slice %arg7[%dma_wait3A_496, %dma_wait3A_500] : memref<8x128xi32, #tpu.memory_space<vmem>> -> memref<1x128xi32, #tpu.memory_space<vmem>>
      %dma_wait3A_502 = tpu.memref_squeeze %dma_wait3A_501 : memref<1x128xi32, #tpu.memory_space<vmem>> -> memref<128xi32, #tpu.memory_space<vmem>>
      %dma_wait3A_503 = arith.constant 0 : i32
      %dma_wait3A_504 = arith.constant 0 : i32
      %dma_wait3A_505 = tpu.memref_slice %arg12[%dma_wait3A_503, %dma_wait3A_504] : memref<100096x16xf32, #tpu.memory_space<vmem_shared>> -> memref<100096x16xf32, #tpu.memory_space<vmem_shared>>
      tpu.wait_indirect_dma semaphore(%arg10 : memref<!tpu.dma_semaphore, #tpu.memory_space<semaphore_mem>>) src(%dma_wait3A_499 : memref<128x16xf32, #tpu.memory_space<vmem>>) dst(%dma_wait3A_505 : memref<100096x16xf32, #tpu.memory_space<vmem_shared>>)
      %dma_wait3A_506 = arith.constant 7 : i32
      %dma_wait3A_507 = arith.constant 0 : i32
      %dma_wait3A_508 = tpu.memref_slice %arg7[%dma_wait3A_506, %dma_wait3A_507] : memref<8x128xi32, #tpu.memory_space<vmem>> -> memref<1x128xi32, #tpu.memory_space<vmem>>
      %dma_wait3A_509 = tpu.memref_squeeze %dma_wait3A_508 : memref<1x128xi32, #tpu.memory_space<vmem>> -> memref<128xi32, #tpu.memory_space<vmem>>
      %dma_wait3A_510 = arith.constant 0 : i32
      %dma_wait3A_511 = tpu.memref_slice %arg13[%dma_wait3A_510] : memref<100096xf32, #tpu.memory_space<vmem_shared>> -> memref<100096xf32, #tpu.memory_space<vmem_shared>>
      tpu.wait_indirect_dma semaphore(%arg11 : memref<!tpu.dma_semaphore, #tpu.memory_space<semaphore_mem>>) src(%arg8 : memref<128xf32, #tpu.memory_space<vmem>>) dst(%dma_wait3A_511 : memref<100096xf32, #tpu.memory_space<vmem_shared>>)
      %while3A_512 = arith.constant 0 : i32
      scf.yield %while3A_512 : i32
    }
    %while3A_136 = arith.constant 1 : i32
    %while3A_137 = scf.for %while3A_244 = %while3A_133 to %while3A_129 step %while3A_136 iter_args(%while3A_245 = %while3A_135) -> (i32)  : i32 {
      %mul3A_246 = arith.constant 16 : i32
      %mul3A_247 = arith.muli %mul3A_246, %while3A_244 : i32
      %add3A_248 = arith.addi %mul3A_247, %arg1 : i32
      %mul3A_249 = arith.constant 25000 : i32
      %mul3A_250 = arith.muli %arg0, %mul3A_249 : i32
      %mul3A_251 = arith.constant 8 : i32
      %mul3A_252 = arith.muli %add3A_248, %mul3A_251 : i32
      %add3A_253 = arith.addi %mul3A_250, %mul3A_252 : i32
      %multiple_of3A_254 = tpu.assume_multiple %add3A_253, 8 : i32
      %mul3A_255 = arith.constant 1024 : i32
      %mul3A_256 = arith.muli %add3A_248, %mul3A_255 : i32
      %multiple_of3A_257 = tpu.assume_multiple %mul3A_256, 8 : i32
      "tpu.region"() ({
        %run_scoped3A = tpu.sem_alloc : memref<!tpu.dma_semaphore, #tpu.memory_space<semaphore_mem>>
        %dma_start3A_513 = arith.constant 0 : i32
        %dma_start3A_514 = tpu.memref_slice %arg3[%multiple_of3A_254, %dma_start3A_513] : memref<50000x128xi32, #tpu.memory_space<hbm>> -> memref<8x128xi32, #tpu.memory_space<hbm>>
        %dma_start3A_515 = arith.constant 0 : i32
        %dma_start3A_516 = tpu.memref_slice %arg3[%multiple_of3A_254, %dma_start3A_515] : memref<50000x128xi32, #tpu.memory_space<hbm>> -> memref<8x128xi32, #tpu.memory_space<hbm>>
        tpu.enqueue_dma source(%dma_start3A_516 : memref<8x128xi32, #tpu.memory_space<hbm>>) target(%arg7 : memref<8x128xi32, #tpu.memory_space<vmem>>) target_semaphore(%run_scoped3A : memref<!tpu.dma_semaphore, #tpu.memory_space<semaphore_mem>>)
        %dma_wait3A_517 = arith.constant 0 : i32
        %dma_wait3A_518 = tpu.memref_slice %arg3[%multiple_of3A_254, %dma_wait3A_517] : memref<50000x128xi32, #tpu.memory_space<hbm>> -> memref<8x128xi32, #tpu.memory_space<hbm>>
        %dma_wait3A_519 = arith.constant 0 : i32
        %dma_wait3A_520 = tpu.memref_slice %arg3[%multiple_of3A_254, %dma_wait3A_519] : memref<50000x128xi32, #tpu.memory_space<hbm>> -> memref<8x128xi32, #tpu.memory_space<hbm>>
        tpu.wait_dma2 semaphore(%run_scoped3A : memref<!tpu.dma_semaphore, #tpu.memory_space<semaphore_mem>>) src(%dma_wait3A_520 : memref<8x128xi32, #tpu.memory_space<hbm>>) dst(%arg7 : memref<8x128xi32, #tpu.memory_space<vmem>>)
        tpu.yield
      }) : () -> ()
      "tpu.region"() ({
        %run_scoped3A = tpu.sem_alloc : memref<!tpu.dma_semaphore, #tpu.memory_space<semaphore_mem>>
        %dma_start3A_513 = arith.constant 0 : i32
        %dma_start3A_514 = tpu.memref_slice %arg2[%multiple_of3A_257, %dma_start3A_513] : memref<3200000x16xf32, #tpu.memory_space<hbm>> -> memref<1024x16xf32, #tpu.memory_space<hbm>>
        %dma_start3A_515 = arith.constant 0 : i32
        %dma_start3A_516 = tpu.memref_slice %arg2[%multiple_of3A_257, %dma_start3A_515] : memref<3200000x16xf32, #tpu.memory_space<hbm>> -> memref<1024x16xf32, #tpu.memory_space<hbm>>
        tpu.enqueue_dma source(%dma_start3A_516 : memref<1024x16xf32, #tpu.memory_space<hbm>>) target(%arg6 : memref<1024x16xf32, #tpu.memory_space<vmem>>) target_semaphore(%run_scoped3A : memref<!tpu.dma_semaphore, #tpu.memory_space<semaphore_mem>>)
        %dma_wait3A_517 = arith.constant 0 : i32
        %dma_wait3A_518 = tpu.memref_slice %arg2[%multiple_of3A_257, %dma_wait3A_517] : memref<3200000x16xf32, #tpu.memory_space<hbm>> -> memref<1024x16xf32, #tpu.memory_space<hbm>>
        %dma_wait3A_519 = arith.constant 0 : i32
        %dma_wait3A_520 = tpu.memref_slice %arg2[%multiple_of3A_257, %dma_wait3A_519] : memref<3200000x16xf32, #tpu.memory_space<hbm>> -> memref<1024x16xf32, #tpu.memory_space<hbm>>
        tpu.wait_dma2 semaphore(%run_scoped3A : memref<!tpu.dma_semaphore, #tpu.memory_space<semaphore_mem>>) src(%dma_wait3A_520 : memref<1024x16xf32, #tpu.memory_space<hbm>>) dst(%arg6 : memref<1024x16xf32, #tpu.memory_space<vmem>>)
        tpu.yield
      }) : () -> ()
      %dma_start3A = arith.constant 0 : i32
      %dma_start3A_258 = arith.constant 0 : i32
      %dma_start3A_259 = arith.constant 0 : i32
      %dma_start3A_260 = tpu.memref_slice %arg6[%dma_start3A_258, %dma_start3A_259] : memref<1024x16xf32, #tpu.memory_space<vmem>> -> memref<128x16xf32, #tpu.memory_space<vmem>>
      %dma_start3A_261 = arith.constant 0 : i32
      %dma_start3A_262 = tpu.memref_slice %arg7[%dma_start3A, %dma_start3A_261] : memref<8x128xi32, #tpu.memory_space<vmem>> -> memref<1x128xi32, #tpu.memory_space<vmem>>
      %dma_start3A_263 = tpu.memref_squeeze %dma_start3A_262 : memref<1x128xi32, #tpu.memory_space<vmem>> -> memref<128xi32, #tpu.memory_space<vmem>>
      %dma_start3A_264 = arith.constant 0 : i32
      %dma_start3A_265 = arith.constant 0 : i32
      %dma_start3A_266 = tpu.memref_slice %arg12[%dma_start3A_264, %dma_start3A_265] : memref<100096x16xf32, #tpu.memory_space<vmem_shared>> -> memref<100096x16xf32, #tpu.memory_space<vmem_shared>>
      tpu.enqueue_indirect_dma source(%dma_start3A_260 : memref<128x16xf32, #tpu.memory_space<vmem>>) target(%dma_start3A_266 : memref<100096x16xf32, #tpu.memory_space<vmem_shared>>) offsets(%dma_start3A_263 : memref<128xi32, #tpu.memory_space<vmem>>) semaphore(%arg10 : memref<!tpu.dma_semaphore, #tpu.memory_space<semaphore_mem>>) {add = true}
      %dma_start3A_267 = arith.constant 0 : i32
      %dma_start3A_268 = arith.constant 0 : i32
      %dma_start3A_269 = tpu.memref_slice %arg7[%dma_start3A_267, %dma_start3A_268] : memref<8x128xi32, #tpu.memory_space<vmem>> -> memref<1x128xi32, #tpu.memory_space<vmem>>
      %dma_start3A_270 = tpu.memref_squeeze %dma_start3A_269 : memref<1x128xi32, #tpu.memory_space<vmem>> -> memref<128xi32, #tpu.memory_space<vmem>>
      %dma_start3A_271 = arith.constant 0 : i32
      %dma_start3A_272 = tpu.memref_slice %arg13[%dma_start3A_271] : memref<100096xf32, #tpu.memory_space<vmem_shared>> -> memref<100096xf32, #tpu.memory_space<vmem_shared>>
      tpu.enqueue_indirect_dma source(%arg8 : memref<128xf32, #tpu.memory_space<vmem>>) target(%dma_start3A_272 : memref<100096xf32, #tpu.memory_space<vmem_shared>>) offsets(%dma_start3A_270 : memref<128xi32, #tpu.memory_space<vmem>>) semaphore(%arg11 : memref<!tpu.dma_semaphore, #tpu.memory_space<semaphore_mem>>) {add = true}
      %dma_start3A_273 = arith.constant 1 : i32
      %dma_start3A_274 = arith.constant 128 : i32
      %dma_start3A_275 = arith.constant 0 : i32
      %dma_start3A_276 = tpu.memref_slice %arg6[%dma_start3A_274, %dma_start3A_275] : memref<1024x16xf32, #tpu.memory_space<vmem>> -> memref<128x16xf32, #tpu.memory_space<vmem>>
      %dma_start3A_277 = arith.constant 0 : i32
      %dma_start3A_278 = tpu.memref_slice %arg7[%dma_start3A_273, %dma_start3A_277] : memref<8x128xi32, #tpu.memory_space<vmem>> -> memref<1x128xi32, #tpu.memory_space<vmem>>
      %dma_start3A_279 = tpu.memref_squeeze %dma_start3A_278 : memref<1x128xi32, #tpu.memory_space<vmem>> -> memref<128xi32, #tpu.memory_space<vmem>>
      %dma_start3A_280 = arith.constant 0 : i32
      %dma_start3A_281 = arith.constant 0 : i32
      %dma_start3A_282 = tpu.memref_slice %arg12[%dma_start3A_280, %dma_start3A_281] : memref<100096x16xf32, #tpu.memory_space<vmem_shared>> -> memref<100096x16xf32, #tpu.memory_space<vmem_shared>>
      tpu.enqueue_indirect_dma source(%dma_start3A_276 : memref<128x16xf32, #tpu.memory_space<vmem>>) target(%dma_start3A_282 : memref<100096x16xf32, #tpu.memory_space<vmem_shared>>) offsets(%dma_start3A_279 : memref<128xi32, #tpu.memory_space<vmem>>) semaphore(%arg10 : memref<!tpu.dma_semaphore, #tpu.memory_space<semaphore_mem>>) {add = true}
      %dma_start3A_283 = arith.constant 1 : i32
      %dma_start3A_284 = arith.constant 0 : i32
      %dma_start3A_285 = tpu.memref_slice %arg7[%dma_start3A_283, %dma_start3A_284] : memref<8x128xi32, #tpu.memory_space<vmem>> -> memref<1x128xi32, #tpu.memory_space<vmem>>
      %dma_start3A_286 = tpu.memref_squeeze %dma_start3A_285 : memref<1x128xi32, #tpu.memory_space<vmem>> -> memref<128xi32, #tpu.memory_space<vmem>>
      %dma_start3A_287 = arith.constant 0 : i32
      %dma_start3A_288 = tpu.memref_slice %arg13[%dma_start3A_287] : memref<100096xf32, #tpu.memory_space<vmem_shared>> -> memref<100096xf32, #tpu.memory_space<vmem_shared>>
      tpu.enqueue_indirect_dma source(%arg8 : memref<128xf32, #tpu.memory_space<vmem>>) target(%dma_start3A_288 : memref<100096xf32, #tpu.memory_space<vmem_shared>>) offsets(%dma_start3A_286 : memref<128xi32, #tpu.memory_space<vmem>>) semaphore(%arg11 : memref<!tpu.dma_semaphore, #tpu.memory_space<semaphore_mem>>) {add = true}
      %dma_start3A_289 = arith.constant 2 : i32
      %dma_start3A_290 = arith.constant 256 : i32
      %dma_start3A_291 = arith.constant 0 : i32
      %dma_start3A_292 = tpu.memref_slice %arg6[%dma_start3A_290, %dma_start3A_291] : memref<1024x16xf32, #tpu.memory_space<vmem>> -> memref<128x16xf32, #tpu.memory_space<vmem>>
      %dma_start3A_293 = arith.constant 0 : i32
      %dma_start3A_294 = tpu.memref_slice %arg7[%dma_start3A_289, %dma_start3A_293] : memref<8x128xi32, #tpu.memory_space<vmem>> -> memref<1x128xi32, #tpu.memory_space<vmem>>
      %dma_start3A_295 = tpu.memref_squeeze %dma_start3A_294 : memref<1x128xi32, #tpu.memory_space<vmem>> -> memref<128xi32, #tpu.memory_space<vmem>>
      %dma_start3A_296 = arith.constant 0 : i32
      %dma_start3A_297 = arith.constant 0 : i32
      %dma_start3A_298 = tpu.memref_slice %arg12[%dma_start3A_296, %dma_start3A_297] : memref<100096x16xf32, #tpu.memory_space<vmem_shared>> -> memref<100096x16xf32, #tpu.memory_space<vmem_shared>>
      tpu.enqueue_indirect_dma source(%dma_start3A_292 : memref<128x16xf32, #tpu.memory_space<vmem>>) target(%dma_start3A_298 : memref<100096x16xf32, #tpu.memory_space<vmem_shared>>) offsets(%dma_start3A_295 : memref<128xi32, #tpu.memory_space<vmem>>) semaphore(%arg10 : memref<!tpu.dma_semaphore, #tpu.memory_space<semaphore_mem>>) {add = true}
      %dma_start3A_299 = arith.constant 2 : i32
      %dma_start3A_300 = arith.constant 0 : i32
      %dma_start3A_301 = tpu.memref_slice %arg7[%dma_start3A_299, %dma_start3A_300] : memref<8x128xi32, #tpu.memory_space<vmem>> -> memref<1x128xi32, #tpu.memory_space<vmem>>
      %dma_start3A_302 = tpu.memref_squeeze %dma_start3A_301 : memref<1x128xi32, #tpu.memory_space<vmem>> -> memref<128xi32, #tpu.memory_space<vmem>>
      %dma_start3A_303 = arith.constant 0 : i32
      %dma_start3A_304 = tpu.memref_slice %arg13[%dma_start3A_303] : memref<100096xf32, #tpu.memory_space<vmem_shared>> -> memref<100096xf32, #tpu.memory_space<vmem_shared>>
      tpu.enqueue_indirect_dma source(%arg8 : memref<128xf32, #tpu.memory_space<vmem>>) target(%dma_start3A_304 : memref<100096xf32, #tpu.memory_space<vmem_shared>>) offsets(%dma_start3A_302 : memref<128xi32, #tpu.memory_space<vmem>>) semaphore(%arg11 : memref<!tpu.dma_semaphore, #tpu.memory_space<semaphore_mem>>) {add = true}
      %dma_start3A_305 = arith.constant 3 : i32
      %dma_start3A_306 = arith.constant 384 : i32
      %dma_start3A_307 = arith.constant 0 : i32
      %dma_start3A_308 = tpu.memref_slice %arg6[%dma_start3A_306, %dma_start3A_307] : memref<1024x16xf32, #tpu.memory_space<vmem>> -> memref<128x16xf32, #tpu.memory_space<vmem>>
      %dma_start3A_309 = arith.constant 0 : i32
      %dma_start3A_310 = tpu.memref_slice %arg7[%dma_start3A_305, %dma_start3A_309] : memref<8x128xi32, #tpu.memory_space<vmem>> -> memref<1x128xi32, #tpu.memory_space<vmem>>
      %dma_start3A_311 = tpu.memref_squeeze %dma_start3A_310 : memref<1x128xi32, #tpu.memory_space<vmem>> -> memref<128xi32, #tpu.memory_space<vmem>>
      %dma_start3A_312 = arith.constant 0 : i32
      %dma_start3A_313 = arith.constant 0 : i32
      %dma_start3A_314 = tpu.memref_slice %arg12[%dma_start3A_312, %dma_start3A_313] : memref<100096x16xf32, #tpu.memory_space<vmem_shared>> -> memref<100096x16xf32, #tpu.memory_space<vmem_shared>>
      tpu.enqueue_indirect_dma source(%dma_start3A_308 : memref<128x16xf32, #tpu.memory_space<vmem>>) target(%dma_start3A_314 : memref<100096x16xf32, #tpu.memory_space<vmem_shared>>) offsets(%dma_start3A_311 : memref<128xi32, #tpu.memory_space<vmem>>) semaphore(%arg10 : memref<!tpu.dma_semaphore, #tpu.memory_space<semaphore_mem>>) {add = true}
      %dma_start3A_315 = arith.constant 3 : i32
      %dma_start3A_316 = arith.constant 0 : i32
      %dma_start3A_317 = tpu.memref_slice %arg7[%dma_start3A_315, %dma_start3A_316] : memref<8x128xi32, #tpu.memory_space<vmem>> -> memref<1x128xi32, #tpu.memory_space<vmem>>
      %dma_start3A_318 = tpu.memref_squeeze %dma_start3A_317 : memref<1x128xi32, #tpu.memory_space<vmem>> -> memref<128xi32, #tpu.memory_space<vmem>>
      %dma_start3A_319 = arith.constant 0 : i32
      %dma_start3A_320 = tpu.memref_slice %arg13[%dma_start3A_319] : memref<100096xf32, #tpu.memory_space<vmem_shared>> -> memref<100096xf32, #tpu.memory_space<vmem_shared>>
      tpu.enqueue_indirect_dma source(%arg8 : memref<128xf32, #tpu.memory_space<vmem>>) target(%dma_start3A_320 : memref<100096xf32, #tpu.memory_space<vmem_shared>>) offsets(%dma_start3A_318 : memref<128xi32, #tpu.memory_space<vmem>>) semaphore(%arg11 : memref<!tpu.dma_semaphore, #tpu.memory_space<semaphore_mem>>) {add = true}
      %dma_start3A_321 = arith.constant 4 : i32
      %dma_start3A_322 = arith.constant 512 : i32
      %dma_start3A_323 = arith.constant 0 : i32
      %dma_start3A_324 = tpu.memref_slice %arg6[%dma_start3A_322, %dma_start3A_323] : memref<1024x16xf32, #tpu.memory_space<vmem>> -> memref<128x16xf32, #tpu.memory_space<vmem>>
      %dma_start3A_325 = arith.constant 0 : i32
      %dma_start3A_326 = tpu.memref_slice %arg7[%dma_start3A_321, %dma_start3A_325] : memref<8x128xi32, #tpu.memory_space<vmem>> -> memref<1x128xi32, #tpu.memory_space<vmem>>
      %dma_start3A_327 = tpu.memref_squeeze %dma_start3A_326 : memref<1x128xi32, #tpu.memory_space<vmem>> -> memref<128xi32, #tpu.memory_space<vmem>>
      %dma_start3A_328 = arith.constant 0 : i32
      %dma_start3A_329 = arith.constant 0 : i32
      %dma_start3A_330 = tpu.memref_slice %arg12[%dma_start3A_328, %dma_start3A_329] : memref<100096x16xf32, #tpu.memory_space<vmem_shared>> -> memref<100096x16xf32, #tpu.memory_space<vmem_shared>>
      tpu.enqueue_indirect_dma source(%dma_start3A_324 : memref<128x16xf32, #tpu.memory_space<vmem>>) target(%dma_start3A_330 : memref<100096x16xf32, #tpu.memory_space<vmem_shared>>) offsets(%dma_start3A_327 : memref<128xi32, #tpu.memory_space<vmem>>) semaphore(%arg10 : memref<!tpu.dma_semaphore, #tpu.memory_space<semaphore_mem>>) {add = true}
      %dma_start3A_331 = arith.constant 4 : i32
      %dma_start3A_332 = arith.constant 0 : i32
      %dma_start3A_333 = tpu.memref_slice %arg7[%dma_start3A_331, %dma_start3A_332] : memref<8x128xi32, #tpu.memory_space<vmem>> -> memref<1x128xi32, #tpu.memory_space<vmem>>
      %dma_start3A_334 = tpu.memref_squeeze %dma_start3A_333 : memref<1x128xi32, #tpu.memory_space<vmem>> -> memref<128xi32, #tpu.memory_space<vmem>>
      %dma_start3A_335 = arith.constant 0 : i32
      %dma_start3A_336 = tpu.memref_slice %arg13[%dma_start3A_335] : memref<100096xf32, #tpu.memory_space<vmem_shared>> -> memref<100096xf32, #tpu.memory_space<vmem_shared>>
      tpu.enqueue_indirect_dma source(%arg8 : memref<128xf32, #tpu.memory_space<vmem>>) target(%dma_start3A_336 : memref<100096xf32, #tpu.memory_space<vmem_shared>>) offsets(%dma_start3A_334 : memref<128xi32, #tpu.memory_space<vmem>>) semaphore(%arg11 : memref<!tpu.dma_semaphore, #tpu.memory_space<semaphore_mem>>) {add = true}
      %dma_start3A_337 = arith.constant 5 : i32
      %dma_start3A_338 = arith.constant 640 : i32
      %dma_start3A_339 = arith.constant 0 : i32
      %dma_start3A_340 = tpu.memref_slice %arg6[%dma_start3A_338, %dma_start3A_339] : memref<1024x16xf32, #tpu.memory_space<vmem>> -> memref<128x16xf32, #tpu.memory_space<vmem>>
      %dma_start3A_341 = arith.constant 0 : i32
      %dma_start3A_342 = tpu.memref_slice %arg7[%dma_start3A_337, %dma_start3A_341] : memref<8x128xi32, #tpu.memory_space<vmem>> -> memref<1x128xi32, #tpu.memory_space<vmem>>
      %dma_start3A_343 = tpu.memref_squeeze %dma_start3A_342 : memref<1x128xi32, #tpu.memory_space<vmem>> -> memref<128xi32, #tpu.memory_space<vmem>>
      %dma_start3A_344 = arith.constant 0 : i32
      %dma_start3A_345 = arith.constant 0 : i32
      %dma_start3A_346 = tpu.memref_slice %arg12[%dma_start3A_344, %dma_start3A_345] : memref<100096x16xf32, #tpu.memory_space<vmem_shared>> -> memref<100096x16xf32, #tpu.memory_space<vmem_shared>>
      tpu.enqueue_indirect_dma source(%dma_start3A_340 : memref<128x16xf32, #tpu.memory_space<vmem>>) target(%dma_start3A_346 : memref<100096x16xf32, #tpu.memory_space<vmem_shared>>) offsets(%dma_start3A_343 : memref<128xi32, #tpu.memory_space<vmem>>) semaphore(%arg10 : memref<!tpu.dma_semaphore, #tpu.memory_space<semaphore_mem>>) {add = true}
      %dma_start3A_347 = arith.constant 5 : i32
      %dma_start3A_348 = arith.constant 0 : i32
      %dma_start3A_349 = tpu.memref_slice %arg7[%dma_start3A_347, %dma_start3A_348] : memref<8x128xi32, #tpu.memory_space<vmem>> -> memref<1x128xi32, #tpu.memory_space<vmem>>
      %dma_start3A_350 = tpu.memref_squeeze %dma_start3A_349 : memref<1x128xi32, #tpu.memory_space<vmem>> -> memref<128xi32, #tpu.memory_space<vmem>>
      %dma_start3A_351 = arith.constant 0 : i32
      %dma_start3A_352 = tpu.memref_slice %arg13[%dma_start3A_351] : memref<100096xf32, #tpu.memory_space<vmem_shared>> -> memref<100096xf32, #tpu.memory_space<vmem_shared>>
      tpu.enqueue_indirect_dma source(%arg8 : memref<128xf32, #tpu.memory_space<vmem>>) target(%dma_start3A_352 : memref<100096xf32, #tpu.memory_space<vmem_shared>>) offsets(%dma_start3A_350 : memref<128xi32, #tpu.memory_space<vmem>>) semaphore(%arg11 : memref<!tpu.dma_semaphore, #tpu.memory_space<semaphore_mem>>) {add = true}
      %dma_start3A_353 = arith.constant 6 : i32
      %dma_start3A_354 = arith.constant 768 : i32
      %dma_start3A_355 = arith.constant 0 : i32
      %dma_start3A_356 = tpu.memref_slice %arg6[%dma_start3A_354, %dma_start3A_355] : memref<1024x16xf32, #tpu.memory_space<vmem>> -> memref<128x16xf32, #tpu.memory_space<vmem>>
      %dma_start3A_357 = arith.constant 0 : i32
      %dma_start3A_358 = tpu.memref_slice %arg7[%dma_start3A_353, %dma_start3A_357] : memref<8x128xi32, #tpu.memory_space<vmem>> -> memref<1x128xi32, #tpu.memory_space<vmem>>
      %dma_start3A_359 = tpu.memref_squeeze %dma_start3A_358 : memref<1x128xi32, #tpu.memory_space<vmem>> -> memref<128xi32, #tpu.memory_space<vmem>>
      %dma_start3A_360 = arith.constant 0 : i32
      %dma_start3A_361 = arith.constant 0 : i32
      %dma_start3A_362 = tpu.memref_slice %arg12[%dma_start3A_360, %dma_start3A_361] : memref<100096x16xf32, #tpu.memory_space<vmem_shared>> -> memref<100096x16xf32, #tpu.memory_space<vmem_shared>>
      tpu.enqueue_indirect_dma source(%dma_start3A_356 : memref<128x16xf32, #tpu.memory_space<vmem>>) target(%dma_start3A_362 : memref<100096x16xf32, #tpu.memory_space<vmem_shared>>) offsets(%dma_start3A_359 : memref<128xi32, #tpu.memory_space<vmem>>) semaphore(%arg10 : memref<!tpu.dma_semaphore, #tpu.memory_space<semaphore_mem>>) {add = true}
      %dma_start3A_363 = arith.constant 6 : i32
      %dma_start3A_364 = arith.constant 0 : i32
      %dma_start3A_365 = tpu.memref_slice %arg7[%dma_start3A_363, %dma_start3A_364] : memref<8x128xi32, #tpu.memory_space<vmem>> -> memref<1x128xi32, #tpu.memory_space<vmem>>
      %dma_start3A_366 = tpu.memref_squeeze %dma_start3A_365 : memref<1x128xi32, #tpu.memory_space<vmem>> -> memref<128xi32, #tpu.memory_space<vmem>>
      %dma_start3A_367 = arith.constant 0 : i32
      %dma_start3A_368 = tpu.memref_slice %arg13[%dma_start3A_367] : memref<100096xf32, #tpu.memory_space<vmem_shared>> -> memref<100096xf32, #tpu.memory_space<vmem_shared>>
      tpu.enqueue_indirect_dma source(%arg8 : memref<128xf32, #tpu.memory_space<vmem>>) target(%dma_start3A_368 : memref<100096xf32, #tpu.memory_space<vmem_shared>>) offsets(%dma_start3A_366 : memref<128xi32, #tpu.memory_space<vmem>>) semaphore(%arg11 : memref<!tpu.dma_semaphore, #tpu.memory_space<semaphore_mem>>) {add = true}
      %dma_start3A_369 = arith.constant 7 : i32
      %dma_start3A_370 = arith.constant 896 : i32
      %dma_start3A_371 = arith.constant 0 : i32
      %dma_start3A_372 = tpu.memref_slice %arg6[%dma_start3A_370, %dma_start3A_371] : memref<1024x16xf32, #tpu.memory_space<vmem>> -> memref<128x16xf32, #tpu.memory_space<vmem>>
      %dma_start3A_373 = arith.constant 0 : i32
      %dma_start3A_374 = tpu.memref_slice %arg7[%dma_start3A_369, %dma_start3A_373] : memref<8x128xi32, #tpu.memory_space<vmem>> -> memref<1x128xi32, #tpu.memory_space<vmem>>
      %dma_start3A_375 = tpu.memref_squeeze %dma_start3A_374 : memref<1x128xi32, #tpu.memory_space<vmem>> -> memref<128xi32, #tpu.memory_space<vmem>>
      %dma_start3A_376 = arith.constant 0 : i32
      %dma_start3A_377 = arith.constant 0 : i32
      %dma_start3A_378 = tpu.memref_slice %arg12[%dma_start3A_376, %dma_start3A_377] : memref<100096x16xf32, #tpu.memory_space<vmem_shared>> -> memref<100096x16xf32, #tpu.memory_space<vmem_shared>>
      tpu.enqueue_indirect_dma source(%dma_start3A_372 : memref<128x16xf32, #tpu.memory_space<vmem>>) target(%dma_start3A_378 : memref<100096x16xf32, #tpu.memory_space<vmem_shared>>) offsets(%dma_start3A_375 : memref<128xi32, #tpu.memory_space<vmem>>) semaphore(%arg10 : memref<!tpu.dma_semaphore, #tpu.memory_space<semaphore_mem>>) {add = true}
      %dma_start3A_379 = arith.constant 7 : i32
      %dma_start3A_380 = arith.constant 0 : i32
      %dma_start3A_381 = tpu.memref_slice %arg7[%dma_start3A_379, %dma_start3A_380] : memref<8x128xi32, #tpu.memory_space<vmem>> -> memref<1x128xi32, #tpu.memory_space<vmem>>
      %dma_start3A_382 = tpu.memref_squeeze %dma_start3A_381 : memref<1x128xi32, #tpu.memory_space<vmem>> -> memref<128xi32, #tpu.memory_space<vmem>>
      %dma_start3A_383 = arith.constant 0 : i32
      %dma_start3A_384 = tpu.memref_slice %arg13[%dma_start3A_383] : memref<100096xf32, #tpu.memory_space<vmem_shared>> -> memref<100096xf32, #tpu.memory_space<vmem_shared>>
      tpu.enqueue_indirect_dma source(%arg8 : memref<128xf32, #tpu.memory_space<vmem>>) target(%dma_start3A_384 : memref<100096xf32, #tpu.memory_space<vmem_shared>>) offsets(%dma_start3A_382 : memref<128xi32, #tpu.memory_space<vmem>>) semaphore(%arg11 : memref<!tpu.dma_semaphore, #tpu.memory_space<semaphore_mem>>) {add = true}
      %dma_wait3A = arith.constant 0 : i32
      %dma_wait3A_385 = arith.constant 0 : i32
      %dma_wait3A_386 = arith.constant 0 : i32
      %dma_wait3A_387 = tpu.memref_slice %arg6[%dma_wait3A_385, %dma_wait3A_386] : memref<1024x16xf32, #tpu.memory_space<vmem>> -> memref<128x16xf32, #tpu.memory_space<vmem>>
      %dma_wait3A_388 = arith.constant 0 : i32
      %dma_wait3A_389 = tpu.memref_slice %arg7[%dma_wait3A, %dma_wait3A_388] : memref<8x128xi32, #tpu.memory_space<vmem>> -> memref<1x128xi32, #tpu.memory_space<vmem>>
      %dma_wait3A_390 = tpu.memref_squeeze %dma_wait3A_389 : memref<1x128xi32, #tpu.memory_space<vmem>> -> memref<128xi32, #tpu.memory_space<vmem>>
      %dma_wait3A_391 = arith.constant 0 : i32
      %dma_wait3A_392 = arith.constant 0 : i32
      %dma_wait3A_393 = tpu.memref_slice %arg12[%dma_wait3A_391, %dma_wait3A_392] : memref<100096x16xf32, #tpu.memory_space<vmem_shared>> -> memref<100096x16xf32, #tpu.memory_space<vmem_shared>>
      tpu.wait_indirect_dma semaphore(%arg10 : memref<!tpu.dma_semaphore, #tpu.memory_space<semaphore_mem>>) src(%dma_wait3A_387 : memref<128x16xf32, #tpu.memory_space<vmem>>) dst(%dma_wait3A_393 : memref<100096x16xf32, #tpu.memory_space<vmem_shared>>)
      %dma_wait3A_394 = arith.constant 0 : i32
      %dma_wait3A_395 = arith.constant 0 : i32
      %dma_wait3A_396 = tpu.memref_slice %arg7[%dma_wait3A_394, %dma_wait3A_395] : memref<8x128xi32, #tpu.memory_space<vmem>> -> memref<1x128xi32, #tpu.memory_space<vmem>>
      %dma_wait3A_397 = tpu.memref_squeeze %dma_wait3A_396 : memref<1x128xi32, #tpu.memory_space<vmem>> -> memref<128xi32, #tpu.memory_space<vmem>>
      %dma_wait3A_398 = arith.constant 0 : i32
      %dma_wait3A_399 = tpu.memref_slice %arg13[%dma_wait3A_398] : memref<100096xf32, #tpu.memory_space<vmem_shared>> -> memref<100096xf32, #tpu.memory_space<vmem_shared>>
      tpu.wait_indirect_dma semaphore(%arg11 : memref<!tpu.dma_semaphore, #tpu.memory_space<semaphore_mem>>) src(%arg8 : memref<128xf32, #tpu.memory_space<vmem>>) dst(%dma_wait3A_399 : memref<100096xf32, #tpu.memory_space<vmem_shared>>)
      %dma_wait3A_400 = arith.constant 1 : i32
      %dma_wait3A_401 = arith.constant 128 : i32
      %dma_wait3A_402 = arith.constant 0 : i32
      %dma_wait3A_403 = tpu.memref_slice %arg6[%dma_wait3A_401, %dma_wait3A_402] : memref<1024x16xf32, #tpu.memory_space<vmem>> -> memref<128x16xf32, #tpu.memory_space<vmem>>
      %dma_wait3A_404 = arith.constant 0 : i32
      %dma_wait3A_405 = tpu.memref_slice %arg7[%dma_wait3A_400, %dma_wait3A_404] : memref<8x128xi32, #tpu.memory_space<vmem>> -> memref<1x128xi32, #tpu.memory_space<vmem>>
      %dma_wait3A_406 = tpu.memref_squeeze %dma_wait3A_405 : memref<1x128xi32, #tpu.memory_space<vmem>> -> memref<128xi32, #tpu.memory_space<vmem>>
      %dma_wait3A_407 = arith.constant 0 : i32
      %dma_wait3A_408 = arith.constant 0 : i32
      %dma_wait3A_409 = tpu.memref_slice %arg12[%dma_wait3A_407, %dma_wait3A_408] : memref<100096x16xf32, #tpu.memory_space<vmem_shared>> -> memref<100096x16xf32, #tpu.memory_space<vmem_shared>>
      tpu.wait_indirect_dma semaphore(%arg10 : memref<!tpu.dma_semaphore, #tpu.memory_space<semaphore_mem>>) src(%dma_wait3A_403 : memref<128x16xf32, #tpu.memory_space<vmem>>) dst(%dma_wait3A_409 : memref<100096x16xf32, #tpu.memory_space<vmem_shared>>)
      %dma_wait3A_410 = arith.constant 1 : i32
      %dma_wait3A_411 = arith.constant 0 : i32
      %dma_wait3A_412 = tpu.memref_slice %arg7[%dma_wait3A_410, %dma_wait3A_411] : memref<8x128xi32, #tpu.memory_space<vmem>> -> memref<1x128xi32, #tpu.memory_space<vmem>>
      %dma_wait3A_413 = tpu.memref_squeeze %dma_wait3A_412 : memref<1x128xi32, #tpu.memory_space<vmem>> -> memref<128xi32, #tpu.memory_space<vmem>>
      %dma_wait3A_414 = arith.constant 0 : i32
      %dma_wait3A_415 = tpu.memref_slice %arg13[%dma_wait3A_414] : memref<100096xf32, #tpu.memory_space<vmem_shared>> -> memref<100096xf32, #tpu.memory_space<vmem_shared>>
      tpu.wait_indirect_dma semaphore(%arg11 : memref<!tpu.dma_semaphore, #tpu.memory_space<semaphore_mem>>) src(%arg8 : memref<128xf32, #tpu.memory_space<vmem>>) dst(%dma_wait3A_415 : memref<100096xf32, #tpu.memory_space<vmem_shared>>)
      %dma_wait3A_416 = arith.constant 2 : i32
      %dma_wait3A_417 = arith.constant 256 : i32
      %dma_wait3A_418 = arith.constant 0 : i32
      %dma_wait3A_419 = tpu.memref_slice %arg6[%dma_wait3A_417, %dma_wait3A_418] : memref<1024x16xf32, #tpu.memory_space<vmem>> -> memref<128x16xf32, #tpu.memory_space<vmem>>
      %dma_wait3A_420 = arith.constant 0 : i32
      %dma_wait3A_421 = tpu.memref_slice %arg7[%dma_wait3A_416, %dma_wait3A_420] : memref<8x128xi32, #tpu.memory_space<vmem>> -> memref<1x128xi32, #tpu.memory_space<vmem>>
      %dma_wait3A_422 = tpu.memref_squeeze %dma_wait3A_421 : memref<1x128xi32, #tpu.memory_space<vmem>> -> memref<128xi32, #tpu.memory_space<vmem>>
      %dma_wait3A_423 = arith.constant 0 : i32
      %dma_wait3A_424 = arith.constant 0 : i32
      %dma_wait3A_425 = tpu.memref_slice %arg12[%dma_wait3A_423, %dma_wait3A_424] : memref<100096x16xf32, #tpu.memory_space<vmem_shared>> -> memref<100096x16xf32, #tpu.memory_space<vmem_shared>>
      tpu.wait_indirect_dma semaphore(%arg10 : memref<!tpu.dma_semaphore, #tpu.memory_space<semaphore_mem>>) src(%dma_wait3A_419 : memref<128x16xf32, #tpu.memory_space<vmem>>) dst(%dma_wait3A_425 : memref<100096x16xf32, #tpu.memory_space<vmem_shared>>)
      %dma_wait3A_426 = arith.constant 2 : i32
      %dma_wait3A_427 = arith.constant 0 : i32
      %dma_wait3A_428 = tpu.memref_slice %arg7[%dma_wait3A_426, %dma_wait3A_427] : memref<8x128xi32, #tpu.memory_space<vmem>> -> memref<1x128xi32, #tpu.memory_space<vmem>>
      %dma_wait3A_429 = tpu.memref_squeeze %dma_wait3A_428 : memref<1x128xi32, #tpu.memory_space<vmem>> -> memref<128xi32, #tpu.memory_space<vmem>>
      %dma_wait3A_430 = arith.constant 0 : i32
      %dma_wait3A_431 = tpu.memref_slice %arg13[%dma_wait3A_430] : memref<100096xf32, #tpu.memory_space<vmem_shared>> -> memref<100096xf32, #tpu.memory_space<vmem_shared>>
      tpu.wait_indirect_dma semaphore(%arg11 : memref<!tpu.dma_semaphore, #tpu.memory_space<semaphore_mem>>) src(%arg8 : memref<128xf32, #tpu.memory_space<vmem>>) dst(%dma_wait3A_431 : memref<100096xf32, #tpu.memory_space<vmem_shared>>)
      %dma_wait3A_432 = arith.constant 3 : i32
      %dma_wait3A_433 = arith.constant 384 : i32
      %dma_wait3A_434 = arith.constant 0 : i32
      %dma_wait3A_435 = tpu.memref_slice %arg6[%dma_wait3A_433, %dma_wait3A_434] : memref<1024x16xf32, #tpu.memory_space<vmem>> -> memref<128x16xf32, #tpu.memory_space<vmem>>
      %dma_wait3A_436 = arith.constant 0 : i32
      %dma_wait3A_437 = tpu.memref_slice %arg7[%dma_wait3A_432, %dma_wait3A_436] : memref<8x128xi32, #tpu.memory_space<vmem>> -> memref<1x128xi32, #tpu.memory_space<vmem>>
      %dma_wait3A_438 = tpu.memref_squeeze %dma_wait3A_437 : memref<1x128xi32, #tpu.memory_space<vmem>> -> memref<128xi32, #tpu.memory_space<vmem>>
      %dma_wait3A_439 = arith.constant 0 : i32
      %dma_wait3A_440 = arith.constant 0 : i32
      %dma_wait3A_441 = tpu.memref_slice %arg12[%dma_wait3A_439, %dma_wait3A_440] : memref<100096x16xf32, #tpu.memory_space<vmem_shared>> -> memref<100096x16xf32, #tpu.memory_space<vmem_shared>>
      tpu.wait_indirect_dma semaphore(%arg10 : memref<!tpu.dma_semaphore, #tpu.memory_space<semaphore_mem>>) src(%dma_wait3A_435 : memref<128x16xf32, #tpu.memory_space<vmem>>) dst(%dma_wait3A_441 : memref<100096x16xf32, #tpu.memory_space<vmem_shared>>)
      %dma_wait3A_442 = arith.constant 3 : i32
      %dma_wait3A_443 = arith.constant 0 : i32
      %dma_wait3A_444 = tpu.memref_slice %arg7[%dma_wait3A_442, %dma_wait3A_443] : memref<8x128xi32, #tpu.memory_space<vmem>> -> memref<1x128xi32, #tpu.memory_space<vmem>>
      %dma_wait3A_445 = tpu.memref_squeeze %dma_wait3A_444 : memref<1x128xi32, #tpu.memory_space<vmem>> -> memref<128xi32, #tpu.memory_space<vmem>>
      %dma_wait3A_446 = arith.constant 0 : i32
      %dma_wait3A_447 = tpu.memref_slice %arg13[%dma_wait3A_446] : memref<100096xf32, #tpu.memory_space<vmem_shared>> -> memref<100096xf32, #tpu.memory_space<vmem_shared>>
      tpu.wait_indirect_dma semaphore(%arg11 : memref<!tpu.dma_semaphore, #tpu.memory_space<semaphore_mem>>) src(%arg8 : memref<128xf32, #tpu.memory_space<vmem>>) dst(%dma_wait3A_447 : memref<100096xf32, #tpu.memory_space<vmem_shared>>)
      %dma_wait3A_448 = arith.constant 4 : i32
      %dma_wait3A_449 = arith.constant 512 : i32
      %dma_wait3A_450 = arith.constant 0 : i32
      %dma_wait3A_451 = tpu.memref_slice %arg6[%dma_wait3A_449, %dma_wait3A_450] : memref<1024x16xf32, #tpu.memory_space<vmem>> -> memref<128x16xf32, #tpu.memory_space<vmem>>
      %dma_wait3A_452 = arith.constant 0 : i32
      %dma_wait3A_453 = tpu.memref_slice %arg7[%dma_wait3A_448, %dma_wait3A_452] : memref<8x128xi32, #tpu.memory_space<vmem>> -> memref<1x128xi32, #tpu.memory_space<vmem>>
      %dma_wait3A_454 = tpu.memref_squeeze %dma_wait3A_453 : memref<1x128xi32, #tpu.memory_space<vmem>> -> memref<128xi32, #tpu.memory_space<vmem>>
      %dma_wait3A_455 = arith.constant 0 : i32
      %dma_wait3A_456 = arith.constant 0 : i32
      %dma_wait3A_457 = tpu.memref_slice %arg12[%dma_wait3A_455, %dma_wait3A_456] : memref<100096x16xf32, #tpu.memory_space<vmem_shared>> -> memref<100096x16xf32, #tpu.memory_space<vmem_shared>>
      tpu.wait_indirect_dma semaphore(%arg10 : memref<!tpu.dma_semaphore, #tpu.memory_space<semaphore_mem>>) src(%dma_wait3A_451 : memref<128x16xf32, #tpu.memory_space<vmem>>) dst(%dma_wait3A_457 : memref<100096x16xf32, #tpu.memory_space<vmem_shared>>)
      %dma_wait3A_458 = arith.constant 4 : i32
      %dma_wait3A_459 = arith.constant 0 : i32
      %dma_wait3A_460 = tpu.memref_slice %arg7[%dma_wait3A_458, %dma_wait3A_459] : memref<8x128xi32, #tpu.memory_space<vmem>> -> memref<1x128xi32, #tpu.memory_space<vmem>>
      %dma_wait3A_461 = tpu.memref_squeeze %dma_wait3A_460 : memref<1x128xi32, #tpu.memory_space<vmem>> -> memref<128xi32, #tpu.memory_space<vmem>>
      %dma_wait3A_462 = arith.constant 0 : i32
      %dma_wait3A_463 = tpu.memref_slice %arg13[%dma_wait3A_462] : memref<100096xf32, #tpu.memory_space<vmem_shared>> -> memref<100096xf32, #tpu.memory_space<vmem_shared>>
      tpu.wait_indirect_dma semaphore(%arg11 : memref<!tpu.dma_semaphore, #tpu.memory_space<semaphore_mem>>) src(%arg8 : memref<128xf32, #tpu.memory_space<vmem>>) dst(%dma_wait3A_463 : memref<100096xf32, #tpu.memory_space<vmem_shared>>)
      %dma_wait3A_464 = arith.constant 5 : i32
      %dma_wait3A_465 = arith.constant 640 : i32
      %dma_wait3A_466 = arith.constant 0 : i32
      %dma_wait3A_467 = tpu.memref_slice %arg6[%dma_wait3A_465, %dma_wait3A_466] : memref<1024x16xf32, #tpu.memory_space<vmem>> -> memref<128x16xf32, #tpu.memory_space<vmem>>
      %dma_wait3A_468 = arith.constant 0 : i32
      %dma_wait3A_469 = tpu.memref_slice %arg7[%dma_wait3A_464, %dma_wait3A_468] : memref<8x128xi32, #tpu.memory_space<vmem>> -> memref<1x128xi32, #tpu.memory_space<vmem>>
      %dma_wait3A_470 = tpu.memref_squeeze %dma_wait3A_469 : memref<1x128xi32, #tpu.memory_space<vmem>> -> memref<128xi32, #tpu.memory_space<vmem>>
      %dma_wait3A_471 = arith.constant 0 : i32
      %dma_wait3A_472 = arith.constant 0 : i32
      %dma_wait3A_473 = tpu.memref_slice %arg12[%dma_wait3A_471, %dma_wait3A_472] : memref<100096x16xf32, #tpu.memory_space<vmem_shared>> -> memref<100096x16xf32, #tpu.memory_space<vmem_shared>>
      tpu.wait_indirect_dma semaphore(%arg10 : memref<!tpu.dma_semaphore, #tpu.memory_space<semaphore_mem>>) src(%dma_wait3A_467 : memref<128x16xf32, #tpu.memory_space<vmem>>) dst(%dma_wait3A_473 : memref<100096x16xf32, #tpu.memory_space<vmem_shared>>)
      %dma_wait3A_474 = arith.constant 5 : i32
      %dma_wait3A_475 = arith.constant 0 : i32
      %dma_wait3A_476 = tpu.memref_slice %arg7[%dma_wait3A_474, %dma_wait3A_475] : memref<8x128xi32, #tpu.memory_space<vmem>> -> memref<1x128xi32, #tpu.memory_space<vmem>>
      %dma_wait3A_477 = tpu.memref_squeeze %dma_wait3A_476 : memref<1x128xi32, #tpu.memory_space<vmem>> -> memref<128xi32, #tpu.memory_space<vmem>>
      %dma_wait3A_478 = arith.constant 0 : i32
      %dma_wait3A_479 = tpu.memref_slice %arg13[%dma_wait3A_478] : memref<100096xf32, #tpu.memory_space<vmem_shared>> -> memref<100096xf32, #tpu.memory_space<vmem_shared>>
      tpu.wait_indirect_dma semaphore(%arg11 : memref<!tpu.dma_semaphore, #tpu.memory_space<semaphore_mem>>) src(%arg8 : memref<128xf32, #tpu.memory_space<vmem>>) dst(%dma_wait3A_479 : memref<100096xf32, #tpu.memory_space<vmem_shared>>)
      %dma_wait3A_480 = arith.constant 6 : i32
      %dma_wait3A_481 = arith.constant 768 : i32
      %dma_wait3A_482 = arith.constant 0 : i32
      %dma_wait3A_483 = tpu.memref_slice %arg6[%dma_wait3A_481, %dma_wait3A_482] : memref<1024x16xf32, #tpu.memory_space<vmem>> -> memref<128x16xf32, #tpu.memory_space<vmem>>
      %dma_wait3A_484 = arith.constant 0 : i32
      %dma_wait3A_485 = tpu.memref_slice %arg7[%dma_wait3A_480, %dma_wait3A_484] : memref<8x128xi32, #tpu.memory_space<vmem>> -> memref<1x128xi32, #tpu.memory_space<vmem>>
      %dma_wait3A_486 = tpu.memref_squeeze %dma_wait3A_485 : memref<1x128xi32, #tpu.memory_space<vmem>> -> memref<128xi32, #tpu.memory_space<vmem>>
      %dma_wait3A_487 = arith.constant 0 : i32
      %dma_wait3A_488 = arith.constant 0 : i32
      %dma_wait3A_489 = tpu.memref_slice %arg12[%dma_wait3A_487, %dma_wait3A_488] : memref<100096x16xf32, #tpu.memory_space<vmem_shared>> -> memref<100096x16xf32, #tpu.memory_space<vmem_shared>>
      tpu.wait_indirect_dma semaphore(%arg10 : memref<!tpu.dma_semaphore, #tpu.memory_space<semaphore_mem>>) src(%dma_wait3A_483 : memref<128x16xf32, #tpu.memory_space<vmem>>) dst(%dma_wait3A_489 : memref<100096x16xf32, #tpu.memory_space<vmem_shared>>)
      %dma_wait3A_490 = arith.constant 6 : i32
      %dma_wait3A_491 = arith.constant 0 : i32
      %dma_wait3A_492 = tpu.memref_slice %arg7[%dma_wait3A_490, %dma_wait3A_491] : memref<8x128xi32, #tpu.memory_space<vmem>> -> memref<1x128xi32, #tpu.memory_space<vmem>>
      %dma_wait3A_493 = tpu.memref_squeeze %dma_wait3A_492 : memref<1x128xi32, #tpu.memory_space<vmem>> -> memref<128xi32, #tpu.memory_space<vmem>>
      %dma_wait3A_494 = arith.constant 0 : i32
      %dma_wait3A_495 = tpu.memref_slice %arg13[%dma_wait3A_494] : memref<100096xf32, #tpu.memory_space<vmem_shared>> -> memref<100096xf32, #tpu.memory_space<vmem_shared>>
      tpu.wait_indirect_dma semaphore(%arg11 : memref<!tpu.dma_semaphore, #tpu.memory_space<semaphore_mem>>) src(%arg8 : memref<128xf32, #tpu.memory_space<vmem>>) dst(%dma_wait3A_495 : memref<100096xf32, #tpu.memory_space<vmem_shared>>)
      %dma_wait3A_496 = arith.constant 7 : i32
      %dma_wait3A_497 = arith.constant 896 : i32
      %dma_wait3A_498 = arith.constant 0 : i32
      %dma_wait3A_499 = tpu.memref_slice %arg6[%dma_wait3A_497, %dma_wait3A_498] : memref<1024x16xf32, #tpu.memory_space<vmem>> -> memref<128x16xf32, #tpu.memory_space<vmem>>
      %dma_wait3A_500 = arith.constant 0 : i32
      %dma_wait3A_501 = tpu.memref_slice %arg7[%dma_wait3A_496, %dma_wait3A_500] : memref<8x128xi32, #tpu.memory_space<vmem>> -> memref<1x128xi32, #tpu.memory_space<vmem>>
      %dma_wait3A_502 = tpu.memref_squeeze %dma_wait3A_501 : memref<1x128xi32, #tpu.memory_space<vmem>> -> memref<128xi32, #tpu.memory_space<vmem>>
      %dma_wait3A_503 = arith.constant 0 : i32
      %dma_wait3A_504 = arith.constant 0 : i32
      %dma_wait3A_505 = tpu.memref_slice %arg12[%dma_wait3A_503, %dma_wait3A_504] : memref<100096x16xf32, #tpu.memory_space<vmem_shared>> -> memref<100096x16xf32, #tpu.memory_space<vmem_shared>>
      tpu.wait_indirect_dma semaphore(%arg10 : memref<!tpu.dma_semaphore, #tpu.memory_space<semaphore_mem>>) src(%dma_wait3A_499 : memref<128x16xf32, #tpu.memory_space<vmem>>) dst(%dma_wait3A_505 : memref<100096x16xf32, #tpu.memory_space<vmem_shared>>)
      %dma_wait3A_506 = arith.constant 7 : i32
      %dma_wait3A_507 = arith.constant 0 : i32
      %dma_wait3A_508 = tpu.memref_slice %arg7[%dma_wait3A_506, %dma_wait3A_507] : memref<8x128xi32, #tpu.memory_space<vmem>> -> memref<1x128xi32, #tpu.memory_space<vmem>>
      %dma_wait3A_509 = tpu.memref_squeeze %dma_wait3A_508 : memref<1x128xi32, #tpu.memory_space<vmem>> -> memref<128xi32, #tpu.memory_space<vmem>>
      %dma_wait3A_510 = arith.constant 0 : i32
      %dma_wait3A_511 = tpu.memref_slice %arg13[%dma_wait3A_510] : memref<100096xf32, #tpu.memory_space<vmem_shared>> -> memref<100096xf32, #tpu.memory_space<vmem_shared>>
      tpu.wait_indirect_dma semaphore(%arg11 : memref<!tpu.dma_semaphore, #tpu.memory_space<semaphore_mem>>) src(%arg8 : memref<128xf32, #tpu.memory_space<vmem>>) dst(%dma_wait3A_511 : memref<100096xf32, #tpu.memory_space<vmem_shared>>)
      %while3A_512 = arith.constant 0 : i32
      scf.yield %while3A_512 : i32
    }
    %barrier3A_138 = arith.constant 0 : index
    tpu.barrier barrier_id(%barrier3A_138)
    %mul3A_139 = arith.constant 100096 : i32
    %mul3A_140 = arith.muli %arg0, %mul3A_139 : i32
    %add3A_141 = arith.addi %mul3A_140, %mul3A_77 : i32
    %add3A_142 = arith.constant 0 : i32
    %add3A_143 = arith.addi %mul3A_77, %add3A_142 : i32
    %multiple_of3A_144 = tpu.assume_multiple %add3A_143, 8 : i32
    %add3A_145 = arith.constant 0 : i32
    %add3A_146 = arith.addi %add3A_141, %add3A_145 : i32
    %multiple_of3A_147 = tpu.assume_multiple %add3A_146, 8 : i32
    "tpu.region"() ({
      %run_scoped3A = tpu.sem_alloc : memref<!tpu.dma_semaphore, #tpu.memory_space<semaphore_mem>>
      %dma_start3A = arith.constant 0 : i32
      %dma_start3A_244 = arith.constant 0 : i32
      %dma_start3A_245 = tpu.memref_slice %arg6[%dma_start3A, %dma_start3A_244] : memref<1024x16xf32, #tpu.memory_space<vmem>> -> memref<368x16xf32, #tpu.memory_space<vmem>>
      %dma_start3A_246 = arith.constant 0 : i32
      %dma_start3A_247 = tpu.memref_slice %arg12[%multiple_of3A_144, %dma_start3A_246] : memref<100096x16xf32, #tpu.memory_space<vmem_shared>> -> memref<368x16xf32, #tpu.memory_space<vmem_shared>>
      %dma_start3A_248 = arith.constant 0 : i32
      %dma_start3A_249 = arith.constant 0 : i32
      %dma_start3A_250 = tpu.memref_slice %arg6[%dma_start3A_248, %dma_start3A_249] : memref<1024x16xf32, #tpu.memory_space<vmem>> -> memref<368x16xf32, #tpu.memory_space<vmem>>
      %dma_start3A_251 = arith.constant 0 : i32
      %dma_start3A_252 = tpu.memref_slice %arg12[%multiple_of3A_144, %dma_start3A_251] : memref<100096x16xf32, #tpu.memory_space<vmem_shared>> -> memref<368x16xf32, #tpu.memory_space<vmem_shared>>
      tpu.enqueue_dma source(%dma_start3A_252 : memref<368x16xf32, #tpu.memory_space<vmem_shared>>) target(%dma_start3A_250 : memref<368x16xf32, #tpu.memory_space<vmem>>) target_semaphore(%run_scoped3A : memref<!tpu.dma_semaphore, #tpu.memory_space<semaphore_mem>>)
      %dma_wait3A = arith.constant 0 : i32
      %dma_wait3A_253 = arith.constant 0 : i32
      %dma_wait3A_254 = tpu.memref_slice %arg6[%dma_wait3A, %dma_wait3A_253] : memref<1024x16xf32, #tpu.memory_space<vmem>> -> memref<368x16xf32, #tpu.memory_space<vmem>>
      %dma_wait3A_255 = arith.constant 0 : i32
      %dma_wait3A_256 = tpu.memref_slice %arg12[%multiple_of3A_144, %dma_wait3A_255] : memref<100096x16xf32, #tpu.memory_space<vmem_shared>> -> memref<368x16xf32, #tpu.memory_space<vmem_shared>>
      %dma_wait3A_257 = arith.constant 0 : i32
      %dma_wait3A_258 = arith.constant 0 : i32
      %dma_wait3A_259 = tpu.memref_slice %arg6[%dma_wait3A_257, %dma_wait3A_258] : memref<1024x16xf32, #tpu.memory_space<vmem>> -> memref<368x16xf32, #tpu.memory_space<vmem>>
      %dma_wait3A_260 = arith.constant 0 : i32
      %dma_wait3A_261 = tpu.memref_slice %arg12[%multiple_of3A_144, %dma_wait3A_260] : memref<100096x16xf32, #tpu.memory_space<vmem_shared>> -> memref<368x16xf32, #tpu.memory_space<vmem_shared>>
      tpu.wait_dma2 semaphore(%run_scoped3A : memref<!tpu.dma_semaphore, #tpu.memory_space<semaphore_mem>>) src(%dma_wait3A_261 : memref<368x16xf32, #tpu.memory_space<vmem_shared>>) dst(%dma_wait3A_259 : memref<368x16xf32, #tpu.memory_space<vmem>>)
      tpu.yield
    }) : () -> ()
    "tpu.region"() ({
      %run_scoped3A = tpu.sem_alloc : memref<!tpu.dma_semaphore, #tpu.memory_space<semaphore_mem>>
      %dma_start3A = arith.constant 0 : i32
      %dma_start3A_244 = arith.constant 0 : i32
      %dma_start3A_245 = tpu.memref_slice %arg6[%dma_start3A, %dma_start3A_244] : memref<1024x16xf32, #tpu.memory_space<vmem>> -> memref<368x16xf32, #tpu.memory_space<vmem>>
      %dma_start3A_246 = arith.constant 0 : i32
      %dma_start3A_247 = tpu.memref_slice %arg4[%multiple_of3A_147, %dma_start3A_246] : memref<200192x16xf32, #tpu.memory_space<hbm>> -> memref<368x16xf32, #tpu.memory_space<hbm>>
      %dma_start3A_248 = arith.constant 0 : i32
      %dma_start3A_249 = tpu.memref_slice %arg4[%multiple_of3A_147, %dma_start3A_248] : memref<200192x16xf32, #tpu.memory_space<hbm>> -> memref<368x16xf32, #tpu.memory_space<hbm>>
      %dma_start3A_250 = arith.constant 0 : i32
      %dma_start3A_251 = arith.constant 0 : i32
      %dma_start3A_252 = tpu.memref_slice %arg6[%dma_start3A_250, %dma_start3A_251] : memref<1024x16xf32, #tpu.memory_space<vmem>> -> memref<368x16xf32, #tpu.memory_space<vmem>>
      tpu.enqueue_dma source(%dma_start3A_252 : memref<368x16xf32, #tpu.memory_space<vmem>>) target(%dma_start3A_249 : memref<368x16xf32, #tpu.memory_space<hbm>>) target_semaphore(%run_scoped3A : memref<!tpu.dma_semaphore, #tpu.memory_space<semaphore_mem>>)
      %dma_wait3A = arith.constant 0 : i32
      %dma_wait3A_253 = arith.constant 0 : i32
      %dma_wait3A_254 = tpu.memref_slice %arg6[%dma_wait3A, %dma_wait3A_253] : memref<1024x16xf32, #tpu.memory_space<vmem>> -> memref<368x16xf32, #tpu.memory_space<vmem>>
      %dma_wait3A_255 = arith.constant 0 : i32
      %dma_wait3A_256 = tpu.memref_slice %arg4[%multiple_of3A_147, %dma_wait3A_255] : memref<200192x16xf32, #tpu.memory_space<hbm>> -> memref<368x16xf32, #tpu.memory_space<hbm>>
      %dma_wait3A_257 = arith.constant 0 : i32
      %dma_wait3A_258 = tpu.memref_slice %arg4[%multiple_of3A_147, %dma_wait3A_257] : memref<200192x16xf32, #tpu.memory_space<hbm>> -> memref<368x16xf32, #tpu.memory_space<hbm>>
      %dma_wait3A_259 = arith.constant 0 : i32
      %dma_wait3A_260 = arith.constant 0 : i32
      %dma_wait3A_261 = tpu.memref_slice %arg6[%dma_wait3A_259, %dma_wait3A_260] : memref<1024x16xf32, #tpu.memory_space<vmem>> -> memref<368x16xf32, #tpu.memory_space<vmem>>
      tpu.wait_dma2 semaphore(%run_scoped3A : memref<!tpu.dma_semaphore, #tpu.memory_space<semaphore_mem>>) src(%dma_wait3A_261 : memref<368x16xf32, #tpu.memory_space<vmem>>) dst(%dma_wait3A_258 : memref<368x16xf32, #tpu.memory_space<hbm>>)
      tpu.yield
    }) : () -> ()
    "tpu.region"() ({
      %run_scoped3A = tpu.sem_alloc : memref<!tpu.dma_semaphore, #tpu.memory_space<semaphore_mem>>
      %dma_start3A = tpu.memref_slice %arg13[%multiple_of3A_144] : memref<100096xf32, #tpu.memory_space<vmem_shared>> -> memref<368xf32, #tpu.memory_space<vmem_shared>>
      %dma_start3A_244 = tpu.memref_slice %arg13[%multiple_of3A_144] : memref<100096xf32, #tpu.memory_space<vmem_shared>> -> memref<368xf32, #tpu.memory_space<vmem_shared>>
      tpu.enqueue_dma source(%dma_start3A_244 : memref<368xf32, #tpu.memory_space<vmem_shared>>) target(%arg9 : memref<368xf32, #tpu.memory_space<vmem>>) target_semaphore(%run_scoped3A : memref<!tpu.dma_semaphore, #tpu.memory_space<semaphore_mem>>)
      %dma_wait3A = tpu.memref_slice %arg13[%multiple_of3A_144] : memref<100096xf32, #tpu.memory_space<vmem_shared>> -> memref<368xf32, #tpu.memory_space<vmem_shared>>
      %dma_wait3A_245 = tpu.memref_slice %arg13[%multiple_of3A_144] : memref<100096xf32, #tpu.memory_space<vmem_shared>> -> memref<368xf32, #tpu.memory_space<vmem_shared>>
      tpu.wait_dma2 semaphore(%run_scoped3A : memref<!tpu.dma_semaphore, #tpu.memory_space<semaphore_mem>>) src(%dma_wait3A_245 : memref<368xf32, #tpu.memory_space<vmem_shared>>) dst(%arg9 : memref<368xf32, #tpu.memory_space<vmem>>)
      tpu.yield
    }) : () -> ()
    "tpu.region"() ({
      %run_scoped3A = tpu.sem_alloc : memref<!tpu.dma_semaphore, #tpu.memory_space<semaphore_mem>>
      %dma_start3A = tpu.memref_slice %arg5[%multiple_of3A_147] : memref<200192xf32, #tpu.memory_space<hbm>> -> memref<368xf32, #tpu.memory_space<hbm>>
      %dma_start3A_244 = tpu.memref_slice %arg5[%multiple_of3A_147] : memref<200192xf32, #tpu.memory_space<hbm>> -> memref<368xf32, #tpu.memory_space<hbm>>
      tpu.enqueue_dma source(%arg9 : memref<368xf32, #tpu.memory_space<vmem>>) target(%dma_start3A_244 : memref<368xf32, #tpu.memory_space<hbm>>) target_semaphore(%run_scoped3A : memref<!tpu.dma_semaphore, #tpu.memory_space<semaphore_mem>>)
      %dma_wait3A = tpu.memref_slice %arg5[%multiple_of3A_147] : memref<200192xf32, #tpu.memory_space<hbm>> -> memref<368xf32, #tpu.memory_space<hbm>>
      %dma_wait3A_245 = tpu.memref_slice %arg5[%multiple_of3A_147] : memref<200192xf32, #tpu.memory_space<hbm>> -> memref<368xf32, #tpu.memory_space<hbm>>
      tpu.wait_dma2 semaphore(%run_scoped3A : memref<!tpu.dma_semaphore, #tpu.memory_space<semaphore_mem>>) src(%arg9 : memref<368xf32, #tpu.memory_space<vmem>>) dst(%dma_wait3A_245 : memref<368xf32, #tpu.memory_space<hbm>>)
      tpu.yield
    }) : () -> ()
    %add3A_148 = arith.constant 368 : i32
    %add3A_149 = arith.addi %mul3A_77, %add3A_148 : i32
    %multiple_of3A_150 = tpu.assume_multiple %add3A_149, 8 : i32
    %add3A_151 = arith.constant 368 : i32
    %add3A_152 = arith.addi %add3A_141, %add3A_151 : i32
    %multiple_of3A_153 = tpu.assume_multiple %add3A_152, 8 : i32
    "tpu.region"() ({
      %run_scoped3A = tpu.sem_alloc : memref<!tpu.dma_semaphore, #tpu.memory_space<semaphore_mem>>
      %dma_start3A = arith.constant 0 : i32
      %dma_start3A_244 = arith.constant 0 : i32
      %dma_start3A_245 = tpu.memref_slice %arg6[%dma_start3A, %dma_start3A_244] : memref<1024x16xf32, #tpu.memory_space<vmem>> -> memref<368x16xf32, #tpu.memory_space<vmem>>
      %dma_start3A_246 = arith.constant 0 : i32
      %dma_start3A_247 = tpu.memref_slice %arg12[%multiple_of3A_150, %dma_start3A_246] : memref<100096x16xf32, #tpu.memory_space<vmem_shared>> -> memref<368x16xf32, #tpu.memory_space<vmem_shared>>
      %dma_start3A_248 = arith.constant 0 : i32
      %dma_start3A_249 = arith.constant 0 : i32
      %dma_start3A_250 = tpu.memref_slice %arg6[%dma_start3A_248, %dma_start3A_249] : memref<1024x16xf32, #tpu.memory_space<vmem>> -> memref<368x16xf32, #tpu.memory_space<vmem>>
      %dma_start3A_251 = arith.constant 0 : i32
      %dma_start3A_252 = tpu.memref_slice %arg12[%multiple_of3A_150, %dma_start3A_251] : memref<100096x16xf32, #tpu.memory_space<vmem_shared>> -> memref<368x16xf32, #tpu.memory_space<vmem_shared>>
      tpu.enqueue_dma source(%dma_start3A_252 : memref<368x16xf32, #tpu.memory_space<vmem_shared>>) target(%dma_start3A_250 : memref<368x16xf32, #tpu.memory_space<vmem>>) target_semaphore(%run_scoped3A : memref<!tpu.dma_semaphore, #tpu.memory_space<semaphore_mem>>)
      %dma_wait3A = arith.constant 0 : i32
      %dma_wait3A_253 = arith.constant 0 : i32
      %dma_wait3A_254 = tpu.memref_slice %arg6[%dma_wait3A, %dma_wait3A_253] : memref<1024x16xf32, #tpu.memory_space<vmem>> -> memref<368x16xf32, #tpu.memory_space<vmem>>
      %dma_wait3A_255 = arith.constant 0 : i32
      %dma_wait3A_256 = tpu.memref_slice %arg12[%multiple_of3A_150, %dma_wait3A_255] : memref<100096x16xf32, #tpu.memory_space<vmem_shared>> -> memref<368x16xf32, #tpu.memory_space<vmem_shared>>
      %dma_wait3A_257 = arith.constant 0 : i32
      %dma_wait3A_258 = arith.constant 0 : i32
      %dma_wait3A_259 = tpu.memref_slice %arg6[%dma_wait3A_257, %dma_wait3A_258] : memref<1024x16xf32, #tpu.memory_space<vmem>> -> memref<368x16xf32, #tpu.memory_space<vmem>>
      %dma_wait3A_260 = arith.constant 0 : i32
      %dma_wait3A_261 = tpu.memref_slice %arg12[%multiple_of3A_150, %dma_wait3A_260] : memref<100096x16xf32, #tpu.memory_space<vmem_shared>> -> memref<368x16xf32, #tpu.memory_space<vmem_shared>>
      tpu.wait_dma2 semaphore(%run_scoped3A : memref<!tpu.dma_semaphore, #tpu.memory_space<semaphore_mem>>) src(%dma_wait3A_261 : memref<368x16xf32, #tpu.memory_space<vmem_shared>>) dst(%dma_wait3A_259 : memref<368x16xf32, #tpu.memory_space<vmem>>)
      tpu.yield
    }) : () -> ()
    "tpu.region"() ({
      %run_scoped3A = tpu.sem_alloc : memref<!tpu.dma_semaphore, #tpu.memory_space<semaphore_mem>>
      %dma_start3A = arith.constant 0 : i32
      %dma_start3A_244 = arith.constant 0 : i32
      %dma_start3A_245 = tpu.memref_slice %arg6[%dma_start3A, %dma_start3A_244] : memref<1024x16xf32, #tpu.memory_space<vmem>> -> memref<368x16xf32, #tpu.memory_space<vmem>>
      %dma_start3A_246 = arith.constant 0 : i32
      %dma_start3A_247 = tpu.memref_slice %arg4[%multiple_of3A_153, %dma_start3A_246] : memref<200192x16xf32, #tpu.memory_space<hbm>> -> memref<368x16xf32, #tpu.memory_space<hbm>>
      %dma_start3A_248 = arith.constant 0 : i32
      %dma_start3A_249 = tpu.memref_slice %arg4[%multiple_of3A_153, %dma_start3A_248] : memref<200192x16xf32, #tpu.memory_space<hbm>> -> memref<368x16xf32, #tpu.memory_space<hbm>>
      %dma_start3A_250 = arith.constant 0 : i32
      %dma_start3A_251 = arith.constant 0 : i32
      %dma_start3A_252 = tpu.memref_slice %arg6[%dma_start3A_250, %dma_start3A_251] : memref<1024x16xf32, #tpu.memory_space<vmem>> -> memref<368x16xf32, #tpu.memory_space<vmem>>
      tpu.enqueue_dma source(%dma_start3A_252 : memref<368x16xf32, #tpu.memory_space<vmem>>) target(%dma_start3A_249 : memref<368x16xf32, #tpu.memory_space<hbm>>) target_semaphore(%run_scoped3A : memref<!tpu.dma_semaphore, #tpu.memory_space<semaphore_mem>>)
      %dma_wait3A = arith.constant 0 : i32
      %dma_wait3A_253 = arith.constant 0 : i32
      %dma_wait3A_254 = tpu.memref_slice %arg6[%dma_wait3A, %dma_wait3A_253] : memref<1024x16xf32, #tpu.memory_space<vmem>> -> memref<368x16xf32, #tpu.memory_space<vmem>>
      %dma_wait3A_255 = arith.constant 0 : i32
      %dma_wait3A_256 = tpu.memref_slice %arg4[%multiple_of3A_153, %dma_wait3A_255] : memref<200192x16xf32, #tpu.memory_space<hbm>> -> memref<368x16xf32, #tpu.memory_space<hbm>>
      %dma_wait3A_257 = arith.constant 0 : i32
      %dma_wait3A_258 = tpu.memref_slice %arg4[%multiple_of3A_153, %dma_wait3A_257] : memref<200192x16xf32, #tpu.memory_space<hbm>> -> memref<368x16xf32, #tpu.memory_space<hbm>>
      %dma_wait3A_259 = arith.constant 0 : i32
      %dma_wait3A_260 = arith.constant 0 : i32
      %dma_wait3A_261 = tpu.memref_slice %arg6[%dma_wait3A_259, %dma_wait3A_260] : memref<1024x16xf32, #tpu.memory_space<vmem>> -> memref<368x16xf32, #tpu.memory_space<vmem>>
      tpu.wait_dma2 semaphore(%run_scoped3A : memref<!tpu.dma_semaphore, #tpu.memory_space<semaphore_mem>>) src(%dma_wait3A_261 : memref<368x16xf32, #tpu.memory_space<vmem>>) dst(%dma_wait3A_258 : memref<368x16xf32, #tpu.memory_space<hbm>>)
      tpu.yield
    }) : () -> ()
    "tpu.region"() ({
      %run_scoped3A = tpu.sem_alloc : memref<!tpu.dma_semaphore, #tpu.memory_space<semaphore_mem>>
      %dma_start3A = tpu.memref_slice %arg13[%multiple_of3A_150] : memref<100096xf32, #tpu.memory_space<vmem_shared>> -> memref<368xf32, #tpu.memory_space<vmem_shared>>
      %dma_start3A_244 = tpu.memref_slice %arg13[%multiple_of3A_150] : memref<100096xf32, #tpu.memory_space<vmem_shared>> -> memref<368xf32, #tpu.memory_space<vmem_shared>>
      tpu.enqueue_dma source(%dma_start3A_244 : memref<368xf32, #tpu.memory_space<vmem_shared>>) target(%arg9 : memref<368xf32, #tpu.memory_space<vmem>>) target_semaphore(%run_scoped3A : memref<!tpu.dma_semaphore, #tpu.memory_space<semaphore_mem>>)
      %dma_wait3A = tpu.memref_slice %arg13[%multiple_of3A_150] : memref<100096xf32, #tpu.memory_space<vmem_shared>> -> memref<368xf32, #tpu.memory_space<vmem_shared>>
      %dma_wait3A_245 = tpu.memref_slice %arg13[%multiple_of3A_150] : memref<100096xf32, #tpu.memory_space<vmem_shared>> -> memref<368xf32, #tpu.memory_space<vmem_shared>>
      tpu.wait_dma2 semaphore(%run_scoped3A : memref<!tpu.dma_semaphore, #tpu.memory_space<semaphore_mem>>) src(%dma_wait3A_245 : memref<368xf32, #tpu.memory_space<vmem_shared>>) dst(%arg9 : memref<368xf32, #tpu.memory_space<vmem>>)
      tpu.yield
    }) : () -> ()
    "tpu.region"() ({
      %run_scoped3A = tpu.sem_alloc : memref<!tpu.dma_semaphore, #tpu.memory_space<semaphore_mem>>
      %dma_start3A = tpu.memref_slice %arg5[%multiple_of3A_153] : memref<200192xf32, #tpu.memory_space<hbm>> -> memref<368xf32, #tpu.memory_space<hbm>>
      %dma_start3A_244 = tpu.memref_slice %arg5[%multiple_of3A_153] : memref<200192xf32, #tpu.memory_space<hbm>> -> memref<368xf32, #tpu.memory_space<hbm>>
      tpu.enqueue_dma source(%arg9 : memref<368xf32, #tpu.memory_space<vmem>>) target(%dma_start3A_244 : memref<368xf32, #tpu.memory_space<hbm>>) target_semaphore(%run_scoped3A : memref<!tpu.dma_semaphore, #tpu.memory_space<semaphore_mem>>)
      %dma_wait3A = tpu.memref_slice %arg5[%multiple_of3A_153] : memref<200192xf32, #tpu.memory_space<hbm>> -> memref<368xf32, #tpu.memory_space<hbm>>
      %dma_wait3A_245 = tpu.memref_slice %arg5[%multiple_of3A_153] : memref<200192xf32, #tpu.memory_space<hbm>> -> memref<368xf32, #tpu.memory_space<hbm>>
      tpu.wait_dma2 semaphore(%run_scoped3A : memref<!tpu.dma_semaphore, #tpu.memory_space<semaphore_mem>>) src(%arg9 : memref<368xf32, #tpu.memory_space<vmem>>) dst(%dma_wait3A_245 : memref<368xf32, #tpu.memory_space<hbm>>)
      tpu.yield
    }) : () -> ()
    %add3A_154 = arith.constant 736 : i32
    %add3A_155 = arith.addi %mul3A_77, %add3A_154 : i32
    %multiple_of3A_156 = tpu.assume_multiple %add3A_155, 8 : i32
    %add3A_157 = arith.constant 736 : i32
    %add3A_158 = arith.addi %add3A_141, %add3A_157 : i32
    %multiple_of3A_159 = tpu.assume_multiple %add3A_158, 8 : i32
    "tpu.region"() ({
      %run_scoped3A = tpu.sem_alloc : memref<!tpu.dma_semaphore, #tpu.memory_space<semaphore_mem>>
      %dma_start3A = arith.constant 0 : i32
      %dma_start3A_244 = arith.constant 0 : i32
      %dma_start3A_245 = tpu.memref_slice %arg6[%dma_start3A, %dma_start3A_244] : memref<1024x16xf32, #tpu.memory_space<vmem>> -> memref<368x16xf32, #tpu.memory_space<vmem>>
      %dma_start3A_246 = arith.constant 0 : i32
      %dma_start3A_247 = tpu.memref_slice %arg12[%multiple_of3A_156, %dma_start3A_246] : memref<100096x16xf32, #tpu.memory_space<vmem_shared>> -> memref<368x16xf32, #tpu.memory_space<vmem_shared>>
      %dma_start3A_248 = arith.constant 0 : i32
      %dma_start3A_249 = arith.constant 0 : i32
      %dma_start3A_250 = tpu.memref_slice %arg6[%dma_start3A_248, %dma_start3A_249] : memref<1024x16xf32, #tpu.memory_space<vmem>> -> memref<368x16xf32, #tpu.memory_space<vmem>>
      %dma_start3A_251 = arith.constant 0 : i32
      %dma_start3A_252 = tpu.memref_slice %arg12[%multiple_of3A_156, %dma_start3A_251] : memref<100096x16xf32, #tpu.memory_space<vmem_shared>> -> memref<368x16xf32, #tpu.memory_space<vmem_shared>>
      tpu.enqueue_dma source(%dma_start3A_252 : memref<368x16xf32, #tpu.memory_space<vmem_shared>>) target(%dma_start3A_250 : memref<368x16xf32, #tpu.memory_space<vmem>>) target_semaphore(%run_scoped3A : memref<!tpu.dma_semaphore, #tpu.memory_space<semaphore_mem>>)
      %dma_wait3A = arith.constant 0 : i32
      %dma_wait3A_253 = arith.constant 0 : i32
      %dma_wait3A_254 = tpu.memref_slice %arg6[%dma_wait3A, %dma_wait3A_253] : memref<1024x16xf32, #tpu.memory_space<vmem>> -> memref<368x16xf32, #tpu.memory_space<vmem>>
      %dma_wait3A_255 = arith.constant 0 : i32
      %dma_wait3A_256 = tpu.memref_slice %arg12[%multiple_of3A_156, %dma_wait3A_255] : memref<100096x16xf32, #tpu.memory_space<vmem_shared>> -> memref<368x16xf32, #tpu.memory_space<vmem_shared>>
      %dma_wait3A_257 = arith.constant 0 : i32
      %dma_wait3A_258 = arith.constant 0 : i32
      %dma_wait3A_259 = tpu.memref_slice %arg6[%dma_wait3A_257, %dma_wait3A_258] : memref<1024x16xf32, #tpu.memory_space<vmem>> -> memref<368x16xf32, #tpu.memory_space<vmem>>
      %dma_wait3A_260 = arith.constant 0 : i32
      %dma_wait3A_261 = tpu.memref_slice %arg12[%multiple_of3A_156, %dma_wait3A_260] : memref<100096x16xf32, #tpu.memory_space<vmem_shared>> -> memref<368x16xf32, #tpu.memory_space<vmem_shared>>
      tpu.wait_dma2 semaphore(%run_scoped3A : memref<!tpu.dma_semaphore, #tpu.memory_space<semaphore_mem>>) src(%dma_wait3A_261 : memref<368x16xf32, #tpu.memory_space<vmem_shared>>) dst(%dma_wait3A_259 : memref<368x16xf32, #tpu.memory_space<vmem>>)
      tpu.yield
    }) : () -> ()
    "tpu.region"() ({
      %run_scoped3A = tpu.sem_alloc : memref<!tpu.dma_semaphore, #tpu.memory_space<semaphore_mem>>
      %dma_start3A = arith.constant 0 : i32
      %dma_start3A_244 = arith.constant 0 : i32
      %dma_start3A_245 = tpu.memref_slice %arg6[%dma_start3A, %dma_start3A_244] : memref<1024x16xf32, #tpu.memory_space<vmem>> -> memref<368x16xf32, #tpu.memory_space<vmem>>
      %dma_start3A_246 = arith.constant 0 : i32
      %dma_start3A_247 = tpu.memref_slice %arg4[%multiple_of3A_159, %dma_start3A_246] : memref<200192x16xf32, #tpu.memory_space<hbm>> -> memref<368x16xf32, #tpu.memory_space<hbm>>
      %dma_start3A_248 = arith.constant 0 : i32
      %dma_start3A_249 = tpu.memref_slice %arg4[%multiple_of3A_159, %dma_start3A_248] : memref<200192x16xf32, #tpu.memory_space<hbm>> -> memref<368x16xf32, #tpu.memory_space<hbm>>
      %dma_start3A_250 = arith.constant 0 : i32
      %dma_start3A_251 = arith.constant 0 : i32
      %dma_start3A_252 = tpu.memref_slice %arg6[%dma_start3A_250, %dma_start3A_251] : memref<1024x16xf32, #tpu.memory_space<vmem>> -> memref<368x16xf32, #tpu.memory_space<vmem>>
      tpu.enqueue_dma source(%dma_start3A_252 : memref<368x16xf32, #tpu.memory_space<vmem>>) target(%dma_start3A_249 : memref<368x16xf32, #tpu.memory_space<hbm>>) target_semaphore(%run_scoped3A : memref<!tpu.dma_semaphore, #tpu.memory_space<semaphore_mem>>)
      %dma_wait3A = arith.constant 0 : i32
      %dma_wait3A_253 = arith.constant 0 : i32
      %dma_wait3A_254 = tpu.memref_slice %arg6[%dma_wait3A, %dma_wait3A_253] : memref<1024x16xf32, #tpu.memory_space<vmem>> -> memref<368x16xf32, #tpu.memory_space<vmem>>
      %dma_wait3A_255 = arith.constant 0 : i32
      %dma_wait3A_256 = tpu.memref_slice %arg4[%multiple_of3A_159, %dma_wait3A_255] : memref<200192x16xf32, #tpu.memory_space<hbm>> -> memref<368x16xf32, #tpu.memory_space<hbm>>
      %dma_wait3A_257 = arith.constant 0 : i32
      %dma_wait3A_258 = tpu.memref_slice %arg4[%multiple_of3A_159, %dma_wait3A_257] : memref<200192x16xf32, #tpu.memory_space<hbm>> -> memref<368x16xf32, #tpu.memory_space<hbm>>
      %dma_wait3A_259 = arith.constant 0 : i32
      %dma_wait3A_260 = arith.constant 0 : i32
      %dma_wait3A_261 = tpu.memref_slice %arg6[%dma_wait3A_259, %dma_wait3A_260] : memref<1024x16xf32, #tpu.memory_space<vmem>> -> memref<368x16xf32, #tpu.memory_space<vmem>>
      tpu.wait_dma2 semaphore(%run_scoped3A : memref<!tpu.dma_semaphore, #tpu.memory_space<semaphore_mem>>) src(%dma_wait3A_261 : memref<368x16xf32, #tpu.memory_space<vmem>>) dst(%dma_wait3A_258 : memref<368x16xf32, #tpu.memory_space<hbm>>)
      tpu.yield
    }) : () -> ()
    "tpu.region"() ({
      %run_scoped3A = tpu.sem_alloc : memref<!tpu.dma_semaphore, #tpu.memory_space<semaphore_mem>>
      %dma_start3A = tpu.memref_slice %arg13[%multiple_of3A_156] : memref<100096xf32, #tpu.memory_space<vmem_shared>> -> memref<368xf32, #tpu.memory_space<vmem_shared>>
      %dma_start3A_244 = tpu.memref_slice %arg13[%multiple_of3A_156] : memref<100096xf32, #tpu.memory_space<vmem_shared>> -> memref<368xf32, #tpu.memory_space<vmem_shared>>
      tpu.enqueue_dma source(%dma_start3A_244 : memref<368xf32, #tpu.memory_space<vmem_shared>>) target(%arg9 : memref<368xf32, #tpu.memory_space<vmem>>) target_semaphore(%run_scoped3A : memref<!tpu.dma_semaphore, #tpu.memory_space<semaphore_mem>>)
      %dma_wait3A = tpu.memref_slice %arg13[%multiple_of3A_156] : memref<100096xf32, #tpu.memory_space<vmem_shared>> -> memref<368xf32, #tpu.memory_space<vmem_shared>>
      %dma_wait3A_245 = tpu.memref_slice %arg13[%multiple_of3A_156] : memref<100096xf32, #tpu.memory_space<vmem_shared>> -> memref<368xf32, #tpu.memory_space<vmem_shared>>
      tpu.wait_dma2 semaphore(%run_scoped3A : memref<!tpu.dma_semaphore, #tpu.memory_space<semaphore_mem>>) src(%dma_wait3A_245 : memref<368xf32, #tpu.memory_space<vmem_shared>>) dst(%arg9 : memref<368xf32, #tpu.memory_space<vmem>>)
      tpu.yield
    }) : () -> ()
    "tpu.region"() ({
      %run_scoped3A = tpu.sem_alloc : memref<!tpu.dma_semaphore, #tpu.memory_space<semaphore_mem>>
      %dma_start3A = tpu.memref_slice %arg5[%multiple_of3A_159] : memref<200192xf32, #tpu.memory_space<hbm>> -> memref<368xf32, #tpu.memory_space<hbm>>
      %dma_start3A_244 = tpu.memref_slice %arg5[%multiple_of3A_159] : memref<200192xf32, #tpu.memory_space<hbm>> -> memref<368xf32, #tpu.memory_space<hbm>>
      tpu.enqueue_dma source(%arg9 : memref<368xf32, #tpu.memory_space<vmem>>) target(%dma_start3A_244 : memref<368xf32, #tpu.memory_space<hbm>>) target_semaphore(%run_scoped3A : memref<!tpu.dma_semaphore, #tpu.memory_space<semaphore_mem>>)
      %dma_wait3A = tpu.memref_slice %arg5[%multiple_of3A_159] : memref<200192xf32, #tpu.memory_space<hbm>> -> memref<368xf32, #tpu.memory_space<hbm>>
      %dma_wait3A_245 = tpu.memref_slice %arg5[%multiple_of3A_159] : memref<200192xf32, #tpu.memory_space<hbm>> -> memref<368xf32, #tpu.memory_space<hbm>>
      tpu.wait_dma2 semaphore(%run_scoped3A : memref<!tpu.dma_semaphore, #tpu.memory_space<semaphore_mem>>) src(%arg9 : memref<368xf32, #tpu.memory_space<vmem>>) dst(%dma_wait3A_245 : memref<368xf32, #tpu.memory_space<hbm>>)
      tpu.yield
    }) : () -> ()
    %add3A_160 = arith.constant 1104 : i32
    %add3A_161 = arith.addi %mul3A_77, %add3A_160 : i32
    %multiple_of3A_162 = tpu.assume_multiple %add3A_161, 8 : i32
    %add3A_163 = arith.constant 1104 : i32
    %add3A_164 = arith.addi %add3A_141, %add3A_163 : i32
    %multiple_of3A_165 = tpu.assume_multiple %add3A_164, 8 : i32
    "tpu.region"() ({
      %run_scoped3A = tpu.sem_alloc : memref<!tpu.dma_semaphore, #tpu.memory_space<semaphore_mem>>
      %dma_start3A = arith.constant 0 : i32
      %dma_start3A_244 = arith.constant 0 : i32
      %dma_start3A_245 = tpu.memref_slice %arg6[%dma_start3A, %dma_start3A_244] : memref<1024x16xf32, #tpu.memory_space<vmem>> -> memref<368x16xf32, #tpu.memory_space<vmem>>
      %dma_start3A_246 = arith.constant 0 : i32
      %dma_start3A_247 = tpu.memref_slice %arg12[%multiple_of3A_162, %dma_start3A_246] : memref<100096x16xf32, #tpu.memory_space<vmem_shared>> -> memref<368x16xf32, #tpu.memory_space<vmem_shared>>
      %dma_start3A_248 = arith.constant 0 : i32
      %dma_start3A_249 = arith.constant 0 : i32
      %dma_start3A_250 = tpu.memref_slice %arg6[%dma_start3A_248, %dma_start3A_249] : memref<1024x16xf32, #tpu.memory_space<vmem>> -> memref<368x16xf32, #tpu.memory_space<vmem>>
      %dma_start3A_251 = arith.constant 0 : i32
      %dma_start3A_252 = tpu.memref_slice %arg12[%multiple_of3A_162, %dma_start3A_251] : memref<100096x16xf32, #tpu.memory_space<vmem_shared>> -> memref<368x16xf32, #tpu.memory_space<vmem_shared>>
      tpu.enqueue_dma source(%dma_start3A_252 : memref<368x16xf32, #tpu.memory_space<vmem_shared>>) target(%dma_start3A_250 : memref<368x16xf32, #tpu.memory_space<vmem>>) target_semaphore(%run_scoped3A : memref<!tpu.dma_semaphore, #tpu.memory_space<semaphore_mem>>)
      %dma_wait3A = arith.constant 0 : i32
      %dma_wait3A_253 = arith.constant 0 : i32
      %dma_wait3A_254 = tpu.memref_slice %arg6[%dma_wait3A, %dma_wait3A_253] : memref<1024x16xf32, #tpu.memory_space<vmem>> -> memref<368x16xf32, #tpu.memory_space<vmem>>
      %dma_wait3A_255 = arith.constant 0 : i32
      %dma_wait3A_256 = tpu.memref_slice %arg12[%multiple_of3A_162, %dma_wait3A_255] : memref<100096x16xf32, #tpu.memory_space<vmem_shared>> -> memref<368x16xf32, #tpu.memory_space<vmem_shared>>
      %dma_wait3A_257 = arith.constant 0 : i32
      %dma_wait3A_258 = arith.constant 0 : i32
      %dma_wait3A_259 = tpu.memref_slice %arg6[%dma_wait3A_257, %dma_wait3A_258] : memref<1024x16xf32, #tpu.memory_space<vmem>> -> memref<368x16xf32, #tpu.memory_space<vmem>>
      %dma_wait3A_260 = arith.constant 0 : i32
      %dma_wait3A_261 = tpu.memref_slice %arg12[%multiple_of3A_162, %dma_wait3A_260] : memref<100096x16xf32, #tpu.memory_space<vmem_shared>> -> memref<368x16xf32, #tpu.memory_space<vmem_shared>>
      tpu.wait_dma2 semaphore(%run_scoped3A : memref<!tpu.dma_semaphore, #tpu.memory_space<semaphore_mem>>) src(%dma_wait3A_261 : memref<368x16xf32, #tpu.memory_space<vmem_shared>>) dst(%dma_wait3A_259 : memref<368x16xf32, #tpu.memory_space<vmem>>)
      tpu.yield
    }) : () -> ()
    "tpu.region"() ({
      %run_scoped3A = tpu.sem_alloc : memref<!tpu.dma_semaphore, #tpu.memory_space<semaphore_mem>>
      %dma_start3A = arith.constant 0 : i32
      %dma_start3A_244 = arith.constant 0 : i32
      %dma_start3A_245 = tpu.memref_slice %arg6[%dma_start3A, %dma_start3A_244] : memref<1024x16xf32, #tpu.memory_space<vmem>> -> memref<368x16xf32, #tpu.memory_space<vmem>>
      %dma_start3A_246 = arith.constant 0 : i32
      %dma_start3A_247 = tpu.memref_slice %arg4[%multiple_of3A_165, %dma_start3A_246] : memref<200192x16xf32, #tpu.memory_space<hbm>> -> memref<368x16xf32, #tpu.memory_space<hbm>>
      %dma_start3A_248 = arith.constant 0 : i32
      %dma_start3A_249 = tpu.memref_slice %arg4[%multiple_of3A_165, %dma_start3A_248] : memref<200192x16xf32, #tpu.memory_space<hbm>> -> memref<368x16xf32, #tpu.memory_space<hbm>>
      %dma_start3A_250 = arith.constant 0 : i32
      %dma_start3A_251 = arith.constant 0 : i32
      %dma_start3A_252 = tpu.memref_slice %arg6[%dma_start3A_250, %dma_start3A_251] : memref<1024x16xf32, #tpu.memory_space<vmem>> -> memref<368x16xf32, #tpu.memory_space<vmem>>
      tpu.enqueue_dma source(%dma_start3A_252 : memref<368x16xf32, #tpu.memory_space<vmem>>) target(%dma_start3A_249 : memref<368x16xf32, #tpu.memory_space<hbm>>) target_semaphore(%run_scoped3A : memref<!tpu.dma_semaphore, #tpu.memory_space<semaphore_mem>>)
      %dma_wait3A = arith.constant 0 : i32
      %dma_wait3A_253 = arith.constant 0 : i32
      %dma_wait3A_254 = tpu.memref_slice %arg6[%dma_wait3A, %dma_wait3A_253] : memref<1024x16xf32, #tpu.memory_space<vmem>> -> memref<368x16xf32, #tpu.memory_space<vmem>>
      %dma_wait3A_255 = arith.constant 0 : i32
      %dma_wait3A_256 = tpu.memref_slice %arg4[%multiple_of3A_165, %dma_wait3A_255] : memref<200192x16xf32, #tpu.memory_space<hbm>> -> memref<368x16xf32, #tpu.memory_space<hbm>>
      %dma_wait3A_257 = arith.constant 0 : i32
      %dma_wait3A_258 = tpu.memref_slice %arg4[%multiple_of3A_165, %dma_wait3A_257] : memref<200192x16xf32, #tpu.memory_space<hbm>> -> memref<368x16xf32, #tpu.memory_space<hbm>>
      %dma_wait3A_259 = arith.constant 0 : i32
      %dma_wait3A_260 = arith.constant 0 : i32
      %dma_wait3A_261 = tpu.memref_slice %arg6[%dma_wait3A_259, %dma_wait3A_260] : memref<1024x16xf32, #tpu.memory_space<vmem>> -> memref<368x16xf32, #tpu.memory_space<vmem>>
      tpu.wait_dma2 semaphore(%run_scoped3A : memref<!tpu.dma_semaphore, #tpu.memory_space<semaphore_mem>>) src(%dma_wait3A_261 : memref<368x16xf32, #tpu.memory_space<vmem>>) dst(%dma_wait3A_258 : memref<368x16xf32, #tpu.memory_space<hbm>>)
      tpu.yield
    }) : () -> ()
    "tpu.region"() ({
      %run_scoped3A = tpu.sem_alloc : memref<!tpu.dma_semaphore, #tpu.memory_space<semaphore_mem>>
      %dma_start3A = tpu.memref_slice %arg13[%multiple_of3A_162] : memref<100096xf32, #tpu.memory_space<vmem_shared>> -> memref<368xf32, #tpu.memory_space<vmem_shared>>
      %dma_start3A_244 = tpu.memref_slice %arg13[%multiple_of3A_162] : memref<100096xf32, #tpu.memory_space<vmem_shared>> -> memref<368xf32, #tpu.memory_space<vmem_shared>>
      tpu.enqueue_dma source(%dma_start3A_244 : memref<368xf32, #tpu.memory_space<vmem_shared>>) target(%arg9 : memref<368xf32, #tpu.memory_space<vmem>>) target_semaphore(%run_scoped3A : memref<!tpu.dma_semaphore, #tpu.memory_space<semaphore_mem>>)
      %dma_wait3A = tpu.memref_slice %arg13[%multiple_of3A_162] : memref<100096xf32, #tpu.memory_space<vmem_shared>> -> memref<368xf32, #tpu.memory_space<vmem_shared>>
      %dma_wait3A_245 = tpu.memref_slice %arg13[%multiple_of3A_162] : memref<100096xf32, #tpu.memory_space<vmem_shared>> -> memref<368xf32, #tpu.memory_space<vmem_shared>>
      tpu.wait_dma2 semaphore(%run_scoped3A : memref<!tpu.dma_semaphore, #tpu.memory_space<semaphore_mem>>) src(%dma_wait3A_245 : memref<368xf32, #tpu.memory_space<vmem_shared>>) dst(%arg9 : memref<368xf32, #tpu.memory_space<vmem>>)
      tpu.yield
    }) : () -> ()
    "tpu.region"() ({
      %run_scoped3A = tpu.sem_alloc : memref<!tpu.dma_semaphore, #tpu.memory_space<semaphore_mem>>
      %dma_start3A = tpu.memref_slice %arg5[%multiple_of3A_165] : memref<200192xf32, #tpu.memory_space<hbm>> -> memref<368xf32, #tpu.memory_space<hbm>>
      %dma_start3A_244 = tpu.memref_slice %arg5[%multiple_of3A_165] : memref<200192xf32, #tpu.memory_space<hbm>> -> memref<368xf32, #tpu.memory_space<hbm>>
      tpu.enqueue_dma source(%arg9 : memref<368xf32, #tpu.memory_space<vmem>>) target(%dma_start3A_244 : memref<368xf32, #tpu.memory_space<hbm>>) target_semaphore(%run_scoped3A : memref<!tpu.dma_semaphore, #tpu.memory_space<semaphore_mem>>)
      %dma_wait3A = tpu.memref_slice %arg5[%multiple_of3A_165] : memref<200192xf32, #tpu.memory_space<hbm>> -> memref<368xf32, #tpu.memory_space<hbm>>
      %dma_wait3A_245 = tpu.memref_slice %arg5[%multiple_of3A_165] : memref<200192xf32, #tpu.memory_space<hbm>> -> memref<368xf32, #tpu.memory_space<hbm>>
      tpu.wait_dma2 semaphore(%run_scoped3A : memref<!tpu.dma_semaphore, #tpu.memory_space<semaphore_mem>>) src(%arg9 : memref<368xf32, #tpu.memory_space<vmem>>) dst(%dma_wait3A_245 : memref<368xf32, #tpu.memory_space<hbm>>)
      tpu.yield
    }) : () -> ()
    %add3A_166 = arith.constant 1472 : i32
    %add3A_167 = arith.addi %mul3A_77, %add3A_166 : i32
    %multiple_of3A_168 = tpu.assume_multiple %add3A_167, 8 : i32
    %add3A_169 = arith.constant 1472 : i32
    %add3A_170 = arith.addi %add3A_141, %add3A_169 : i32
    %multiple_of3A_171 = tpu.assume_multiple %add3A_170, 8 : i32
    "tpu.region"() ({
      %run_scoped3A = tpu.sem_alloc : memref<!tpu.dma_semaphore, #tpu.memory_space<semaphore_mem>>
      %dma_start3A = arith.constant 0 : i32
      %dma_start3A_244 = arith.constant 0 : i32
      %dma_start3A_245 = tpu.memref_slice %arg6[%dma_start3A, %dma_start3A_244] : memref<1024x16xf32, #tpu.memory_space<vmem>> -> memref<368x16xf32, #tpu.memory_space<vmem>>
      %dma_start3A_246 = arith.constant 0 : i32
      %dma_start3A_247 = tpu.memref_slice %arg12[%multiple_of3A_168, %dma_start3A_246] : memref<100096x16xf32, #tpu.memory_space<vmem_shared>> -> memref<368x16xf32, #tpu.memory_space<vmem_shared>>
      %dma_start3A_248 = arith.constant 0 : i32
      %dma_start3A_249 = arith.constant 0 : i32
      %dma_start3A_250 = tpu.memref_slice %arg6[%dma_start3A_248, %dma_start3A_249] : memref<1024x16xf32, #tpu.memory_space<vmem>> -> memref<368x16xf32, #tpu.memory_space<vmem>>
      %dma_start3A_251 = arith.constant 0 : i32
      %dma_start3A_252 = tpu.memref_slice %arg12[%multiple_of3A_168, %dma_start3A_251] : memref<100096x16xf32, #tpu.memory_space<vmem_shared>> -> memref<368x16xf32, #tpu.memory_space<vmem_shared>>
      tpu.enqueue_dma source(%dma_start3A_252 : memref<368x16xf32, #tpu.memory_space<vmem_shared>>) target(%dma_start3A_250 : memref<368x16xf32, #tpu.memory_space<vmem>>) target_semaphore(%run_scoped3A : memref<!tpu.dma_semaphore, #tpu.memory_space<semaphore_mem>>)
      %dma_wait3A = arith.constant 0 : i32
      %dma_wait3A_253 = arith.constant 0 : i32
      %dma_wait3A_254 = tpu.memref_slice %arg6[%dma_wait3A, %dma_wait3A_253] : memref<1024x16xf32, #tpu.memory_space<vmem>> -> memref<368x16xf32, #tpu.memory_space<vmem>>
      %dma_wait3A_255 = arith.constant 0 : i32
      %dma_wait3A_256 = tpu.memref_slice %arg12[%multiple_of3A_168, %dma_wait3A_255] : memref<100096x16xf32, #tpu.memory_space<vmem_shared>> -> memref<368x16xf32, #tpu.memory_space<vmem_shared>>
      %dma_wait3A_257 = arith.constant 0 : i32
      %dma_wait3A_258 = arith.constant 0 : i32
      %dma_wait3A_259 = tpu.memref_slice %arg6[%dma_wait3A_257, %dma_wait3A_258] : memref<1024x16xf32, #tpu.memory_space<vmem>> -> memref<368x16xf32, #tpu.memory_space<vmem>>
      %dma_wait3A_260 = arith.constant 0 : i32
      %dma_wait3A_261 = tpu.memref_slice %arg12[%multiple_of3A_168, %dma_wait3A_260] : memref<100096x16xf32, #tpu.memory_space<vmem_shared>> -> memref<368x16xf32, #tpu.memory_space<vmem_shared>>
      tpu.wait_dma2 semaphore(%run_scoped3A : memref<!tpu.dma_semaphore, #tpu.memory_space<semaphore_mem>>) src(%dma_wait3A_261 : memref<368x16xf32, #tpu.memory_space<vmem_shared>>) dst(%dma_wait3A_259 : memref<368x16xf32, #tpu.memory_space<vmem>>)
      tpu.yield
    }) : () -> ()
    "tpu.region"() ({
      %run_scoped3A = tpu.sem_alloc : memref<!tpu.dma_semaphore, #tpu.memory_space<semaphore_mem>>
      %dma_start3A = arith.constant 0 : i32
      %dma_start3A_244 = arith.constant 0 : i32
      %dma_start3A_245 = tpu.memref_slice %arg6[%dma_start3A, %dma_start3A_244] : memref<1024x16xf32, #tpu.memory_space<vmem>> -> memref<368x16xf32, #tpu.memory_space<vmem>>
      %dma_start3A_246 = arith.constant 0 : i32
      %dma_start3A_247 = tpu.memref_slice %arg4[%multiple_of3A_171, %dma_start3A_246] : memref<200192x16xf32, #tpu.memory_space<hbm>> -> memref<368x16xf32, #tpu.memory_space<hbm>>
      %dma_start3A_248 = arith.constant 0 : i32
      %dma_start3A_249 = tpu.memref_slice %arg4[%multiple_of3A_171, %dma_start3A_248] : memref<200192x16xf32, #tpu.memory_space<hbm>> -> memref<368x16xf32, #tpu.memory_space<hbm>>
      %dma_start3A_250 = arith.constant 0 : i32
      %dma_start3A_251 = arith.constant 0 : i32
      %dma_start3A_252 = tpu.memref_slice %arg6[%dma_start3A_250, %dma_start3A_251] : memref<1024x16xf32, #tpu.memory_space<vmem>> -> memref<368x16xf32, #tpu.memory_space<vmem>>
      tpu.enqueue_dma source(%dma_start3A_252 : memref<368x16xf32, #tpu.memory_space<vmem>>) target(%dma_start3A_249 : memref<368x16xf32, #tpu.memory_space<hbm>>) target_semaphore(%run_scoped3A : memref<!tpu.dma_semaphore, #tpu.memory_space<semaphore_mem>>)
      %dma_wait3A = arith.constant 0 : i32
      %dma_wait3A_253 = arith.constant 0 : i32
      %dma_wait3A_254 = tpu.memref_slice %arg6[%dma_wait3A, %dma_wait3A_253] : memref<1024x16xf32, #tpu.memory_space<vmem>> -> memref<368x16xf32, #tpu.memory_space<vmem>>
      %dma_wait3A_255 = arith.constant 0 : i32
      %dma_wait3A_256 = tpu.memref_slice %arg4[%multiple_of3A_171, %dma_wait3A_255] : memref<200192x16xf32, #tpu.memory_space<hbm>> -> memref<368x16xf32, #tpu.memory_space<hbm>>
      %dma_wait3A_257 = arith.constant 0 : i32
      %dma_wait3A_258 = tpu.memref_slice %arg4[%multiple_of3A_171, %dma_wait3A_257] : memref<200192x16xf32, #tpu.memory_space<hbm>> -> memref<368x16xf32, #tpu.memory_space<hbm>>
      %dma_wait3A_259 = arith.constant 0 : i32
      %dma_wait3A_260 = arith.constant 0 : i32
      %dma_wait3A_261 = tpu.memref_slice %arg6[%dma_wait3A_259, %dma_wait3A_260] : memref<1024x16xf32, #tpu.memory_space<vmem>> -> memref<368x16xf32, #tpu.memory_space<vmem>>
      tpu.wait_dma2 semaphore(%run_scoped3A : memref<!tpu.dma_semaphore, #tpu.memory_space<semaphore_mem>>) src(%dma_wait3A_261 : memref<368x16xf32, #tpu.memory_space<vmem>>) dst(%dma_wait3A_258 : memref<368x16xf32, #tpu.memory_space<hbm>>)
      tpu.yield
    }) : () -> ()
    "tpu.region"() ({
      %run_scoped3A = tpu.sem_alloc : memref<!tpu.dma_semaphore, #tpu.memory_space<semaphore_mem>>
      %dma_start3A = tpu.memref_slice %arg13[%multiple_of3A_168] : memref<100096xf32, #tpu.memory_space<vmem_shared>> -> memref<368xf32, #tpu.memory_space<vmem_shared>>
      %dma_start3A_244 = tpu.memref_slice %arg13[%multiple_of3A_168] : memref<100096xf32, #tpu.memory_space<vmem_shared>> -> memref<368xf32, #tpu.memory_space<vmem_shared>>
      tpu.enqueue_dma source(%dma_start3A_244 : memref<368xf32, #tpu.memory_space<vmem_shared>>) target(%arg9 : memref<368xf32, #tpu.memory_space<vmem>>) target_semaphore(%run_scoped3A : memref<!tpu.dma_semaphore, #tpu.memory_space<semaphore_mem>>)
      %dma_wait3A = tpu.memref_slice %arg13[%multiple_of3A_168] : memref<100096xf32, #tpu.memory_space<vmem_shared>> -> memref<368xf32, #tpu.memory_space<vmem_shared>>
      %dma_wait3A_245 = tpu.memref_slice %arg13[%multiple_of3A_168] : memref<100096xf32, #tpu.memory_space<vmem_shared>> -> memref<368xf32, #tpu.memory_space<vmem_shared>>
      tpu.wait_dma2 semaphore(%run_scoped3A : memref<!tpu.dma_semaphore, #tpu.memory_space<semaphore_mem>>) src(%dma_wait3A_245 : memref<368xf32, #tpu.memory_space<vmem_shared>>) dst(%arg9 : memref<368xf32, #tpu.memory_space<vmem>>)
      tpu.yield
    }) : () -> ()
    "tpu.region"() ({
      %run_scoped3A = tpu.sem_alloc : memref<!tpu.dma_semaphore, #tpu.memory_space<semaphore_mem>>
      %dma_start3A = tpu.memref_slice %arg5[%multiple_of3A_171] : memref<200192xf32, #tpu.memory_space<hbm>> -> memref<368xf32, #tpu.memory_space<hbm>>
      %dma_start3A_244 = tpu.memref_slice %arg5[%multiple_of3A_171] : memref<200192xf32, #tpu.memory_space<hbm>> -> memref<368xf32, #tpu.memory_space<hbm>>
      tpu.enqueue_dma source(%arg9 : memref<368xf32, #tpu.memory_space<vmem>>) target(%dma_start3A_244 : memref<368xf32, #tpu.memory_space<hbm>>) target_semaphore(%run_scoped3A : memref<!tpu.dma_semaphore, #tpu.memory_space<semaphore_mem>>)
      %dma_wait3A = tpu.memref_slice %arg5[%multiple_of3A_171] : memref<200192xf32, #tpu.memory_space<hbm>> -> memref<368xf32, #tpu.memory_space<hbm>>
      %dma_wait3A_245 = tpu.memref_slice %arg5[%multiple_of3A_171] : memref<200192xf32, #tpu.memory_space<hbm>> -> memref<368xf32, #tpu.memory_space<hbm>>
      tpu.wait_dma2 semaphore(%run_scoped3A : memref<!tpu.dma_semaphore, #tpu.memory_space<semaphore_mem>>) src(%arg9 : memref<368xf32, #tpu.memory_space<vmem>>) dst(%dma_wait3A_245 : memref<368xf32, #tpu.memory_space<hbm>>)
      tpu.yield
    }) : () -> ()
    %add3A_172 = arith.constant 1840 : i32
    %add3A_173 = arith.addi %mul3A_77, %add3A_172 : i32
    %multiple_of3A_174 = tpu.assume_multiple %add3A_173, 8 : i32
    %add3A_175 = arith.constant 1840 : i32
    %add3A_176 = arith.addi %add3A_141, %add3A_175 : i32
    %multiple_of3A_177 = tpu.assume_multiple %add3A_176, 8 : i32
    "tpu.region"() ({
      %run_scoped3A = tpu.sem_alloc : memref<!tpu.dma_semaphore, #tpu.memory_space<semaphore_mem>>
      %dma_start3A = arith.constant 0 : i32
      %dma_start3A_244 = arith.constant 0 : i32
      %dma_start3A_245 = tpu.memref_slice %arg6[%dma_start3A, %dma_start3A_244] : memref<1024x16xf32, #tpu.memory_space<vmem>> -> memref<368x16xf32, #tpu.memory_space<vmem>>
      %dma_start3A_246 = arith.constant 0 : i32
      %dma_start3A_247 = tpu.memref_slice %arg12[%multiple_of3A_174, %dma_start3A_246] : memref<100096x16xf32, #tpu.memory_space<vmem_shared>> -> memref<368x16xf32, #tpu.memory_space<vmem_shared>>
      %dma_start3A_248 = arith.constant 0 : i32
      %dma_start3A_249 = arith.constant 0 : i32
      %dma_start3A_250 = tpu.memref_slice %arg6[%dma_start3A_248, %dma_start3A_249] : memref<1024x16xf32, #tpu.memory_space<vmem>> -> memref<368x16xf32, #tpu.memory_space<vmem>>
      %dma_start3A_251 = arith.constant 0 : i32
      %dma_start3A_252 = tpu.memref_slice %arg12[%multiple_of3A_174, %dma_start3A_251] : memref<100096x16xf32, #tpu.memory_space<vmem_shared>> -> memref<368x16xf32, #tpu.memory_space<vmem_shared>>
      tpu.enqueue_dma source(%dma_start3A_252 : memref<368x16xf32, #tpu.memory_space<vmem_shared>>) target(%dma_start3A_250 : memref<368x16xf32, #tpu.memory_space<vmem>>) target_semaphore(%run_scoped3A : memref<!tpu.dma_semaphore, #tpu.memory_space<semaphore_mem>>)
      %dma_wait3A = arith.constant 0 : i32
      %dma_wait3A_253 = arith.constant 0 : i32
      %dma_wait3A_254 = tpu.memref_slice %arg6[%dma_wait3A, %dma_wait3A_253] : memref<1024x16xf32, #tpu.memory_space<vmem>> -> memref<368x16xf32, #tpu.memory_space<vmem>>
      %dma_wait3A_255 = arith.constant 0 : i32
      %dma_wait3A_256 = tpu.memref_slice %arg12[%multiple_of3A_174, %dma_wait3A_255] : memref<100096x16xf32, #tpu.memory_space<vmem_shared>> -> memref<368x16xf32, #tpu.memory_space<vmem_shared>>
      %dma_wait3A_257 = arith.constant 0 : i32
      %dma_wait3A_258 = arith.constant 0 : i32
      %dma_wait3A_259 = tpu.memref_slice %arg6[%dma_wait3A_257, %dma_wait3A_258] : memref<1024x16xf32, #tpu.memory_space<vmem>> -> memref<368x16xf32, #tpu.memory_space<vmem>>
      %dma_wait3A_260 = arith.constant 0 : i32
      %dma_wait3A_261 = tpu.memref_slice %arg12[%multiple_of3A_174, %dma_wait3A_260] : memref<100096x16xf32, #tpu.memory_space<vmem_shared>> -> memref<368x16xf32, #tpu.memory_space<vmem_shared>>
      tpu.wait_dma2 semaphore(%run_scoped3A : memref<!tpu.dma_semaphore, #tpu.memory_space<semaphore_mem>>) src(%dma_wait3A_261 : memref<368x16xf32, #tpu.memory_space<vmem_shared>>) dst(%dma_wait3A_259 : memref<368x16xf32, #tpu.memory_space<vmem>>)
      tpu.yield
    }) : () -> ()
    "tpu.region"() ({
      %run_scoped3A = tpu.sem_alloc : memref<!tpu.dma_semaphore, #tpu.memory_space<semaphore_mem>>
      %dma_start3A = arith.constant 0 : i32
      %dma_start3A_244 = arith.constant 0 : i32
      %dma_start3A_245 = tpu.memref_slice %arg6[%dma_start3A, %dma_start3A_244] : memref<1024x16xf32, #tpu.memory_space<vmem>> -> memref<368x16xf32, #tpu.memory_space<vmem>>
      %dma_start3A_246 = arith.constant 0 : i32
      %dma_start3A_247 = tpu.memref_slice %arg4[%multiple_of3A_177, %dma_start3A_246] : memref<200192x16xf32, #tpu.memory_space<hbm>> -> memref<368x16xf32, #tpu.memory_space<hbm>>
      %dma_start3A_248 = arith.constant 0 : i32
      %dma_start3A_249 = tpu.memref_slice %arg4[%multiple_of3A_177, %dma_start3A_248] : memref<200192x16xf32, #tpu.memory_space<hbm>> -> memref<368x16xf32, #tpu.memory_space<hbm>>
      %dma_start3A_250 = arith.constant 0 : i32
      %dma_start3A_251 = arith.constant 0 : i32
      %dma_start3A_252 = tpu.memref_slice %arg6[%dma_start3A_250, %dma_start3A_251] : memref<1024x16xf32, #tpu.memory_space<vmem>> -> memref<368x16xf32, #tpu.memory_space<vmem>>
      tpu.enqueue_dma source(%dma_start3A_252 : memref<368x16xf32, #tpu.memory_space<vmem>>) target(%dma_start3A_249 : memref<368x16xf32, #tpu.memory_space<hbm>>) target_semaphore(%run_scoped3A : memref<!tpu.dma_semaphore, #tpu.memory_space<semaphore_mem>>)
      %dma_wait3A = arith.constant 0 : i32
      %dma_wait3A_253 = arith.constant 0 : i32
      %dma_wait3A_254 = tpu.memref_slice %arg6[%dma_wait3A, %dma_wait3A_253] : memref<1024x16xf32, #tpu.memory_space<vmem>> -> memref<368x16xf32, #tpu.memory_space<vmem>>
      %dma_wait3A_255 = arith.constant 0 : i32
      %dma_wait3A_256 = tpu.memref_slice %arg4[%multiple_of3A_177, %dma_wait3A_255] : memref<200192x16xf32, #tpu.memory_space<hbm>> -> memref<368x16xf32, #tpu.memory_space<hbm>>
      %dma_wait3A_257 = arith.constant 0 : i32
      %dma_wait3A_258 = tpu.memref_slice %arg4[%multiple_of3A_177, %dma_wait3A_257] : memref<200192x16xf32, #tpu.memory_space<hbm>> -> memref<368x16xf32, #tpu.memory_space<hbm>>
      %dma_wait3A_259 = arith.constant 0 : i32
      %dma_wait3A_260 = arith.constant 0 : i32
      %dma_wait3A_261 = tpu.memref_slice %arg6[%dma_wait3A_259, %dma_wait3A_260] : memref<1024x16xf32, #tpu.memory_space<vmem>> -> memref<368x16xf32, #tpu.memory_space<vmem>>
      tpu.wait_dma2 semaphore(%run_scoped3A : memref<!tpu.dma_semaphore, #tpu.memory_space<semaphore_mem>>) src(%dma_wait3A_261 : memref<368x16xf32, #tpu.memory_space<vmem>>) dst(%dma_wait3A_258 : memref<368x16xf32, #tpu.memory_space<hbm>>)
      tpu.yield
    }) : () -> ()
    "tpu.region"() ({
      %run_scoped3A = tpu.sem_alloc : memref<!tpu.dma_semaphore, #tpu.memory_space<semaphore_mem>>
      %dma_start3A = tpu.memref_slice %arg13[%multiple_of3A_174] : memref<100096xf32, #tpu.memory_space<vmem_shared>> -> memref<368xf32, #tpu.memory_space<vmem_shared>>
      %dma_start3A_244 = tpu.memref_slice %arg13[%multiple_of3A_174] : memref<100096xf32, #tpu.memory_space<vmem_shared>> -> memref<368xf32, #tpu.memory_space<vmem_shared>>
      tpu.enqueue_dma source(%dma_start3A_244 : memref<368xf32, #tpu.memory_space<vmem_shared>>) target(%arg9 : memref<368xf32, #tpu.memory_space<vmem>>) target_semaphore(%run_scoped3A : memref<!tpu.dma_semaphore, #tpu.memory_space<semaphore_mem>>)
      %dma_wait3A = tpu.memref_slice %arg13[%multiple_of3A_174] : memref<100096xf32, #tpu.memory_space<vmem_shared>> -> memref<368xf32, #tpu.memory_space<vmem_shared>>
      %dma_wait3A_245 = tpu.memref_slice %arg13[%multiple_of3A_174] : memref<100096xf32, #tpu.memory_space<vmem_shared>> -> memref<368xf32, #tpu.memory_space<vmem_shared>>
      tpu.wait_dma2 semaphore(%run_scoped3A : memref<!tpu.dma_semaphore, #tpu.memory_space<semaphore_mem>>) src(%dma_wait3A_245 : memref<368xf32, #tpu.memory_space<vmem_shared>>) dst(%arg9 : memref<368xf32, #tpu.memory_space<vmem>>)
      tpu.yield
    }) : () -> ()
    "tpu.region"() ({
      %run_scoped3A = tpu.sem_alloc : memref<!tpu.dma_semaphore, #tpu.memory_space<semaphore_mem>>
      %dma_start3A = tpu.memref_slice %arg5[%multiple_of3A_177] : memref<200192xf32, #tpu.memory_space<hbm>> -> memref<368xf32, #tpu.memory_space<hbm>>
      %dma_start3A_244 = tpu.memref_slice %arg5[%multiple_of3A_177] : memref<200192xf32, #tpu.memory_space<hbm>> -> memref<368xf32, #tpu.memory_space<hbm>>
      tpu.enqueue_dma source(%arg9 : memref<368xf32, #tpu.memory_space<vmem>>) target(%dma_start3A_244 : memref<368xf32, #tpu.memory_space<hbm>>) target_semaphore(%run_scoped3A : memref<!tpu.dma_semaphore, #tpu.memory_space<semaphore_mem>>)
      %dma_wait3A = tpu.memref_slice %arg5[%multiple_of3A_177] : memref<200192xf32, #tpu.memory_space<hbm>> -> memref<368xf32, #tpu.memory_space<hbm>>
      %dma_wait3A_245 = tpu.memref_slice %arg5[%multiple_of3A_177] : memref<200192xf32, #tpu.memory_space<hbm>> -> memref<368xf32, #tpu.memory_space<hbm>>
      tpu.wait_dma2 semaphore(%run_scoped3A : memref<!tpu.dma_semaphore, #tpu.memory_space<semaphore_mem>>) src(%arg9 : memref<368xf32, #tpu.memory_space<vmem>>) dst(%dma_wait3A_245 : memref<368xf32, #tpu.memory_space<hbm>>)
      tpu.yield
    }) : () -> ()
    %add3A_178 = arith.constant 2208 : i32
    %add3A_179 = arith.addi %mul3A_77, %add3A_178 : i32
    %multiple_of3A_180 = tpu.assume_multiple %add3A_179, 8 : i32
    %add3A_181 = arith.constant 2208 : i32
    %add3A_182 = arith.addi %add3A_141, %add3A_181 : i32
    %multiple_of3A_183 = tpu.assume_multiple %add3A_182, 8 : i32
    "tpu.region"() ({
      %run_scoped3A = tpu.sem_alloc : memref<!tpu.dma_semaphore, #tpu.memory_space<semaphore_mem>>
      %dma_start3A = arith.constant 0 : i32
      %dma_start3A_244 = arith.constant 0 : i32
      %dma_start3A_245 = tpu.memref_slice %arg6[%dma_start3A, %dma_start3A_244] : memref<1024x16xf32, #tpu.memory_space<vmem>> -> memref<368x16xf32, #tpu.memory_space<vmem>>
      %dma_start3A_246 = arith.constant 0 : i32
      %dma_start3A_247 = tpu.memref_slice %arg12[%multiple_of3A_180, %dma_start3A_246] : memref<100096x16xf32, #tpu.memory_space<vmem_shared>> -> memref<368x16xf32, #tpu.memory_space<vmem_shared>>
      %dma_start3A_248 = arith.constant 0 : i32
      %dma_start3A_249 = arith.constant 0 : i32
      %dma_start3A_250 = tpu.memref_slice %arg6[%dma_start3A_248, %dma_start3A_249] : memref<1024x16xf32, #tpu.memory_space<vmem>> -> memref<368x16xf32, #tpu.memory_space<vmem>>
      %dma_start3A_251 = arith.constant 0 : i32
      %dma_start3A_252 = tpu.memref_slice %arg12[%multiple_of3A_180, %dma_start3A_251] : memref<100096x16xf32, #tpu.memory_space<vmem_shared>> -> memref<368x16xf32, #tpu.memory_space<vmem_shared>>
      tpu.enqueue_dma source(%dma_start3A_252 : memref<368x16xf32, #tpu.memory_space<vmem_shared>>) target(%dma_start3A_250 : memref<368x16xf32, #tpu.memory_space<vmem>>) target_semaphore(%run_scoped3A : memref<!tpu.dma_semaphore, #tpu.memory_space<semaphore_mem>>)
      %dma_wait3A = arith.constant 0 : i32
      %dma_wait3A_253 = arith.constant 0 : i32
      %dma_wait3A_254 = tpu.memref_slice %arg6[%dma_wait3A, %dma_wait3A_253] : memref<1024x16xf32, #tpu.memory_space<vmem>> -> memref<368x16xf32, #tpu.memory_space<vmem>>
      %dma_wait3A_255 = arith.constant 0 : i32
      %dma_wait3A_256 = tpu.memref_slice %arg12[%multiple_of3A_180, %dma_wait3A_255] : memref<100096x16xf32, #tpu.memory_space<vmem_shared>> -> memref<368x16xf32, #tpu.memory_space<vmem_shared>>
      %dma_wait3A_257 = arith.constant 0 : i32
      %dma_wait3A_258 = arith.constant 0 : i32
      %dma_wait3A_259 = tpu.memref_slice %arg6[%dma_wait3A_257, %dma_wait3A_258] : memref<1024x16xf32, #tpu.memory_space<vmem>> -> memref<368x16xf32, #tpu.memory_space<vmem>>
      %dma_wait3A_260 = arith.constant 0 : i32
      %dma_wait3A_261 = tpu.memref_slice %arg12[%multiple_of3A_180, %dma_wait3A_260] : memref<100096x16xf32, #tpu.memory_space<vmem_shared>> -> memref<368x16xf32, #tpu.memory_space<vmem_shared>>
      tpu.wait_dma2 semaphore(%run_scoped3A : memref<!tpu.dma_semaphore, #tpu.memory_space<semaphore_mem>>) src(%dma_wait3A_261 : memref<368x16xf32, #tpu.memory_space<vmem_shared>>) dst(%dma_wait3A_259 : memref<368x16xf32, #tpu.memory_space<vmem>>)
      tpu.yield
    }) : () -> ()
    "tpu.region"() ({
      %run_scoped3A = tpu.sem_alloc : memref<!tpu.dma_semaphore, #tpu.memory_space<semaphore_mem>>
      %dma_start3A = arith.constant 0 : i32
      %dma_start3A_244 = arith.constant 0 : i32
      %dma_start3A_245 = tpu.memref_slice %arg6[%dma_start3A, %dma_start3A_244] : memref<1024x16xf32, #tpu.memory_space<vmem>> -> memref<368x16xf32, #tpu.memory_space<vmem>>
      %dma_start3A_246 = arith.constant 0 : i32
      %dma_start3A_247 = tpu.memref_slice %arg4[%multiple_of3A_183, %dma_start3A_246] : memref<200192x16xf32, #tpu.memory_space<hbm>> -> memref<368x16xf32, #tpu.memory_space<hbm>>
      %dma_start3A_248 = arith.constant 0 : i32
      %dma_start3A_249 = tpu.memref_slice %arg4[%multiple_of3A_183, %dma_start3A_248] : memref<200192x16xf32, #tpu.memory_space<hbm>> -> memref<368x16xf32, #tpu.memory_space<hbm>>
      %dma_start3A_250 = arith.constant 0 : i32
      %dma_start3A_251 = arith.constant 0 : i32
      %dma_start3A_252 = tpu.memref_slice %arg6[%dma_start3A_250, %dma_start3A_251] : memref<1024x16xf32, #tpu.memory_space<vmem>> -> memref<368x16xf32, #tpu.memory_space<vmem>>
      tpu.enqueue_dma source(%dma_start3A_252 : memref<368x16xf32, #tpu.memory_space<vmem>>) target(%dma_start3A_249 : memref<368x16xf32, #tpu.memory_space<hbm>>) target_semaphore(%run_scoped3A : memref<!tpu.dma_semaphore, #tpu.memory_space<semaphore_mem>>)
      %dma_wait3A = arith.constant 0 : i32
      %dma_wait3A_253 = arith.constant 0 : i32
      %dma_wait3A_254 = tpu.memref_slice %arg6[%dma_wait3A, %dma_wait3A_253] : memref<1024x16xf32, #tpu.memory_space<vmem>> -> memref<368x16xf32, #tpu.memory_space<vmem>>
      %dma_wait3A_255 = arith.constant 0 : i32
      %dma_wait3A_256 = tpu.memref_slice %arg4[%multiple_of3A_183, %dma_wait3A_255] : memref<200192x16xf32, #tpu.memory_space<hbm>> -> memref<368x16xf32, #tpu.memory_space<hbm>>
      %dma_wait3A_257 = arith.constant 0 : i32
      %dma_wait3A_258 = tpu.memref_slice %arg4[%multiple_of3A_183, %dma_wait3A_257] : memref<200192x16xf32, #tpu.memory_space<hbm>> -> memref<368x16xf32, #tpu.memory_space<hbm>>
      %dma_wait3A_259 = arith.constant 0 : i32
      %dma_wait3A_260 = arith.constant 0 : i32
      %dma_wait3A_261 = tpu.memref_slice %arg6[%dma_wait3A_259, %dma_wait3A_260] : memref<1024x16xf32, #tpu.memory_space<vmem>> -> memref<368x16xf32, #tpu.memory_space<vmem>>
      tpu.wait_dma2 semaphore(%run_scoped3A : memref<!tpu.dma_semaphore, #tpu.memory_space<semaphore_mem>>) src(%dma_wait3A_261 : memref<368x16xf32, #tpu.memory_space<vmem>>) dst(%dma_wait3A_258 : memref<368x16xf32, #tpu.memory_space<hbm>>)
      tpu.yield
    }) : () -> ()
    "tpu.region"() ({
      %run_scoped3A = tpu.sem_alloc : memref<!tpu.dma_semaphore, #tpu.memory_space<semaphore_mem>>
      %dma_start3A = tpu.memref_slice %arg13[%multiple_of3A_180] : memref<100096xf32, #tpu.memory_space<vmem_shared>> -> memref<368xf32, #tpu.memory_space<vmem_shared>>
      %dma_start3A_244 = tpu.memref_slice %arg13[%multiple_of3A_180] : memref<100096xf32, #tpu.memory_space<vmem_shared>> -> memref<368xf32, #tpu.memory_space<vmem_shared>>
      tpu.enqueue_dma source(%dma_start3A_244 : memref<368xf32, #tpu.memory_space<vmem_shared>>) target(%arg9 : memref<368xf32, #tpu.memory_space<vmem>>) target_semaphore(%run_scoped3A : memref<!tpu.dma_semaphore, #tpu.memory_space<semaphore_mem>>)
      %dma_wait3A = tpu.memref_slice %arg13[%multiple_of3A_180] : memref<100096xf32, #tpu.memory_space<vmem_shared>> -> memref<368xf32, #tpu.memory_space<vmem_shared>>
      %dma_wait3A_245 = tpu.memref_slice %arg13[%multiple_of3A_180] : memref<100096xf32, #tpu.memory_space<vmem_shared>> -> memref<368xf32, #tpu.memory_space<vmem_shared>>
      tpu.wait_dma2 semaphore(%run_scoped3A : memref<!tpu.dma_semaphore, #tpu.memory_space<semaphore_mem>>) src(%dma_wait3A_245 : memref<368xf32, #tpu.memory_space<vmem_shared>>) dst(%arg9 : memref<368xf32, #tpu.memory_space<vmem>>)
      tpu.yield
    }) : () -> ()
    "tpu.region"() ({
      %run_scoped3A = tpu.sem_alloc : memref<!tpu.dma_semaphore, #tpu.memory_space<semaphore_mem>>
      %dma_start3A = tpu.memref_slice %arg5[%multiple_of3A_183] : memref<200192xf32, #tpu.memory_space<hbm>> -> memref<368xf32, #tpu.memory_space<hbm>>
      %dma_start3A_244 = tpu.memref_slice %arg5[%multiple_of3A_183] : memref<200192xf32, #tpu.memory_space<hbm>> -> memref<368xf32, #tpu.memory_space<hbm>>
      tpu.enqueue_dma source(%arg9 : memref<368xf32, #tpu.memory_space<vmem>>) target(%dma_start3A_244 : memref<368xf32, #tpu.memory_space<hbm>>) target_semaphore(%run_scoped3A : memref<!tpu.dma_semaphore, #tpu.memory_space<semaphore_mem>>)
      %dma_wait3A = tpu.memref_slice %arg5[%multiple_of3A_183] : memref<200192xf32, #tpu.memory_space<hbm>> -> memref<368xf32, #tpu.memory_space<hbm>>
      %dma_wait3A_245 = tpu.memref_slice %arg5[%multiple_of3A_183] : memref<200192xf32, #tpu.memory_space<hbm>> -> memref<368xf32, #tpu.memory_space<hbm>>
      tpu.wait_dma2 semaphore(%run_scoped3A : memref<!tpu.dma_semaphore, #tpu.memory_space<semaphore_mem>>) src(%arg9 : memref<368xf32, #tpu.memory_space<vmem>>) dst(%dma_wait3A_245 : memref<368xf32, #tpu.memory_space<hbm>>)
      tpu.yield
    }) : () -> ()
    %add3A_184 = arith.constant 2576 : i32
    %add3A_185 = arith.addi %mul3A_77, %add3A_184 : i32
    %multiple_of3A_186 = tpu.assume_multiple %add3A_185, 8 : i32
    %add3A_187 = arith.constant 2576 : i32
    %add3A_188 = arith.addi %add3A_141, %add3A_187 : i32
    %multiple_of3A_189 = tpu.assume_multiple %add3A_188, 8 : i32
    "tpu.region"() ({
      %run_scoped3A = tpu.sem_alloc : memref<!tpu.dma_semaphore, #tpu.memory_space<semaphore_mem>>
      %dma_start3A = arith.constant 0 : i32
      %dma_start3A_244 = arith.constant 0 : i32
      %dma_start3A_245 = tpu.memref_slice %arg6[%dma_start3A, %dma_start3A_244] : memref<1024x16xf32, #tpu.memory_space<vmem>> -> memref<368x16xf32, #tpu.memory_space<vmem>>
      %dma_start3A_246 = arith.constant 0 : i32
      %dma_start3A_247 = tpu.memref_slice %arg12[%multiple_of3A_186, %dma_start3A_246] : memref<100096x16xf32, #tpu.memory_space<vmem_shared>> -> memref<368x16xf32, #tpu.memory_space<vmem_shared>>
      %dma_start3A_248 = arith.constant 0 : i32
      %dma_start3A_249 = arith.constant 0 : i32
      %dma_start3A_250 = tpu.memref_slice %arg6[%dma_start3A_248, %dma_start3A_249] : memref<1024x16xf32, #tpu.memory_space<vmem>> -> memref<368x16xf32, #tpu.memory_space<vmem>>
      %dma_start3A_251 = arith.constant 0 : i32
      %dma_start3A_252 = tpu.memref_slice %arg12[%multiple_of3A_186, %dma_start3A_251] : memref<100096x16xf32, #tpu.memory_space<vmem_shared>> -> memref<368x16xf32, #tpu.memory_space<vmem_shared>>
      tpu.enqueue_dma source(%dma_start3A_252 : memref<368x16xf32, #tpu.memory_space<vmem_shared>>) target(%dma_start3A_250 : memref<368x16xf32, #tpu.memory_space<vmem>>) target_semaphore(%run_scoped3A : memref<!tpu.dma_semaphore, #tpu.memory_space<semaphore_mem>>)
      %dma_wait3A = arith.constant 0 : i32
      %dma_wait3A_253 = arith.constant 0 : i32
      %dma_wait3A_254 = tpu.memref_slice %arg6[%dma_wait3A, %dma_wait3A_253] : memref<1024x16xf32, #tpu.memory_space<vmem>> -> memref<368x16xf32, #tpu.memory_space<vmem>>
      %dma_wait3A_255 = arith.constant 0 : i32
      %dma_wait3A_256 = tpu.memref_slice %arg12[%multiple_of3A_186, %dma_wait3A_255] : memref<100096x16xf32, #tpu.memory_space<vmem_shared>> -> memref<368x16xf32, #tpu.memory_space<vmem_shared>>
      %dma_wait3A_257 = arith.constant 0 : i32
      %dma_wait3A_258 = arith.constant 0 : i32
      %dma_wait3A_259 = tpu.memref_slice %arg6[%dma_wait3A_257, %dma_wait3A_258] : memref<1024x16xf32, #tpu.memory_space<vmem>> -> memref<368x16xf32, #tpu.memory_space<vmem>>
      %dma_wait3A_260 = arith.constant 0 : i32
      %dma_wait3A_261 = tpu.memref_slice %arg12[%multiple_of3A_186, %dma_wait3A_260] : memref<100096x16xf32, #tpu.memory_space<vmem_shared>> -> memref<368x16xf32, #tpu.memory_space<vmem_shared>>
      tpu.wait_dma2 semaphore(%run_scoped3A : memref<!tpu.dma_semaphore, #tpu.memory_space<semaphore_mem>>) src(%dma_wait3A_261 : memref<368x16xf32, #tpu.memory_space<vmem_shared>>) dst(%dma_wait3A_259 : memref<368x16xf32, #tpu.memory_space<vmem>>)
      tpu.yield
    }) : () -> ()
    "tpu.region"() ({
      %run_scoped3A = tpu.sem_alloc : memref<!tpu.dma_semaphore, #tpu.memory_space<semaphore_mem>>
      %dma_start3A = arith.constant 0 : i32
      %dma_start3A_244 = arith.constant 0 : i32
      %dma_start3A_245 = tpu.memref_slice %arg6[%dma_start3A, %dma_start3A_244] : memref<1024x16xf32, #tpu.memory_space<vmem>> -> memref<368x16xf32, #tpu.memory_space<vmem>>
      %dma_start3A_246 = arith.constant 0 : i32
      %dma_start3A_247 = tpu.memref_slice %arg4[%multiple_of3A_189, %dma_start3A_246] : memref<200192x16xf32, #tpu.memory_space<hbm>> -> memref<368x16xf32, #tpu.memory_space<hbm>>
      %dma_start3A_248 = arith.constant 0 : i32
      %dma_start3A_249 = tpu.memref_slice %arg4[%multiple_of3A_189, %dma_start3A_248] : memref<200192x16xf32, #tpu.memory_space<hbm>> -> memref<368x16xf32, #tpu.memory_space<hbm>>
      %dma_start3A_250 = arith.constant 0 : i32
      %dma_start3A_251 = arith.constant 0 : i32
      %dma_start3A_252 = tpu.memref_slice %arg6[%dma_start3A_250, %dma_start3A_251] : memref<1024x16xf32, #tpu.memory_space<vmem>> -> memref<368x16xf32, #tpu.memory_space<vmem>>
      tpu.enqueue_dma source(%dma_start3A_252 : memref<368x16xf32, #tpu.memory_space<vmem>>) target(%dma_start3A_249 : memref<368x16xf32, #tpu.memory_space<hbm>>) target_semaphore(%run_scoped3A : memref<!tpu.dma_semaphore, #tpu.memory_space<semaphore_mem>>)
      %dma_wait3A = arith.constant 0 : i32
      %dma_wait3A_253 = arith.constant 0 : i32
      %dma_wait3A_254 = tpu.memref_slice %arg6[%dma_wait3A, %dma_wait3A_253] : memref<1024x16xf32, #tpu.memory_space<vmem>> -> memref<368x16xf32, #tpu.memory_space<vmem>>
      %dma_wait3A_255 = arith.constant 0 : i32
      %dma_wait3A_256 = tpu.memref_slice %arg4[%multiple_of3A_189, %dma_wait3A_255] : memref<200192x16xf32, #tpu.memory_space<hbm>> -> memref<368x16xf32, #tpu.memory_space<hbm>>
      %dma_wait3A_257 = arith.constant 0 : i32
      %dma_wait3A_258 = tpu.memref_slice %arg4[%multiple_of3A_189, %dma_wait3A_257] : memref<200192x16xf32, #tpu.memory_space<hbm>> -> memref<368x16xf32, #tpu.memory_space<hbm>>
      %dma_wait3A_259 = arith.constant 0 : i32
      %dma_wait3A_260 = arith.constant 0 : i32
      %dma_wait3A_261 = tpu.memref_slice %arg6[%dma_wait3A_259, %dma_wait3A_260] : memref<1024x16xf32, #tpu.memory_space<vmem>> -> memref<368x16xf32, #tpu.memory_space<vmem>>
      tpu.wait_dma2 semaphore(%run_scoped3A : memref<!tpu.dma_semaphore, #tpu.memory_space<semaphore_mem>>) src(%dma_wait3A_261 : memref<368x16xf32, #tpu.memory_space<vmem>>) dst(%dma_wait3A_258 : memref<368x16xf32, #tpu.memory_space<hbm>>)
      tpu.yield
    }) : () -> ()
    "tpu.region"() ({
      %run_scoped3A = tpu.sem_alloc : memref<!tpu.dma_semaphore, #tpu.memory_space<semaphore_mem>>
      %dma_start3A = tpu.memref_slice %arg13[%multiple_of3A_186] : memref<100096xf32, #tpu.memory_space<vmem_shared>> -> memref<368xf32, #tpu.memory_space<vmem_shared>>
      %dma_start3A_244 = tpu.memref_slice %arg13[%multiple_of3A_186] : memref<100096xf32, #tpu.memory_space<vmem_shared>> -> memref<368xf32, #tpu.memory_space<vmem_shared>>
      tpu.enqueue_dma source(%dma_start3A_244 : memref<368xf32, #tpu.memory_space<vmem_shared>>) target(%arg9 : memref<368xf32, #tpu.memory_space<vmem>>) target_semaphore(%run_scoped3A : memref<!tpu.dma_semaphore, #tpu.memory_space<semaphore_mem>>)
      %dma_wait3A = tpu.memref_slice %arg13[%multiple_of3A_186] : memref<100096xf32, #tpu.memory_space<vmem_shared>> -> memref<368xf32, #tpu.memory_space<vmem_shared>>
      %dma_wait3A_245 = tpu.memref_slice %arg13[%multiple_of3A_186] : memref<100096xf32, #tpu.memory_space<vmem_shared>> -> memref<368xf32, #tpu.memory_space<vmem_shared>>
      tpu.wait_dma2 semaphore(%run_scoped3A : memref<!tpu.dma_semaphore, #tpu.memory_space<semaphore_mem>>) src(%dma_wait3A_245 : memref<368xf32, #tpu.memory_space<vmem_shared>>) dst(%arg9 : memref<368xf32, #tpu.memory_space<vmem>>)
      tpu.yield
    }) : () -> ()
    "tpu.region"() ({
      %run_scoped3A = tpu.sem_alloc : memref<!tpu.dma_semaphore, #tpu.memory_space<semaphore_mem>>
      %dma_start3A = tpu.memref_slice %arg5[%multiple_of3A_189] : memref<200192xf32, #tpu.memory_space<hbm>> -> memref<368xf32, #tpu.memory_space<hbm>>
      %dma_start3A_244 = tpu.memref_slice %arg5[%multiple_of3A_189] : memref<200192xf32, #tpu.memory_space<hbm>> -> memref<368xf32, #tpu.memory_space<hbm>>
      tpu.enqueue_dma source(%arg9 : memref<368xf32, #tpu.memory_space<vmem>>) target(%dma_start3A_244 : memref<368xf32, #tpu.memory_space<hbm>>) target_semaphore(%run_scoped3A : memref<!tpu.dma_semaphore, #tpu.memory_space<semaphore_mem>>)
      %dma_wait3A = tpu.memref_slice %arg5[%multiple_of3A_189] : memref<200192xf32, #tpu.memory_space<hbm>> -> memref<368xf32, #tpu.memory_space<hbm>>
      %dma_wait3A_245 = tpu.memref_slice %arg5[%multiple_of3A_189] : memref<200192xf32, #tpu.memory_space<hbm>> -> memref<368xf32, #tpu.memory_space<hbm>>
      tpu.wait_dma2 semaphore(%run_scoped3A : memref<!tpu.dma_semaphore, #tpu.memory_space<semaphore_mem>>) src(%arg9 : memref<368xf32, #tpu.memory_space<vmem>>) dst(%dma_wait3A_245 : memref<368xf32, #tpu.memory_space<hbm>>)
      tpu.yield
    }) : () -> ()
    %add3A_190 = arith.constant 2944 : i32
    %add3A_191 = arith.addi %mul3A_77, %add3A_190 : i32
    %multiple_of3A_192 = tpu.assume_multiple %add3A_191, 8 : i32
    %add3A_193 = arith.constant 2944 : i32
    %add3A_194 = arith.addi %add3A_141, %add3A_193 : i32
    %multiple_of3A_195 = tpu.assume_multiple %add3A_194, 8 : i32
    "tpu.region"() ({
      %run_scoped3A = tpu.sem_alloc : memref<!tpu.dma_semaphore, #tpu.memory_space<semaphore_mem>>
      %dma_start3A = arith.constant 0 : i32
      %dma_start3A_244 = arith.constant 0 : i32
      %dma_start3A_245 = tpu.memref_slice %arg6[%dma_start3A, %dma_start3A_244] : memref<1024x16xf32, #tpu.memory_space<vmem>> -> memref<368x16xf32, #tpu.memory_space<vmem>>
      %dma_start3A_246 = arith.constant 0 : i32
      %dma_start3A_247 = tpu.memref_slice %arg12[%multiple_of3A_192, %dma_start3A_246] : memref<100096x16xf32, #tpu.memory_space<vmem_shared>> -> memref<368x16xf32, #tpu.memory_space<vmem_shared>>
      %dma_start3A_248 = arith.constant 0 : i32
      %dma_start3A_249 = arith.constant 0 : i32
      %dma_start3A_250 = tpu.memref_slice %arg6[%dma_start3A_248, %dma_start3A_249] : memref<1024x16xf32, #tpu.memory_space<vmem>> -> memref<368x16xf32, #tpu.memory_space<vmem>>
      %dma_start3A_251 = arith.constant 0 : i32
      %dma_start3A_252 = tpu.memref_slice %arg12[%multiple_of3A_192, %dma_start3A_251] : memref<100096x16xf32, #tpu.memory_space<vmem_shared>> -> memref<368x16xf32, #tpu.memory_space<vmem_shared>>
      tpu.enqueue_dma source(%dma_start3A_252 : memref<368x16xf32, #tpu.memory_space<vmem_shared>>) target(%dma_start3A_250 : memref<368x16xf32, #tpu.memory_space<vmem>>) target_semaphore(%run_scoped3A : memref<!tpu.dma_semaphore, #tpu.memory_space<semaphore_mem>>)
      %dma_wait3A = arith.constant 0 : i32
      %dma_wait3A_253 = arith.constant 0 : i32
      %dma_wait3A_254 = tpu.memref_slice %arg6[%dma_wait3A, %dma_wait3A_253] : memref<1024x16xf32, #tpu.memory_space<vmem>> -> memref<368x16xf32, #tpu.memory_space<vmem>>
      %dma_wait3A_255 = arith.constant 0 : i32
      %dma_wait3A_256 = tpu.memref_slice %arg12[%multiple_of3A_192, %dma_wait3A_255] : memref<100096x16xf32, #tpu.memory_space<vmem_shared>> -> memref<368x16xf32, #tpu.memory_space<vmem_shared>>
      %dma_wait3A_257 = arith.constant 0 : i32
      %dma_wait3A_258 = arith.constant 0 : i32
      %dma_wait3A_259 = tpu.memref_slice %arg6[%dma_wait3A_257, %dma_wait3A_258] : memref<1024x16xf32, #tpu.memory_space<vmem>> -> memref<368x16xf32, #tpu.memory_space<vmem>>
      %dma_wait3A_260 = arith.constant 0 : i32
      %dma_wait3A_261 = tpu.memref_slice %arg12[%multiple_of3A_192, %dma_wait3A_260] : memref<100096x16xf32, #tpu.memory_space<vmem_shared>> -> memref<368x16xf32, #tpu.memory_space<vmem_shared>>
      tpu.wait_dma2 semaphore(%run_scoped3A : memref<!tpu.dma_semaphore, #tpu.memory_space<semaphore_mem>>) src(%dma_wait3A_261 : memref<368x16xf32, #tpu.memory_space<vmem_shared>>) dst(%dma_wait3A_259 : memref<368x16xf32, #tpu.memory_space<vmem>>)
      tpu.yield
    }) : () -> ()
    "tpu.region"() ({
      %run_scoped3A = tpu.sem_alloc : memref<!tpu.dma_semaphore, #tpu.memory_space<semaphore_mem>>
      %dma_start3A = arith.constant 0 : i32
      %dma_start3A_244 = arith.constant 0 : i32
      %dma_start3A_245 = tpu.memref_slice %arg6[%dma_start3A, %dma_start3A_244] : memref<1024x16xf32, #tpu.memory_space<vmem>> -> memref<368x16xf32, #tpu.memory_space<vmem>>
      %dma_start3A_246 = arith.constant 0 : i32
      %dma_start3A_247 = tpu.memref_slice %arg4[%multiple_of3A_195, %dma_start3A_246] : memref<200192x16xf32, #tpu.memory_space<hbm>> -> memref<368x16xf32, #tpu.memory_space<hbm>>
      %dma_start3A_248 = arith.constant 0 : i32
      %dma_start3A_249 = tpu.memref_slice %arg4[%multiple_of3A_195, %dma_start3A_248] : memref<200192x16xf32, #tpu.memory_space<hbm>> -> memref<368x16xf32, #tpu.memory_space<hbm>>
      %dma_start3A_250 = arith.constant 0 : i32
      %dma_start3A_251 = arith.constant 0 : i32
      %dma_start3A_252 = tpu.memref_slice %arg6[%dma_start3A_250, %dma_start3A_251] : memref<1024x16xf32, #tpu.memory_space<vmem>> -> memref<368x16xf32, #tpu.memory_space<vmem>>
      tpu.enqueue_dma source(%dma_start3A_252 : memref<368x16xf32, #tpu.memory_space<vmem>>) target(%dma_start3A_249 : memref<368x16xf32, #tpu.memory_space<hbm>>) target_semaphore(%run_scoped3A : memref<!tpu.dma_semaphore, #tpu.memory_space<semaphore_mem>>)
      %dma_wait3A = arith.constant 0 : i32
      %dma_wait3A_253 = arith.constant 0 : i32
      %dma_wait3A_254 = tpu.memref_slice %arg6[%dma_wait3A, %dma_wait3A_253] : memref<1024x16xf32, #tpu.memory_space<vmem>> -> memref<368x16xf32, #tpu.memory_space<vmem>>
      %dma_wait3A_255 = arith.constant 0 : i32
      %dma_wait3A_256 = tpu.memref_slice %arg4[%multiple_of3A_195, %dma_wait3A_255] : memref<200192x16xf32, #tpu.memory_space<hbm>> -> memref<368x16xf32, #tpu.memory_space<hbm>>
      %dma_wait3A_257 = arith.constant 0 : i32
      %dma_wait3A_258 = tpu.memref_slice %arg4[%multiple_of3A_195, %dma_wait3A_257] : memref<200192x16xf32, #tpu.memory_space<hbm>> -> memref<368x16xf32, #tpu.memory_space<hbm>>
      %dma_wait3A_259 = arith.constant 0 : i32
      %dma_wait3A_260 = arith.constant 0 : i32
      %dma_wait3A_261 = tpu.memref_slice %arg6[%dma_wait3A_259, %dma_wait3A_260] : memref<1024x16xf32, #tpu.memory_space<vmem>> -> memref<368x16xf32, #tpu.memory_space<vmem>>
      tpu.wait_dma2 semaphore(%run_scoped3A : memref<!tpu.dma_semaphore, #tpu.memory_space<semaphore_mem>>) src(%dma_wait3A_261 : memref<368x16xf32, #tpu.memory_space<vmem>>) dst(%dma_wait3A_258 : memref<368x16xf32, #tpu.memory_space<hbm>>)
      tpu.yield
    }) : () -> ()
    "tpu.region"() ({
      %run_scoped3A = tpu.sem_alloc : memref<!tpu.dma_semaphore, #tpu.memory_space<semaphore_mem>>
      %dma_start3A = tpu.memref_slice %arg13[%multiple_of3A_192] : memref<100096xf32, #tpu.memory_space<vmem_shared>> -> memref<368xf32, #tpu.memory_space<vmem_shared>>
      %dma_start3A_244 = tpu.memref_slice %arg13[%multiple_of3A_192] : memref<100096xf32, #tpu.memory_space<vmem_shared>> -> memref<368xf32, #tpu.memory_space<vmem_shared>>
      tpu.enqueue_dma source(%dma_start3A_244 : memref<368xf32, #tpu.memory_space<vmem_shared>>) target(%arg9 : memref<368xf32, #tpu.memory_space<vmem>>) target_semaphore(%run_scoped3A : memref<!tpu.dma_semaphore, #tpu.memory_space<semaphore_mem>>)
      %dma_wait3A = tpu.memref_slice %arg13[%multiple_of3A_192] : memref<100096xf32, #tpu.memory_space<vmem_shared>> -> memref<368xf32, #tpu.memory_space<vmem_shared>>
      %dma_wait3A_245 = tpu.memref_slice %arg13[%multiple_of3A_192] : memref<100096xf32, #tpu.memory_space<vmem_shared>> -> memref<368xf32, #tpu.memory_space<vmem_shared>>
      tpu.wait_dma2 semaphore(%run_scoped3A : memref<!tpu.dma_semaphore, #tpu.memory_space<semaphore_mem>>) src(%dma_wait3A_245 : memref<368xf32, #tpu.memory_space<vmem_shared>>) dst(%arg9 : memref<368xf32, #tpu.memory_space<vmem>>)
      tpu.yield
    }) : () -> ()
    "tpu.region"() ({
      %run_scoped3A = tpu.sem_alloc : memref<!tpu.dma_semaphore, #tpu.memory_space<semaphore_mem>>
      %dma_start3A = tpu.memref_slice %arg5[%multiple_of3A_195] : memref<200192xf32, #tpu.memory_space<hbm>> -> memref<368xf32, #tpu.memory_space<hbm>>
      %dma_start3A_244 = tpu.memref_slice %arg5[%multiple_of3A_195] : memref<200192xf32, #tpu.memory_space<hbm>> -> memref<368xf32, #tpu.memory_space<hbm>>
      tpu.enqueue_dma source(%arg9 : memref<368xf32, #tpu.memory_space<vmem>>) target(%dma_start3A_244 : memref<368xf32, #tpu.memory_space<hbm>>) target_semaphore(%run_scoped3A : memref<!tpu.dma_semaphore, #tpu.memory_space<semaphore_mem>>)
      %dma_wait3A = tpu.memref_slice %arg5[%multiple_of3A_195] : memref<200192xf32, #tpu.memory_space<hbm>> -> memref<368xf32, #tpu.memory_space<hbm>>
      %dma_wait3A_245 = tpu.memref_slice %arg5[%multiple_of3A_195] : memref<200192xf32, #tpu.memory_space<hbm>> -> memref<368xf32, #tpu.memory_space<hbm>>
      tpu.wait_dma2 semaphore(%run_scoped3A : memref<!tpu.dma_semaphore, #tpu.memory_space<semaphore_mem>>) src(%arg9 : memref<368xf32, #tpu.memory_space<vmem>>) dst(%dma_wait3A_245 : memref<368xf32, #tpu.memory_space<hbm>>)
      tpu.yield
    }) : () -> ()
    %add3A_196 = arith.constant 3312 : i32
    %add3A_197 = arith.addi %mul3A_77, %add3A_196 : i32
    %multiple_of3A_198 = tpu.assume_multiple %add3A_197, 8 : i32
    %add3A_199 = arith.constant 3312 : i32
    %add3A_200 = arith.addi %add3A_141, %add3A_199 : i32
    %multiple_of3A_201 = tpu.assume_multiple %add3A_200, 8 : i32
    "tpu.region"() ({
      %run_scoped3A = tpu.sem_alloc : memref<!tpu.dma_semaphore, #tpu.memory_space<semaphore_mem>>
      %dma_start3A = arith.constant 0 : i32
      %dma_start3A_244 = arith.constant 0 : i32
      %dma_start3A_245 = tpu.memref_slice %arg6[%dma_start3A, %dma_start3A_244] : memref<1024x16xf32, #tpu.memory_space<vmem>> -> memref<368x16xf32, #tpu.memory_space<vmem>>
      %dma_start3A_246 = arith.constant 0 : i32
      %dma_start3A_247 = tpu.memref_slice %arg12[%multiple_of3A_198, %dma_start3A_246] : memref<100096x16xf32, #tpu.memory_space<vmem_shared>> -> memref<368x16xf32, #tpu.memory_space<vmem_shared>>
      %dma_start3A_248 = arith.constant 0 : i32
      %dma_start3A_249 = arith.constant 0 : i32
      %dma_start3A_250 = tpu.memref_slice %arg6[%dma_start3A_248, %dma_start3A_249] : memref<1024x16xf32, #tpu.memory_space<vmem>> -> memref<368x16xf32, #tpu.memory_space<vmem>>
      %dma_start3A_251 = arith.constant 0 : i32
      %dma_start3A_252 = tpu.memref_slice %arg12[%multiple_of3A_198, %dma_start3A_251] : memref<100096x16xf32, #tpu.memory_space<vmem_shared>> -> memref<368x16xf32, #tpu.memory_space<vmem_shared>>
      tpu.enqueue_dma source(%dma_start3A_252 : memref<368x16xf32, #tpu.memory_space<vmem_shared>>) target(%dma_start3A_250 : memref<368x16xf32, #tpu.memory_space<vmem>>) target_semaphore(%run_scoped3A : memref<!tpu.dma_semaphore, #tpu.memory_space<semaphore_mem>>)
      %dma_wait3A = arith.constant 0 : i32
      %dma_wait3A_253 = arith.constant 0 : i32
      %dma_wait3A_254 = tpu.memref_slice %arg6[%dma_wait3A, %dma_wait3A_253] : memref<1024x16xf32, #tpu.memory_space<vmem>> -> memref<368x16xf32, #tpu.memory_space<vmem>>
      %dma_wait3A_255 = arith.constant 0 : i32
      %dma_wait3A_256 = tpu.memref_slice %arg12[%multiple_of3A_198, %dma_wait3A_255] : memref<100096x16xf32, #tpu.memory_space<vmem_shared>> -> memref<368x16xf32, #tpu.memory_space<vmem_shared>>
      %dma_wait3A_257 = arith.constant 0 : i32
      %dma_wait3A_258 = arith.constant 0 : i32
      %dma_wait3A_259 = tpu.memref_slice %arg6[%dma_wait3A_257, %dma_wait3A_258] : memref<1024x16xf32, #tpu.memory_space<vmem>> -> memref<368x16xf32, #tpu.memory_space<vmem>>
      %dma_wait3A_260 = arith.constant 0 : i32
      %dma_wait3A_261 = tpu.memref_slice %arg12[%multiple_of3A_198, %dma_wait3A_260] : memref<100096x16xf32, #tpu.memory_space<vmem_shared>> -> memref<368x16xf32, #tpu.memory_space<vmem_shared>>
      tpu.wait_dma2 semaphore(%run_scoped3A : memref<!tpu.dma_semaphore, #tpu.memory_space<semaphore_mem>>) src(%dma_wait3A_261 : memref<368x16xf32, #tpu.memory_space<vmem_shared>>) dst(%dma_wait3A_259 : memref<368x16xf32, #tpu.memory_space<vmem>>)
      tpu.yield
    }) : () -> ()
    "tpu.region"() ({
      %run_scoped3A = tpu.sem_alloc : memref<!tpu.dma_semaphore, #tpu.memory_space<semaphore_mem>>
      %dma_start3A = arith.constant 0 : i32
      %dma_start3A_244 = arith.constant 0 : i32
      %dma_start3A_245 = tpu.memref_slice %arg6[%dma_start3A, %dma_start3A_244] : memref<1024x16xf32, #tpu.memory_space<vmem>> -> memref<368x16xf32, #tpu.memory_space<vmem>>
      %dma_start3A_246 = arith.constant 0 : i32
      %dma_start3A_247 = tpu.memref_slice %arg4[%multiple_of3A_201, %dma_start3A_246] : memref<200192x16xf32, #tpu.memory_space<hbm>> -> memref<368x16xf32, #tpu.memory_space<hbm>>
      %dma_start3A_248 = arith.constant 0 : i32
      %dma_start3A_249 = tpu.memref_slice %arg4[%multiple_of3A_201, %dma_start3A_248] : memref<200192x16xf32, #tpu.memory_space<hbm>> -> memref<368x16xf32, #tpu.memory_space<hbm>>
      %dma_start3A_250 = arith.constant 0 : i32
      %dma_start3A_251 = arith.constant 0 : i32
      %dma_start3A_252 = tpu.memref_slice %arg6[%dma_start3A_250, %dma_start3A_251] : memref<1024x16xf32, #tpu.memory_space<vmem>> -> memref<368x16xf32, #tpu.memory_space<vmem>>
      tpu.enqueue_dma source(%dma_start3A_252 : memref<368x16xf32, #tpu.memory_space<vmem>>) target(%dma_start3A_249 : memref<368x16xf32, #tpu.memory_space<hbm>>) target_semaphore(%run_scoped3A : memref<!tpu.dma_semaphore, #tpu.memory_space<semaphore_mem>>)
      %dma_wait3A = arith.constant 0 : i32
      %dma_wait3A_253 = arith.constant 0 : i32
      %dma_wait3A_254 = tpu.memref_slice %arg6[%dma_wait3A, %dma_wait3A_253] : memref<1024x16xf32, #tpu.memory_space<vmem>> -> memref<368x16xf32, #tpu.memory_space<vmem>>
      %dma_wait3A_255 = arith.constant 0 : i32
      %dma_wait3A_256 = tpu.memref_slice %arg4[%multiple_of3A_201, %dma_wait3A_255] : memref<200192x16xf32, #tpu.memory_space<hbm>> -> memref<368x16xf32, #tpu.memory_space<hbm>>
      %dma_wait3A_257 = arith.constant 0 : i32
      %dma_wait3A_258 = tpu.memref_slice %arg4[%multiple_of3A_201, %dma_wait3A_257] : memref<200192x16xf32, #tpu.memory_space<hbm>> -> memref<368x16xf32, #tpu.memory_space<hbm>>
      %dma_wait3A_259 = arith.constant 0 : i32
      %dma_wait3A_260 = arith.constant 0 : i32
      %dma_wait3A_261 = tpu.memref_slice %arg6[%dma_wait3A_259, %dma_wait3A_260] : memref<1024x16xf32, #tpu.memory_space<vmem>> -> memref<368x16xf32, #tpu.memory_space<vmem>>
      tpu.wait_dma2 semaphore(%run_scoped3A : memref<!tpu.dma_semaphore, #tpu.memory_space<semaphore_mem>>) src(%dma_wait3A_261 : memref<368x16xf32, #tpu.memory_space<vmem>>) dst(%dma_wait3A_258 : memref<368x16xf32, #tpu.memory_space<hbm>>)
      tpu.yield
    }) : () -> ()
    "tpu.region"() ({
      %run_scoped3A = tpu.sem_alloc : memref<!tpu.dma_semaphore, #tpu.memory_space<semaphore_mem>>
      %dma_start3A = tpu.memref_slice %arg13[%multiple_of3A_198] : memref<100096xf32, #tpu.memory_space<vmem_shared>> -> memref<368xf32, #tpu.memory_space<vmem_shared>>
      %dma_start3A_244 = tpu.memref_slice %arg13[%multiple_of3A_198] : memref<100096xf32, #tpu.memory_space<vmem_shared>> -> memref<368xf32, #tpu.memory_space<vmem_shared>>
      tpu.enqueue_dma source(%dma_start3A_244 : memref<368xf32, #tpu.memory_space<vmem_shared>>) target(%arg9 : memref<368xf32, #tpu.memory_space<vmem>>) target_semaphore(%run_scoped3A : memref<!tpu.dma_semaphore, #tpu.memory_space<semaphore_mem>>)
      %dma_wait3A = tpu.memref_slice %arg13[%multiple_of3A_198] : memref<100096xf32, #tpu.memory_space<vmem_shared>> -> memref<368xf32, #tpu.memory_space<vmem_shared>>
      %dma_wait3A_245 = tpu.memref_slice %arg13[%multiple_of3A_198] : memref<100096xf32, #tpu.memory_space<vmem_shared>> -> memref<368xf32, #tpu.memory_space<vmem_shared>>
      tpu.wait_dma2 semaphore(%run_scoped3A : memref<!tpu.dma_semaphore, #tpu.memory_space<semaphore_mem>>) src(%dma_wait3A_245 : memref<368xf32, #tpu.memory_space<vmem_shared>>) dst(%arg9 : memref<368xf32, #tpu.memory_space<vmem>>)
      tpu.yield
    }) : () -> ()
    "tpu.region"() ({
      %run_scoped3A = tpu.sem_alloc : memref<!tpu.dma_semaphore, #tpu.memory_space<semaphore_mem>>
      %dma_start3A = tpu.memref_slice %arg5[%multiple_of3A_201] : memref<200192xf32, #tpu.memory_space<hbm>> -> memref<368xf32, #tpu.memory_space<hbm>>
      %dma_start3A_244 = tpu.memref_slice %arg5[%multiple_of3A_201] : memref<200192xf32, #tpu.memory_space<hbm>> -> memref<368xf32, #tpu.memory_space<hbm>>
      tpu.enqueue_dma source(%arg9 : memref<368xf32, #tpu.memory_space<vmem>>) target(%dma_start3A_244 : memref<368xf32, #tpu.memory_space<hbm>>) target_semaphore(%run_scoped3A : memref<!tpu.dma_semaphore, #tpu.memory_space<semaphore_mem>>)
      %dma_wait3A = tpu.memref_slice %arg5[%multiple_of3A_201] : memref<200192xf32, #tpu.memory_space<hbm>> -> memref<368xf32, #tpu.memory_space<hbm>>
      %dma_wait3A_245 = tpu.memref_slice %arg5[%multiple_of3A_201] : memref<200192xf32, #tpu.memory_space<hbm>> -> memref<368xf32, #tpu.memory_space<hbm>>
      tpu.wait_dma2 semaphore(%run_scoped3A : memref<!tpu.dma_semaphore, #tpu.memory_space<semaphore_mem>>) src(%arg9 : memref<368xf32, #tpu.memory_space<vmem>>) dst(%dma_wait3A_245 : memref<368xf32, #tpu.memory_space<hbm>>)
      tpu.yield
    }) : () -> ()
    %add3A_202 = arith.constant 3680 : i32
    %add3A_203 = arith.addi %mul3A_77, %add3A_202 : i32
    %multiple_of3A_204 = tpu.assume_multiple %add3A_203, 8 : i32
    %add3A_205 = arith.constant 3680 : i32
    %add3A_206 = arith.addi %add3A_141, %add3A_205 : i32
    %multiple_of3A_207 = tpu.assume_multiple %add3A_206, 8 : i32
    "tpu.region"() ({
      %run_scoped3A = tpu.sem_alloc : memref<!tpu.dma_semaphore, #tpu.memory_space<semaphore_mem>>
      %dma_start3A = arith.constant 0 : i32
      %dma_start3A_244 = arith.constant 0 : i32
      %dma_start3A_245 = tpu.memref_slice %arg6[%dma_start3A, %dma_start3A_244] : memref<1024x16xf32, #tpu.memory_space<vmem>> -> memref<368x16xf32, #tpu.memory_space<vmem>>
      %dma_start3A_246 = arith.constant 0 : i32
      %dma_start3A_247 = tpu.memref_slice %arg12[%multiple_of3A_204, %dma_start3A_246] : memref<100096x16xf32, #tpu.memory_space<vmem_shared>> -> memref<368x16xf32, #tpu.memory_space<vmem_shared>>
      %dma_start3A_248 = arith.constant 0 : i32
      %dma_start3A_249 = arith.constant 0 : i32
      %dma_start3A_250 = tpu.memref_slice %arg6[%dma_start3A_248, %dma_start3A_249] : memref<1024x16xf32, #tpu.memory_space<vmem>> -> memref<368x16xf32, #tpu.memory_space<vmem>>
      %dma_start3A_251 = arith.constant 0 : i32
      %dma_start3A_252 = tpu.memref_slice %arg12[%multiple_of3A_204, %dma_start3A_251] : memref<100096x16xf32, #tpu.memory_space<vmem_shared>> -> memref<368x16xf32, #tpu.memory_space<vmem_shared>>
      tpu.enqueue_dma source(%dma_start3A_252 : memref<368x16xf32, #tpu.memory_space<vmem_shared>>) target(%dma_start3A_250 : memref<368x16xf32, #tpu.memory_space<vmem>>) target_semaphore(%run_scoped3A : memref<!tpu.dma_semaphore, #tpu.memory_space<semaphore_mem>>)
      %dma_wait3A = arith.constant 0 : i32
      %dma_wait3A_253 = arith.constant 0 : i32
      %dma_wait3A_254 = tpu.memref_slice %arg6[%dma_wait3A, %dma_wait3A_253] : memref<1024x16xf32, #tpu.memory_space<vmem>> -> memref<368x16xf32, #tpu.memory_space<vmem>>
      %dma_wait3A_255 = arith.constant 0 : i32
      %dma_wait3A_256 = tpu.memref_slice %arg12[%multiple_of3A_204, %dma_wait3A_255] : memref<100096x16xf32, #tpu.memory_space<vmem_shared>> -> memref<368x16xf32, #tpu.memory_space<vmem_shared>>
      %dma_wait3A_257 = arith.constant 0 : i32
      %dma_wait3A_258 = arith.constant 0 : i32
      %dma_wait3A_259 = tpu.memref_slice %arg6[%dma_wait3A_257, %dma_wait3A_258] : memref<1024x16xf32, #tpu.memory_space<vmem>> -> memref<368x16xf32, #tpu.memory_space<vmem>>
      %dma_wait3A_260 = arith.constant 0 : i32
      %dma_wait3A_261 = tpu.memref_slice %arg12[%multiple_of3A_204, %dma_wait3A_260] : memref<100096x16xf32, #tpu.memory_space<vmem_shared>> -> memref<368x16xf32, #tpu.memory_space<vmem_shared>>
      tpu.wait_dma2 semaphore(%run_scoped3A : memref<!tpu.dma_semaphore, #tpu.memory_space<semaphore_mem>>) src(%dma_wait3A_261 : memref<368x16xf32, #tpu.memory_space<vmem_shared>>) dst(%dma_wait3A_259 : memref<368x16xf32, #tpu.memory_space<vmem>>)
      tpu.yield
    }) : () -> ()
    "tpu.region"() ({
      %run_scoped3A = tpu.sem_alloc : memref<!tpu.dma_semaphore, #tpu.memory_space<semaphore_mem>>
      %dma_start3A = arith.constant 0 : i32
      %dma_start3A_244 = arith.constant 0 : i32
      %dma_start3A_245 = tpu.memref_slice %arg6[%dma_start3A, %dma_start3A_244] : memref<1024x16xf32, #tpu.memory_space<vmem>> -> memref<368x16xf32, #tpu.memory_space<vmem>>
      %dma_start3A_246 = arith.constant 0 : i32
      %dma_start3A_247 = tpu.memref_slice %arg4[%multiple_of3A_207, %dma_start3A_246] : memref<200192x16xf32, #tpu.memory_space<hbm>> -> memref<368x16xf32, #tpu.memory_space<hbm>>
      %dma_start3A_248 = arith.constant 0 : i32
      %dma_start3A_249 = tpu.memref_slice %arg4[%multiple_of3A_207, %dma_start3A_248] : memref<200192x16xf32, #tpu.memory_space<hbm>> -> memref<368x16xf32, #tpu.memory_space<hbm>>
      %dma_start3A_250 = arith.constant 0 : i32
      %dma_start3A_251 = arith.constant 0 : i32
      %dma_start3A_252 = tpu.memref_slice %arg6[%dma_start3A_250, %dma_start3A_251] : memref<1024x16xf32, #tpu.memory_space<vmem>> -> memref<368x16xf32, #tpu.memory_space<vmem>>
      tpu.enqueue_dma source(%dma_start3A_252 : memref<368x16xf32, #tpu.memory_space<vmem>>) target(%dma_start3A_249 : memref<368x16xf32, #tpu.memory_space<hbm>>) target_semaphore(%run_scoped3A : memref<!tpu.dma_semaphore, #tpu.memory_space<semaphore_mem>>)
      %dma_wait3A = arith.constant 0 : i32
      %dma_wait3A_253 = arith.constant 0 : i32
      %dma_wait3A_254 = tpu.memref_slice %arg6[%dma_wait3A, %dma_wait3A_253] : memref<1024x16xf32, #tpu.memory_space<vmem>> -> memref<368x16xf32, #tpu.memory_space<vmem>>
      %dma_wait3A_255 = arith.constant 0 : i32
      %dma_wait3A_256 = tpu.memref_slice %arg4[%multiple_of3A_207, %dma_wait3A_255] : memref<200192x16xf32, #tpu.memory_space<hbm>> -> memref<368x16xf32, #tpu.memory_space<hbm>>
      %dma_wait3A_257 = arith.constant 0 : i32
      %dma_wait3A_258 = tpu.memref_slice %arg4[%multiple_of3A_207, %dma_wait3A_257] : memref<200192x16xf32, #tpu.memory_space<hbm>> -> memref<368x16xf32, #tpu.memory_space<hbm>>
      %dma_wait3A_259 = arith.constant 0 : i32
      %dma_wait3A_260 = arith.constant 0 : i32
      %dma_wait3A_261 = tpu.memref_slice %arg6[%dma_wait3A_259, %dma_wait3A_260] : memref<1024x16xf32, #tpu.memory_space<vmem>> -> memref<368x16xf32, #tpu.memory_space<vmem>>
      tpu.wait_dma2 semaphore(%run_scoped3A : memref<!tpu.dma_semaphore, #tpu.memory_space<semaphore_mem>>) src(%dma_wait3A_261 : memref<368x16xf32, #tpu.memory_space<vmem>>) dst(%dma_wait3A_258 : memref<368x16xf32, #tpu.memory_space<hbm>>)
      tpu.yield
    }) : () -> ()
    "tpu.region"() ({
      %run_scoped3A = tpu.sem_alloc : memref<!tpu.dma_semaphore, #tpu.memory_space<semaphore_mem>>
      %dma_start3A = tpu.memref_slice %arg13[%multiple_of3A_204] : memref<100096xf32, #tpu.memory_space<vmem_shared>> -> memref<368xf32, #tpu.memory_space<vmem_shared>>
      %dma_start3A_244 = tpu.memref_slice %arg13[%multiple_of3A_204] : memref<100096xf32, #tpu.memory_space<vmem_shared>> -> memref<368xf32, #tpu.memory_space<vmem_shared>>
      tpu.enqueue_dma source(%dma_start3A_244 : memref<368xf32, #tpu.memory_space<vmem_shared>>) target(%arg9 : memref<368xf32, #tpu.memory_space<vmem>>) target_semaphore(%run_scoped3A : memref<!tpu.dma_semaphore, #tpu.memory_space<semaphore_mem>>)
      %dma_wait3A = tpu.memref_slice %arg13[%multiple_of3A_204] : memref<100096xf32, #tpu.memory_space<vmem_shared>> -> memref<368xf32, #tpu.memory_space<vmem_shared>>
      %dma_wait3A_245 = tpu.memref_slice %arg13[%multiple_of3A_204] : memref<100096xf32, #tpu.memory_space<vmem_shared>> -> memref<368xf32, #tpu.memory_space<vmem_shared>>
      tpu.wait_dma2 semaphore(%run_scoped3A : memref<!tpu.dma_semaphore, #tpu.memory_space<semaphore_mem>>) src(%dma_wait3A_245 : memref<368xf32, #tpu.memory_space<vmem_shared>>) dst(%arg9 : memref<368xf32, #tpu.memory_space<vmem>>)
      tpu.yield
    }) : () -> ()
    "tpu.region"() ({
      %run_scoped3A = tpu.sem_alloc : memref<!tpu.dma_semaphore, #tpu.memory_space<semaphore_mem>>
      %dma_start3A = tpu.memref_slice %arg5[%multiple_of3A_207] : memref<200192xf32, #tpu.memory_space<hbm>> -> memref<368xf32, #tpu.memory_space<hbm>>
      %dma_start3A_244 = tpu.memref_slice %arg5[%multiple_of3A_207] : memref<200192xf32, #tpu.memory_space<hbm>> -> memref<368xf32, #tpu.memory_space<hbm>>
      tpu.enqueue_dma source(%arg9 : memref<368xf32, #tpu.memory_space<vmem>>) target(%dma_start3A_244 : memref<368xf32, #tpu.memory_space<hbm>>) target_semaphore(%run_scoped3A : memref<!tpu.dma_semaphore, #tpu.memory_space<semaphore_mem>>)
      %dma_wait3A = tpu.memref_slice %arg5[%multiple_of3A_207] : memref<200192xf32, #tpu.memory_space<hbm>> -> memref<368xf32, #tpu.memory_space<hbm>>
      %dma_wait3A_245 = tpu.memref_slice %arg5[%multiple_of3A_207] : memref<200192xf32, #tpu.memory_space<hbm>> -> memref<368xf32, #tpu.memory_space<hbm>>
      tpu.wait_dma2 semaphore(%run_scoped3A : memref<!tpu.dma_semaphore, #tpu.memory_space<semaphore_mem>>) src(%arg9 : memref<368xf32, #tpu.memory_space<vmem>>) dst(%dma_wait3A_245 : memref<368xf32, #tpu.memory_space<hbm>>)
      tpu.yield
    }) : () -> ()
    %add3A_208 = arith.constant 4048 : i32
    %add3A_209 = arith.addi %mul3A_77, %add3A_208 : i32
    %multiple_of3A_210 = tpu.assume_multiple %add3A_209, 8 : i32
    %add3A_211 = arith.constant 4048 : i32
    %add3A_212 = arith.addi %add3A_141, %add3A_211 : i32
    %multiple_of3A_213 = tpu.assume_multiple %add3A_212, 8 : i32
    "tpu.region"() ({
      %run_scoped3A = tpu.sem_alloc : memref<!tpu.dma_semaphore, #tpu.memory_space<semaphore_mem>>
      %dma_start3A = arith.constant 0 : i32
      %dma_start3A_244 = arith.constant 0 : i32
      %dma_start3A_245 = tpu.memref_slice %arg6[%dma_start3A, %dma_start3A_244] : memref<1024x16xf32, #tpu.memory_space<vmem>> -> memref<368x16xf32, #tpu.memory_space<vmem>>
      %dma_start3A_246 = arith.constant 0 : i32
      %dma_start3A_247 = tpu.memref_slice %arg12[%multiple_of3A_210, %dma_start3A_246] : memref<100096x16xf32, #tpu.memory_space<vmem_shared>> -> memref<368x16xf32, #tpu.memory_space<vmem_shared>>
      %dma_start3A_248 = arith.constant 0 : i32
      %dma_start3A_249 = arith.constant 0 : i32
      %dma_start3A_250 = tpu.memref_slice %arg6[%dma_start3A_248, %dma_start3A_249] : memref<1024x16xf32, #tpu.memory_space<vmem>> -> memref<368x16xf32, #tpu.memory_space<vmem>>
      %dma_start3A_251 = arith.constant 0 : i32
      %dma_start3A_252 = tpu.memref_slice %arg12[%multiple_of3A_210, %dma_start3A_251] : memref<100096x16xf32, #tpu.memory_space<vmem_shared>> -> memref<368x16xf32, #tpu.memory_space<vmem_shared>>
      tpu.enqueue_dma source(%dma_start3A_252 : memref<368x16xf32, #tpu.memory_space<vmem_shared>>) target(%dma_start3A_250 : memref<368x16xf32, #tpu.memory_space<vmem>>) target_semaphore(%run_scoped3A : memref<!tpu.dma_semaphore, #tpu.memory_space<semaphore_mem>>)
      %dma_wait3A = arith.constant 0 : i32
      %dma_wait3A_253 = arith.constant 0 : i32
      %dma_wait3A_254 = tpu.memref_slice %arg6[%dma_wait3A, %dma_wait3A_253] : memref<1024x16xf32, #tpu.memory_space<vmem>> -> memref<368x16xf32, #tpu.memory_space<vmem>>
      %dma_wait3A_255 = arith.constant 0 : i32
      %dma_wait3A_256 = tpu.memref_slice %arg12[%multiple_of3A_210, %dma_wait3A_255] : memref<100096x16xf32, #tpu.memory_space<vmem_shared>> -> memref<368x16xf32, #tpu.memory_space<vmem_shared>>
      %dma_wait3A_257 = arith.constant 0 : i32
      %dma_wait3A_258 = arith.constant 0 : i32
      %dma_wait3A_259 = tpu.memref_slice %arg6[%dma_wait3A_257, %dma_wait3A_258] : memref<1024x16xf32, #tpu.memory_space<vmem>> -> memref<368x16xf32, #tpu.memory_space<vmem>>
      %dma_wait3A_260 = arith.constant 0 : i32
      %dma_wait3A_261 = tpu.memref_slice %arg12[%multiple_of3A_210, %dma_wait3A_260] : memref<100096x16xf32, #tpu.memory_space<vmem_shared>> -> memref<368x16xf32, #tpu.memory_space<vmem_shared>>
      tpu.wait_dma2 semaphore(%run_scoped3A : memref<!tpu.dma_semaphore, #tpu.memory_space<semaphore_mem>>) src(%dma_wait3A_261 : memref<368x16xf32, #tpu.memory_space<vmem_shared>>) dst(%dma_wait3A_259 : memref<368x16xf32, #tpu.memory_space<vmem>>)
      tpu.yield
    }) : () -> ()
    "tpu.region"() ({
      %run_scoped3A = tpu.sem_alloc : memref<!tpu.dma_semaphore, #tpu.memory_space<semaphore_mem>>
      %dma_start3A = arith.constant 0 : i32
      %dma_start3A_244 = arith.constant 0 : i32
      %dma_start3A_245 = tpu.memref_slice %arg6[%dma_start3A, %dma_start3A_244] : memref<1024x16xf32, #tpu.memory_space<vmem>> -> memref<368x16xf32, #tpu.memory_space<vmem>>
      %dma_start3A_246 = arith.constant 0 : i32
      %dma_start3A_247 = tpu.memref_slice %arg4[%multiple_of3A_213, %dma_start3A_246] : memref<200192x16xf32, #tpu.memory_space<hbm>> -> memref<368x16xf32, #tpu.memory_space<hbm>>
      %dma_start3A_248 = arith.constant 0 : i32
      %dma_start3A_249 = tpu.memref_slice %arg4[%multiple_of3A_213, %dma_start3A_248] : memref<200192x16xf32, #tpu.memory_space<hbm>> -> memref<368x16xf32, #tpu.memory_space<hbm>>
      %dma_start3A_250 = arith.constant 0 : i32
      %dma_start3A_251 = arith.constant 0 : i32
      %dma_start3A_252 = tpu.memref_slice %arg6[%dma_start3A_250, %dma_start3A_251] : memref<1024x16xf32, #tpu.memory_space<vmem>> -> memref<368x16xf32, #tpu.memory_space<vmem>>
      tpu.enqueue_dma source(%dma_start3A_252 : memref<368x16xf32, #tpu.memory_space<vmem>>) target(%dma_start3A_249 : memref<368x16xf32, #tpu.memory_space<hbm>>) target_semaphore(%run_scoped3A : memref<!tpu.dma_semaphore, #tpu.memory_space<semaphore_mem>>)
      %dma_wait3A = arith.constant 0 : i32
      %dma_wait3A_253 = arith.constant 0 : i32
      %dma_wait3A_254 = tpu.memref_slice %arg6[%dma_wait3A, %dma_wait3A_253] : memref<1024x16xf32, #tpu.memory_space<vmem>> -> memref<368x16xf32, #tpu.memory_space<vmem>>
      %dma_wait3A_255 = arith.constant 0 : i32
      %dma_wait3A_256 = tpu.memref_slice %arg4[%multiple_of3A_213, %dma_wait3A_255] : memref<200192x16xf32, #tpu.memory_space<hbm>> -> memref<368x16xf32, #tpu.memory_space<hbm>>
      %dma_wait3A_257 = arith.constant 0 : i32
      %dma_wait3A_258 = tpu.memref_slice %arg4[%multiple_of3A_213, %dma_wait3A_257] : memref<200192x16xf32, #tpu.memory_space<hbm>> -> memref<368x16xf32, #tpu.memory_space<hbm>>
      %dma_wait3A_259 = arith.constant 0 : i32
      %dma_wait3A_260 = arith.constant 0 : i32
      %dma_wait3A_261 = tpu.memref_slice %arg6[%dma_wait3A_259, %dma_wait3A_260] : memref<1024x16xf32, #tpu.memory_space<vmem>> -> memref<368x16xf32, #tpu.memory_space<vmem>>
      tpu.wait_dma2 semaphore(%run_scoped3A : memref<!tpu.dma_semaphore, #tpu.memory_space<semaphore_mem>>) src(%dma_wait3A_261 : memref<368x16xf32, #tpu.memory_space<vmem>>) dst(%dma_wait3A_258 : memref<368x16xf32, #tpu.memory_space<hbm>>)
      tpu.yield
    }) : () -> ()
    "tpu.region"() ({
      %run_scoped3A = tpu.sem_alloc : memref<!tpu.dma_semaphore, #tpu.memory_space<semaphore_mem>>
      %dma_start3A = tpu.memref_slice %arg13[%multiple_of3A_210] : memref<100096xf32, #tpu.memory_space<vmem_shared>> -> memref<368xf32, #tpu.memory_space<vmem_shared>>
      %dma_start3A_244 = tpu.memref_slice %arg13[%multiple_of3A_210] : memref<100096xf32, #tpu.memory_space<vmem_shared>> -> memref<368xf32, #tpu.memory_space<vmem_shared>>
      tpu.enqueue_dma source(%dma_start3A_244 : memref<368xf32, #tpu.memory_space<vmem_shared>>) target(%arg9 : memref<368xf32, #tpu.memory_space<vmem>>) target_semaphore(%run_scoped3A : memref<!tpu.dma_semaphore, #tpu.memory_space<semaphore_mem>>)
      %dma_wait3A = tpu.memref_slice %arg13[%multiple_of3A_210] : memref<100096xf32, #tpu.memory_space<vmem_shared>> -> memref<368xf32, #tpu.memory_space<vmem_shared>>
      %dma_wait3A_245 = tpu.memref_slice %arg13[%multiple_of3A_210] : memref<100096xf32, #tpu.memory_space<vmem_shared>> -> memref<368xf32, #tpu.memory_space<vmem_shared>>
      tpu.wait_dma2 semaphore(%run_scoped3A : memref<!tpu.dma_semaphore, #tpu.memory_space<semaphore_mem>>) src(%dma_wait3A_245 : memref<368xf32, #tpu.memory_space<vmem_shared>>) dst(%arg9 : memref<368xf32, #tpu.memory_space<vmem>>)
      tpu.yield
    }) : () -> ()
    "tpu.region"() ({
      %run_scoped3A = tpu.sem_alloc : memref<!tpu.dma_semaphore, #tpu.memory_space<semaphore_mem>>
      %dma_start3A = tpu.memref_slice %arg5[%multiple_of3A_213] : memref<200192xf32, #tpu.memory_space<hbm>> -> memref<368xf32, #tpu.memory_space<hbm>>
      %dma_start3A_244 = tpu.memref_slice %arg5[%multiple_of3A_213] : memref<200192xf32, #tpu.memory_space<hbm>> -> memref<368xf32, #tpu.memory_space<hbm>>
      tpu.enqueue_dma source(%arg9 : memref<368xf32, #tpu.memory_space<vmem>>) target(%dma_start3A_244 : memref<368xf32, #tpu.memory_space<hbm>>) target_semaphore(%run_scoped3A : memref<!tpu.dma_semaphore, #tpu.memory_space<semaphore_mem>>)
      %dma_wait3A = tpu.memref_slice %arg5[%multiple_of3A_213] : memref<200192xf32, #tpu.memory_space<hbm>> -> memref<368xf32, #tpu.memory_space<hbm>>
      %dma_wait3A_245 = tpu.memref_slice %arg5[%multiple_of3A_213] : memref<200192xf32, #tpu.memory_space<hbm>> -> memref<368xf32, #tpu.memory_space<hbm>>
      tpu.wait_dma2 semaphore(%run_scoped3A : memref<!tpu.dma_semaphore, #tpu.memory_space<semaphore_mem>>) src(%arg9 : memref<368xf32, #tpu.memory_space<vmem>>) dst(%dma_wait3A_245 : memref<368xf32, #tpu.memory_space<hbm>>)
      tpu.yield
    }) : () -> ()
    %add3A_214 = arith.constant 4416 : i32
    %add3A_215 = arith.addi %mul3A_77, %add3A_214 : i32
    %multiple_of3A_216 = tpu.assume_multiple %add3A_215, 8 : i32
    %add3A_217 = arith.constant 4416 : i32
    %add3A_218 = arith.addi %add3A_141, %add3A_217 : i32
    %multiple_of3A_219 = tpu.assume_multiple %add3A_218, 8 : i32
    "tpu.region"() ({
      %run_scoped3A = tpu.sem_alloc : memref<!tpu.dma_semaphore, #tpu.memory_space<semaphore_mem>>
      %dma_start3A = arith.constant 0 : i32
      %dma_start3A_244 = arith.constant 0 : i32
      %dma_start3A_245 = tpu.memref_slice %arg6[%dma_start3A, %dma_start3A_244] : memref<1024x16xf32, #tpu.memory_space<vmem>> -> memref<368x16xf32, #tpu.memory_space<vmem>>
      %dma_start3A_246 = arith.constant 0 : i32
      %dma_start3A_247 = tpu.memref_slice %arg12[%multiple_of3A_216, %dma_start3A_246] : memref<100096x16xf32, #tpu.memory_space<vmem_shared>> -> memref<368x16xf32, #tpu.memory_space<vmem_shared>>
      %dma_start3A_248 = arith.constant 0 : i32
      %dma_start3A_249 = arith.constant 0 : i32
      %dma_start3A_250 = tpu.memref_slice %arg6[%dma_start3A_248, %dma_start3A_249] : memref<1024x16xf32, #tpu.memory_space<vmem>> -> memref<368x16xf32, #tpu.memory_space<vmem>>
      %dma_start3A_251 = arith.constant 0 : i32
      %dma_start3A_252 = tpu.memref_slice %arg12[%multiple_of3A_216, %dma_start3A_251] : memref<100096x16xf32, #tpu.memory_space<vmem_shared>> -> memref<368x16xf32, #tpu.memory_space<vmem_shared>>
      tpu.enqueue_dma source(%dma_start3A_252 : memref<368x16xf32, #tpu.memory_space<vmem_shared>>) target(%dma_start3A_250 : memref<368x16xf32, #tpu.memory_space<vmem>>) target_semaphore(%run_scoped3A : memref<!tpu.dma_semaphore, #tpu.memory_space<semaphore_mem>>)
      %dma_wait3A = arith.constant 0 : i32
      %dma_wait3A_253 = arith.constant 0 : i32
      %dma_wait3A_254 = tpu.memref_slice %arg6[%dma_wait3A, %dma_wait3A_253] : memref<1024x16xf32, #tpu.memory_space<vmem>> -> memref<368x16xf32, #tpu.memory_space<vmem>>
      %dma_wait3A_255 = arith.constant 0 : i32
      %dma_wait3A_256 = tpu.memref_slice %arg12[%multiple_of3A_216, %dma_wait3A_255] : memref<100096x16xf32, #tpu.memory_space<vmem_shared>> -> memref<368x16xf32, #tpu.memory_space<vmem_shared>>
      %dma_wait3A_257 = arith.constant 0 : i32
      %dma_wait3A_258 = arith.constant 0 : i32
      %dma_wait3A_259 = tpu.memref_slice %arg6[%dma_wait3A_257, %dma_wait3A_258] : memref<1024x16xf32, #tpu.memory_space<vmem>> -> memref<368x16xf32, #tpu.memory_space<vmem>>
      %dma_wait3A_260 = arith.constant 0 : i32
      %dma_wait3A_261 = tpu.memref_slice %arg12[%multiple_of3A_216, %dma_wait3A_260] : memref<100096x16xf32, #tpu.memory_space<vmem_shared>> -> memref<368x16xf32, #tpu.memory_space<vmem_shared>>
      tpu.wait_dma2 semaphore(%run_scoped3A : memref<!tpu.dma_semaphore, #tpu.memory_space<semaphore_mem>>) src(%dma_wait3A_261 : memref<368x16xf32, #tpu.memory_space<vmem_shared>>) dst(%dma_wait3A_259 : memref<368x16xf32, #tpu.memory_space<vmem>>)
      tpu.yield
    }) : () -> ()
    "tpu.region"() ({
      %run_scoped3A = tpu.sem_alloc : memref<!tpu.dma_semaphore, #tpu.memory_space<semaphore_mem>>
      %dma_start3A = arith.constant 0 : i32
      %dma_start3A_244 = arith.constant 0 : i32
      %dma_start3A_245 = tpu.memref_slice %arg6[%dma_start3A, %dma_start3A_244] : memref<1024x16xf32, #tpu.memory_space<vmem>> -> memref<368x16xf32, #tpu.memory_space<vmem>>
      %dma_start3A_246 = arith.constant 0 : i32
      %dma_start3A_247 = tpu.memref_slice %arg4[%multiple_of3A_219, %dma_start3A_246] : memref<200192x16xf32, #tpu.memory_space<hbm>> -> memref<368x16xf32, #tpu.memory_space<hbm>>
      %dma_start3A_248 = arith.constant 0 : i32
      %dma_start3A_249 = tpu.memref_slice %arg4[%multiple_of3A_219, %dma_start3A_248] : memref<200192x16xf32, #tpu.memory_space<hbm>> -> memref<368x16xf32, #tpu.memory_space<hbm>>
      %dma_start3A_250 = arith.constant 0 : i32
      %dma_start3A_251 = arith.constant 0 : i32
      %dma_start3A_252 = tpu.memref_slice %arg6[%dma_start3A_250, %dma_start3A_251] : memref<1024x16xf32, #tpu.memory_space<vmem>> -> memref<368x16xf32, #tpu.memory_space<vmem>>
      tpu.enqueue_dma source(%dma_start3A_252 : memref<368x16xf32, #tpu.memory_space<vmem>>) target(%dma_start3A_249 : memref<368x16xf32, #tpu.memory_space<hbm>>) target_semaphore(%run_scoped3A : memref<!tpu.dma_semaphore, #tpu.memory_space<semaphore_mem>>)
      %dma_wait3A = arith.constant 0 : i32
      %dma_wait3A_253 = arith.constant 0 : i32
      %dma_wait3A_254 = tpu.memref_slice %arg6[%dma_wait3A, %dma_wait3A_253] : memref<1024x16xf32, #tpu.memory_space<vmem>> -> memref<368x16xf32, #tpu.memory_space<vmem>>
      %dma_wait3A_255 = arith.constant 0 : i32
      %dma_wait3A_256 = tpu.memref_slice %arg4[%multiple_of3A_219, %dma_wait3A_255] : memref<200192x16xf32, #tpu.memory_space<hbm>> -> memref<368x16xf32, #tpu.memory_space<hbm>>
      %dma_wait3A_257 = arith.constant 0 : i32
      %dma_wait3A_258 = tpu.memref_slice %arg4[%multiple_of3A_219, %dma_wait3A_257] : memref<200192x16xf32, #tpu.memory_space<hbm>> -> memref<368x16xf32, #tpu.memory_space<hbm>>
      %dma_wait3A_259 = arith.constant 0 : i32
      %dma_wait3A_260 = arith.constant 0 : i32
      %dma_wait3A_261 = tpu.memref_slice %arg6[%dma_wait3A_259, %dma_wait3A_260] : memref<1024x16xf32, #tpu.memory_space<vmem>> -> memref<368x16xf32, #tpu.memory_space<vmem>>
      tpu.wait_dma2 semaphore(%run_scoped3A : memref<!tpu.dma_semaphore, #tpu.memory_space<semaphore_mem>>) src(%dma_wait3A_261 : memref<368x16xf32, #tpu.memory_space<vmem>>) dst(%dma_wait3A_258 : memref<368x16xf32, #tpu.memory_space<hbm>>)
      tpu.yield
    }) : () -> ()
    "tpu.region"() ({
      %run_scoped3A = tpu.sem_alloc : memref<!tpu.dma_semaphore, #tpu.memory_space<semaphore_mem>>
      %dma_start3A = tpu.memref_slice %arg13[%multiple_of3A_216] : memref<100096xf32, #tpu.memory_space<vmem_shared>> -> memref<368xf32, #tpu.memory_space<vmem_shared>>
      %dma_start3A_244 = tpu.memref_slice %arg13[%multiple_of3A_216] : memref<100096xf32, #tpu.memory_space<vmem_shared>> -> memref<368xf32, #tpu.memory_space<vmem_shared>>
      tpu.enqueue_dma source(%dma_start3A_244 : memref<368xf32, #tpu.memory_space<vmem_shared>>) target(%arg9 : memref<368xf32, #tpu.memory_space<vmem>>) target_semaphore(%run_scoped3A : memref<!tpu.dma_semaphore, #tpu.memory_space<semaphore_mem>>)
      %dma_wait3A = tpu.memref_slice %arg13[%multiple_of3A_216] : memref<100096xf32, #tpu.memory_space<vmem_shared>> -> memref<368xf32, #tpu.memory_space<vmem_shared>>
      %dma_wait3A_245 = tpu.memref_slice %arg13[%multiple_of3A_216] : memref<100096xf32, #tpu.memory_space<vmem_shared>> -> memref<368xf32, #tpu.memory_space<vmem_shared>>
      tpu.wait_dma2 semaphore(%run_scoped3A : memref<!tpu.dma_semaphore, #tpu.memory_space<semaphore_mem>>) src(%dma_wait3A_245 : memref<368xf32, #tpu.memory_space<vmem_shared>>) dst(%arg9 : memref<368xf32, #tpu.memory_space<vmem>>)
      tpu.yield
    }) : () -> ()
    "tpu.region"() ({
      %run_scoped3A = tpu.sem_alloc : memref<!tpu.dma_semaphore, #tpu.memory_space<semaphore_mem>>
      %dma_start3A = tpu.memref_slice %arg5[%multiple_of3A_219] : memref<200192xf32, #tpu.memory_space<hbm>> -> memref<368xf32, #tpu.memory_space<hbm>>
      %dma_start3A_244 = tpu.memref_slice %arg5[%multiple_of3A_219] : memref<200192xf32, #tpu.memory_space<hbm>> -> memref<368xf32, #tpu.memory_space<hbm>>
      tpu.enqueue_dma source(%arg9 : memref<368xf32, #tpu.memory_space<vmem>>) target(%dma_start3A_244 : memref<368xf32, #tpu.memory_space<hbm>>) target_semaphore(%run_scoped3A : memref<!tpu.dma_semaphore, #tpu.memory_space<semaphore_mem>>)
      %dma_wait3A = tpu.memref_slice %arg5[%multiple_of3A_219] : memref<200192xf32, #tpu.memory_space<hbm>> -> memref<368xf32, #tpu.memory_space<hbm>>
      %dma_wait3A_245 = tpu.memref_slice %arg5[%multiple_of3A_219] : memref<200192xf32, #tpu.memory_space<hbm>> -> memref<368xf32, #tpu.memory_space<hbm>>
      tpu.wait_dma2 semaphore(%run_scoped3A : memref<!tpu.dma_semaphore, #tpu.memory_space<semaphore_mem>>) src(%arg9 : memref<368xf32, #tpu.memory_space<vmem>>) dst(%dma_wait3A_245 : memref<368xf32, #tpu.memory_space<hbm>>)
      tpu.yield
    }) : () -> ()
    %add3A_220 = arith.constant 4784 : i32
    %add3A_221 = arith.addi %mul3A_77, %add3A_220 : i32
    %multiple_of3A_222 = tpu.assume_multiple %add3A_221, 8 : i32
    %add3A_223 = arith.constant 4784 : i32
    %add3A_224 = arith.addi %add3A_141, %add3A_223 : i32
    %multiple_of3A_225 = tpu.assume_multiple %add3A_224, 8 : i32
    "tpu.region"() ({
      %run_scoped3A = tpu.sem_alloc : memref<!tpu.dma_semaphore, #tpu.memory_space<semaphore_mem>>
      %dma_start3A = arith.constant 0 : i32
      %dma_start3A_244 = arith.constant 0 : i32
      %dma_start3A_245 = tpu.memref_slice %arg6[%dma_start3A, %dma_start3A_244] : memref<1024x16xf32, #tpu.memory_space<vmem>> -> memref<368x16xf32, #tpu.memory_space<vmem>>
      %dma_start3A_246 = arith.constant 0 : i32
      %dma_start3A_247 = tpu.memref_slice %arg12[%multiple_of3A_222, %dma_start3A_246] : memref<100096x16xf32, #tpu.memory_space<vmem_shared>> -> memref<368x16xf32, #tpu.memory_space<vmem_shared>>
      %dma_start3A_248 = arith.constant 0 : i32
      %dma_start3A_249 = arith.constant 0 : i32
      %dma_start3A_250 = tpu.memref_slice %arg6[%dma_start3A_248, %dma_start3A_249] : memref<1024x16xf32, #tpu.memory_space<vmem>> -> memref<368x16xf32, #tpu.memory_space<vmem>>
      %dma_start3A_251 = arith.constant 0 : i32
      %dma_start3A_252 = tpu.memref_slice %arg12[%multiple_of3A_222, %dma_start3A_251] : memref<100096x16xf32, #tpu.memory_space<vmem_shared>> -> memref<368x16xf32, #tpu.memory_space<vmem_shared>>
      tpu.enqueue_dma source(%dma_start3A_252 : memref<368x16xf32, #tpu.memory_space<vmem_shared>>) target(%dma_start3A_250 : memref<368x16xf32, #tpu.memory_space<vmem>>) target_semaphore(%run_scoped3A : memref<!tpu.dma_semaphore, #tpu.memory_space<semaphore_mem>>)
      %dma_wait3A = arith.constant 0 : i32
      %dma_wait3A_253 = arith.constant 0 : i32
      %dma_wait3A_254 = tpu.memref_slice %arg6[%dma_wait3A, %dma_wait3A_253] : memref<1024x16xf32, #tpu.memory_space<vmem>> -> memref<368x16xf32, #tpu.memory_space<vmem>>
      %dma_wait3A_255 = arith.constant 0 : i32
      %dma_wait3A_256 = tpu.memref_slice %arg12[%multiple_of3A_222, %dma_wait3A_255] : memref<100096x16xf32, #tpu.memory_space<vmem_shared>> -> memref<368x16xf32, #tpu.memory_space<vmem_shared>>
      %dma_wait3A_257 = arith.constant 0 : i32
      %dma_wait3A_258 = arith.constant 0 : i32
      %dma_wait3A_259 = tpu.memref_slice %arg6[%dma_wait3A_257, %dma_wait3A_258] : memref<1024x16xf32, #tpu.memory_space<vmem>> -> memref<368x16xf32, #tpu.memory_space<vmem>>
      %dma_wait3A_260 = arith.constant 0 : i32
      %dma_wait3A_261 = tpu.memref_slice %arg12[%multiple_of3A_222, %dma_wait3A_260] : memref<100096x16xf32, #tpu.memory_space<vmem_shared>> -> memref<368x16xf32, #tpu.memory_space<vmem_shared>>
      tpu.wait_dma2 semaphore(%run_scoped3A : memref<!tpu.dma_semaphore, #tpu.memory_space<semaphore_mem>>) src(%dma_wait3A_261 : memref<368x16xf32, #tpu.memory_space<vmem_shared>>) dst(%dma_wait3A_259 : memref<368x16xf32, #tpu.memory_space<vmem>>)
      tpu.yield
    }) : () -> ()
    "tpu.region"() ({
      %run_scoped3A = tpu.sem_alloc : memref<!tpu.dma_semaphore, #tpu.memory_space<semaphore_mem>>
      %dma_start3A = arith.constant 0 : i32
      %dma_start3A_244 = arith.constant 0 : i32
      %dma_start3A_245 = tpu.memref_slice %arg6[%dma_start3A, %dma_start3A_244] : memref<1024x16xf32, #tpu.memory_space<vmem>> -> memref<368x16xf32, #tpu.memory_space<vmem>>
      %dma_start3A_246 = arith.constant 0 : i32
      %dma_start3A_247 = tpu.memref_slice %arg4[%multiple_of3A_225, %dma_start3A_246] : memref<200192x16xf32, #tpu.memory_space<hbm>> -> memref<368x16xf32, #tpu.memory_space<hbm>>
      %dma_start3A_248 = arith.constant 0 : i32
      %dma_start3A_249 = tpu.memref_slice %arg4[%multiple_of3A_225, %dma_start3A_248] : memref<200192x16xf32, #tpu.memory_space<hbm>> -> memref<368x16xf32, #tpu.memory_space<hbm>>
      %dma_start3A_250 = arith.constant 0 : i32
      %dma_start3A_251 = arith.constant 0 : i32
      %dma_start3A_252 = tpu.memref_slice %arg6[%dma_start3A_250, %dma_start3A_251] : memref<1024x16xf32, #tpu.memory_space<vmem>> -> memref<368x16xf32, #tpu.memory_space<vmem>>
      tpu.enqueue_dma source(%dma_start3A_252 : memref<368x16xf32, #tpu.memory_space<vmem>>) target(%dma_start3A_249 : memref<368x16xf32, #tpu.memory_space<hbm>>) target_semaphore(%run_scoped3A : memref<!tpu.dma_semaphore, #tpu.memory_space<semaphore_mem>>)
      %dma_wait3A = arith.constant 0 : i32
      %dma_wait3A_253 = arith.constant 0 : i32
      %dma_wait3A_254 = tpu.memref_slice %arg6[%dma_wait3A, %dma_wait3A_253] : memref<1024x16xf32, #tpu.memory_space<vmem>> -> memref<368x16xf32, #tpu.memory_space<vmem>>
      %dma_wait3A_255 = arith.constant 0 : i32
      %dma_wait3A_256 = tpu.memref_slice %arg4[%multiple_of3A_225, %dma_wait3A_255] : memref<200192x16xf32, #tpu.memory_space<hbm>> -> memref<368x16xf32, #tpu.memory_space<hbm>>
      %dma_wait3A_257 = arith.constant 0 : i32
      %dma_wait3A_258 = tpu.memref_slice %arg4[%multiple_of3A_225, %dma_wait3A_257] : memref<200192x16xf32, #tpu.memory_space<hbm>> -> memref<368x16xf32, #tpu.memory_space<hbm>>
      %dma_wait3A_259 = arith.constant 0 : i32
      %dma_wait3A_260 = arith.constant 0 : i32
      %dma_wait3A_261 = tpu.memref_slice %arg6[%dma_wait3A_259, %dma_wait3A_260] : memref<1024x16xf32, #tpu.memory_space<vmem>> -> memref<368x16xf32, #tpu.memory_space<vmem>>
      tpu.wait_dma2 semaphore(%run_scoped3A : memref<!tpu.dma_semaphore, #tpu.memory_space<semaphore_mem>>) src(%dma_wait3A_261 : memref<368x16xf32, #tpu.memory_space<vmem>>) dst(%dma_wait3A_258 : memref<368x16xf32, #tpu.memory_space<hbm>>)
      tpu.yield
    }) : () -> ()
    "tpu.region"() ({
      %run_scoped3A = tpu.sem_alloc : memref<!tpu.dma_semaphore, #tpu.memory_space<semaphore_mem>>
      %dma_start3A = tpu.memref_slice %arg13[%multiple_of3A_222] : memref<100096xf32, #tpu.memory_space<vmem_shared>> -> memref<368xf32, #tpu.memory_space<vmem_shared>>
      %dma_start3A_244 = tpu.memref_slice %arg13[%multiple_of3A_222] : memref<100096xf32, #tpu.memory_space<vmem_shared>> -> memref<368xf32, #tpu.memory_space<vmem_shared>>
      tpu.enqueue_dma source(%dma_start3A_244 : memref<368xf32, #tpu.memory_space<vmem_shared>>) target(%arg9 : memref<368xf32, #tpu.memory_space<vmem>>) target_semaphore(%run_scoped3A : memref<!tpu.dma_semaphore, #tpu.memory_space<semaphore_mem>>)
      %dma_wait3A = tpu.memref_slice %arg13[%multiple_of3A_222] : memref<100096xf32, #tpu.memory_space<vmem_shared>> -> memref<368xf32, #tpu.memory_space<vmem_shared>>
      %dma_wait3A_245 = tpu.memref_slice %arg13[%multiple_of3A_222] : memref<100096xf32, #tpu.memory_space<vmem_shared>> -> memref<368xf32, #tpu.memory_space<vmem_shared>>
      tpu.wait_dma2 semaphore(%run_scoped3A : memref<!tpu.dma_semaphore, #tpu.memory_space<semaphore_mem>>) src(%dma_wait3A_245 : memref<368xf32, #tpu.memory_space<vmem_shared>>) dst(%arg9 : memref<368xf32, #tpu.memory_space<vmem>>)
      tpu.yield
    }) : () -> ()
    "tpu.region"() ({
      %run_scoped3A = tpu.sem_alloc : memref<!tpu.dma_semaphore, #tpu.memory_space<semaphore_mem>>
      %dma_start3A = tpu.memref_slice %arg5[%multiple_of3A_225] : memref<200192xf32, #tpu.memory_space<hbm>> -> memref<368xf32, #tpu.memory_space<hbm>>
      %dma_start3A_244 = tpu.memref_slice %arg5[%multiple_of3A_225] : memref<200192xf32, #tpu.memory_space<hbm>> -> memref<368xf32, #tpu.memory_space<hbm>>
      tpu.enqueue_dma source(%arg9 : memref<368xf32, #tpu.memory_space<vmem>>) target(%dma_start3A_244 : memref<368xf32, #tpu.memory_space<hbm>>) target_semaphore(%run_scoped3A : memref<!tpu.dma_semaphore, #tpu.memory_space<semaphore_mem>>)
      %dma_wait3A = tpu.memref_slice %arg5[%multiple_of3A_225] : memref<200192xf32, #tpu.memory_space<hbm>> -> memref<368xf32, #tpu.memory_space<hbm>>
      %dma_wait3A_245 = tpu.memref_slice %arg5[%multiple_of3A_225] : memref<200192xf32, #tpu.memory_space<hbm>> -> memref<368xf32, #tpu.memory_space<hbm>>
      tpu.wait_dma2 semaphore(%run_scoped3A : memref<!tpu.dma_semaphore, #tpu.memory_space<semaphore_mem>>) src(%arg9 : memref<368xf32, #tpu.memory_space<vmem>>) dst(%dma_wait3A_245 : memref<368xf32, #tpu.memory_space<hbm>>)
      tpu.yield
    }) : () -> ()
    %add3A_226 = arith.constant 5152 : i32
    %add3A_227 = arith.addi %mul3A_77, %add3A_226 : i32
    %multiple_of3A_228 = tpu.assume_multiple %add3A_227, 8 : i32
    %add3A_229 = arith.constant 5152 : i32
    %add3A_230 = arith.addi %add3A_141, %add3A_229 : i32
    %multiple_of3A_231 = tpu.assume_multiple %add3A_230, 8 : i32
    "tpu.region"() ({
      %run_scoped3A = tpu.sem_alloc : memref<!tpu.dma_semaphore, #tpu.memory_space<semaphore_mem>>
      %dma_start3A = arith.constant 0 : i32
      %dma_start3A_244 = arith.constant 0 : i32
      %dma_start3A_245 = tpu.memref_slice %arg6[%dma_start3A, %dma_start3A_244] : memref<1024x16xf32, #tpu.memory_space<vmem>> -> memref<368x16xf32, #tpu.memory_space<vmem>>
      %dma_start3A_246 = arith.constant 0 : i32
      %dma_start3A_247 = tpu.memref_slice %arg12[%multiple_of3A_228, %dma_start3A_246] : memref<100096x16xf32, #tpu.memory_space<vmem_shared>> -> memref<368x16xf32, #tpu.memory_space<vmem_shared>>
      %dma_start3A_248 = arith.constant 0 : i32
      %dma_start3A_249 = arith.constant 0 : i32
      %dma_start3A_250 = tpu.memref_slice %arg6[%dma_start3A_248, %dma_start3A_249] : memref<1024x16xf32, #tpu.memory_space<vmem>> -> memref<368x16xf32, #tpu.memory_space<vmem>>
      %dma_start3A_251 = arith.constant 0 : i32
      %dma_start3A_252 = tpu.memref_slice %arg12[%multiple_of3A_228, %dma_start3A_251] : memref<100096x16xf32, #tpu.memory_space<vmem_shared>> -> memref<368x16xf32, #tpu.memory_space<vmem_shared>>
      tpu.enqueue_dma source(%dma_start3A_252 : memref<368x16xf32, #tpu.memory_space<vmem_shared>>) target(%dma_start3A_250 : memref<368x16xf32, #tpu.memory_space<vmem>>) target_semaphore(%run_scoped3A : memref<!tpu.dma_semaphore, #tpu.memory_space<semaphore_mem>>)
      %dma_wait3A = arith.constant 0 : i32
      %dma_wait3A_253 = arith.constant 0 : i32
      %dma_wait3A_254 = tpu.memref_slice %arg6[%dma_wait3A, %dma_wait3A_253] : memref<1024x16xf32, #tpu.memory_space<vmem>> -> memref<368x16xf32, #tpu.memory_space<vmem>>
      %dma_wait3A_255 = arith.constant 0 : i32
      %dma_wait3A_256 = tpu.memref_slice %arg12[%multiple_of3A_228, %dma_wait3A_255] : memref<100096x16xf32, #tpu.memory_space<vmem_shared>> -> memref<368x16xf32, #tpu.memory_space<vmem_shared>>
      %dma_wait3A_257 = arith.constant 0 : i32
      %dma_wait3A_258 = arith.constant 0 : i32
      %dma_wait3A_259 = tpu.memref_slice %arg6[%dma_wait3A_257, %dma_wait3A_258] : memref<1024x16xf32, #tpu.memory_space<vmem>> -> memref<368x16xf32, #tpu.memory_space<vmem>>
      %dma_wait3A_260 = arith.constant 0 : i32
      %dma_wait3A_261 = tpu.memref_slice %arg12[%multiple_of3A_228, %dma_wait3A_260] : memref<100096x16xf32, #tpu.memory_space<vmem_shared>> -> memref<368x16xf32, #tpu.memory_space<vmem_shared>>
      tpu.wait_dma2 semaphore(%run_scoped3A : memref<!tpu.dma_semaphore, #tpu.memory_space<semaphore_mem>>) src(%dma_wait3A_261 : memref<368x16xf32, #tpu.memory_space<vmem_shared>>) dst(%dma_wait3A_259 : memref<368x16xf32, #tpu.memory_space<vmem>>)
      tpu.yield
    }) : () -> ()
    "tpu.region"() ({
      %run_scoped3A = tpu.sem_alloc : memref<!tpu.dma_semaphore, #tpu.memory_space<semaphore_mem>>
      %dma_start3A = arith.constant 0 : i32
      %dma_start3A_244 = arith.constant 0 : i32
      %dma_start3A_245 = tpu.memref_slice %arg6[%dma_start3A, %dma_start3A_244] : memref<1024x16xf32, #tpu.memory_space<vmem>> -> memref<368x16xf32, #tpu.memory_space<vmem>>
      %dma_start3A_246 = arith.constant 0 : i32
      %dma_start3A_247 = tpu.memref_slice %arg4[%multiple_of3A_231, %dma_start3A_246] : memref<200192x16xf32, #tpu.memory_space<hbm>> -> memref<368x16xf32, #tpu.memory_space<hbm>>
      %dma_start3A_248 = arith.constant 0 : i32
      %dma_start3A_249 = tpu.memref_slice %arg4[%multiple_of3A_231, %dma_start3A_248] : memref<200192x16xf32, #tpu.memory_space<hbm>> -> memref<368x16xf32, #tpu.memory_space<hbm>>
      %dma_start3A_250 = arith.constant 0 : i32
      %dma_start3A_251 = arith.constant 0 : i32
      %dma_start3A_252 = tpu.memref_slice %arg6[%dma_start3A_250, %dma_start3A_251] : memref<1024x16xf32, #tpu.memory_space<vmem>> -> memref<368x16xf32, #tpu.memory_space<vmem>>
      tpu.enqueue_dma source(%dma_start3A_252 : memref<368x16xf32, #tpu.memory_space<vmem>>) target(%dma_start3A_249 : memref<368x16xf32, #tpu.memory_space<hbm>>) target_semaphore(%run_scoped3A : memref<!tpu.dma_semaphore, #tpu.memory_space<semaphore_mem>>)
      %dma_wait3A = arith.constant 0 : i32
      %dma_wait3A_253 = arith.constant 0 : i32
      %dma_wait3A_254 = tpu.memref_slice %arg6[%dma_wait3A, %dma_wait3A_253] : memref<1024x16xf32, #tpu.memory_space<vmem>> -> memref<368x16xf32, #tpu.memory_space<vmem>>
      %dma_wait3A_255 = arith.constant 0 : i32
      %dma_wait3A_256 = tpu.memref_slice %arg4[%multiple_of3A_231, %dma_wait3A_255] : memref<200192x16xf32, #tpu.memory_space<hbm>> -> memref<368x16xf32, #tpu.memory_space<hbm>>
      %dma_wait3A_257 = arith.constant 0 : i32
      %dma_wait3A_258 = tpu.memref_slice %arg4[%multiple_of3A_231, %dma_wait3A_257] : memref<200192x16xf32, #tpu.memory_space<hbm>> -> memref<368x16xf32, #tpu.memory_space<hbm>>
      %dma_wait3A_259 = arith.constant 0 : i32
      %dma_wait3A_260 = arith.constant 0 : i32
      %dma_wait3A_261 = tpu.memref_slice %arg6[%dma_wait3A_259, %dma_wait3A_260] : memref<1024x16xf32, #tpu.memory_space<vmem>> -> memref<368x16xf32, #tpu.memory_space<vmem>>
      tpu.wait_dma2 semaphore(%run_scoped3A : memref<!tpu.dma_semaphore, #tpu.memory_space<semaphore_mem>>) src(%dma_wait3A_261 : memref<368x16xf32, #tpu.memory_space<vmem>>) dst(%dma_wait3A_258 : memref<368x16xf32, #tpu.memory_space<hbm>>)
      tpu.yield
    }) : () -> ()
    "tpu.region"() ({
      %run_scoped3A = tpu.sem_alloc : memref<!tpu.dma_semaphore, #tpu.memory_space<semaphore_mem>>
      %dma_start3A = tpu.memref_slice %arg13[%multiple_of3A_228] : memref<100096xf32, #tpu.memory_space<vmem_shared>> -> memref<368xf32, #tpu.memory_space<vmem_shared>>
      %dma_start3A_244 = tpu.memref_slice %arg13[%multiple_of3A_228] : memref<100096xf32, #tpu.memory_space<vmem_shared>> -> memref<368xf32, #tpu.memory_space<vmem_shared>>
      tpu.enqueue_dma source(%dma_start3A_244 : memref<368xf32, #tpu.memory_space<vmem_shared>>) target(%arg9 : memref<368xf32, #tpu.memory_space<vmem>>) target_semaphore(%run_scoped3A : memref<!tpu.dma_semaphore, #tpu.memory_space<semaphore_mem>>)
      %dma_wait3A = tpu.memref_slice %arg13[%multiple_of3A_228] : memref<100096xf32, #tpu.memory_space<vmem_shared>> -> memref<368xf32, #tpu.memory_space<vmem_shared>>
      %dma_wait3A_245 = tpu.memref_slice %arg13[%multiple_of3A_228] : memref<100096xf32, #tpu.memory_space<vmem_shared>> -> memref<368xf32, #tpu.memory_space<vmem_shared>>
      tpu.wait_dma2 semaphore(%run_scoped3A : memref<!tpu.dma_semaphore, #tpu.memory_space<semaphore_mem>>) src(%dma_wait3A_245 : memref<368xf32, #tpu.memory_space<vmem_shared>>) dst(%arg9 : memref<368xf32, #tpu.memory_space<vmem>>)
      tpu.yield
    }) : () -> ()
    "tpu.region"() ({
      %run_scoped3A = tpu.sem_alloc : memref<!tpu.dma_semaphore, #tpu.memory_space<semaphore_mem>>
      %dma_start3A = tpu.memref_slice %arg5[%multiple_of3A_231] : memref<200192xf32, #tpu.memory_space<hbm>> -> memref<368xf32, #tpu.memory_space<hbm>>
      %dma_start3A_244 = tpu.memref_slice %arg5[%multiple_of3A_231] : memref<200192xf32, #tpu.memory_space<hbm>> -> memref<368xf32, #tpu.memory_space<hbm>>
      tpu.enqueue_dma source(%arg9 : memref<368xf32, #tpu.memory_space<vmem>>) target(%dma_start3A_244 : memref<368xf32, #tpu.memory_space<hbm>>) target_semaphore(%run_scoped3A : memref<!tpu.dma_semaphore, #tpu.memory_space<semaphore_mem>>)
      %dma_wait3A = tpu.memref_slice %arg5[%multiple_of3A_231] : memref<200192xf32, #tpu.memory_space<hbm>> -> memref<368xf32, #tpu.memory_space<hbm>>
      %dma_wait3A_245 = tpu.memref_slice %arg5[%multiple_of3A_231] : memref<200192xf32, #tpu.memory_space<hbm>> -> memref<368xf32, #tpu.memory_space<hbm>>
      tpu.wait_dma2 semaphore(%run_scoped3A : memref<!tpu.dma_semaphore, #tpu.memory_space<semaphore_mem>>) src(%arg9 : memref<368xf32, #tpu.memory_space<vmem>>) dst(%dma_wait3A_245 : memref<368xf32, #tpu.memory_space<hbm>>)
      tpu.yield
    }) : () -> ()
    %add3A_232 = arith.constant 5520 : i32
    %add3A_233 = arith.addi %mul3A_77, %add3A_232 : i32
    %multiple_of3A_234 = tpu.assume_multiple %add3A_233, 8 : i32
    %add3A_235 = arith.constant 5520 : i32
    %add3A_236 = arith.addi %add3A_141, %add3A_235 : i32
    %multiple_of3A_237 = tpu.assume_multiple %add3A_236, 8 : i32
    "tpu.region"() ({
      %run_scoped3A = tpu.sem_alloc : memref<!tpu.dma_semaphore, #tpu.memory_space<semaphore_mem>>
      %dma_start3A = arith.constant 0 : i32
      %dma_start3A_244 = arith.constant 0 : i32
      %dma_start3A_245 = tpu.memref_slice %arg6[%dma_start3A, %dma_start3A_244] : memref<1024x16xf32, #tpu.memory_space<vmem>> -> memref<368x16xf32, #tpu.memory_space<vmem>>
      %dma_start3A_246 = arith.constant 0 : i32
      %dma_start3A_247 = tpu.memref_slice %arg12[%multiple_of3A_234, %dma_start3A_246] : memref<100096x16xf32, #tpu.memory_space<vmem_shared>> -> memref<368x16xf32, #tpu.memory_space<vmem_shared>>
      %dma_start3A_248 = arith.constant 0 : i32
      %dma_start3A_249 = arith.constant 0 : i32
      %dma_start3A_250 = tpu.memref_slice %arg6[%dma_start3A_248, %dma_start3A_249] : memref<1024x16xf32, #tpu.memory_space<vmem>> -> memref<368x16xf32, #tpu.memory_space<vmem>>
      %dma_start3A_251 = arith.constant 0 : i32
      %dma_start3A_252 = tpu.memref_slice %arg12[%multiple_of3A_234, %dma_start3A_251] : memref<100096x16xf32, #tpu.memory_space<vmem_shared>> -> memref<368x16xf32, #tpu.memory_space<vmem_shared>>
      tpu.enqueue_dma source(%dma_start3A_252 : memref<368x16xf32, #tpu.memory_space<vmem_shared>>) target(%dma_start3A_250 : memref<368x16xf32, #tpu.memory_space<vmem>>) target_semaphore(%run_scoped3A : memref<!tpu.dma_semaphore, #tpu.memory_space<semaphore_mem>>)
      %dma_wait3A = arith.constant 0 : i32
      %dma_wait3A_253 = arith.constant 0 : i32
      %dma_wait3A_254 = tpu.memref_slice %arg6[%dma_wait3A, %dma_wait3A_253] : memref<1024x16xf32, #tpu.memory_space<vmem>> -> memref<368x16xf32, #tpu.memory_space<vmem>>
      %dma_wait3A_255 = arith.constant 0 : i32
      %dma_wait3A_256 = tpu.memref_slice %arg12[%multiple_of3A_234, %dma_wait3A_255] : memref<100096x16xf32, #tpu.memory_space<vmem_shared>> -> memref<368x16xf32, #tpu.memory_space<vmem_shared>>
      %dma_wait3A_257 = arith.constant 0 : i32
      %dma_wait3A_258 = arith.constant 0 : i32
      %dma_wait3A_259 = tpu.memref_slice %arg6[%dma_wait3A_257, %dma_wait3A_258] : memref<1024x16xf32, #tpu.memory_space<vmem>> -> memref<368x16xf32, #tpu.memory_space<vmem>>
      %dma_wait3A_260 = arith.constant 0 : i32
      %dma_wait3A_261 = tpu.memref_slice %arg12[%multiple_of3A_234, %dma_wait3A_260] : memref<100096x16xf32, #tpu.memory_space<vmem_shared>> -> memref<368x16xf32, #tpu.memory_space<vmem_shared>>
      tpu.wait_dma2 semaphore(%run_scoped3A : memref<!tpu.dma_semaphore, #tpu.memory_space<semaphore_mem>>) src(%dma_wait3A_261 : memref<368x16xf32, #tpu.memory_space<vmem_shared>>) dst(%dma_wait3A_259 : memref<368x16xf32, #tpu.memory_space<vmem>>)
      tpu.yield
    }) : () -> ()
    "tpu.region"() ({
      %run_scoped3A = tpu.sem_alloc : memref<!tpu.dma_semaphore, #tpu.memory_space<semaphore_mem>>
      %dma_start3A = arith.constant 0 : i32
      %dma_start3A_244 = arith.constant 0 : i32
      %dma_start3A_245 = tpu.memref_slice %arg6[%dma_start3A, %dma_start3A_244] : memref<1024x16xf32, #tpu.memory_space<vmem>> -> memref<368x16xf32, #tpu.memory_space<vmem>>
      %dma_start3A_246 = arith.constant 0 : i32
      %dma_start3A_247 = tpu.memref_slice %arg4[%multiple_of3A_237, %dma_start3A_246] : memref<200192x16xf32, #tpu.memory_space<hbm>> -> memref<368x16xf32, #tpu.memory_space<hbm>>
      %dma_start3A_248 = arith.constant 0 : i32
      %dma_start3A_249 = tpu.memref_slice %arg4[%multiple_of3A_237, %dma_start3A_248] : memref<200192x16xf32, #tpu.memory_space<hbm>> -> memref<368x16xf32, #tpu.memory_space<hbm>>
      %dma_start3A_250 = arith.constant 0 : i32
      %dma_start3A_251 = arith.constant 0 : i32
      %dma_start3A_252 = tpu.memref_slice %arg6[%dma_start3A_250, %dma_start3A_251] : memref<1024x16xf32, #tpu.memory_space<vmem>> -> memref<368x16xf32, #tpu.memory_space<vmem>>
      tpu.enqueue_dma source(%dma_start3A_252 : memref<368x16xf32, #tpu.memory_space<vmem>>) target(%dma_start3A_249 : memref<368x16xf32, #tpu.memory_space<hbm>>) target_semaphore(%run_scoped3A : memref<!tpu.dma_semaphore, #tpu.memory_space<semaphore_mem>>)
      %dma_wait3A = arith.constant 0 : i32
      %dma_wait3A_253 = arith.constant 0 : i32
      %dma_wait3A_254 = tpu.memref_slice %arg6[%dma_wait3A, %dma_wait3A_253] : memref<1024x16xf32, #tpu.memory_space<vmem>> -> memref<368x16xf32, #tpu.memory_space<vmem>>
      %dma_wait3A_255 = arith.constant 0 : i32
      %dma_wait3A_256 = tpu.memref_slice %arg4[%multiple_of3A_237, %dma_wait3A_255] : memref<200192x16xf32, #tpu.memory_space<hbm>> -> memref<368x16xf32, #tpu.memory_space<hbm>>
      %dma_wait3A_257 = arith.constant 0 : i32
      %dma_wait3A_258 = tpu.memref_slice %arg4[%multiple_of3A_237, %dma_wait3A_257] : memref<200192x16xf32, #tpu.memory_space<hbm>> -> memref<368x16xf32, #tpu.memory_space<hbm>>
      %dma_wait3A_259 = arith.constant 0 : i32
      %dma_wait3A_260 = arith.constant 0 : i32
      %dma_wait3A_261 = tpu.memref_slice %arg6[%dma_wait3A_259, %dma_wait3A_260] : memref<1024x16xf32, #tpu.memory_space<vmem>> -> memref<368x16xf32, #tpu.memory_space<vmem>>
      tpu.wait_dma2 semaphore(%run_scoped3A : memref<!tpu.dma_semaphore, #tpu.memory_space<semaphore_mem>>) src(%dma_wait3A_261 : memref<368x16xf32, #tpu.memory_space<vmem>>) dst(%dma_wait3A_258 : memref<368x16xf32, #tpu.memory_space<hbm>>)
      tpu.yield
    }) : () -> ()
    "tpu.region"() ({
      %run_scoped3A = tpu.sem_alloc : memref<!tpu.dma_semaphore, #tpu.memory_space<semaphore_mem>>
      %dma_start3A = tpu.memref_slice %arg13[%multiple_of3A_234] : memref<100096xf32, #tpu.memory_space<vmem_shared>> -> memref<368xf32, #tpu.memory_space<vmem_shared>>
      %dma_start3A_244 = tpu.memref_slice %arg13[%multiple_of3A_234] : memref<100096xf32, #tpu.memory_space<vmem_shared>> -> memref<368xf32, #tpu.memory_space<vmem_shared>>
      tpu.enqueue_dma source(%dma_start3A_244 : memref<368xf32, #tpu.memory_space<vmem_shared>>) target(%arg9 : memref<368xf32, #tpu.memory_space<vmem>>) target_semaphore(%run_scoped3A : memref<!tpu.dma_semaphore, #tpu.memory_space<semaphore_mem>>)
      %dma_wait3A = tpu.memref_slice %arg13[%multiple_of3A_234] : memref<100096xf32, #tpu.memory_space<vmem_shared>> -> memref<368xf32, #tpu.memory_space<vmem_shared>>
      %dma_wait3A_245 = tpu.memref_slice %arg13[%multiple_of3A_234] : memref<100096xf32, #tpu.memory_space<vmem_shared>> -> memref<368xf32, #tpu.memory_space<vmem_shared>>
      tpu.wait_dma2 semaphore(%run_scoped3A : memref<!tpu.dma_semaphore, #tpu.memory_space<semaphore_mem>>) src(%dma_wait3A_245 : memref<368xf32, #tpu.memory_space<vmem_shared>>) dst(%arg9 : memref<368xf32, #tpu.memory_space<vmem>>)
      tpu.yield
    }) : () -> ()
    "tpu.region"() ({
      %run_scoped3A = tpu.sem_alloc : memref<!tpu.dma_semaphore, #tpu.memory_space<semaphore_mem>>
      %dma_start3A = tpu.memref_slice %arg5[%multiple_of3A_237] : memref<200192xf32, #tpu.memory_space<hbm>> -> memref<368xf32, #tpu.memory_space<hbm>>
      %dma_start3A_244 = tpu.memref_slice %arg5[%multiple_of3A_237] : memref<200192xf32, #tpu.memory_space<hbm>> -> memref<368xf32, #tpu.memory_space<hbm>>
      tpu.enqueue_dma source(%arg9 : memref<368xf32, #tpu.memory_space<vmem>>) target(%dma_start3A_244 : memref<368xf32, #tpu.memory_space<hbm>>) target_semaphore(%run_scoped3A : memref<!tpu.dma_semaphore, #tpu.memory_space<semaphore_mem>>)
      %dma_wait3A = tpu.memref_slice %arg5[%multiple_of3A_237] : memref<200192xf32, #tpu.memory_space<hbm>> -> memref<368xf32, #tpu.memory_space<hbm>>
      %dma_wait3A_245 = tpu.memref_slice %arg5[%multiple_of3A_237] : memref<200192xf32, #tpu.memory_space<hbm>> -> memref<368xf32, #tpu.memory_space<hbm>>
      tpu.wait_dma2 semaphore(%run_scoped3A : memref<!tpu.dma_semaphore, #tpu.memory_space<semaphore_mem>>) src(%arg9 : memref<368xf32, #tpu.memory_space<vmem>>) dst(%dma_wait3A_245 : memref<368xf32, #tpu.memory_space<hbm>>)
      tpu.yield
    }) : () -> ()
    %add3A_238 = arith.constant 5888 : i32
    %add3A_239 = arith.addi %mul3A_77, %add3A_238 : i32
    %multiple_of3A_240 = tpu.assume_multiple %add3A_239, 8 : i32
    %add3A_241 = arith.constant 5888 : i32
    %add3A_242 = arith.addi %add3A_141, %add3A_241 : i32
    %multiple_of3A_243 = tpu.assume_multiple %add3A_242, 8 : i32
    "tpu.region"() ({
      %run_scoped3A = tpu.sem_alloc : memref<!tpu.dma_semaphore, #tpu.memory_space<semaphore_mem>>
      %dma_start3A = arith.constant 0 : i32
      %dma_start3A_244 = arith.constant 0 : i32
      %dma_start3A_245 = tpu.memref_slice %arg6[%dma_start3A, %dma_start3A_244] : memref<1024x16xf32, #tpu.memory_space<vmem>> -> memref<368x16xf32, #tpu.memory_space<vmem>>
      %dma_start3A_246 = arith.constant 0 : i32
      %dma_start3A_247 = tpu.memref_slice %arg12[%multiple_of3A_240, %dma_start3A_246] : memref<100096x16xf32, #tpu.memory_space<vmem_shared>> -> memref<368x16xf32, #tpu.memory_space<vmem_shared>>
      %dma_start3A_248 = arith.constant 0 : i32
      %dma_start3A_249 = arith.constant 0 : i32
      %dma_start3A_250 = tpu.memref_slice %arg6[%dma_start3A_248, %dma_start3A_249] : memref<1024x16xf32, #tpu.memory_space<vmem>> -> memref<368x16xf32, #tpu.memory_space<vmem>>
      %dma_start3A_251 = arith.constant 0 : i32
      %dma_start3A_252 = tpu.memref_slice %arg12[%multiple_of3A_240, %dma_start3A_251] : memref<100096x16xf32, #tpu.memory_space<vmem_shared>> -> memref<368x16xf32, #tpu.memory_space<vmem_shared>>
      tpu.enqueue_dma source(%dma_start3A_252 : memref<368x16xf32, #tpu.memory_space<vmem_shared>>) target(%dma_start3A_250 : memref<368x16xf32, #tpu.memory_space<vmem>>) target_semaphore(%run_scoped3A : memref<!tpu.dma_semaphore, #tpu.memory_space<semaphore_mem>>)
      %dma_wait3A = arith.constant 0 : i32
      %dma_wait3A_253 = arith.constant 0 : i32
      %dma_wait3A_254 = tpu.memref_slice %arg6[%dma_wait3A, %dma_wait3A_253] : memref<1024x16xf32, #tpu.memory_space<vmem>> -> memref<368x16xf32, #tpu.memory_space<vmem>>
      %dma_wait3A_255 = arith.constant 0 : i32
      %dma_wait3A_256 = tpu.memref_slice %arg12[%multiple_of3A_240, %dma_wait3A_255] : memref<100096x16xf32, #tpu.memory_space<vmem_shared>> -> memref<368x16xf32, #tpu.memory_space<vmem_shared>>
      %dma_wait3A_257 = arith.constant 0 : i32
      %dma_wait3A_258 = arith.constant 0 : i32
      %dma_wait3A_259 = tpu.memref_slice %arg6[%dma_wait3A_257, %dma_wait3A_258] : memref<1024x16xf32, #tpu.memory_space<vmem>> -> memref<368x16xf32, #tpu.memory_space<vmem>>
      %dma_wait3A_260 = arith.constant 0 : i32
      %dma_wait3A_261 = tpu.memref_slice %arg12[%multiple_of3A_240, %dma_wait3A_260] : memref<100096x16xf32, #tpu.memory_space<vmem_shared>> -> memref<368x16xf32, #tpu.memory_space<vmem_shared>>
      tpu.wait_dma2 semaphore(%run_scoped3A : memref<!tpu.dma_semaphore, #tpu.memory_space<semaphore_mem>>) src(%dma_wait3A_261 : memref<368x16xf32, #tpu.memory_space<vmem_shared>>) dst(%dma_wait3A_259 : memref<368x16xf32, #tpu.memory_space<vmem>>)
      tpu.yield
    }) : () -> ()
    "tpu.region"() ({
      %run_scoped3A = tpu.sem_alloc : memref<!tpu.dma_semaphore, #tpu.memory_space<semaphore_mem>>
      %dma_start3A = arith.constant 0 : i32
      %dma_start3A_244 = arith.constant 0 : i32
      %dma_start3A_245 = tpu.memref_slice %arg6[%dma_start3A, %dma_start3A_244] : memref<1024x16xf32, #tpu.memory_space<vmem>> -> memref<368x16xf32, #tpu.memory_space<vmem>>
      %dma_start3A_246 = arith.constant 0 : i32
      %dma_start3A_247 = tpu.memref_slice %arg4[%multiple_of3A_243, %dma_start3A_246] : memref<200192x16xf32, #tpu.memory_space<hbm>> -> memref<368x16xf32, #tpu.memory_space<hbm>>
      %dma_start3A_248 = arith.constant 0 : i32
      %dma_start3A_249 = tpu.memref_slice %arg4[%multiple_of3A_243, %dma_start3A_248] : memref<200192x16xf32, #tpu.memory_space<hbm>> -> memref<368x16xf32, #tpu.memory_space<hbm>>
      %dma_start3A_250 = arith.constant 0 : i32
      %dma_start3A_251 = arith.constant 0 : i32
      %dma_start3A_252 = tpu.memref_slice %arg6[%dma_start3A_250, %dma_start3A_251] : memref<1024x16xf32, #tpu.memory_space<vmem>> -> memref<368x16xf32, #tpu.memory_space<vmem>>
      tpu.enqueue_dma source(%dma_start3A_252 : memref<368x16xf32, #tpu.memory_space<vmem>>) target(%dma_start3A_249 : memref<368x16xf32, #tpu.memory_space<hbm>>) target_semaphore(%run_scoped3A : memref<!tpu.dma_semaphore, #tpu.memory_space<semaphore_mem>>)
      %dma_wait3A = arith.constant 0 : i32
      %dma_wait3A_253 = arith.constant 0 : i32
      %dma_wait3A_254 = tpu.memref_slice %arg6[%dma_wait3A, %dma_wait3A_253] : memref<1024x16xf32, #tpu.memory_space<vmem>> -> memref<368x16xf32, #tpu.memory_space<vmem>>
      %dma_wait3A_255 = arith.constant 0 : i32
      %dma_wait3A_256 = tpu.memref_slice %arg4[%multiple_of3A_243, %dma_wait3A_255] : memref<200192x16xf32, #tpu.memory_space<hbm>> -> memref<368x16xf32, #tpu.memory_space<hbm>>
      %dma_wait3A_257 = arith.constant 0 : i32
      %dma_wait3A_258 = tpu.memref_slice %arg4[%multiple_of3A_243, %dma_wait3A_257] : memref<200192x16xf32, #tpu.memory_space<hbm>> -> memref<368x16xf32, #tpu.memory_space<hbm>>
      %dma_wait3A_259 = arith.constant 0 : i32
      %dma_wait3A_260 = arith.constant 0 : i32
      %dma_wait3A_261 = tpu.memref_slice %arg6[%dma_wait3A_259, %dma_wait3A_260] : memref<1024x16xf32, #tpu.memory_space<vmem>> -> memref<368x16xf32, #tpu.memory_space<vmem>>
      tpu.wait_dma2 semaphore(%run_scoped3A : memref<!tpu.dma_semaphore, #tpu.memory_space<semaphore_mem>>) src(%dma_wait3A_261 : memref<368x16xf32, #tpu.memory_space<vmem>>) dst(%dma_wait3A_258 : memref<368x16xf32, #tpu.memory_space<hbm>>)
      tpu.yield
    }) : () -> ()
    "tpu.region"() ({
      %run_scoped3A = tpu.sem_alloc : memref<!tpu.dma_semaphore, #tpu.memory_space<semaphore_mem>>
      %dma_start3A = tpu.memref_slice %arg13[%multiple_of3A_240] : memref<100096xf32, #tpu.memory_space<vmem_shared>> -> memref<368xf32, #tpu.memory_space<vmem_shared>>
      %dma_start3A_244 = tpu.memref_slice %arg13[%multiple_of3A_240] : memref<100096xf32, #tpu.memory_space<vmem_shared>> -> memref<368xf32, #tpu.memory_space<vmem_shared>>
      tpu.enqueue_dma source(%dma_start3A_244 : memref<368xf32, #tpu.memory_space<vmem_shared>>) target(%arg9 : memref<368xf32, #tpu.memory_space<vmem>>) target_semaphore(%run_scoped3A : memref<!tpu.dma_semaphore, #tpu.memory_space<semaphore_mem>>)
      %dma_wait3A = tpu.memref_slice %arg13[%multiple_of3A_240] : memref<100096xf32, #tpu.memory_space<vmem_shared>> -> memref<368xf32, #tpu.memory_space<vmem_shared>>
      %dma_wait3A_245 = tpu.memref_slice %arg13[%multiple_of3A_240] : memref<100096xf32, #tpu.memory_space<vmem_shared>> -> memref<368xf32, #tpu.memory_space<vmem_shared>>
      tpu.wait_dma2 semaphore(%run_scoped3A : memref<!tpu.dma_semaphore, #tpu.memory_space<semaphore_mem>>) src(%dma_wait3A_245 : memref<368xf32, #tpu.memory_space<vmem_shared>>) dst(%arg9 : memref<368xf32, #tpu.memory_space<vmem>>)
      tpu.yield
    }) : () -> ()
    "tpu.region"() ({
      %run_scoped3A = tpu.sem_alloc : memref<!tpu.dma_semaphore, #tpu.memory_space<semaphore_mem>>
      %dma_start3A = tpu.memref_slice %arg5[%multiple_of3A_243] : memref<200192xf32, #tpu.memory_space<hbm>> -> memref<368xf32, #tpu.memory_space<hbm>>
      %dma_start3A_244 = tpu.memref_slice %arg5[%multiple_of3A_243] : memref<200192xf32, #tpu.memory_space<hbm>> -> memref<368xf32, #tpu.memory_space<hbm>>
      tpu.enqueue_dma source(%arg9 : memref<368xf32, #tpu.memory_space<vmem>>) target(%dma_start3A_244 : memref<368xf32, #tpu.memory_space<hbm>>) target_semaphore(%run_scoped3A : memref<!tpu.dma_semaphore, #tpu.memory_space<semaphore_mem>>)
      %dma_wait3A = tpu.memref_slice %arg5[%multiple_of3A_243] : memref<200192xf32, #tpu.memory_space<hbm>> -> memref<368xf32, #tpu.memory_space<hbm>>
      %dma_wait3A_245 = tpu.memref_slice %arg5[%multiple_of3A_243] : memref<200192xf32, #tpu.memory_space<hbm>> -> memref<368xf32, #tpu.memory_space<hbm>>
      tpu.wait_dma2 semaphore(%run_scoped3A : memref<!tpu.dma_semaphore, #tpu.memory_space<semaphore_mem>>) src(%arg9 : memref<368xf32, #tpu.memory_space<vmem>>) dst(%dma_wait3A_245 : memref<368xf32, #tpu.memory_space<hbm>>)
      tpu.yield
    }) : () -> ()
    return
  }
}

module attributes {stable_mosaic.version = 14 : i64} {
  func.func @_linear_relu_body(%arg0: i32, %arg1: memref<1000x128xf32, #tpu.memory_space<vmem>>, %arg2: memref<128x128xf32, #tpu.memory_space<vmem>>, %arg3: memref<1x128xf32, #tpu.memory_space<vmem>>, %arg4: memref<1000x128xf32, #tpu.memory_space<vmem>>) attributes {dimension_semantics = [#tpu.dimension_semantics<arbitrary>], iteration_bounds = array<i64: 400>, scalar_prefetch = 0 : i64, scratch_operands = 0 : i64, tpu.core_type = #tpu.core_type<tc>, window_params = [{transform_indices = @transform_0, window_bounds = array<i64: 1000, 128>}, {pipeline_mode = #tpu.pipeline_mode<synchronous>, transform_indices = @transform_1, window_bounds = array<i64: 128, 128>}, {pipeline_mode = #tpu.pipeline_mode<synchronous>, transform_indices = @transform_2, window_bounds = array<i64: 1, 128>}, {transform_indices = @transform_3, window_bounds = array<i64: 1000, 128>}]} {
    %get3A = arith.constant 0 : index
    %get3A_0 = arith.constant 0 : index
    %get3A_1 = vector.load %arg1[%get3A, %get3A_0] : memref<1000x128xf32, #tpu.memory_space<vmem>>, vector<1000x128xf32>
    %get3A_2 = arith.constant 0 : index
    %get3A_3 = arith.constant 0 : index
    %get3A_4 = vector.load %arg2[%get3A_2, %get3A_3] : memref<128x128xf32, #tpu.memory_space<vmem>>, vector<128x128xf32>
    %dot_general3A = arith.constant dense<0.000000e+00> : vector<1000x128xf32>
    %dot_general3A_5 = tpu.matmul %get3A_1, %get3A_4, %dot_general3A {dimension_numbers = #tpu.dot_dimension_numbers<[1], [0], [0], [1], [0, 0, 1, 1], [], []>, transpose_lhs_hint = false} : vector<1000x128xf32>, vector<128x128xf32>, vector<1000x128xf32> -> vector<1000x128xf32>
    %get3A_6 = arith.constant 0 : index
    %get3A_7 = arith.constant 0 : index
    %get3A_8 = vector.load %arg3[%get3A_6, %get3A_7] : memref<1x128xf32, #tpu.memory_space<vmem>>, vector<1x128xf32>
    %add3A = vector.broadcast %get3A_8 : vector<1x128xf32> to vector<1000x128xf32>
    %add3A_9 = arith.addf %dot_general3A_5, %add3A : vector<1000x128xf32>
    %max3A = arith.constant 0.000000e+00 : f32
    %max3A_10 = vector.broadcast %max3A : f32 to vector<1000x128xf32>
    %max3A_11 = arith.maximumf %add3A_9, %max3A_10 : vector<1000x128xf32>
    %swap3A = arith.constant 0 : index
    %swap3A_12 = arith.constant 0 : index
    %swap3A_13 = vector.load %arg4[%swap3A, %swap3A_12] : memref<1000x128xf32, #tpu.memory_space<vmem>>, vector<1000x128xf32>
    tpu.vector_store %arg4[%swap3A, %swap3A_12], %max3A_11 {strides = array<i32>} : memref<1000x128xf32, #tpu.memory_space<vmem>>, vector<1000x128xf32>,
    return
  }
  func.func @transform_0(%arg0: i32) -> (i32, i32) {
    %c0_i32 = arith.constant 0 : i32
    %c0_i32_0 = arith.constant 0 : i32
    return %arg0, %c0_i32 : i32, i32
  }
  func.func @transform_1(%arg0: i32) -> (i32, i32) {
    %c0_i32 = arith.constant 0 : i32
    %c0_i32_0 = arith.constant 0 : i32
    %c0_i32_1 = arith.constant 0 : i32
    return %c0_i32, %c0_i32_0 : i32, i32
  }
  func.func @transform_2(%arg0: i32) -> (i32, i32) {
    %c0_i32 = arith.constant 0 : i32
    %c0_i32_0 = arith.constant 0 : i32
    %c0_i32_1 = arith.constant 0 : i32
    return %c0_i32, %c0_i32_0 : i32, i32
  }
  func.func @transform_3(%arg0: i32) -> (i32, i32) {
    %c0_i32 = arith.constant 0 : i32
    %c0_i32_0 = arith.constant 0 : i32
    return %arg0, %c0_i32 : i32, i32
  }
}

</mosaic_0001>

<sc_bundles>
// kernel: kernel.5.cloned.1.call-start
scs
__scs_entry_jumppad:
0x0: {  	(pc) =	sbr.rel $0x88, $3  }
0x1: {  	(tag) =	ssettag $0x0;
	lr =	simm.s32 $0x1  }
0x2: {  	[smem:$0x3F9D] =	sst lr;
	_ =	strace $0xD0000000  }
0x3: {  	_ = 	snop  }
0x4: {  	_ = 	snop  }
0x5: {  	_ = 	snop  }
0x6: {  	_ = 	snop  }
0x7: {  	_ = 	snop  }
__scs_overlays_trampoline_lowered:
0x8: {  	[smem:$0x3FAC] =	sst s0  }
0x9: {  	[smem:$0x3FAD] =	sst s1  }
0xa: {  	[smem:$0x3FAE] =	sst s2  }
0xb: {  	[smem:$0x3FAF] =	sst s3  }
0xc: {  	[smem:$0x3FB0] =	sst s4  }
0xd: {  	[smem:$0x3FB1] =	sst s5  }
0xe: {  	[smem:$0x3FB2] =	sst s6  }
0xf: {  	[smem:$0x3FB3] =	sst s7  }
0x10: {  	[smem:$0x3FB4] =	sst s8  }
0x11: {  	[smem:$0x3FB5] =	sst s9;
	s0 =	simm.s32 @!p0 $0x0  }
0x12: {  	s1 =	sld [smem:$0x3F9B];
	s0 =	simm.s32 @p0 $0x1  }
0x13: {  	[smem:$0x3FB6] =	sst s0;
	s0 =	simm.s32 @!p1 $0x0  }
0x14: {  	s2 =	sld [smem:$0x3F9A];
	s0 =	simm.s32 @p1 $0x1  }
0x15: {  	[smem:$0x3FB7] =	sst s0;
	s0 =	simm.s32 @!p2 $0x0  }
0x16: {  	s3 =	sld [smem:$0x3FDB];
	s0 =	simm.s32 @p2 $0x1  }
0x17: {  	s4 =	simm.s32 $0x1BF5;
	[smem:$0x3FB9] =	sst s0  }
0x18: {  	s0 =	sld [smem:$0x3F9C];
	_ =	swait.ge [sflag:s4], $0x0  }
0x19: {  	s7 =	sld [smem:$0x3F9D]  }
0x1a: {  	s8 =	sadd.s32 $0xFFFFE003, lr  }
0x1b: {  	s9 =	sadd.s32 $0xFFFFFEF7, lr;
	s5 =	simm.s32 $0xFFFFFFFF;
	p2 =	slt.u32 s8, $0xFFFFF086  }
0x1c: {  	p1 =	slt.u32 s9, $0xF7A;
	s5 =	simm.s32 @!p2 $0x0  }
0x1d: {  	s5 =	simm.s32 @p1 $0x1;
	p0 =	seq.s32 s7, s2  }
0x1e: {  	s7 =	smul.u32 @!p0 $0xF7A, s2;
	p2 =	seq.s32 @!p0 s5, $0x0  }
0x1f: {  	s9 =	smul.u32 $0xF7A, s1;
	s8 =	simm.s32 @!p0 $0x1BF5;
	p2 =	por !p2, p0  }
0x20: {  	[sflag:s8] =	ssyncset.s32 @!p0 $0xFFFFF086;
	s6 =	sadd.s32 @!p0 s3, s7;
	s7 =	simm.s32 @!p0 $0x108  }
0x21: {  	s3 =	sadd.s32 s3, s9;
	s6 =	sadd.s32 @!p0 $0x88, s6;
	s7 =	simm.s32 @p2 $0x1082  }
0x22: {  	[simem:s7], [sflag:s8] =	dma.local @!p0 [hbm:s6], $0xF7A  }
0x23: {  	s9 =	sor.u32 $0xD0000000, s2;
	s6 =	simm.s32 $0x108;
	_ =	swait.ge @!p0 [sflag:s8], $0x0  }
0x24: {  	s3 =	sadd.s32 $0x88, s3;
	s6 =	simm.s32 @!p1 $0x1082;
	[sflag:s4] =	ssyncset.s32 $0xFFFFF086  }
0x25: {  	[simem:s6], [sflag:s4] =	dma.local [hbm:s3], $0xF7A  }
0x26: {  	[smem:$0x3F9D] =	sst s1;
	(tag) =	ssettag s2;
	_ =	strace s9  }
0x27: {  	s1 =	sld [smem:$0x3FAD]  }
0x28: {  	s2 =	sld [smem:$0x3FAE]  }
0x29: {  	s4 =	sld [smem:$0x3FB0]  }
0x2a: {  	p0 =	seq.s32 s5, $0x0;
	s5 =	sld [smem:$0x3FB1]  }
0x2b: {  	s6 =	sld [smem:$0x3FB2]  }
0x2c: {  	s7 =	sld [smem:$0x3FB3]  }
0x2d: {  	s3 =	simm.s32 $0x108;
	s8 =	sld [smem:$0x3FB4]  }
0x2e: {  	s3 =	simm.s32 @!p0 $0x1082;
	s9 =	sld [smem:$0x3FB5]  }
0x2f: {  	lr =	sadd.s32 s0, s3;
	s0 =	sld [smem:$0x3FAC]  }
0x30: {  	s3 =	sld [smem:$0x3FAF]  }
0x31: {  	[smem:$0x3FB8] =	sst s10  }
0x32: {  	s10 =	sld [smem:$0x3FB6];
	_ =	sdelay $0x3  }
0x33: {  	p0 =	seq.s32 s10, $0x1;
	s10 =	sld [smem:$0x3FB8];
	_ =	sdelay $0x3  }
0x34: {  	[smem:$0x3FB8] =	sst s10  }
0x35: {  	s10 =	sld [smem:$0x3FB7];
	_ =	sdelay $0x3  }
0x36: {  	p1 =	seq.s32 s10, $0x1;
	s10 =	sld [smem:$0x3FB8];
	_ =	sdelay $0x3  }
0x37: {  	[smem:$0x3FB8] =	sst s10  }
0x38: {  	s10 =	sld [smem:$0x3FB9]  }
0x39: {  	_ = 	snop;
	(pc) =	sbr.ind lr, $3  }
0x3a: {  	_ = 	snop  }
0x3b: {  	_ = 	snop  }
0x3c: {  	p2 =	seq.s32 s10, $0x1;
	s10 =	sld [smem:$0x3FB8]  }
0x3d: {  	_ =	shalt  }
0x3e: {  	_ =	shalt  }
0x3f: {  	_ =	shalt  }
0x40: {  	_ =	shalt  }
0x41: {  	_ =	shalt  }
0x42: {  	_ =	shalt  }
0x43: {  	_ =	shalt  }
0x44: {  	_ =	shalt  }
0x45: {  	_ =	shalt  }
0x46: {  	_ =	shalt  }
0x47: {  	_ =	shalt  }
0x48: {  	_ =	shalt  }
0x49: {  	_ =	shalt  }
0x4a: {  	_ =	shalt  }
0x4b: {  	_ =	shalt  }
0x4c: {  	_ =	shalt  }
0x4d: {  	_ =	shalt  }
0x4e: {  	_ =	shalt  }
0x4f: {  	_ =	shalt  }
0x50: {  	_ =	shalt  }
0x51: {  	_ =	shalt  }
0x52: {  	_ =	shalt  }
0x53: {  	_ =	shalt  }
0x54: {  	_ =	shalt  }
0x55: {  	_ =	shalt  }
0x56: {  	_ =	shalt  }
0x57: {  	_ =	shalt  }
0x58: {  	_ =	shalt  }
0x59: {  	_ =	shalt  }
0x5a: {  	_ =	shalt  }
0x5b: {  	_ =	shalt  }
0x5c: {  	_ =	shalt  }
0x5d: {  	_ =	shalt  }
0x5e: {  	_ =	shalt  }
0x5f: {  	_ =	shalt  }
0x60: {  	_ =	shalt  }
0x61: {  	_ =	shalt  }
0x62: {  	_ =	shalt  }
0x63: {  	_ =	shalt  }
0x64: {  	_ =	shalt  }
0x65: {  	_ =	shalt  }
0x66: {  	_ =	shalt  }
0x67: {  	_ =	shalt  }
0x68: {  	_ =	shalt  }
0x69: {  	_ =	shalt  }
0x6a: {  	_ =	shalt  }
0x6b: {  	_ =	shalt  }
0x6c: {  	_ =	shalt  }
0x6d: {  	_ =	shalt  }
0x6e: {  	_ =	shalt  }
0x6f: {  	_ =	shalt  }
0x70: {  	_ =	shalt  }
0x71: {  	_ =	shalt  }
0x72: {  	_ =	shalt  }
0x73: {  	_ =	shalt  }
0x74: {  	_ =	shalt  }
0x75: {  	_ =	shalt  }
0x76: {  	_ =	shalt  }
0x77: {  	_ =	shalt  }
0x78: {  	_ =	shalt  }
0x79: {  	_ =	shalt  }
0x7a: {  	_ =	shalt  }
0x7b: {  	_ =	shalt  }
0x7c: {  	_ =	shalt  }
0x7d: {  	_ =	shalt  }
0x7e: {  	_ =	shalt  }
0x7f: {  	_ =	shalt  }
0x80: {  	_ =	shalt  }
0x81: {  	_ =	shalt  }
0x82: {  	_ =	shalt  }
0x83: {  	_ =	shalt  }
0x84: {  	_ =	shalt  }
0x85: {  	_ =	shalt  }
0x86: {  	_ =	shalt  }
0x87: {  	_ =	shalt  }
.Lfunc_end0:
.L_simem_size_0:
called_computation_lowered:
.L_overlay_start_0:
0x88: {  	s2 =	sld [smem:$0x3FD9]  }
0x89: {  	s3 =	sld [smem:$0x3FFE];
	_ =	sdelay $0x1  }
0x8a: {  	s1 =	srdreg.scid  }
0x8b: {  	s0 =	sand.u32 $0x1, s1  }
0x8c: {  	s16 =	sshll.u32 s0, $0xA;
	s2 =	sadd.s32 s3, s2  }
0x8d: {  	s2 =	sadd.s32 s2, s16  }
0x8e: {  	[smem:$0x3FC4] =	sst s2  }
0x8f: {  	_ = 	snop  }
0x90: {  	(tm) =	ssettm $0x1  }
0x91: {  	s17 =	sld [smem:$0x3FFB];
	_ =	sdelay $0x3  }
0x92: {  	_ =	strace s17  }
0x93: {  	s2 =	sld [smem:$0x3FFC];
	_ =	sdelay $0x3  }
0x94: {  	_ =	strace s2  }
0x95: {  	s2 =	sld [smem:$0x3FFD];
	_ =	sdelay $0x3  }
0x96: {  	_ =	strace s2  }
0x97: {  	_ =	strace $0x8FFFFFFF  }
0x98: {  	s18 =	sld [smem:$0x3FDB];
	_ =	sdelay $0x1  }
0x99: {  	s19 =	simm.s32 $_scs_section_size  }
0x9a: {  	s4 =	simm.s32 $_size__tile_overlayer_lowered;
	s5 =	simm.s32 $_tile_overlayer_lowered  }
0x9b: {  	s22 =	simm.s32 $0x1BFF;
	s21 =	sshll.u32 s5, $0x1;
	s2 =	sadd.s32 s19, s18  }
0x9c: {  	s6 =	simm.s32 $0x0;
	s20 =	sshll.u32 s4, $0x1;
	s4 =	sadd.s32 s21, s2  }
0x9d: {  	[timem:s6], [sflag:s22] =	dma.local [hbm:s4], s20  }
0x9e: {  	_ =	swait.ge [sflag:s22], s20  }
0x9f: {  	s3 =	ssub.s32 $0x0, s20;
	[sflag:s22] =	ssyncset.done $0x0  }
0xa0: {  	[sflag:s22] =	ssyncadd.s32 s3;
	_ =	sdelay $0x1  }
0xa1: {  	s23 =	simm.s32 $0x1B8B  }
0xa2: {  	_ =	swait.ge [sflag:s23], $0x1  }
0xa3: {  	[sflag:s23] =	ssyncset.done $0x0  }
0xa4: {  	s25 =	simm.s32 $0x1B8E;
	s24 =	sld [smem:$0x3FFE];
	[sflag:s23] =	ssyncadd.s32 $0xFFFFFFFF  }
0xa5: {  	s26 =	simm.s32 $execute0_lowered;
	[smem:$0x3FD2] =	sst s25  }
0xa6: {  	s4 =	sshll.u32 s26, $0x1;
	_ =	strace $0x80000046;
	[dreg:$0x1] =	wrdreg $0xFFFFFFFF  }
0xa7: {  	s28 =	simm.s32 $_size_execute0_lowered;
	s2 =	sadd.s32 s2, s4;
	[dreg:$0x0] =	wrdreg $0x0  }
0xa8: {  	s4 =	sshll.u32 s28, $0x1;
	[dreg:$0x2] =	wrdreg s2  }
0xa9: {  	[dreg:$0x3] =	wrdreg s4  }
0xaa: {  	[dreg:$0x4] =	wrdreg $0xC0  }
0xab: {  	_ =	task [dreg:s6], $0x5FFFF  }
0xac: {  	[dreg:$0x1] =	wrdreg $0xFFFFFFFF  }
0xad: {  	[dreg:$0x0] =	wrdreg $0x60  }
0xae: {  	[dreg:$0x2] =	wrdreg s24  }
0xaf: {  	[dreg:$0x3] =	wrdreg $0x45F00  }
0xb0: {  	[dreg:$0x4] =	wrdreg $0x1CCF00  }
0xb1: {  	[dreg:$0x5] =	wrdreg $0x9  }
0xb2: {  	_ =	task.clear_ibuf [dreg:s6], $0x6FFFF;
	_ =	strace $0x90000046  }
0xb3: {  	s29 =	simm.s32 $0x9;
	_ =	strace $0x80000048  }
0xb4: {  	_ =	swait.ge [sflag:s29], $0x1  }
0xb5: {  	[sflag:s29] =	ssyncadd.s32 $0xFFFFFFFF  }
0xb6: {  	_ =	strace $0x90000048  }
0xb7: {  	_ =	sfence  }
0xb8: {  	s30 =	sld [smem:$0x0];
	_ =	sdelay $0x2  }
0xb9: {  	s31 =	sshll.u32 s1, $0xD;
	s1 =	sshrl.u32 s1, $0x2  }
0xba: {  	s3 =	sand.u32 $0x4000, s31;
	s1 =	sadd.s32 s1, s30  }
0xbb: {  	s0 =	sor.u32 s3, s0;
	s1 =	sshll.u32 s1, $0x11  }
0xbc: {  	s0 =	sor.u32 s1, s0  }
0xbd: {  	s0 =	sadd.s32 $0x8F2B, s0  }
0xbe: {  	[sflag:s0] =	ssyncadd.remote.s32 $0x1  }
0xbf: {  	_ =	sfence.sel $0xFFFF  }
0xc0: {  	[dreg:$0x0] =	wrdreg $0xFFFFFFFF;
	(pc) =	sbr.abs _section_cstart, $3  }
0xc1: {  	[dreg:$0x1] =	wrdreg $0xFFFFFFFF  }
0xc2: {  	_ =	task.clear_ibuf [dreg:s6], $0x2FFFF;
	_ =	strace $0x9FFFFFFF  }
0xc3: {  	(tm) =	ssettm $0x7FFFFFFF  }
tec
execute0_lowered:
.L_overlay_start_1:
0x0: {  	(tag) =	ssettag $0x1  }
0x1: {  	s0 =	srdreg.scid;
	s25 =	stileid.u32  }
0x2: {  	s5 =	rddreg [dreg:$0x0];
	s1 =	sand.u32 $0x1, s0;
	s0 =	smul.u32 $0x1870, s25  }
0x3: {  	s28 =	simm.s32 $0x1800;
	s29 =	simm.s32 $0x4200;
	s2 =	smul.u32 $0x30D400, s1  }
0x4: {  	s30 =	simm.s32 $0x2000;
	s4 =	smul.u32 $0x18700, s1;
	s1 =	ssub.s32 $0x2, s1  }
0x5: {  	s31 =	simm.s32 $0x4280;
	s3 =	sshll.u32 s25, $0xA;
	s9 =	sshrl.u32 s1, $0x1  }
0x6: {  	s2 =	sadd.s32 s3, s2;
	s3 =	sadd.s32 $0x6DF200, s5;
	s6 =	sadd.s32 s0, s4  }
0x7: {  	s1 =	ssub.s32 s1, s9;
	s7 =	sshll.u32 s6, $0x1;
	s8 =	sadd.s32 $0x170, s6  }
0x8: {  	s9 =	sadd.s32 $0x450, s6;
	s2 =	sshrl.u32 s2, $0x3;
	s10 =	sadd.s32 s3, s7  }
0x9: {  	s11 =	sshll.u32 s8, $0x1;
	s7 =	sadd.s32 $0x2E0, s6;
	[dreg:$0x4] =	wrdreg s10  }
0xa: {  	s4 =	sadd.s32 s3, s11;
	s12 =	sshll.u32 s7, $0x1;
	s10 =	sshll.u32 s9, $0x1  }
0xb: {  	s11 =	sadd.s32 $0x5C0, s6;
	s7 =	sshrl.u32 s7, $0x3;
	[dreg:$0x5] =	wrdreg s4  }
0xc: {  	s4 =	sadd.s32 s3, s12;
	s13 =	sadd.s32 s3, s10;
	s14 =	sshll.u32 s11, $0x1  }
0xd: {  	s10 =	sadd.s32 $0x730, s6;
	s12 =	sadd.s32 $0x8A0, s6;
	[dreg:$0x6] =	wrdreg s4  }
0xe: {  	[dreg:$0x7] =	wrdreg s13;
	s4 =	sadd.s32 s3, s14;
	s15 =	sshll.u32 s10, $0x1  }
0xf: {  	s13 =	sshll.u32 s12, $0x1;
	s14 =	sadd.s32 $0xA10, s6;
	[dreg:$0x8] =	wrdreg s4  }
0x10: {  	s4 =	sadd.s32 s3, s15;
	s16 =	sadd.s32 s3, s13;
	s17 =	sshll.u32 s14, $0x1  }
0x11: {  	s13 =	sadd.s32 $0xB80, s6;
	s15 =	sadd.s32 $0xCF0, s6;
	[dreg:$0x9] =	wrdreg s4  }
0x12: {  	[dreg:$0xa] =	wrdreg s16;
	s4 =	sadd.s32 s3, s17;
	s18 =	sshll.u32 s13, $0x1  }
0x13: {  	s16 =	sshll.u32 s15, $0x1;
	[dreg:$0xb] =	wrdreg s4;
	s4 =	sadd.s32 s3, s18  }
0x14: {  	s17 =	sadd.s32 $0xE60, s6;
	s19 =	sadd.s32 s3, s16;
	[dreg:$0xc] =	wrdreg s4  }
0x15: {  	s20 =	sshll.u32 s17, $0x1;
	s16 =	sadd.s32 $0xFD0, s6;
	[dreg:$0xd] =	wrdreg s19  }
0x16: {  	s4 =	sadd.s32 s3, s20;
	s19 =	sadd.s32 $0x1140, s6;
	s21 =	sshll.u32 s16, $0x1  }
0x17: {  	s20 =	sadd.s32 $0x12B0, s6;
	[dreg:$0xe] =	wrdreg s4;
	s18 =	sshll.u32 s19, $0x1  }
0x18: {  	s4 =	sadd.s32 s3, s21;
	s23 =	sshll.u32 s20, $0x1;
	s21 =	sadd.s32 $0x1420, s6  }
0x19: {  	[dreg:$0xf] =	wrdreg s4;
	s22 =	sadd.s32 s3, s18;
	s4 =	sadd.s32 s3, s23  }
0x1a: {  	s24 =	sshll.u32 s21, $0x1;
	s23 =	sadd.s32 $0x1700, s6;
	[dreg:$0x10] =	wrdreg s22  }
0x1b: {  	s18 =	simm.s32 $0x0;
	s21 =	sshrl.u32 s21, $0x3;
	[dreg:$0x11] =	wrdreg s4  }
0x1c: {  	s22 =	sadd.s32 $0x1590, s6;
	s4 =	sadd.s32 s3, s24;
	[smem:$0x7FF] =	sst s18  }
0x1d: {  	s6 =	sshrl.u32 s6, $0x3;
	s26 =	sshll.u32 s22, $0x1;
	[dreg:$0x12] =	wrdreg s4  }
0x1e: {  	s4 =	sshll.u32 s25, $0xB;
	s24 =	sadd.s32 s3, s26;
	s26 =	sshll.u32 s23, $0x1  }
0x1f: {  	[dreg:$0x13] =	wrdreg s24;
	s3 =	sadd.s32 s3, s26;
	s24 =	sadd.s32 $0x740E00, s5  }
0x20: {  	s26 =	sshrl.u32 s8, $0x3;
	s8 =	sshrl.u32 s9, $0x3;
	[dreg:$0x14] =	wrdreg s3  }
0x21: {  	s3 =	sadd.s32 s4, s5;
	s4 =	sadd.s32 s2, s5;
	s2 =	sadd.s32 s24, s6  }
0x22: {  	s9 =	sshrl.u32 s11, $0x3;
	s6 =	sadd.s32 s24, s26;
	[dreg:$0x15] =	wrdreg s2  }
0x23: {  	s11 =	sadd.s32 s24, s8;
	s26 =	sadd.s32 s24, s9;
	[dreg:$0x16] =	wrdreg s6  }
0x24: {  	s5 =	sshrl.u32 s10, $0x3;
	s10 =	sshrl.u32 s13, $0x3;
	[dreg:$0x18] =	wrdreg s11  }
0x25: {  	s2 =	sadd.s32 s24, s7;
	[dreg:$0x19] =	wrdreg s26;
	s6 =	sshrl.u32 s12, $0x3  }
0x26: {  	s7 =	sshrl.u32 s14, $0x3;
	[dreg:$0x17] =	wrdreg s2;
	s2 =	sadd.s32 s24, s5  }
0x27: {  	s11 =	sshrl.u32 s15, $0x3;
	s8 =	sadd.s32 s24, s6;
	[dreg:$0x1a] =	wrdreg s2  }
0x28: {  	s12 =	sshrl.u32 s17, $0x3;
	s9 =	sadd.s32 s24, s7;
	[dreg:$0x1b] =	wrdreg s8  }
0x29: {  	s15 =	sshrl.u32 s16, $0x3;
	s13 =	sadd.s32 s24, s11;
	[dreg:$0x1c] =	wrdreg s9  }
0x2a: {  	s16 =	sshrl.u32 s19, $0x3;
	s14 =	sadd.s32 s24, s12;
	[dreg:$0x1e] =	wrdreg s13  }
0x2b: {  	s17 =	sshrl.u32 s20, $0x3;
	s19 =	sadd.s32 s24, s16;
	[dreg:$0x1f] =	wrdreg s14  }
0x2c: {  	s26 =	sshrl.u32 s22, $0x3;
	s20 =	sadd.s32 s24, s17;
	[smem:$0x7D6] =	sst s19  }
0x2d: {  	s5 =	sadd.s32 s24, s21;
	s7 =	sadd.s32 s24, s26;
	[smem:$0x7D7] =	sst s20  }
0x2e: {  	s12 =	sadd.s32 $0x170, s0;
	s17 =	sadd.s32 $0x450, s0;
	[smem:$0x7D8] =	sst s5  }
0x2f: {  	s21 =	sadd.s32 $0x5C0, s0;
	s26 =	sadd.s32 $0x8A0, s0;
	[smem:$0x7D9] =	sst s7  }
0x30: {  	s2 =	sadd.s32 s24, s10;
	s5 =	rddreg [dreg:$0x2];
	s8 =	sshrl.u32 s23, $0x3  }
0x31: {  	s9 =	smul.u32 $0x61C00, s25;
	s10 =	ssub.s32 $0xC44, s25;
	s13 =	sshll.u32 s12, $0x4  }
0x32: {  	s14 =	sadd.s32 $0x2E0, s0;
	s19 =	sshll.u32 s17, $0x4;
	s23 =	sshll.u32 s21, $0x4  }
0x33: {  	[dreg:$0x1d] =	wrdreg s2;
	s2 =	sadd.s32 s24, s15;
	s6 =	sadd.s32 s24, s8  }
0x34: {  	s16 =	sshll.u32 s14, $0x4;
	s7 =	sadd.s32 s12, s5;
	[smem:$0x7D5] =	sst s2  }
0x35: {  	s20 =	sadd.s32 s14, s5;
	s22 =	sadd.s32 s17, s5;
	s2 =	rddreg [dreg:$0x1]  }
0x36: {  	s24 =	sadd.s32 $0x730, s0;
	[smem:$0x7DA] =	sst s6;
	s6 =	sshrl.u32 s10, $0x4  }
0x37: {  	s12 =	sadd.s32 $0xA10, s0;
	_ =	strace $0x80000047;
	[smem:$0x7DB] =	sst s6  }
0x38: {  	s8 =	simm.s32 $0x2;
	s11 =	sshrl.u32 s9, $0x2;
	[smem:$0x7DD] =	sst s7  }
0x39: {  	s25 =	sshll.u32 s24, $0x4;
	s10 =	sshll.u32 s26, $0x4;
	[smem:$0x7DF] =	sst s20  }
0x3a: {  	s14 =	sshll.u32 s12, $0x4;
	s6 =	sadd.s32 s13, s2;
	[smem:$0x7E1] =	sst s22  }
0x3b: {  	s15 =	sadd.s32 s11, s2;
	s7 =	sadd.s32 s23, s2;
	[smem:$0x7DC] =	sst s6  }
0x3c: {  	s11 =	sadd.s32 s24, s5;
	s13 =	sadd.s32 s26, s5;
	[smem:$0x7E2] =	sst s7  }
0x3d: {  	s23 =	sadd.s32 $0xE60, s0;
	s26 =	sadd.s32 $0xFD0, s0;
	[smem:$0x7E5] =	sst s11  }
0x3e: {  	s6 =	sadd.s32 s16, s2;
	s7 =	sadd.s32 s25, s2;
	[smem:$0x7E7] =	sst s13  }
0x3f: {  	s16 =	sadd.s32 $0xB80, s0;
	s25 =	sshll.u32 s23, $0x4;
	s9 =	sshll.u32 s26, $0x4  }
0x40: {  	s13 =	sadd.s32 s26, s5;
	s26 =	smax.u32 s1, $0x1;
	[smem:$0x7DE] =	sst s6  }
0x41: {  	s1 =	simm.s32 $0x4300;
	s6 =	sadd.s32 s19, s2;
	[smem:$0x7E4] =	sst s7  }
0x42: {  	s7 =	sadd.s32 s14, s2;
	s17 =	sshll.u32 s16, $0x4;
	[smem:$0x7F1] =	sst s13  }
0x43: {  	s19 =	sadd.s32 $0xCF0, s0;
	s22 =	sadd.s32 s16, s5;
	[smem:$0x7FD] =	sst s26  }
0x44: {  	s11 =	sadd.s32 s9, s2;
	s14 =	sadd.s32 $0x12B0, s0;
	[smem:$0x7E0] =	sst s6  }
0x45: {  	s26 =	simm.s32 $0x4180;
	s9 =	simm.s32 $0x0;
	[smem:$0x7E8] =	sst s7  }
0x46: {  	s6 =	sadd.s32 s21, s5;
	s20 =	sadd.s32 s17, s2;
	[smem:$0x7EB] =	sst s22  }
0x47: {  	s21 =	sshll.u32 s19, $0x4;
	s24 =	sadd.s32 s19, s5;
	[smem:$0x7F0] =	sst s11  }
0x48: {  	s7 =	sadd.s32 s25, s2;
	s17 =	sshll.u32 s14, $0x4;
	[smem:$0x7E3] =	sst s6  }
0x49: {  	s19 =	sadd.s32 $0x1420, s0;
	s22 =	sadd.s32 $0x1590, s0;
	[smem:$0x7EA] =	sst s20  }
0x4a: {  	s11 =	sadd.s32 $0x1400, s4;
	s4 =	simm.s32 $0x4380;
	[smem:$0x7ED] =	sst s24  }
0x4b: {  	s6 =	sadd.s32 s10, s2;
	[smem:$0x7EE] =	sst s7;
	s10 =	sadd.s32 $0x1140, s0  }
0x4c: {  	s7 =	sadd.s32 s17, s2;
	s20 =	sshll.u32 s19, $0x4;
	s24 =	sshll.u32 s22, $0x4  }
0x4d: {  	s17 =	simm.s32 $0x4480;
	[smem:$0x7E6] =	sst s6;
	s6 =	sadd.s32 s12, s5  }
0x4e: {  	s12 =	sshll.u32 s10, $0x4;
	s16 =	sadd.s32 s10, s5;
	[smem:$0x7F4] =	sst s7  }
0x4f: {  	s7 =	sadd.s32 s24, s2;
	s24 =	simm.s32 $0x4100;
	[smem:$0x7E9] =	sst s6  }
0x50: {  	s6 =	sadd.s32 s21, s2;
	[smem:$0x7F3] =	sst s16;
	s21 =	sadd.s32 s19, s5  }
0x51: {  	[smem:$0x7F9] =	sst s7;
	s16 =	simm.s32 $0x3;
	s19 =	simm.s32 $0x4000  }
0x52: {  	s7 =	simm.s32 $0x1;
	[smem:$0x7EC] =	sst s6;
	s6 =	sadd.s32 s23, s5  }
0x53: {  	[smem:$0x7F7] =	sst s21;
	s23 =	sadd.s32 s0, s5;
	s0 =	sadd.s32 $0x1700, s0  }
0x54: {  	s21 =	simm.s32 $0x4400;
	[smem:$0x7EF] =	sst s6;
	s6 =	sadd.s32 s12, s2  }
0x55: {  	[smem:$0x7F8] =	sst s23;
	s25 =	sshll.u32 s0, $0x4;
	s0 =	sadd.s32 s0, s5  }
0x56: {  	s12 =	sadd.s32 $0xC4A00, s3;
	s23 =	simm.s32 $0x800;
	[smem:$0x7F2] =	sst s6  }
0x57: {  	s3 =	simm.s32 $0x3000;
	s6 =	sadd.s32 s14, s5;
	[smem:$0x7FC] =	sst s0  }
0x58: {  	s0 =	simm.s32 $0x2800;
	[smem:$0x7F5] =	sst s6;
	s6 =	sadd.s32 s20, s2  }
0x59: {  	s20 =	simm.s32 $0x80;
	[smem:$0x7F6] =	sst s6;
	s6 =	sadd.s32 s22, s5  }
0x5a: {  	s22 =	simm.s32 $0x4080;
	[smem:$0x7FA] =	sst s6;
	s6 =	sadd.s32 s25, s2  }
0x5b: {  	v0 =	vimm.f32 $1.000000000e+00;
	v1 =	vimm.f32 $0.0e+00;
	s25 =	simm.s32 $0x1000;
	[smem:$0x7FB] =	sst s6;
	s6 =	simm.s32 $0x3800  }
.LBB2_1:
0x5c: {  	[tilespmem:$0x4400] =	vst v0  }
0x5d: {  	[tilespmem:$0x4410] =	vst v0  }
0x5e: {  	[tilespmem:$0x4420] =	vst v0  }
0x5f: {  	[tilespmem:$0x4430] =	vst v0  }
0x60: {  	[tilespmem:$0x4440] =	vst v0  }
0x61: {  	[tilespmem:$0x4450] =	vst v0  }
0x62: {  	[tilespmem:$0x4460] =	vst v0  }
0x63: {  	[tilespmem:$0x4470] =	vst v0;
	s10 =	simm.s32 $0x40;
	s14 =	simm.s32 $0x0  }
.LBB2_2:
0x64: {  	p0 =	sne.s32 s10, $0x5BC0;
	[tilespmem:s14+$0x0] =	vst v1;
	s14 =	smov.u32 s10;
	s10 =	sadd.s32 $0x40, s10  }
.Ltmp0:
0x65: {  	(pc) =	sbr.rel @p0 .LBB2_2-.Ltmp0, $2  }
0x66: {  	_ =	sdelay $0x2  }
0x67: {  	s14 =	sshra.s32 s14, $0x2  }
0x68: {  	[tilespmem:s14+$0x0] =	vst v1  }
0x69: {  	[tilespmem:$0x4480] =	vst v1  }
0x6a: {  	[tilespmem:$0x4490] =	vst v1  }
0x6b: {  	[tilespmem:$0x44A0] =	vst v1  }
0x6c: {  	[tilespmem:$0x44B0] =	vst v1  }
0x6d: {  	[tilespmem:$0x44C0] =	vst v1  }
0x6e: {  	[tilespmem:$0x44D0] =	vst v1  }
0x6f: {  	[tilespmem:$0x44E0] =	vst v1  }
0x70: {  	[tilespmem:$0x44F0] =	vst v1  }
0x71: {  	[tilespmem:$0x4500] =	vst v1  }
0x72: {  	[tilespmem:$0x4510] =	vst v1  }
0x73: {  	[tilespmem:$0x4520] =	vst v1  }
0x74: {  	[tilespmem:$0x4530] =	vst v1  }
0x75: {  	[tilespmem:$0x4540] =	vst v1  }
0x76: {  	[tilespmem:$0x4550] =	vst v1  }
0x77: {  	[tilespmem:$0x4560] =	vst v1  }
0x78: {  	[tilespmem:$0x4570] =	vst v1  }
0x79: {  	[tilespmem:$0x4580] =	vst v1  }
0x7a: {  	[tilespmem:$0x4590] =	vst v1  }
0x7b: {  	[tilespmem:$0x45A0] =	vst v1  }
0x7c: {  	[tilespmem:$0x45B0] =	vst v1  }
0x7d: {  	[tilespmem:$0x45C0] =	vst v1  }
0x7e: {  	[tilespmem:$0x45D0] =	vst v1  }
0x7f: {  	[tilespmem:$0x45E0] =	vst v1  }
0x80: {  	[spmem:s15] =	stream.linear.scatter [tilespmem:s18], [sflag:$0x3], $0x1700, $0x38;
	[tilespmem:$0x1E560] =	vst v63  }
0x81: {  	_ =	swait.ge [sflag:s16], $0x1700  }
0x82: {  	s10 =	sld [smem:$0x7F8]  }
0x83: {  	[sflag:s16] =	ssyncset.done $0x0  }
0x84: {  	[sflag:s16] =	ssyncadd.s32 $0xFFFFE900  }
0x85: {  	[spmem:s10] =	stream.linear.scatter [tilespmem:s17], [sflag:$0x3], $0x170, $0x38;
	[tilespmem:$0x1E560] =	vst v63  }
0x86: {  	_ =	swait.ge [sflag:s16], $0x170  }
0x87: {  	s13 =	smov.u32 s15;
	s15 =	sld [smem:$0x7DC]  }
0x88: {  	[sflag:s16] =	ssyncset.done $0x0  }
0x89: {  	[sflag:s16] =	ssyncadd.s32 $0xFFFFFE90  }
0x8a: {  	[spmem:s15] =	stream.linear.scatter [tilespmem:s18], [sflag:$0x3], $0x1700, $0x38;
	[tilespmem:$0x1E560] =	vst v63  }
0x8b: {  	_ =	swait.ge [sflag:s16], $0x1700  }
0x8c: {  	s14 =	sld [smem:$0x7DD]  }
0x8d: {  	[sflag:s16] =	ssyncset.done $0x0  }
0x8e: {  	[sflag:s16] =	ssyncadd.s32 $0xFFFFE900  }
0x8f: {  	[spmem:s14] =	stream.linear.scatter [tilespmem:s17], [sflag:$0x3], $0x170, $0x38;
	[tilespmem:$0x1E560] =	vst v63  }
0x90: {  	_ =	swait.ge [sflag:s16], $0x170  }
0x91: {  	s15 =	sld [smem:$0x7DE]  }
0x92: {  	[sflag:s16] =	ssyncset.done $0x0  }
0x93: {  	[sflag:s16] =	ssyncadd.s32 $0xFFFFFE90  }
0x94: {  	[spmem:s15] =	stream.linear.scatter [tilespmem:s18], [sflag:$0x3], $0x1700, $0x38;
	[tilespmem:$0x1E560] =	vst v63  }
0x95: {  	_ =	swait.ge [sflag:s16], $0x1700  }
0x96: {  	s14 =	sld [smem:$0x7DF]  }
0x97: {  	[sflag:s16] =	ssyncset.done $0x0  }
0x98: {  	[sflag:s16] =	ssyncadd.s32 $0xFFFFE900  }
0x99: {  	[spmem:s14] =	stream.linear.scatter [tilespmem:s17], [sflag:$0x3], $0x170, $0x38;
	[tilespmem:$0x1E560] =	vst v63  }
0x9a: {  	_ =	swait.ge [sflag:s16], $0x170  }
0x9b: {  	s15 =	sld [smem:$0x7E0]  }
0x9c: {  	[sflag:s16] =	ssyncset.done $0x0  }
0x9d: {  	[sflag:s16] =	ssyncadd.s32 $0xFFFFFE90  }
0x9e: {  	[spmem:s15] =	stream.linear.scatter [tilespmem:s18], [sflag:$0x3], $0x1700, $0x38;
	[tilespmem:$0x1E560] =	vst v63  }
0x9f: {  	_ =	swait.ge [sflag:s16], $0x1700  }
0xa0: {  	s14 =	sld [smem:$0x7E1]  }
0xa1: {  	[sflag:s16] =	ssyncset.done $0x0  }
0xa2: {  	[sflag:s16] =	ssyncadd.s32 $0xFFFFE900  }
0xa3: {  	[spmem:s14] =	stream.linear.scatter [tilespmem:s17], [sflag:$0x3], $0x170, $0x38;
	[tilespmem:$0x1E560] =	vst v63  }
0xa4: {  	_ =	swait.ge [sflag:s16], $0x170  }
0xa5: {  	s15 =	sld [smem:$0x7E2]  }
0xa6: {  	[sflag:s16] =	ssyncset.done $0x0  }
0xa7: {  	[sflag:s16] =	ssyncadd.s32 $0xFFFFFE90  }
0xa8: {  	[spmem:s15] =	stream.linear.scatter [tilespmem:s18], [sflag:$0x3], $0x1700, $0x38;
	[tilespmem:$0x1E560] =	vst v63  }
0xa9: {  	_ =	swait.ge [sflag:s16], $0x1700  }
0xaa: {  	s14 =	sld [smem:$0x7E3]  }
0xab: {  	[sflag:s16] =	ssyncset.done $0x0  }
0xac: {  	[sflag:s16] =	ssyncadd.s32 $0xFFFFE900  }
0xad: {  	[spmem:s14] =	stream.linear.scatter [tilespmem:s17], [sflag:$0x3], $0x170, $0x38;
	[tilespmem:$0x1E560] =	vst v63  }
0xae: {  	_ =	swait.ge [sflag:s16], $0x170  }
0xaf: {  	s15 =	sld [smem:$0x7E4]  }
0xb0: {  	[sflag:s16] =	ssyncset.done $0x0  }
0xb1: {  	[sflag:s16] =	ssyncadd.s32 $0xFFFFFE90  }
0xb2: {  	[spmem:s15] =	stream.linear.scatter [tilespmem:s18], [sflag:$0x3], $0x1700, $0x38;
	[tilespmem:$0x1E560] =	vst v63  }
0xb3: {  	_ =	swait.ge [sflag:s16], $0x1700  }
0xb4: {  	s14 =	sld [smem:$0x7E5]  }
0xb5: {  	[sflag:s16] =	ssyncset.done $0x0  }
0xb6: {  	[sflag:s16] =	ssyncadd.s32 $0xFFFFE900  }
0xb7: {  	[spmem:s14] =	stream.linear.scatter [tilespmem:s17], [sflag:$0x3], $0x170, $0x38;
	[tilespmem:$0x1E560] =	vst v63  }
0xb8: {  	_ =	swait.ge [sflag:s16], $0x170  }
0xb9: {  	s15 =	sld [smem:$0x7E6]  }
0xba: {  	[sflag:s16] =	ssyncset.done $0x0  }
0xbb: {  	[sflag:s16] =	ssyncadd.s32 $0xFFFFFE90  }
0xbc: {  	[spmem:s15] =	stream.linear.scatter [tilespmem:s18], [sflag:$0x3], $0x1700, $0x38;
	[tilespmem:$0x1E560] =	vst v63  }
0xbd: {  	_ =	swait.ge [sflag:s16], $0x1700  }
0xbe: {  	s14 =	sld [smem:$0x7E7]  }
0xbf: {  	[sflag:s16] =	ssyncset.done $0x0  }
0xc0: {  	[sflag:s16] =	ssyncadd.s32 $0xFFFFE900  }
0xc1: {  	[spmem:s14] =	stream.linear.scatter [tilespmem:s17], [sflag:$0x3], $0x170, $0x38;
	[tilespmem:$0x1E560] =	vst v63  }
0xc2: {  	_ =	swait.ge [sflag:s16], $0x170  }
0xc3: {  	s15 =	sld [smem:$0x7E8]  }
0xc4: {  	[sflag:s16] =	ssyncset.done $0x0  }
0xc5: {  	[sflag:s16] =	ssyncadd.s32 $0xFFFFFE90  }
0xc6: {  	[spmem:s15] =	stream.linear.scatter [tilespmem:s18], [sflag:$0x3], $0x1700, $0x38;
	[tilespmem:$0x1E560] =	vst v63  }
0xc7: {  	_ =	swait.ge [sflag:s16], $0x1700  }
0xc8: {  	s14 =	sld [smem:$0x7E9]  }
0xc9: {  	[sflag:s16] =	ssyncset.done $0x0  }
0xca: {  	[sflag:s16] =	ssyncadd.s32 $0xFFFFE900  }
0xcb: {  	[spmem:s14] =	stream.linear.scatter [tilespmem:s17], [sflag:$0x3], $0x170, $0x38;
	[tilespmem:$0x1E560] =	vst v63  }
0xcc: {  	_ =	swait.ge [sflag:s16], $0x170  }
0xcd: {  	s15 =	sld [smem:$0x7EA]  }
0xce: {  	[sflag:s16] =	ssyncset.done $0x0  }
0xcf: {  	[sflag:s16] =	ssyncadd.s32 $0xFFFFFE90  }
0xd0: {  	[spmem:s15] =	stream.linear.scatter [tilespmem:s18], [sflag:$0x3], $0x1700, $0x38;
	[tilespmem:$0x1E560] =	vst v63  }
0xd1: {  	_ =	swait.ge [sflag:s16], $0x1700  }
0xd2: {  	s14 =	sld [smem:$0x7EB]  }
0xd3: {  	[sflag:s16] =	ssyncset.done $0x0  }
0xd4: {  	[sflag:s16] =	ssyncadd.s32 $0xFFFFE900  }
0xd5: {  	[spmem:s14] =	stream.linear.scatter [tilespmem:s17], [sflag:$0x3], $0x170, $0x38;
	[tilespmem:$0x1E560] =	vst v63  }
0xd6: {  	_ =	swait.ge [sflag:s16], $0x170  }
0xd7: {  	s15 =	sld [smem:$0x7EC]  }
0xd8: {  	[sflag:s16] =	ssyncset.done $0x0  }
0xd9: {  	[sflag:s16] =	ssyncadd.s32 $0xFFFFFE90  }
0xda: {  	[spmem:s15] =	stream.linear.scatter [tilespmem:s18], [sflag:$0x3], $0x1700, $0x38;
	[tilespmem:$0x1E560] =	vst v63  }
0xdb: {  	_ =	swait.ge [sflag:s16], $0x1700  }
0xdc: {  	s14 =	sld [smem:$0x7ED]  }
0xdd: {  	[sflag:s16] =	ssyncset.done $0x0  }
0xde: {  	[sflag:s16] =	ssyncadd.s32 $0xFFFFE900  }
0xdf: {  	[spmem:s14] =	stream.linear.scatter [tilespmem:s17], [sflag:$0x3], $0x170, $0x38;
	[tilespmem:$0x1E560] =	vst v63  }
0xe0: {  	_ =	swait.ge [sflag:s16], $0x170  }
0xe1: {  	s15 =	sld [smem:$0x7EE]  }
0xe2: {  	[sflag:s16] =	ssyncset.done $0x0  }
0xe3: {  	[sflag:s16] =	ssyncadd.s32 $0xFFFFFE90  }
0xe4: {  	[spmem:s15] =	stream.linear.scatter [tilespmem:s18], [sflag:$0x3], $0x1700, $0x38;
	[tilespmem:$0x1E560] =	vst v63  }
0xe5: {  	_ =	swait.ge [sflag:s16], $0x1700  }
0xe6: {  	s14 =	sld [smem:$0x7EF]  }
0xe7: {  	[sflag:s16] =	ssyncset.done $0x0  }
0xe8: {  	[sflag:s16] =	ssyncadd.s32 $0xFFFFE900  }
0xe9: {  	[spmem:s14] =	stream.linear.scatter [tilespmem:s17], [sflag:$0x3], $0x170, $0x38;
	[tilespmem:$0x1E560] =	vst v63  }
0xea: {  	_ =	swait.ge [sflag:s16], $0x170  }
0xeb: {  	s15 =	sld [smem:$0x7F0]  }
0xec: {  	[sflag:s16] =	ssyncset.done $0x0  }
0xed: {  	[sflag:s16] =	ssyncadd.s32 $0xFFFFFE90  }
0xee: {  	[spmem:s15] =	stream.linear.scatter [tilespmem:s18], [sflag:$0x3], $0x1700, $0x38;
	[tilespmem:$0x1E560] =	vst v63  }
0xef: {  	_ =	swait.ge [sflag:s16], $0x1700  }
0xf0: {  	s14 =	sld [smem:$0x7F1]  }
0xf1: {  	[sflag:s16] =	ssyncset.done $0x0  }
0xf2: {  	[sflag:s16] =	ssyncadd.s32 $0xFFFFE900  }
0xf3: {  	[spmem:s14] =	stream.linear.scatter [tilespmem:s17], [sflag:$0x3], $0x170, $0x38;
	[tilespmem:$0x1E560] =	vst v63  }
0xf4: {  	_ =	swait.ge [sflag:s16], $0x170  }
0xf5: {  	s15 =	sld [smem:$0x7F2]  }
0xf6: {  	[sflag:s16] =	ssyncset.done $0x0  }
0xf7: {  	[sflag:s16] =	ssyncadd.s32 $0xFFFFFE90  }
0xf8: {  	[spmem:s15] =	stream.linear.scatter [tilespmem:s18], [sflag:$0x3], $0x1700, $0x38;
	[tilespmem:$0x1E560] =	vst v63  }
0xf9: {  	_ =	swait.ge [sflag:s16], $0x1700  }
0xfa: {  	s14 =	sld [smem:$0x7F3]  }
0xfb: {  	[sflag:s16] =	ssyncset.done $0x0  }
0xfc: {  	[sflag:s16] =	ssyncadd.s32 $0xFFFFE900  }
0xfd: {  	[spmem:s14] =	stream.linear.scatter [tilespmem:s17], [sflag:$0x3], $0x170, $0x38;
	[tilespmem:$0x1E560] =	vst v63  }
0xfe: {  	_ =	swait.ge [sflag:s16], $0x170  }
0xff: {  	s15 =	sld [smem:$0x7F4]  }
0x100: {  	[sflag:s16] =	ssyncset.done $0x0  }
0x101: {  	[sflag:s16] =	ssyncadd.s32 $0xFFFFFE90  }
0x102: {  	[spmem:s15] =	stream.linear.scatter [tilespmem:s18], [sflag:$0x3], $0x1700, $0x38;
	[tilespmem:$0x1E560] =	vst v63  }
0x103: {  	_ =	swait.ge [sflag:s16], $0x1700  }
0x104: {  	s14 =	sld [smem:$0x7F5]  }
0x105: {  	[sflag:s16] =	ssyncset.done $0x0  }
0x106: {  	[sflag:s16] =	ssyncadd.s32 $0xFFFFE900  }
0x107: {  	[spmem:s14] =	stream.linear.scatter [tilespmem:s17], [sflag:$0x3], $0x170, $0x38;
	[tilespmem:$0x1E560] =	vst v63  }
0x108: {  	_ =	swait.ge [sflag:s16], $0x170  }
0x109: {  	s15 =	sld [smem:$0x7F6]  }
0x10a: {  	[sflag:s16] =	ssyncset.done $0x0  }
0x10b: {  	[sflag:s16] =	ssyncadd.s32 $0xFFFFFE90  }
0x10c: {  	[spmem:s15] =	stream.linear.scatter [tilespmem:s18], [sflag:$0x3], $0x1700, $0x38;
	[tilespmem:$0x1E560] =	vst v63  }
0x10d: {  	_ =	swait.ge [sflag:s16], $0x1700  }
0x10e: {  	s14 =	sld [smem:$0x7F7]  }
0x10f: {  	[sflag:s16] =	ssyncset.done $0x0  }
0x110: {  	[sflag:s16] =	ssyncadd.s32 $0xFFFFE900  }
0x111: {  	[spmem:s14] =	stream.linear.scatter [tilespmem:s17], [sflag:$0x3], $0x170, $0x38;
	[tilespmem:$0x1E560] =	vst v63  }
0x112: {  	_ =	swait.ge [sflag:s16], $0x170  }
0x113: {  	s15 =	sld [smem:$0x7F9]  }
0x114: {  	[sflag:s16] =	ssyncset.done $0x0  }
0x115: {  	[sflag:s16] =	ssyncadd.s32 $0xFFFFFE90  }
0x116: {  	[spmem:s15] =	stream.linear.scatter [tilespmem:s18], [sflag:$0x3], $0x1700, $0x38;
	[tilespmem:$0x1E560] =	vst v63  }
0x117: {  	_ =	swait.ge [sflag:s16], $0x1700  }
0x118: {  	s14 =	sld [smem:$0x7FA]  }
0x119: {  	[sflag:s16] =	ssyncset.done $0x0  }
0x11a: {  	[sflag:s16] =	ssyncadd.s32 $0xFFFFE900  }
0x11b: {  	[spmem:s14] =	stream.linear.scatter [tilespmem:s17], [sflag:$0x3], $0x170, $0x38;
	[tilespmem:$0x1E560] =	vst v63  }
0x11c: {  	_ =	swait.ge [sflag:s16], $0x170  }
0x11d: {  	s15 =	sld [smem:$0x7FB]  }
0x11e: {  	[sflag:s16] =	ssyncset.done $0x0  }
0x11f: {  	[sflag:s16] =	ssyncadd.s32 $0xFFFFFE90  }
0x120: {  	[spmem:s15] =	stream.linear.scatter [tilespmem:s18], [sflag:$0x3], $0x1700, $0x38;
	[tilespmem:$0x1E560] =	vst v63  }
0x121: {  	_ =	swait.ge [sflag:s16], $0x1700  }
0x122: {  	s14 =	sld [smem:$0x7FC]  }
0x123: {  	[sflag:s16] =	ssyncset.done $0x0  }
0x124: {  	[sflag:s16] =	ssyncadd.s32 $0xFFFFE900  }
0x125: {  	[spmem:s14] =	stream.linear.scatter [tilespmem:s17], [sflag:$0x3], $0x170, $0x38;
	[tilespmem:$0x1E560] =	vst v63  }
0x126: {  	_ =	swait.ge [sflag:s16], $0x170  }
0x127: {  	[sflag:s16] =	ssyncset.done $0x0  }
0x128: {  	[sflag:s16] =	ssyncadd.s32 $0xFFFFFE90  }
0x129: {  	[bflag:$0x0] =	sbarrier.arrive $0xFFFF  }
0x12a: {  	[tilespmem:s19], [sflag:$0x3] =	stream.linear.gather [hbm4b:s11+s18], $0x400, $0x38;
	[tilespmem:$0x1E560] =	vst v63  }
0x12b: {  	_ =	swait.ge [sflag:s16], $0x400  }
0x12c: {  	[sflag:s16] =	ssyncset.done $0x0  }
0x12d: {  	[sflag:s16] =	ssyncadd.s32 $0xFFFFFC00  }
0x12e: {  	[tilespmem:s18], [sflag:$0x3] =	stream.linear.gather [hbm4b:s12+s18], $0x4000, $0x38;
	[tilespmem:$0x1E560] =	vst v63  }
0x12f: {  	_ =	swait.ge [sflag:s16], $0x4000  }
0x130: {  	[sflag:s16] =	ssyncset.done $0x0  }
0x131: {  	[sflag:s16] =	ssyncadd.s32 $0xFFFFC000  }
0x132: {  	[spmem:s2] =	stream.indirect.scatter.add.f32 [tilespmem:s18], [sflag:$0x1], $0x10, s19, s20, $0xb8;
	[tilespmem:$0x1E560] =	vst v63  }
0x133: {  	_ = 	snop  }
0x134: {  	[spmem:s5] =	stream.indirect.scatter.add.f32 [tilespmem:s21], [sflag:$0x2], $0x1, s19, s20, $0xb8;
	[tilespmem:$0x1E560] =	vst v63  }
0x135: {  	_ = 	snop  }
0x136: {  	[spmem:s2] =	stream.indirect.scatter.add.f32 [tilespmem:s23], [sflag:$0x1], $0x10, s22, s20, $0xb8;
	[tilespmem:$0x1E560] =	vst v63  }
0x137: {  	_ = 	snop  }
0x138: {  	[spmem:s5] =	stream.indirect.scatter.add.f32 [tilespmem:s21], [sflag:$0x2], $0x1, s22, s20, $0xb8;
	[tilespmem:$0x1E560] =	vst v63  }
0x139: {  	_ = 	snop  }
0x13a: {  	[spmem:s2] =	stream.indirect.scatter.add.f32 [tilespmem:s25], [sflag:$0x1], $0x10, s24, s20, $0xb8;
	[tilespmem:$0x1E560] =	vst v63  }
0x13b: {  	_ = 	snop  }
0x13c: {  	[spmem:s5] =	stream.indirect.scatter.add.f32 [tilespmem:s21], [sflag:$0x2], $0x1, s24, s20, $0xb8;
	[tilespmem:$0x1E560] =	vst v63  }
0x13d: {  	_ = 	snop  }
0x13e: {  	[spmem:s2] =	stream.indirect.scatter.add.f32 [tilespmem:s28], [sflag:$0x1], $0x10, s26, s20, $0xb8;
	[tilespmem:$0x1E560] =	vst v63  }
0x13f: {  	_ = 	snop  }
0x140: {  	[spmem:s5] =	stream.indirect.scatter.add.f32 [tilespmem:s21], [sflag:$0x2], $0x1, s26, s20, $0xb8;
	[tilespmem:$0x1E560] =	vst v63  }
0x141: {  	_ = 	snop  }
0x142: {  	[spmem:s2] =	stream.indirect.scatter.add.f32 [tilespmem:s30], [sflag:$0x1], $0x10, s29, s20, $0xb8;
	[tilespmem:$0x1E560] =	vst v63  }
0x143: {  	_ = 	snop  }
0x144: {  	[spmem:s5] =	stream.indirect.scatter.add.f32 [tilespmem:s21], [sflag:$0x2], $0x1, s29, s20, $0xb8;
	[tilespmem:$0x1E560] =	vst v63  }
0x145: {  	_ = 	snop  }
0x146: {  	[spmem:s2] =	stream.indirect.scatter.add.f32 [tilespmem:s0], [sflag:$0x1], $0x10, s31, s20, $0xb8;
	[tilespmem:$0x1E560] =	vst v63  }
0x147: {  	_ = 	snop  }
0x148: {  	[spmem:s5] =	stream.indirect.scatter.add.f32 [tilespmem:s21], [sflag:$0x2], $0x1, s31, s20, $0xb8;
	[tilespmem:$0x1E560] =	vst v63  }
0x149: {  	_ = 	snop  }
0x14a: {  	[spmem:s2] =	stream.indirect.scatter.add.f32 [tilespmem:s3], [sflag:$0x1], $0x10, s1, s20, $0xb8;
	[tilespmem:$0x1E560] =	vst v63  }
0x14b: {  	_ = 	snop  }
0x14c: {  	[spmem:s5] =	stream.indirect.scatter.add.f32 [tilespmem:s21], [sflag:$0x2], $0x1, s1, s20, $0xb8;
	[tilespmem:$0x1E560] =	vst v63  }
0x14d: {  	_ = 	snop  }
0x14e: {  	[spmem:s2] =	stream.indirect.scatter.add.f32 [tilespmem:s6], [sflag:$0x1], $0x10, s4, s20, $0xb8;
	[tilespmem:$0x1E560] =	vst v63  }
0x14f: {  	_ = 	snop  }
0x150: {  	[spmem:s5] =	stream.indirect.scatter.add.f32 [tilespmem:s21], [sflag:$0x2], $0x1, s4, s20, $0xb8;
	[tilespmem:$0x1E560] =	vst v63  }
0x151: {  	_ =	swait.ge [sflag:s7], $0x800  }
0x152: {  	[sflag:s7] =	ssyncset.done $0x0  }
0x153: {  	[sflag:s7] =	ssyncadd.s32 $0xFFFFF800  }
0x154: {  	_ =	swait.ge [sflag:s8], $0x80  }
0x155: {  	[sflag:s8] =	ssyncset.done $0x0  }
0x156: {  	[sflag:s8] =	ssyncadd.s32 $0xFFFFFF80  }
0x157: {  	_ =	swait.ge [sflag:s7], $0x800  }
0x158: {  	[sflag:s7] =	ssyncset.done $0x0  }
0x159: {  	[sflag:s7] =	ssyncadd.s32 $0xFFFFF800  }
0x15a: {  	_ =	swait.ge [sflag:s8], $0x80  }
0x15b: {  	[sflag:s8] =	ssyncset.done $0x0  }
0x15c: {  	[sflag:s8] =	ssyncadd.s32 $0xFFFFFF80  }
0x15d: {  	_ =	swait.ge [sflag:s7], $0x800  }
0x15e: {  	[sflag:s7] =	ssyncset.done $0x0  }
0x15f: {  	[sflag:s7] =	ssyncadd.s32 $0xFFFFF800  }
0x160: {  	_ =	swait.ge [sflag:s8], $0x80  }
0x161: {  	[sflag:s8] =	ssyncset.done $0x0  }
0x162: {  	[sflag:s8] =	ssyncadd.s32 $0xFFFFFF80  }
0x163: {  	_ =	swait.ge [sflag:s7], $0x800  }
0x164: {  	[sflag:s7] =	ssyncset.done $0x0  }
0x165: {  	[sflag:s7] =	ssyncadd.s32 $0xFFFFF800  }
0x166: {  	_ =	swait.ge [sflag:s8], $0x80  }
0x167: {  	[sflag:s8] =	ssyncset.done $0x0  }
0x168: {  	[sflag:s8] =	ssyncadd.s32 $0xFFFFFF80  }
0x169: {  	_ =	swait.ge [sflag:s7], $0x800  }
0x16a: {  	[sflag:s7] =	ssyncset.done $0x0  }
0x16b: {  	[sflag:s7] =	ssyncadd.s32 $0xFFFFF800  }
0x16c: {  	_ =	swait.ge [sflag:s8], $0x80  }
0x16d: {  	[sflag:s8] =	ssyncset.done $0x0  }
0x16e: {  	[sflag:s8] =	ssyncadd.s32 $0xFFFFFF80  }
0x16f: {  	_ =	swait.ge [sflag:s7], $0x800  }
0x170: {  	[sflag:s7] =	ssyncset.done $0x0  }
0x171: {  	[sflag:s7] =	ssyncadd.s32 $0xFFFFF800  }
0x172: {  	_ =	swait.ge [sflag:s8], $0x80  }
0x173: {  	[sflag:s8] =	ssyncset.done $0x0  }
0x174: {  	[sflag:s8] =	ssyncadd.s32 $0xFFFFFF80  }
0x175: {  	_ =	swait.ge [sflag:s7], $0x800  }
0x176: {  	[sflag:s7] =	ssyncset.done $0x0  }
0x177: {  	[sflag:s7] =	ssyncadd.s32 $0xFFFFF800  }
0x178: {  	_ =	swait.ge [sflag:s8], $0x80  }
0x179: {  	[sflag:s8] =	ssyncset.done $0x0  }
0x17a: {  	[sflag:s8] =	ssyncadd.s32 $0xFFFFFF80  }
0x17b: {  	_ =	swait.ge [sflag:s7], $0x800  }
0x17c: {  	s15 =	sld [smem:$0x7DB];
	_ =	sdelay $0x2  }
0x17d: {  	p0 =	sne.s32 s15, $0x1  }
.Ltmp1:
0x17e: {  	_ = 	snop;
	(pc) =	sbr.rel @!p0 .LBB2_5-.Ltmp1, $4  }
0x17f: {  	[sflag:s7] =	ssyncset.done $0x0  }
0x180: {  	[sflag:s7] =	ssyncadd.s32 $0xFFFFF800  }
0x181: {  	s14 =	smov.u32 s11;
	_ =	swait.ge [sflag:s8], $0x80  }
0x182: {  	s10 =	sadd.s32 $0xFFFFFFFF, s15;
	[sflag:s8] =	ssyncset.done $0x0;
	s15 =	smov.u32 s12  }
.LBB2_4:
0x183: {  	[sflag:s8] =	ssyncadd.s32 $0xFFFFFF80;
	s14 =	sadd.s32 $0x800, s14;
	s15 =	sadd.s32 $0x8000, s15  }
0x184: {  	[tilespmem:s19], [sflag:$0x3] =	stream.linear.gather [hbm4b:s14+s18], $0x400, $0x38;
	[tilespmem:$0x1E560] =	vst v63  }
0x185: {  	p0 =	sne.s32 s10, $0x1;
	s10 =	sadd.s32 $0xFFFFFFFF, s10;
	_ =	swait.ge [sflag:s16], $0x400  }
0x186: {  	[sflag:s16] =	ssyncset.done $0x0  }
0x187: {  	[sflag:s16] =	ssyncadd.s32 $0xFFFFFC00  }
0x188: {  	[tilespmem:s18], [sflag:$0x3] =	stream.linear.gather [hbm4b:s15+s18], $0x4000, $0x38;
	[tilespmem:$0x1E560] =	vst v63  }
0x189: {  	_ =	swait.ge [sflag:s16], $0x4000  }
0x18a: {  	[sflag:s16] =	ssyncset.done $0x0  }
0x18b: {  	[sflag:s16] =	ssyncadd.s32 $0xFFFFC000  }
0x18c: {  	[spmem:s2] =	stream.indirect.scatter.add.f32 [tilespmem:s18], [sflag:$0x1], $0x10, s19, s20, $0xb8;
	[tilespmem:$0x1E560] =	vst v63  }
0x18d: {  	_ = 	snop  }
0x18e: {  	[spmem:s5] =	stream.indirect.scatter.add.f32 [tilespmem:s21], [sflag:$0x2], $0x1, s19, s20, $0xb8;
	[tilespmem:$0x1E560] =	vst v63  }
0x18f: {  	_ = 	snop  }
0x190: {  	[spmem:s2] =	stream.indirect.scatter.add.f32 [tilespmem:s23], [sflag:$0x1], $0x10, s22, s20, $0xb8;
	[tilespmem:$0x1E560] =	vst v63  }
0x191: {  	_ = 	snop  }
0x192: {  	[spmem:s5] =	stream.indirect.scatter.add.f32 [tilespmem:s21], [sflag:$0x2], $0x1, s22, s20, $0xb8;
	[tilespmem:$0x1E560] =	vst v63  }
0x193: {  	_ = 	snop  }
0x194: {  	[spmem:s2] =	stream.indirect.scatter.add.f32 [tilespmem:s25], [sflag:$0x1], $0x10, s24, s20, $0xb8;
	[tilespmem:$0x1E560] =	vst v63  }
0x195: {  	_ = 	snop  }
0x196: {  	[spmem:s5] =	stream.indirect.scatter.add.f32 [tilespmem:s21], [sflag:$0x2], $0x1, s24, s20, $0xb8;
	[tilespmem:$0x1E560] =	vst v63  }
0x197: {  	_ = 	snop  }
0x198: {  	[spmem:s2] =	stream.indirect.scatter.add.f32 [tilespmem:s28], [sflag:$0x1], $0x10, s26, s20, $0xb8;
	[tilespmem:$0x1E560] =	vst v63  }
0x199: {  	_ = 	snop  }
0x19a: {  	[spmem:s5] =	stream.indirect.scatter.add.f32 [tilespmem:s21], [sflag:$0x2], $0x1, s26, s20, $0xb8;
	[tilespmem:$0x1E560] =	vst v63  }
0x19b: {  	_ = 	snop  }
0x19c: {  	[spmem:s2] =	stream.indirect.scatter.add.f32 [tilespmem:s30], [sflag:$0x1], $0x10, s29, s20, $0xb8;
	[tilespmem:$0x1E560] =	vst v63  }
0x19d: {  	_ = 	snop  }
0x19e: {  	[spmem:s5] =	stream.indirect.scatter.add.f32 [tilespmem:s21], [sflag:$0x2], $0x1, s29, s20, $0xb8;
	[tilespmem:$0x1E560] =	vst v63  }
0x19f: {  	_ = 	snop  }
0x1a0: {  	[spmem:s2] =	stream.indirect.scatter.add.f32 [tilespmem:s0], [sflag:$0x1], $0x10, s31, s20, $0xb8;
	[tilespmem:$0x1E560] =	vst v63  }
0x1a1: {  	_ = 	snop  }
0x1a2: {  	[spmem:s5] =	stream.indirect.scatter.add.f32 [tilespmem:s21], [sflag:$0x2], $0x1, s31, s20, $0xb8;
	[tilespmem:$0x1E560] =	vst v63  }
0x1a3: {  	_ = 	snop  }
0x1a4: {  	[spmem:s2] =	stream.indirect.scatter.add.f32 [tilespmem:s3], [sflag:$0x1], $0x10, s1, s20, $0xb8;
	[tilespmem:$0x1E560] =	vst v63  }
0x1a5: {  	_ = 	snop  }
0x1a6: {  	[spmem:s5] =	stream.indirect.scatter.add.f32 [tilespmem:s21], [sflag:$0x2], $0x1, s1, s20, $0xb8;
	[tilespmem:$0x1E560] =	vst v63  }
0x1a7: {  	_ = 	snop  }
0x1a8: {  	[spmem:s2] =	stream.indirect.scatter.add.f32 [tilespmem:s6], [sflag:$0x1], $0x10, s4, s20, $0xb8;
	[tilespmem:$0x1E560] =	vst v63  }
0x1a9: {  	_ = 	snop  }
0x1aa: {  	[spmem:s5] =	stream.indirect.scatter.add.f32 [tilespmem:s21], [sflag:$0x2], $0x1, s4, s20, $0xb8;
	[tilespmem:$0x1E560] =	vst v63  }
0x1ab: {  	_ =	swait.ge [sflag:s7], $0x800  }
0x1ac: {  	[sflag:s7] =	ssyncset.done $0x0  }
0x1ad: {  	[sflag:s7] =	ssyncadd.s32 $0xFFFFF800  }
0x1ae: {  	_ =	swait.ge [sflag:s8], $0x80  }
0x1af: {  	[sflag:s8] =	ssyncset.done $0x0  }
0x1b0: {  	[sflag:s8] =	ssyncadd.s32 $0xFFFFFF80  }
0x1b1: {  	_ =	swait.ge [sflag:s7], $0x800  }
0x1b2: {  	[sflag:s7] =	ssyncset.done $0x0  }
0x1b3: {  	[sflag:s7] =	ssyncadd.s32 $0xFFFFF800  }
0x1b4: {  	_ =	swait.ge [sflag:s8], $0x80  }
0x1b5: {  	[sflag:s8] =	ssyncset.done $0x0  }
0x1b6: {  	[sflag:s8] =	ssyncadd.s32 $0xFFFFFF80  }
0x1b7: {  	_ =	swait.ge [sflag:s7], $0x800  }
0x1b8: {  	[sflag:s7] =	ssyncset.done $0x0  }
0x1b9: {  	[sflag:s7] =	ssyncadd.s32 $0xFFFFF800  }
0x1ba: {  	_ =	swait.ge [sflag:s8], $0x80  }
0x1bb: {  	[sflag:s8] =	ssyncset.done $0x0  }
0x1bc: {  	[sflag:s8] =	ssyncadd.s32 $0xFFFFFF80  }
0x1bd: {  	_ =	swait.ge [sflag:s7], $0x800  }
0x1be: {  	[sflag:s7] =	ssyncset.done $0x0  }
0x1bf: {  	[sflag:s7] =	ssyncadd.s32 $0xFFFFF800  }
0x1c0: {  	_ =	swait.ge [sflag:s8], $0x80  }
0x1c1: {  	[sflag:s8] =	ssyncset.done $0x0  }
0x1c2: {  	[sflag:s8] =	ssyncadd.s32 $0xFFFFFF80  }
0x1c3: {  	_ =	swait.ge [sflag:s7], $0x800  }
0x1c4: {  	[sflag:s7] =	ssyncset.done $0x0  }
0x1c5: {  	[sflag:s7] =	ssyncadd.s32 $0xFFFFF800  }
0x1c6: {  	_ =	swait.ge [sflag:s8], $0x80  }
0x1c7: {  	[sflag:s8] =	ssyncset.done $0x0  }
0x1c8: {  	[sflag:s8] =	ssyncadd.s32 $0xFFFFFF80  }
0x1c9: {  	_ =	swait.ge [sflag:s7], $0x800  }
0x1ca: {  	[sflag:s7] =	ssyncset.done $0x0  }
0x1cb: {  	[sflag:s7] =	ssyncadd.s32 $0xFFFFF800  }
0x1cc: {  	_ =	swait.ge [sflag:s8], $0x80  }
0x1cd: {  	[sflag:s8] =	ssyncset.done $0x0  }
0x1ce: {  	[sflag:s8] =	ssyncadd.s32 $0xFFFFFF80  }
0x1cf: {  	_ =	swait.ge [sflag:s7], $0x800  }
0x1d0: {  	[sflag:s7] =	ssyncset.done $0x0  }
0x1d1: {  	[sflag:s7] =	ssyncadd.s32 $0xFFFFF800  }
0x1d2: {  	_ =	swait.ge [sflag:s8], $0x80  }
0x1d3: {  	[sflag:s8] =	ssyncset.done $0x0  }
0x1d4: {  	[sflag:s8] =	ssyncadd.s32 $0xFFFFFF80  }
.Ltmp2:
0x1d5: {  	_ =	swait.ge [sflag:s7], $0x800;
	(pc) =	sbr.rel @p0 .LBB2_4-.Ltmp2, $4  }
0x1d6: {  	[sflag:s7] =	ssyncset.done $0x0  }
0x1d7: {  	[sflag:s7] =	ssyncadd.s32 $0xFFFFF800  }
0x1d8: {  	_ =	swait.ge [sflag:s8], $0x80  }
0x1d9: {  	[sflag:s8] =	ssyncset.done $0x0  }
.LBB2_5:
0x1da: {  	[sflag:s8] =	ssyncadd.s32 $0xFFFFFF80  }
0x1db: {  	[bflag:$0x0] =	sbarrier.arrive $0xFFFF  }
0x1dc: {  	[tilespmem:s18], [sflag:$0x3] =	stream.linear.gather [spmem:s13], $0x1700, $0x38;
	[tilespmem:$0x1E560] =	vst v63  }
0x1dd: {  	_ =	swait.ge [sflag:s16], $0x1700  }
0x1de: {  	[sflag:s16] =	ssyncset.done $0x0  }
0x1df: {  	s10 =	rddreg [dreg:$0x4];
	[sflag:s16] =	ssyncadd.s32 $0xFFFFE900  }
0x1e0: {  	[hbm4b:s10+s18] =	stream.linear.scatter [tilespmem:s18], [sflag:$0x3], $0x1700, $0x38;
	[tilespmem:$0x1E560] =	vst v63  }
0x1e1: {  	_ =	swait.ge [sflag:s16], $0x1700  }
0x1e2: {  	s14 =	sld [smem:$0x7F8]  }
0x1e3: {  	[sflag:s16] =	ssyncset.done $0x0  }
0x1e4: {  	[sflag:s16] =	ssyncadd.s32 $0xFFFFE900  }
0x1e5: {  	[tilespmem:s17], [sflag:$0x3] =	stream.linear.gather [spmem:s14], $0x170, $0x38;
	[tilespmem:$0x1E560] =	vst v63  }
0x1e6: {  	_ =	swait.ge [sflag:s16], $0x170  }
0x1e7: {  	[sflag:s16] =	ssyncset.done $0x0  }
0x1e8: {  	s15 =	smov.u32 s13;
	s13 =	rddreg [dreg:$0x15];
	[sflag:s16] =	ssyncadd.s32 $0xFFFFFE90  }
0x1e9: {  	[hbm4b:s13+s18] =	stream.linear.scatter [tilespmem:s17], [sflag:$0x3], $0x170, $0x38;
	[tilespmem:$0x1E560] =	vst v63  }
0x1ea: {  	_ =	swait.ge [sflag:s16], $0x170  }
0x1eb: {  	s14 =	sld [smem:$0x7DC]  }
0x1ec: {  	[sflag:s16] =	ssyncset.done $0x0  }
0x1ed: {  	[sflag:s16] =	ssyncadd.s32 $0xFFFFFE90  }
0x1ee: {  	[tilespmem:s18], [sflag:$0x3] =	stream.linear.gather [spmem:s14], $0x1700, $0x38;
	[tilespmem:$0x1E560] =	vst v63  }
0x1ef: {  	_ =	swait.ge [sflag:s16], $0x1700  }
0x1f0: {  	[sflag:s16] =	ssyncset.done $0x0  }
0x1f1: {  	s13 =	rddreg [dreg:$0x5];
	[sflag:s16] =	ssyncadd.s32 $0xFFFFE900  }
0x1f2: {  	[hbm4b:s13+s18] =	stream.linear.scatter [tilespmem:s18], [sflag:$0x3], $0x1700, $0x38;
	[tilespmem:$0x1E560] =	vst v63  }
0x1f3: {  	_ =	swait.ge [sflag:s16], $0x1700  }
0x1f4: {  	s14 =	sld [smem:$0x7DD]  }
0x1f5: {  	[sflag:s16] =	ssyncset.done $0x0  }
0x1f6: {  	[sflag:s16] =	ssyncadd.s32 $0xFFFFE900  }
0x1f7: {  	[tilespmem:s17], [sflag:$0x3] =	stream.linear.gather [spmem:s14], $0x170, $0x38;
	[tilespmem:$0x1E560] =	vst v63  }
0x1f8: {  	_ =	swait.ge [sflag:s16], $0x170  }
0x1f9: {  	[sflag:s16] =	ssyncset.done $0x0  }
0x1fa: {  	s13 =	rddreg [dreg:$0x16];
	[sflag:s16] =	ssyncadd.s32 $0xFFFFFE90  }
0x1fb: {  	[hbm4b:s13+s18] =	stream.linear.scatter [tilespmem:s17], [sflag:$0x3], $0x170, $0x38;
	[tilespmem:$0x1E560] =	vst v63  }
0x1fc: {  	_ =	swait.ge [sflag:s16], $0x170  }
0x1fd: {  	s14 =	sld [smem:$0x7DE]  }
0x1fe: {  	[sflag:s16] =	ssyncset.done $0x0  }
0x1ff: {  	[sflag:s16] =	ssyncadd.s32 $0xFFFFFE90  }
0x200: {  	[tilespmem:s18], [sflag:$0x3] =	stream.linear.gather [spmem:s14], $0x1700, $0x38;
	[tilespmem:$0x1E560] =	vst v63  }
0x201: {  	_ =	swait.ge [sflag:s16], $0x1700  }
0x202: {  	[sflag:s16] =	ssyncset.done $0x0  }
0x203: {  	s13 =	rddreg [dreg:$0x6];
	[sflag:s16] =	ssyncadd.s32 $0xFFFFE900  }
0x204: {  	[hbm4b:s13+s18] =	stream.linear.scatter [tilespmem:s18], [sflag:$0x3], $0x1700, $0x38;
	[tilespmem:$0x1E560] =	vst v63  }
0x205: {  	_ =	swait.ge [sflag:s16], $0x1700  }
0x206: {  	s14 =	sld [smem:$0x7DF]  }
0x207: {  	[sflag:s16] =	ssyncset.done $0x0  }
0x208: {  	[sflag:s16] =	ssyncadd.s32 $0xFFFFE900  }
0x209: {  	[tilespmem:s17], [sflag:$0x3] =	stream.linear.gather [spmem:s14], $0x170, $0x38;
	[tilespmem:$0x1E560] =	vst v63  }
0x20a: {  	_ =	swait.ge [sflag:s16], $0x170  }
0x20b: {  	[sflag:s16] =	ssyncset.done $0x0  }
0x20c: {  	s13 =	rddreg [dreg:$0x17];
	[sflag:s16] =	ssyncadd.s32 $0xFFFFFE90  }
0x20d: {  	[hbm4b:s13+s18] =	stream.linear.scatter [tilespmem:s17], [sflag:$0x3], $0x170, $0x38;
	[tilespmem:$0x1E560] =	vst v63  }
0x20e: {  	_ =	swait.ge [sflag:s16], $0x170  }
0x20f: {  	s14 =	sld [smem:$0x7E0]  }
0x210: {  	[sflag:s16] =	ssyncset.done $0x0  }
0x211: {  	[sflag:s16] =	ssyncadd.s32 $0xFFFFFE90  }
0x212: {  	[tilespmem:s18], [sflag:$0x3] =	stream.linear.gather [spmem:s14], $0x1700, $0x38;
	[tilespmem:$0x1E560] =	vst v63  }
0x213: {  	_ =	swait.ge [sflag:s16], $0x1700  }
0x214: {  	[sflag:s16] =	ssyncset.done $0x0  }
0x215: {  	s13 =	rddreg [dreg:$0x7];
	[sflag:s16] =	ssyncadd.s32 $0xFFFFE900  }
0x216: {  	[hbm4b:s13+s18] =	stream.linear.scatter [tilespmem:s18], [sflag:$0x3], $0x1700, $0x38;
	[tilespmem:$0x1E560] =	vst v63  }
0x217: {  	_ =	swait.ge [sflag:s16], $0x1700  }
0x218: {  	s14 =	sld [smem:$0x7E1]  }
0x219: {  	[sflag:s16] =	ssyncset.done $0x0  }
0x21a: {  	[sflag:s16] =	ssyncadd.s32 $0xFFFFE900  }
0x21b: {  	[tilespmem:s17], [sflag:$0x3] =	stream.linear.gather [spmem:s14], $0x170, $0x38;
	[tilespmem:$0x1E560] =	vst v63  }
0x21c: {  	_ =	swait.ge [sflag:s16], $0x170  }
0x21d: {  	[sflag:s16] =	ssyncset.done $0x0  }
0x21e: {  	s13 =	rddreg [dreg:$0x18];
	[sflag:s16] =	ssyncadd.s32 $0xFFFFFE90  }
0x21f: {  	[hbm4b:s13+s18] =	stream.linear.scatter [tilespmem:s17], [sflag:$0x3], $0x170, $0x38;
	[tilespmem:$0x1E560] =	vst v63  }
0x220: {  	_ =	swait.ge [sflag:s16], $0x170  }
0x221: {  	s14 =	sld [smem:$0x7E2]  }
0x222: {  	[sflag:s16] =	ssyncset.done $0x0  }
0x223: {  	[sflag:s16] =	ssyncadd.s32 $0xFFFFFE90  }
0x224: {  	[tilespmem:s18], [sflag:$0x3] =	stream.linear.gather [spmem:s14], $0x1700, $0x38;
	[tilespmem:$0x1E560] =	vst v63  }
0x225: {  	_ =	swait.ge [sflag:s16], $0x1700  }
0x226: {  	[sflag:s16] =	ssyncset.done $0x0  }
0x227: {  	s13 =	rddreg [dreg:$0x8];
	[sflag:s16] =	ssyncadd.s32 $0xFFFFE900  }
0x228: {  	[hbm4b:s13+s18] =	stream.linear.scatter [tilespmem:s18], [sflag:$0x3], $0x1700, $0x38;
	[tilespmem:$0x1E560] =	vst v63  }
0x229: {  	_ =	swait.ge [sflag:s16], $0x1700  }
0x22a: {  	s14 =	sld [smem:$0x7E3]  }
0x22b: {  	[sflag:s16] =	ssyncset.done $0x0  }
0x22c: {  	[sflag:s16] =	ssyncadd.s32 $0xFFFFE900  }
0x22d: {  	[tilespmem:s17], [sflag:$0x3] =	stream.linear.gather [spmem:s14], $0x170, $0x38;
	[tilespmem:$0x1E560] =	vst v63  }
0x22e: {  	_ =	swait.ge [sflag:s16], $0x170  }
0x22f: {  	[sflag:s16] =	ssyncset.done $0x0  }
0x230: {  	s13 =	rddreg [dreg:$0x19];
	[sflag:s16] =	ssyncadd.s32 $0xFFFFFE90  }
0x231: {  	[hbm4b:s13+s18] =	stream.linear.scatter [tilespmem:s17], [sflag:$0x3], $0x170, $0x38;
	[tilespmem:$0x1E560] =	vst v63  }
0x232: {  	_ =	swait.ge [sflag:s16], $0x170  }
0x233: {  	s14 =	sld [smem:$0x7E4]  }
0x234: {  	[sflag:s16] =	ssyncset.done $0x0  }
0x235: {  	[sflag:s16] =	ssyncadd.s32 $0xFFFFFE90  }
0x236: {  	[tilespmem:s18], [sflag:$0x3] =	stream.linear.gather [spmem:s14], $0x1700, $0x38;
	[tilespmem:$0x1E560] =	vst v63  }
0x237: {  	_ =	swait.ge [sflag:s16], $0x1700  }
0x238: {  	[sflag:s16] =	ssyncset.done $0x0  }
0x239: {  	s13 =	rddreg [dreg:$0x9];
	[sflag:s16] =	ssyncadd.s32 $0xFFFFE900  }
0x23a: {  	[hbm4b:s13+s18] =	stream.linear.scatter [tilespmem:s18], [sflag:$0x3], $0x1700, $0x38;
	[tilespmem:$0x1E560] =	vst v63  }
0x23b: {  	_ =	swait.ge [sflag:s16], $0x1700  }
0x23c: {  	s14 =	sld [smem:$0x7E5]  }
0x23d: {  	[sflag:s16] =	ssyncset.done $0x0  }
0x23e: {  	[sflag:s16] =	ssyncadd.s32 $0xFFFFE900  }
0x23f: {  	[tilespmem:s17], [sflag:$0x3] =	stream.linear.gather [spmem:s14], $0x170, $0x38;
	[tilespmem:$0x1E560] =	vst v63  }
0x240: {  	_ =	swait.ge [sflag:s16], $0x170  }
0x241: {  	[sflag:s16] =	ssyncset.done $0x0  }
0x242: {  	s13 =	rddreg [dreg:$0x1a];
	[sflag:s16] =	ssyncadd.s32 $0xFFFFFE90  }
0x243: {  	[hbm4b:s13+s18] =	stream.linear.scatter [tilespmem:s17], [sflag:$0x3], $0x170, $0x38;
	[tilespmem:$0x1E560] =	vst v63  }
0x244: {  	_ =	swait.ge [sflag:s16], $0x170  }
0x245: {  	s14 =	sld [smem:$0x7E6]  }
0x246: {  	[sflag:s16] =	ssyncset.done $0x0  }
0x247: {  	[sflag:s16] =	ssyncadd.s32 $0xFFFFFE90  }
0x248: {  	[tilespmem:s18], [sflag:$0x3] =	stream.linear.gather [spmem:s14], $0x1700, $0x38;
	[tilespmem:$0x1E560] =	vst v63  }
0x249: {  	_ =	swait.ge [sflag:s16], $0x1700  }
0x24a: {  	[sflag:s16] =	ssyncset.done $0x0  }
0x24b: {  	s13 =	rddreg [dreg:$0xa];
	[sflag:s16] =	ssyncadd.s32 $0xFFFFE900  }
0x24c: {  	[hbm4b:s13+s18] =	stream.linear.scatter [tilespmem:s18], [sflag:$0x3], $0x1700, $0x38;
	[tilespmem:$0x1E560] =	vst v63  }
0x24d: {  	_ =	swait.ge [sflag:s16], $0x1700  }
0x24e: {  	s14 =	sld [smem:$0x7E7]  }
0x24f: {  	[sflag:s16] =	ssyncset.done $0x0  }
0x250: {  	[sflag:s16] =	ssyncadd.s32 $0xFFFFE900  }
0x251: {  	[tilespmem:s17], [sflag:$0x3] =	stream.linear.gather [spmem:s14], $0x170, $0x38;
	[tilespmem:$0x1E560] =	vst v63  }
0x252: {  	_ =	swait.ge [sflag:s16], $0x170  }
0x253: {  	[sflag:s16] =	ssyncset.done $0x0  }
0x254: {  	s13 =	rddreg [dreg:$0x1b];
	[sflag:s16] =	ssyncadd.s32 $0xFFFFFE90  }
0x255: {  	[hbm4b:s13+s18] =	stream.linear.scatter [tilespmem:s17], [sflag:$0x3], $0x170, $0x38;
	[tilespmem:$0x1E560] =	vst v63  }
0x256: {  	_ =	swait.ge [sflag:s16], $0x170  }
0x257: {  	s14 =	sld [smem:$0x7E8]  }
0x258: {  	[sflag:s16] =	ssyncset.done $0x0  }
0x259: {  	[sflag:s16] =	ssyncadd.s32 $0xFFFFFE90  }
0x25a: {  	[tilespmem:s18], [sflag:$0x3] =	stream.linear.gather [spmem:s14], $0x1700, $0x38;
	[tilespmem:$0x1E560] =	vst v63  }
0x25b: {  	_ =	swait.ge [sflag:s16], $0x1700  }
0x25c: {  	[sflag:s16] =	ssyncset.done $0x0  }
0x25d: {  	s13 =	rddreg [dreg:$0xb];
	[sflag:s16] =	ssyncadd.s32 $0xFFFFE900  }
0x25e: {  	[hbm4b:s13+s18] =	stream.linear.scatter [tilespmem:s18], [sflag:$0x3], $0x1700, $0x38;
	[tilespmem:$0x1E560] =	vst v63  }
0x25f: {  	_ =	swait.ge [sflag:s16], $0x1700  }
0x260: {  	s14 =	sld [smem:$0x7E9]  }
0x261: {  	[sflag:s16] =	ssyncset.done $0x0  }
0x262: {  	[sflag:s16] =	ssyncadd.s32 $0xFFFFE900  }
0x263: {  	[tilespmem:s17], [sflag:$0x3] =	stream.linear.gather [spmem:s14], $0x170, $0x38;
	[tilespmem:$0x1E560] =	vst v63  }
0x264: {  	_ =	swait.ge [sflag:s16], $0x170  }
0x265: {  	[sflag:s16] =	ssyncset.done $0x0  }
0x266: {  	s13 =	rddreg [dreg:$0x1c];
	[sflag:s16] =	ssyncadd.s32 $0xFFFFFE90  }
0x267: {  	[hbm4b:s13+s18] =	stream.linear.scatter [tilespmem:s17], [sflag:$0x3], $0x170, $0x38;
	[tilespmem:$0x1E560] =	vst v63  }
0x268: {  	_ =	swait.ge [sflag:s16], $0x170  }
0x269: {  	s14 =	sld [smem:$0x7EA]  }
0x26a: {  	[sflag:s16] =	ssyncset.done $0x0  }
0x26b: {  	[sflag:s16] =	ssyncadd.s32 $0xFFFFFE90  }
0x26c: {  	[tilespmem:s18], [sflag:$0x3] =	stream.linear.gather [spmem:s14], $0x1700, $0x38;
	[tilespmem:$0x1E560] =	vst v63  }
0x26d: {  	_ =	swait.ge [sflag:s16], $0x1700  }
0x26e: {  	[sflag:s16] =	ssyncset.done $0x0  }
0x26f: {  	s13 =	rddreg [dreg:$0xc];
	[sflag:s16] =	ssyncadd.s32 $0xFFFFE900  }
0x270: {  	[hbm4b:s13+s18] =	stream.linear.scatter [tilespmem:s18], [sflag:$0x3], $0x1700, $0x38;
	[tilespmem:$0x1E560] =	vst v63  }
0x271: {  	_ =	swait.ge [sflag:s16], $0x1700  }
0x272: {  	s14 =	sld [smem:$0x7EB]  }
0x273: {  	[sflag:s16] =	ssyncset.done $0x0  }
0x274: {  	[sflag:s16] =	ssyncadd.s32 $0xFFFFE900  }
0x275: {  	[tilespmem:s17], [sflag:$0x3] =	stream.linear.gather [spmem:s14], $0x170, $0x38;
	[tilespmem:$0x1E560] =	vst v63  }
0x276: {  	_ =	swait.ge [sflag:s16], $0x170  }
0x277: {  	[sflag:s16] =	ssyncset.done $0x0  }
0x278: {  	s13 =	rddreg [dreg:$0x1d];
	[sflag:s16] =	ssyncadd.s32 $0xFFFFFE90  }
0x279: {  	[hbm4b:s13+s18] =	stream.linear.scatter [tilespmem:s17], [sflag:$0x3], $0x170, $0x38;
	[tilespmem:$0x1E560] =	vst v63  }
0x27a: {  	_ =	swait.ge [sflag:s16], $0x170  }
0x27b: {  	s14 =	sld [smem:$0x7EC]  }
0x27c: {  	[sflag:s16] =	ssyncset.done $0x0  }
0x27d: {  	[sflag:s16] =	ssyncadd.s32 $0xFFFFFE90  }
0x27e: {  	[tilespmem:s18], [sflag:$0x3] =	stream.linear.gather [spmem:s14], $0x1700, $0x38;
	[tilespmem:$0x1E560] =	vst v63  }
0x27f: {  	_ =	swait.ge [sflag:s16], $0x1700  }
0x280: {  	[sflag:s16] =	ssyncset.done $0x0  }
0x281: {  	s13 =	rddreg [dreg:$0xd];
	[sflag:s16] =	ssyncadd.s32 $0xFFFFE900  }
0x282: {  	[hbm4b:s13+s18] =	stream.linear.scatter [tilespmem:s18], [sflag:$0x3], $0x1700, $0x38;
	[tilespmem:$0x1E560] =	vst v63  }
0x283: {  	_ =	swait.ge [sflag:s16], $0x1700  }
0x284: {  	s14 =	sld [smem:$0x7ED]  }
0x285: {  	[sflag:s16] =	ssyncset.done $0x0  }
0x286: {  	[sflag:s16] =	ssyncadd.s32 $0xFFFFE900  }
0x287: {  	[tilespmem:s17], [sflag:$0x3] =	stream.linear.gather [spmem:s14], $0x170, $0x38;
	[tilespmem:$0x1E560] =	vst v63  }
0x288: {  	_ =	swait.ge [sflag:s16], $0x170  }
0x289: {  	[sflag:s16] =	ssyncset.done $0x0  }
0x28a: {  	s13 =	rddreg [dreg:$0x1e];
	[sflag:s16] =	ssyncadd.s32 $0xFFFFFE90  }
0x28b: {  	[hbm4b:s13+s18] =	stream.linear.scatter [tilespmem:s17], [sflag:$0x3], $0x170, $0x38;
	[tilespmem:$0x1E560] =	vst v63  }
0x28c: {  	_ =	swait.ge [sflag:s16], $0x170  }
0x28d: {  	s14 =	sld [smem:$0x7EE]  }
0x28e: {  	[sflag:s16] =	ssyncset.done $0x0  }
0x28f: {  	[sflag:s16] =	ssyncadd.s32 $0xFFFFFE90  }
0x290: {  	[tilespmem:s18], [sflag:$0x3] =	stream.linear.gather [spmem:s14], $0x1700, $0x38;
	[tilespmem:$0x1E560] =	vst v63  }
0x291: {  	_ =	swait.ge [sflag:s16], $0x1700  }
0x292: {  	[sflag:s16] =	ssyncset.done $0x0  }
0x293: {  	s13 =	rddreg [dreg:$0xe];
	[sflag:s16] =	ssyncadd.s32 $0xFFFFE900  }
0x294: {  	[hbm4b:s13+s18] =	stream.linear.scatter [tilespmem:s18], [sflag:$0x3], $0x1700, $0x38;
	[tilespmem:$0x1E560] =	vst v63  }
0x295: {  	_ =	swait.ge [sflag:s16], $0x1700  }
0x296: {  	s14 =	sld [smem:$0x7EF]  }
0x297: {  	[sflag:s16] =	ssyncset.done $0x0  }
0x298: {  	[sflag:s16] =	ssyncadd.s32 $0xFFFFE900  }
0x299: {  	[tilespmem:s17], [sflag:$0x3] =	stream.linear.gather [spmem:s14], $0x170, $0x38;
	[tilespmem:$0x1E560] =	vst v63  }
0x29a: {  	_ =	swait.ge [sflag:s16], $0x170  }
0x29b: {  	[sflag:s16] =	ssyncset.done $0x0  }
0x29c: {  	s13 =	rddreg [dreg:$0x1f];
	[sflag:s16] =	ssyncadd.s32 $0xFFFFFE90  }
0x29d: {  	[hbm4b:s13+s18] =	stream.linear.scatter [tilespmem:s17], [sflag:$0x3], $0x170, $0x38;
	[tilespmem:$0x1E560] =	vst v63  }
0x29e: {  	_ =	swait.ge [sflag:s16], $0x170  }
0x29f: {  	s14 =	sld [smem:$0x7F0]  }
0x2a0: {  	[sflag:s16] =	ssyncset.done $0x0  }
0x2a1: {  	[sflag:s16] =	ssyncadd.s32 $0xFFFFFE90  }
0x2a2: {  	[tilespmem:s18], [sflag:$0x3] =	stream.linear.gather [spmem:s14], $0x1700, $0x38;
	[tilespmem:$0x1E560] =	vst v63  }
0x2a3: {  	_ =	swait.ge [sflag:s16], $0x1700  }
0x2a4: {  	[sflag:s16] =	ssyncset.done $0x0  }
0x2a5: {  	s13 =	rddreg [dreg:$0xf];
	[sflag:s16] =	ssyncadd.s32 $0xFFFFE900  }
0x2a6: {  	[hbm4b:s13+s18] =	stream.linear.scatter [tilespmem:s18], [sflag:$0x3], $0x1700, $0x38;
	[tilespmem:$0x1E560] =	vst v63  }
0x2a7: {  	_ =	swait.ge [sflag:s16], $0x1700  }
0x2a8: {  	s14 =	sld [smem:$0x7F1]  }
0x2a9: {  	[sflag:s16] =	ssyncset.done $0x0  }
0x2aa: {  	[sflag:s16] =	ssyncadd.s32 $0xFFFFE900  }
0x2ab: {  	[tilespmem:s17], [sflag:$0x3] =	stream.linear.gather [spmem:s14], $0x170, $0x38;
	[tilespmem:$0x1E560] =	vst v63  }
0x2ac: {  	_ =	swait.ge [sflag:s16], $0x170  }
0x2ad: {  	s13 =	sld [smem:$0x7D5]  }
0x2ae: {  	[sflag:s16] =	ssyncset.done $0x0  }
0x2af: {  	[sflag:s16] =	ssyncadd.s32 $0xFFFFFE90  }
0x2b0: {  	[hbm4b:s13+s18] =	stream.linear.scatter [tilespmem:s17], [sflag:$0x3], $0x170, $0x38;
	[tilespmem:$0x1E560] =	vst v63  }
0x2b1: {  	_ =	swait.ge [sflag:s16], $0x170  }
0x2b2: {  	s14 =	sld [smem:$0x7F2]  }
0x2b3: {  	[sflag:s16] =	ssyncset.done $0x0  }
0x2b4: {  	[sflag:s16] =	ssyncadd.s32 $0xFFFFFE90  }
0x2b5: {  	[tilespmem:s18], [sflag:$0x3] =	stream.linear.gather [spmem:s14], $0x1700, $0x38;
	[tilespmem:$0x1E560] =	vst v63  }
0x2b6: {  	_ =	swait.ge [sflag:s16], $0x1700  }
0x2b7: {  	[sflag:s16] =	ssyncset.done $0x0  }
0x2b8: {  	s13 =	rddreg [dreg:$0x10];
	[sflag:s16] =	ssyncadd.s32 $0xFFFFE900  }
0x2b9: {  	[hbm4b:s13+s18] =	stream.linear.scatter [tilespmem:s18], [sflag:$0x3], $0x1700, $0x38;
	[tilespmem:$0x1E560] =	vst v63  }
0x2ba: {  	_ =	swait.ge [sflag:s16], $0x1700  }
0x2bb: {  	s14 =	sld [smem:$0x7F3]  }
0x2bc: {  	[sflag:s16] =	ssyncset.done $0x0  }
0x2bd: {  	[sflag:s16] =	ssyncadd.s32 $0xFFFFE900  }
0x2be: {  	[tilespmem:s17], [sflag:$0x3] =	stream.linear.gather [spmem:s14], $0x170, $0x38;
	[tilespmem:$0x1E560] =	vst v63  }
0x2bf: {  	_ =	swait.ge [sflag:s16], $0x170  }
0x2c0: {  	s13 =	sld [smem:$0x7D6]  }
0x2c1: {  	[sflag:s16] =	ssyncset.done $0x0  }
0x2c2: {  	[sflag:s16] =	ssyncadd.s32 $0xFFFFFE90  }
0x2c3: {  	[hbm4b:s13+s18] =	stream.linear.scatter [tilespmem:s17], [sflag:$0x3], $0x170, $0x38;
	[tilespmem:$0x1E560] =	vst v63  }
0x2c4: {  	_ =	swait.ge [sflag:s16], $0x170  }
0x2c5: {  	s14 =	sld [smem:$0x7F4]  }
0x2c6: {  	[sflag:s16] =	ssyncset.done $0x0  }
0x2c7: {  	[sflag:s16] =	ssyncadd.s32 $0xFFFFFE90  }
0x2c8: {  	[tilespmem:s18], [sflag:$0x3] =	stream.linear.gather [spmem:s14], $0x1700, $0x38;
	[tilespmem:$0x1E560] =	vst v63  }
0x2c9: {  	_ =	swait.ge [sflag:s16], $0x1700  }
0x2ca: {  	[sflag:s16] =	ssyncset.done $0x0  }
0x2cb: {  	s13 =	rddreg [dreg:$0x11];
	[sflag:s16] =	ssyncadd.s32 $0xFFFFE900  }
0x2cc: {  	[hbm4b:s13+s18] =	stream.linear.scatter [tilespmem:s18], [sflag:$0x3], $0x1700, $0x38;
	[tilespmem:$0x1E560] =	vst v63  }
0x2cd: {  	_ =	swait.ge [sflag:s16], $0x1700  }
0x2ce: {  	s14 =	sld [smem:$0x7F5]  }
0x2cf: {  	[sflag:s16] =	ssyncset.done $0x0  }
0x2d0: {  	[sflag:s16] =	ssyncadd.s32 $0xFFFFE900  }
0x2d1: {  	[tilespmem:s17], [sflag:$0x3] =	stream.linear.gather [spmem:s14], $0x170, $0x38;
	[tilespmem:$0x1E560] =	vst v63  }
0x2d2: {  	_ =	swait.ge [sflag:s16], $0x170  }
0x2d3: {  	s13 =	sld [smem:$0x7D7]  }
0x2d4: {  	[sflag:s16] =	ssyncset.done $0x0  }
0x2d5: {  	[sflag:s16] =	ssyncadd.s32 $0xFFFFFE90  }
0x2d6: {  	[hbm4b:s13+s18] =	stream.linear.scatter [tilespmem:s17], [sflag:$0x3], $0x170, $0x38;
	[tilespmem:$0x1E560] =	vst v63  }
0x2d7: {  	_ =	swait.ge [sflag:s16], $0x170  }
0x2d8: {  	s14 =	sld [smem:$0x7F6]  }
0x2d9: {  	[sflag:s16] =	ssyncset.done $0x0  }
0x2da: {  	[sflag:s16] =	ssyncadd.s32 $0xFFFFFE90  }
0x2db: {  	[tilespmem:s18], [sflag:$0x3] =	stream.linear.gather [spmem:s14], $0x1700, $0x38;
	[tilespmem:$0x1E560] =	vst v63  }
0x2dc: {  	_ =	swait.ge [sflag:s16], $0x1700  }
0x2dd: {  	[sflag:s16] =	ssyncset.done $0x0  }
0x2de: {  	s13 =	rddreg [dreg:$0x12];
	[sflag:s16] =	ssyncadd.s32 $0xFFFFE900  }
0x2df: {  	[hbm4b:s13+s18] =	stream.linear.scatter [tilespmem:s18], [sflag:$0x3], $0x1700, $0x38;
	[tilespmem:$0x1E560] =	vst v63  }
0x2e0: {  	_ =	swait.ge [sflag:s16], $0x1700  }
0x2e1: {  	s14 =	sld [smem:$0x7F7]  }
0x2e2: {  	[sflag:s16] =	ssyncset.done $0x0  }
0x2e3: {  	[sflag:s16] =	ssyncadd.s32 $0xFFFFE900  }
0x2e4: {  	[tilespmem:s17], [sflag:$0x3] =	stream.linear.gather [spmem:s14], $0x170, $0x38;
	[tilespmem:$0x1E560] =	vst v63  }
0x2e5: {  	_ =	swait.ge [sflag:s16], $0x170  }
0x2e6: {  	s13 =	sld [smem:$0x7D8]  }
0x2e7: {  	[sflag:s16] =	ssyncset.done $0x0  }
0x2e8: {  	[sflag:s16] =	ssyncadd.s32 $0xFFFFFE90  }
0x2e9: {  	[hbm4b:s13+s18] =	stream.linear.scatter [tilespmem:s17], [sflag:$0x3], $0x170, $0x38;
	[tilespmem:$0x1E560] =	vst v63  }
0x2ea: {  	_ =	swait.ge [sflag:s16], $0x170  }
0x2eb: {  	s14 =	sld [smem:$0x7F9]  }
0x2ec: {  	[sflag:s16] =	ssyncset.done $0x0  }
0x2ed: {  	[sflag:s16] =	ssyncadd.s32 $0xFFFFFE90  }
0x2ee: {  	[tilespmem:s18], [sflag:$0x3] =	stream.linear.gather [spmem:s14], $0x1700, $0x38;
	[tilespmem:$0x1E560] =	vst v63  }
0x2ef: {  	_ =	swait.ge [sflag:s16], $0x1700  }
0x2f0: {  	[sflag:s16] =	ssyncset.done $0x0  }
0x2f1: {  	s13 =	rddreg [dreg:$0x13];
	[sflag:s16] =	ssyncadd.s32 $0xFFFFE900  }
0x2f2: {  	[hbm4b:s13+s18] =	stream.linear.scatter [tilespmem:s18], [sflag:$0x3], $0x1700, $0x38;
	[tilespmem:$0x1E560] =	vst v63  }
0x2f3: {  	_ =	swait.ge [sflag:s16], $0x1700  }
0x2f4: {  	s14 =	sld [smem:$0x7FA]  }
0x2f5: {  	[sflag:s16] =	ssyncset.done $0x0  }
0x2f6: {  	[sflag:s16] =	ssyncadd.s32 $0xFFFFE900  }
0x2f7: {  	[tilespmem:s17], [sflag:$0x3] =	stream.linear.gather [spmem:s14], $0x170, $0x38;
	[tilespmem:$0x1E560] =	vst v63  }
0x2f8: {  	_ =	swait.ge [sflag:s16], $0x170  }
0x2f9: {  	s13 =	sld [smem:$0x7D9]  }
0x2fa: {  	[sflag:s16] =	ssyncset.done $0x0  }
0x2fb: {  	[sflag:s16] =	ssyncadd.s32 $0xFFFFFE90  }
0x2fc: {  	[hbm4b:s13+s18] =	stream.linear.scatter [tilespmem:s17], [sflag:$0x3], $0x170, $0x38;
	[tilespmem:$0x1E560] =	vst v63  }
0x2fd: {  	_ =	swait.ge [sflag:s16], $0x170  }
0x2fe: {  	s14 =	sld [smem:$0x7FB]  }
0x2ff: {  	[sflag:s16] =	ssyncset.done $0x0  }
0x300: {  	[sflag:s16] =	ssyncadd.s32 $0xFFFFFE90  }
0x301: {  	[tilespmem:s18], [sflag:$0x3] =	stream.linear.gather [spmem:s14], $0x1700, $0x38;
	[tilespmem:$0x1E560] =	vst v63  }
0x302: {  	_ =	swait.ge [sflag:s16], $0x1700  }
0x303: {  	[sflag:s16] =	ssyncset.done $0x0  }
0x304: {  	s13 =	rddreg [dreg:$0x14];
	[sflag:s16] =	ssyncadd.s32 $0xFFFFE900  }
0x305: {  	[hbm4b:s13+s18] =	stream.linear.scatter [tilespmem:s18], [sflag:$0x3], $0x1700, $0x38;
	[tilespmem:$0x1E560] =	vst v63  }
0x306: {  	_ =	swait.ge [sflag:s16], $0x1700  }
0x307: {  	s14 =	sld [smem:$0x7FC]  }
0x308: {  	[sflag:s16] =	ssyncset.done $0x0  }
0x309: {  	[sflag:s16] =	ssyncadd.s32 $0xFFFFE900  }
0x30a: {  	[tilespmem:s17], [sflag:$0x3] =	stream.linear.gather [spmem:s14], $0x170, $0x38;
	[tilespmem:$0x1E560] =	vst v63  }
0x30b: {  	_ =	swait.ge [sflag:s16], $0x170  }
0x30c: {  	s13 =	sld [smem:$0x7DA]  }
0x30d: {  	[sflag:s16] =	ssyncset.done $0x0  }
0x30e: {  	[sflag:s16] =	ssyncadd.s32 $0xFFFFFE90  }
0x30f: {  	[hbm4b:s13+s18] =	stream.linear.scatter [tilespmem:s17], [sflag:$0x3], $0x170, $0x38;
	[tilespmem:$0x1E560] =	vst v63  }
0x310: {  	_ =	swait.ge [sflag:s16], $0x170  }
0x311: {  	s14 =	sld [smem:$0x7FD];
	_ =	sdelay $0x1  }
0x312: {  	s9 =	sadd.s32 $0x1, s9  }
0x313: {  	p0 =	sne.s32 s9, s14  }
.Ltmp3:
0x314: {  	_ = 	snop;
	(pc) =	sbr.rel @p0 .LBB2_1-.Ltmp3, $3  }
0x315: {  	_ =	sdelay $0x1  }
0x316: {  	[sflag:s16] =	ssyncset.done $0x0  }
0x317: {  	[sflag:s16] =	ssyncadd.s32 $0xFFFFFE90  }
0x318: {  	_ =	sfence.sel $0x180000  }
0x319: {  	[bflag:$0x0] =	sbarrier.arrive $0xFFFF  }
0x31a: {  	_ =	strace $0x90000047  }
0x31b: {  	s0 =	stileid.u32;
	[bflag:$0x2] =	sbarrier.arrive $0xFFFF  }
0x31c: {  	p0 =	sne.s32 s0, $0x0;
	s0 =	rddreg [dreg:$0x3]  }
0x31d: {  	s0 =	sadd.s32 @!p0 $0x100000, s0  }
0x31e: {  	[sflag:s0] =	ssyncadd.tile.s32 @!p0 $0x1;
	_ =	shalt  }
.Lfunc_end2:
_tile_overlayer_lowered:
.L_overlay_start_2:
0x31f: {  	(tag) =	ssettag $0x2  }
0x320: {  	s0 =	rddreg [dreg:$0x0];
	s2 =	stileid.u32  }
0x321: {  	s1 =	rddreg [dreg:$0x1];
	p0 =	sne.s32 s2, $0x0  }
0x322: {  	s3 =	rddreg [dreg:$0x2];
	[bflag:$0x3] =	sbarrier.arrive $0xFFFF;
	s2 =	simm.s32 @!p0 $0x1C03  }
0x323: {  	[timem:s3], [sflag:s2] =	dma.local @!p0 [hbm:s0], s1  }
0x324: {  	s0 =	simm.s32 @!p0 $0x3  }
0x325: {  	_ =	swait.ge @!p0 [sflag:s0], s1  }
0x326: {  	s1 =	ssub.s32 @!p0 $0x0, s1;
	[sflag:s0] =	ssyncset.done @!p0 $0x0  }
0x327: {  	[sflag:s0] =	ssyncadd.s32 @!p0 s1  }
0x328: {  	[bflag:$0x3] =	sbarrier.arrive $0xFFFF  }
0x329: {  	_ =	shalt  }

// kernel: kernel.8.cloned.1.call-start
scs
__scs_entry_jumppad:
0x0: {  	(pc) =	sbr.rel $0x88, $3  }
0x1: {  	(tag) =	ssettag $0x0;
	lr =	simm.s32 $0x1  }
0x2: {  	[smem:$0x3F9D] =	sst lr;
	_ =	strace $0xD0000000  }
0x3: {  	_ = 	snop  }
0x4: {  	_ = 	snop  }
0x5: {  	_ = 	snop  }
0x6: {  	_ = 	snop  }
0x7: {  	_ = 	snop  }
__scs_overlays_trampoline_lowered:
0x8: {  	[smem:$0x3FAC] =	sst s0  }
0x9: {  	[smem:$0x3FAD] =	sst s1  }
0xa: {  	[smem:$0x3FAE] =	sst s2  }
0xb: {  	[smem:$0x3FAF] =	sst s3  }
0xc: {  	[smem:$0x3FB0] =	sst s4  }
0xd: {  	[smem:$0x3FB1] =	sst s5  }
0xe: {  	[smem:$0x3FB2] =	sst s6  }
0xf: {  	[smem:$0x3FB3] =	sst s7  }
0x10: {  	[smem:$0x3FB4] =	sst s8  }
0x11: {  	[smem:$0x3FB5] =	sst s9;
	s0 =	simm.s32 @!p0 $0x0  }
0x12: {  	s1 =	sld [smem:$0x3F9B];
	s0 =	simm.s32 @p0 $0x1  }
0x13: {  	[smem:$0x3FB6] =	sst s0;
	s0 =	simm.s32 @!p1 $0x0  }
0x14: {  	s2 =	sld [smem:$0x3F9A];
	s0 =	simm.s32 @p1 $0x1  }
0x15: {  	[smem:$0x3FB7] =	sst s0;
	s0 =	simm.s32 @!p2 $0x0  }
0x16: {  	s3 =	sld [smem:$0x3FDB];
	s0 =	simm.s32 @p2 $0x1  }
0x17: {  	s4 =	simm.s32 $0x1BF5;
	[smem:$0x3FB9] =	sst s0  }
0x18: {  	s0 =	sld [smem:$0x3F9C];
	_ =	swait.ge [sflag:s4], $0x0  }
0x19: {  	s7 =	sld [smem:$0x3F9D]  }
0x1a: {  	s8 =	sadd.s32 $0xFFFFE003, lr  }
0x1b: {  	s9 =	sadd.s32 $0xFFFFFEF7, lr;
	s5 =	simm.s32 $0xFFFFFFFF;
	p2 =	slt.u32 s8, $0xFFFFF086  }
0x1c: {  	p1 =	slt.u32 s9, $0xF7A;
	s5 =	simm.s32 @!p2 $0x0  }
0x1d: {  	s5 =	simm.s32 @p1 $0x1;
	p0 =	seq.s32 s7, s2  }
0x1e: {  	s7 =	smul.u32 @!p0 $0xF7A, s2;
	p2 =	seq.s32 @!p0 s5, $0x0  }
0x1f: {  	s9 =	smul.u32 $0xF7A, s1;
	s8 =	simm.s32 @!p0 $0x1BF5;
	p2 =	por !p2, p0  }
0x20: {  	[sflag:s8] =	ssyncset.s32 @!p0 $0xFFFFF086;
	s6 =	sadd.s32 @!p0 s3, s7;
	s7 =	simm.s32 @!p0 $0x108  }
0x21: {  	s3 =	sadd.s32 s3, s9;
	s6 =	sadd.s32 @!p0 $0x88, s6;
	s7 =	simm.s32 @p2 $0x1082  }
0x22: {  	[simem:s7], [sflag:s8] =	dma.local @!p0 [hbm:s6], $0xF7A  }
0x23: {  	s9 =	sor.u32 $0xD0000000, s2;
	s6 =	simm.s32 $0x108;
	_ =	swait.ge @!p0 [sflag:s8], $0x0  }
0x24: {  	s3 =	sadd.s32 $0x88, s3;
	s6 =	simm.s32 @!p1 $0x1082;
	[sflag:s4] =	ssyncset.s32 $0xFFFFF086  }
0x25: {  	[simem:s6], [sflag:s4] =	dma.local [hbm:s3], $0xF7A  }
0x26: {  	[smem:$0x3F9D] =	sst s1;
	(tag) =	ssettag s2;
	_ =	strace s9  }
0x27: {  	s1 =	sld [smem:$0x3FAD]  }
0x28: {  	s2 =	sld [smem:$0x3FAE]  }
0x29: {  	s4 =	sld [smem:$0x3FB0]  }
0x2a: {  	p0 =	seq.s32 s5, $0x0;
	s5 =	sld [smem:$0x3FB1]  }
0x2b: {  	s6 =	sld [smem:$0x3FB2]  }
0x2c: {  	s7 =	sld [smem:$0x3FB3]  }
0x2d: {  	s3 =	simm.s32 $0x108;
	s8 =	sld [smem:$0x3FB4]  }
0x2e: {  	s3 =	simm.s32 @!p0 $0x1082;
	s9 =	sld [smem:$0x3FB5]  }
0x2f: {  	lr =	sadd.s32 s0, s3;
	s0 =	sld [smem:$0x3FAC]  }
0x30: {  	s3 =	sld [smem:$0x3FAF]  }
0x31: {  	[smem:$0x3FB8] =	sst s10  }
0x32: {  	s10 =	sld [smem:$0x3FB6];
	_ =	sdelay $0x3  }
0x33: {  	p0 =	seq.s32 s10, $0x1;
	s10 =	sld [smem:$0x3FB8];
	_ =	sdelay $0x3  }
0x34: {  	[smem:$0x3FB8] =	sst s10  }
0x35: {  	s10 =	sld [smem:$0x3FB7];
	_ =	sdelay $0x3  }
0x36: {  	p1 =	seq.s32 s10, $0x1;
	s10 =	sld [smem:$0x3FB8];
	_ =	sdelay $0x3  }
0x37: {  	[smem:$0x3FB8] =	sst s10  }
0x38: {  	s10 =	sld [smem:$0x3FB9]  }
0x39: {  	_ = 	snop;
	(pc) =	sbr.ind lr, $3  }
0x3a: {  	_ = 	snop  }
0x3b: {  	_ = 	snop  }
0x3c: {  	p2 =	seq.s32 s10, $0x1;
	s10 =	sld [smem:$0x3FB8]  }
0x3d: {  	_ =	shalt  }
0x3e: {  	_ =	shalt  }
0x3f: {  	_ =	shalt  }
0x40: {  	_ =	shalt  }
0x41: {  	_ =	shalt  }
0x42: {  	_ =	shalt  }
0x43: {  	_ =	shalt  }
0x44: {  	_ =	shalt  }
0x45: {  	_ =	shalt  }
0x46: {  	_ =	shalt  }
0x47: {  	_ =	shalt  }
0x48: {  	_ =	shalt  }
0x49: {  	_ =	shalt  }
0x4a: {  	_ =	shalt  }
0x4b: {  	_ =	shalt  }
0x4c: {  	_ =	shalt  }
0x4d: {  	_ =	shalt  }
0x4e: {  	_ =	shalt  }
0x4f: {  	_ =	shalt  }
0x50: {  	_ =	shalt  }
0x51: {  	_ =	shalt  }
0x52: {  	_ =	shalt  }
0x53: {  	_ =	shalt  }
0x54: {  	_ =	shalt  }
0x55: {  	_ =	shalt  }
0x56: {  	_ =	shalt  }
0x57: {  	_ =	shalt  }
0x58: {  	_ =	shalt  }
0x59: {  	_ =	shalt  }
0x5a: {  	_ =	shalt  }
0x5b: {  	_ =	shalt  }
0x5c: {  	_ =	shalt  }
0x5d: {  	_ =	shalt  }
0x5e: {  	_ =	shalt  }
0x5f: {  	_ =	shalt  }
0x60: {  	_ =	shalt  }
0x61: {  	_ =	shalt  }
0x62: {  	_ =	shalt  }
0x63: {  	_ =	shalt  }
0x64: {  	_ =	shalt  }
0x65: {  	_ =	shalt  }
0x66: {  	_ =	shalt  }
0x67: {  	_ =	shalt  }
0x68: {  	_ =	shalt  }
0x69: {  	_ =	shalt  }
0x6a: {  	_ =	shalt  }
0x6b: {  	_ =	shalt  }
0x6c: {  	_ =	shalt  }
0x6d: {  	_ =	shalt  }
0x6e: {  	_ =	shalt  }
0x6f: {  	_ =	shalt  }
0x70: {  	_ =	shalt  }
0x71: {  	_ =	shalt  }
0x72: {  	_ =	shalt  }
0x73: {  	_ =	shalt  }
0x74: {  	_ =	shalt  }
0x75: {  	_ =	shalt  }
0x76: {  	_ =	shalt  }
0x77: {  	_ =	shalt  }
0x78: {  	_ =	shalt  }
0x79: {  	_ =	shalt  }
0x7a: {  	_ =	shalt  }
0x7b: {  	_ =	shalt  }
0x7c: {  	_ =	shalt  }
0x7d: {  	_ =	shalt  }
0x7e: {  	_ =	shalt  }
0x7f: {  	_ =	shalt  }
0x80: {  	_ =	shalt  }
0x81: {  	_ =	shalt  }
0x82: {  	_ =	shalt  }
0x83: {  	_ =	shalt  }
0x84: {  	_ =	shalt  }
0x85: {  	_ =	shalt  }
0x86: {  	_ =	shalt  }
0x87: {  	_ =	shalt  }
.Lfunc_end0:
.L_simem_size_0:
called_computation.1_lowered:
.L_overlay_start_0:
0x88: {  	s2 =	sld [smem:$0x3FD9]  }
0x89: {  	s3 =	sld [smem:$0x3FFE];
	_ =	sdelay $0x1  }
0x8a: {  	s1 =	srdreg.scid  }
0x8b: {  	s0 =	sand.u32 $0x1, s1  }
0x8c: {  	s17 =	sshll.u32 s0, $0xA;
	s2 =	sadd.s32 s3, s2  }
0x8d: {  	s2 =	sadd.s32 s2, s17  }
0x8e: {  	[smem:$0x3FC4] =	sst s2  }
0x8f: {  	_ = 	snop  }
0x90: {  	s2 =	sld [smem:$0x3FD0];
	(tm) =	ssettm $0x1  }
0x91: {  	s18 =	sld [smem:$0x3FFB];
	_ =	sdelay $0x3  }
0x92: {  	_ =	strace s18  }
0x93: {  	s3 =	sld [smem:$0x3FFC];
	_ =	sdelay $0x3  }
0x94: {  	_ =	strace s3  }
0x95: {  	s3 =	sld [smem:$0x3FFD];
	_ =	sdelay $0x3  }
0x96: {  	_ =	strace s3  }
0x97: {  	_ =	strace $0x8FFFFFFF  }
0x98: {  	s19 =	sld [smem:$0x3FDB];
	_ =	sdelay $0x1  }
0x99: {  	s4 =	simm.s32 $_scs_section_size  }
0x9a: {  	s5 =	simm.s32 $_size__tile_overlayer_lowered;
	s6 =	simm.s32 $_tile_overlayer_lowered  }
0x9b: {  	s22 =	simm.s32 $0x1BFF;
	s21 =	sshll.u32 s6, $0x1;
	s3 =	sadd.s32 s4, s19  }
0x9c: {  	s7 =	simm.s32 $0x0;
	s20 =	sshll.u32 s5, $0x1;
	s5 =	sadd.s32 s21, s3  }
0x9d: {  	[timem:s7], [sflag:s22] =	dma.local [hbm:s5], s20  }
0x9e: {  	_ =	swait.ge [sflag:s22], s20  }
0x9f: {  	s4 =	ssub.s32 $0x0, s20;
	[sflag:s22] =	ssyncset.done $0x0  }
0xa0: {  	[sflag:s22] =	ssyncadd.s32 s4;
	_ =	sdelay $0x1  }
0xa1: {  	s23 =	simm.s32 $0x1B8B  }
0xa2: {  	_ =	swait.ge [sflag:s23], $0x1  }
0xa3: {  	[sflag:s23] =	ssyncset.done $0x0  }
0xa4: {  	s25 =	simm.s32 $0x1B8E;
	s24 =	sld [smem:$0x3FFE];
	[sflag:s23] =	ssyncadd.s32 $0xFFFFFFFF  }
0xa5: {  	s26 =	simm.s32 $execute0_lowered;
	[smem:$0x3FD2] =	sst s25  }
0xa6: {  	s5 =	sshll.u32 s26, $0x1;
	_ =	strace $0x80000049;
	[dreg:$0x1] =	wrdreg $0xFFFFFFFF  }
0xa7: {  	s28 =	simm.s32 $_size_execute0_lowered;
	s3 =	sadd.s32 s3, s5;
	[dreg:$0x0] =	wrdreg $0x0  }
0xa8: {  	s5 =	sshll.u32 s28, $0x1;
	[dreg:$0x2] =	wrdreg s3  }
0xa9: {  	[dreg:$0x3] =	wrdreg s5  }
0xaa: {  	[dreg:$0x4] =	wrdreg $0xC0  }
0xab: {  	_ =	task [dreg:s7], $0x5FFFF  }
0xac: {  	[dreg:$0x1] =	wrdreg $0xFFFFFFFF  }
0xad: {  	[dreg:$0x0] =	wrdreg $0x60  }
0xae: {  	[dreg:$0x2] =	wrdreg s24  }
0xaf: {  	[dreg:$0x3] =	wrdreg s2  }
0xb0: {  	[dreg:$0x4] =	wrdreg $0x9  }
0xb1: {  	_ =	task.clear_ibuf [dreg:s7], $0x5FFFF;
	_ =	strace $0x90000049  }
0xb2: {  	s29 =	simm.s32 $0x9;
	_ =	strace $0x8000004B  }
0xb3: {  	_ =	swait.ge [sflag:s29], $0x1  }
0xb4: {  	[sflag:s29] =	ssyncadd.s32 $0xFFFFFFFF  }
0xb5: {  	_ =	strace $0x9000004B  }
0xb6: {  	_ =	sfence  }
0xb7: {  	s30 =	sld [smem:$0x0];
	_ =	sdelay $0x2  }
0xb8: {  	s31 =	sshll.u32 s1, $0xD;
	s1 =	sshrl.u32 s1, $0x2  }
0xb9: {  	s3 =	sand.u32 $0x4000, s31;
	s1 =	sadd.s32 s1, s30  }
0xba: {  	s0 =	sor.u32 s3, s0;
	s1 =	sshll.u32 s1, $0x11  }
0xbb: {  	s0 =	sor.u32 s1, s0  }
0xbc: {  	s0 =	sadd.s32 $0x8F2B, s0  }
0xbd: {  	[sflag:s0] =	ssyncadd.remote.s32 $0x1  }
0xbe: {  	_ =	sfence.sel $0xFFFF  }
0xbf: {  	[dreg:$0x0] =	wrdreg $0xFFFFFFFF;
	(pc) =	sbr.abs _section_cstart, $3  }
0xc0: {  	[dreg:$0x1] =	wrdreg $0xFFFFFFFF  }
0xc1: {  	_ =	task.clear_ibuf [dreg:s7], $0x2FFFF;
	_ =	strace $0x9FFFFFFF  }
0xc2: {  	(tm) =	ssettm $0x7FFFFFFF  }
0xc3: {  	_ =	shalt  }
tec
execute0_lowered:
.L_overlay_start_1:
0x0: {  	(tag) =	ssettag $0x1  }
0x1: {  	s5 =	rddreg [dreg:$0x0]  }
0x2: {  	s1 =	rddreg [dreg:$0x1]  }
0x3: {  	s0 =	rddreg [dreg:$0x2];
	s3 =	simm.s32 $0x0  }
0x4: {  	s4 =	srdreg.scid;
	s2 =	stileid.u32;
	s10 =	simm.s32 $0x1000  }
0x5: {  	s11 =	simm.s32 $0x2000;
	s12 =	simm.s32 $0x2100;
	s13 =	simm.s32 $0x0  }
0x6: {  	[smem:$0x7FF] =	sst s3;
	s6 =	sand.u32 $0x1, s4;
	s7 =	sshll.u32 s2, $0x1  }
0x7: {  	s4 =	sadd.s32 $0x6DF200, s5;
	s5 =	sadd.s32 $0x740E00, s5;
	s8 =	ssub.s32 $0x2, s6  }
0x8: {  	_ =	strace $0x8000004A;
	s6 =	sor.u32 s6, s7;
	s31 =	sshrl.u32 s8, $0x1  }
0x9: {  	s9 =	ssub.s32 $0x1A6, s6;
	s6 =	sshll.u32 s6, $0x8;
	s8 =	ssub.s32 s8, s31  }
0xa: {  	s7 =	sshrl.u32 s9, $0x5;
	s9 =	simm.s32 $0x1;
	s8 =	smax.u32 s8, $0x1  }
.LBB2_1:
0xb: {  	s14 =	simm.s32 $0x0  }
.LBB2_2:
0xc: {  	s15 =	sshll.u32 s14, $0xD  }
0xd: {  	s16 =	sor.u32 s6, s15  }
0xe: {  	s15 =	sshll.u32 s16, $0x1  }
0xf: {  	s15 =	sand.u32 $0x1FFFFE00, s15  }
0x10: {  	s19 =	simm.s32 $0x0;
	s17 =	sadd.s32 $0x18700, s16;
	s18 =	sadd.s32 s4, s15  }
0x11: {  	[tilespmem:s19], [sflag:$0x1] =	stream.linear.gather [hbm4b:s18+s19], $0x1000, $0x38;
	[tilespmem:$0x2200] =	vst v63  }
0x12: {  	s29 =	sshll.u32 s17, $0x1;
	_ =	swait.ge [sflag:s9], $0x1000  }
0x13: {  	s18 =	sand.u32 $0x1FFFFE00, s29;
	[sflag:s9] =	ssyncset.done $0x0  }
0x14: {  	s18 =	sadd.s32 s4, s18;
	[sflag:s9] =	ssyncadd.s32 $0xFFFFF000  }
0x15: {  	[tilespmem:s10], [sflag:$0x1] =	stream.linear.gather [hbm4b:s18+s19], $0x1000, $0x38;
	[tilespmem:$0x2200] =	vst v63  }
0x16: {  	_ =	swait.ge [sflag:s9], $0x1000  }
0x17: {  	s16 =	sshrl.u32 s16, $0x3;
	[sflag:s9] =	ssyncset.done $0x0  }
0x18: {  	s16 =	sadd.s32 s5, s16;
	[sflag:s9] =	ssyncadd.s32 $0xFFFFF000  }
0x19: {  	[tilespmem:s11], [sflag:$0x1] =	stream.linear.gather [hbm4b:s16+s19], $0x100, $0x38;
	[tilespmem:$0x2200] =	vst v63  }
0x1a: {  	_ =	swait.ge [sflag:s9], $0x100  }
0x1b: {  	s30 =	sshrl.u32 s17, $0x3;
	[sflag:s9] =	ssyncset.done $0x0  }
0x1c: {  	s16 =	sadd.s32 s5, s30;
	[sflag:s9] =	ssyncadd.s32 $0xFFFFFF00  }
0x1d: {  	[tilespmem:s12], [sflag:$0x1] =	stream.linear.gather [hbm4b:s16+s19], $0x100, $0x38;
	[tilespmem:$0x2200] =	vst v63  }
0x1e: {  	_ =	swait.ge [sflag:s9], $0x100  }
0x1f: {  	[sflag:s9] =	ssyncset.done $0x0  }
0x20: {  	s31 =	simm.s32 $0x0;
	[sflag:s9] =	ssyncadd.s32 $0xFFFFFF00  }
0x21: {  	v0 =	vld [tilespmem:s31+$0x2000]  }
0x22: {  	v1 =	vld [tilespmem:s31+$0x2100];
	_ =	sdelay $0x3  }
0x23: {  	v0 =	vmax.f32 v0, $1.000000000e+00  }
0x24: {  	v1 =	vmax.f32 v1, $1.000000000e+00;
	(erf) = vrcp.f32 v0  }
0x25: {  	(erf) = vrcp.f32 v1;
	_ =	sdelay $0x4  }
0x26: {  	s16 =	simm.s32 $0x80  }
0x27: {  	s17 =	simm.s32 $0x1080;
	v2 =	vld [tilespmem:s16+$0xFFFFFF80]  }
0x28: {  	v3 =	vld [tilespmem:s17+$0xFFFFFF80]  }
0x29: {  	v0 =	vpop (erf)  }
0x2a: {  	v1 =	vpop (erf)  }
0x2b: {  	v4 =	vbroadcast v0, $0x0;
	v5 =	vbroadcast v1, $0x0;
	_ =	sdelay $0x1  }
0x2c: {  	v2 =	vmul.f32 v4, v2;
	v3 =	vmul.f32 v5, v3;
	_ =	sdelay $0x1  }
0x2d: {  	v2 =	vadd.f32 v3, v2;
	_ =	sdelay $0x1  }
0x2e: {  	v2 =	vmul.f32 $5.000000000e-01, v2;
	_ =	sdelay $0x1  }
0x2f: {  	[tilespmem:s16+$0xFFFFFF80] =	vst v2;
	v2 =	vld [tilespmem:s16+$0xFFFFFF90]  }
0x30: {  	v3 =	vld [tilespmem:s17+$0xFFFFFF90];
	_ =	sdelay $0x2  }
0x31: {  	v36 =	vbroadcast v0, $0x1;
	v37 =	vbroadcast v1, $0x1;
	_ =	sdelay $0x1  }
0x32: {  	v2 =	vmul.f32 v2, v36;
	v3 =	vmul.f32 v3, v37;
	_ =	sdelay $0x1  }
0x33: {  	v2 =	vadd.f32 v3, v2;
	_ =	sdelay $0x1  }
0x34: {  	v2 =	vmul.f32 $5.000000000e-01, v2;
	_ =	sdelay $0x1  }
0x35: {  	[tilespmem:s16+$0xFFFFFF90] =	vst v2;
	v2 =	vld [tilespmem:s16+$0xFFFFFFA0]  }
0x36: {  	v3 =	vld [tilespmem:s17+$0xFFFFFFA0];
	_ =	sdelay $0x2  }
0x37: {  	v38 =	vbroadcast v0, $0x2;
	v39 =	vbroadcast v1, $0x2;
	_ =	sdelay $0x1  }
0x38: {  	v2 =	vmul.f32 v2, v38;
	v3 =	vmul.f32 v3, v39;
	_ =	sdelay $0x1  }
0x39: {  	v2 =	vadd.f32 v3, v2;
	_ =	sdelay $0x1  }
0x3a: {  	v2 =	vmul.f32 $5.000000000e-01, v2;
	_ =	sdelay $0x1  }
0x3b: {  	[tilespmem:s16+$0xFFFFFFA0] =	vst v2;
	v2 =	vld [tilespmem:s16+$0xFFFFFFB0]  }
0x3c: {  	v3 =	vld [tilespmem:s17+$0xFFFFFFB0];
	_ =	sdelay $0x2  }
0x3d: {  	v40 =	vbroadcast v0, $0x3;
	v41 =	vbroadcast v1, $0x3;
	_ =	sdelay $0x1  }
0x3e: {  	v2 =	vmul.f32 v2, v40;
	v3 =	vmul.f32 v3, v41;
	_ =	sdelay $0x1  }
0x3f: {  	v2 =	vadd.f32 v3, v2;
	_ =	sdelay $0x1  }
0x40: {  	v2 =	vmul.f32 $5.000000000e-01, v2;
	_ =	sdelay $0x1  }
0x41: {  	[tilespmem:s16+$0xFFFFFFB0] =	vst v2;
	v2 =	vld [tilespmem:s16+$0xFFFFFFC0]  }
0x42: {  	v3 =	vld [tilespmem:s17+$0xFFFFFFC0];
	_ =	sdelay $0x2  }
0x43: {  	v42 =	vbroadcast v0, $0x4;
	v43 =	vbroadcast v1, $0x4;
	_ =	sdelay $0x1  }
0x44: {  	v2 =	vmul.f32 v2, v42;
	v3 =	vmul.f32 v3, v43;
	_ =	sdelay $0x1  }
0x45: {  	v2 =	vadd.f32 v3, v2;
	_ =	sdelay $0x1  }
0x46: {  	v2 =	vmul.f32 $5.000000000e-01, v2;
	_ =	sdelay $0x1  }
0x47: {  	[tilespmem:s16+$0xFFFFFFC0] =	vst v2;
	v2 =	vld [tilespmem:s16+$0xFFFFFFD0]  }
0x48: {  	v3 =	vld [tilespmem:s17+$0xFFFFFFD0];
	_ =	sdelay $0x2  }
0x49: {  	v44 =	vbroadcast v0, $0x5;
	v45 =	vbroadcast v1, $0x5;
	_ =	sdelay $0x1  }
0x4a: {  	v2 =	vmul.f32 v2, v44;
	v3 =	vmul.f32 v3, v45;
	_ =	sdelay $0x1  }
0x4b: {  	v2 =	vadd.f32 v3, v2;
	_ =	sdelay $0x1  }
0x4c: {  	v2 =	vmul.f32 $5.000000000e-01, v2;
	_ =	sdelay $0x1  }
0x4d: {  	[tilespmem:s16+$0xFFFFFFD0] =	vst v2;
	v2 =	vld [tilespmem:s16+$0xFFFFFFE0]  }
0x4e: {  	v3 =	vld [tilespmem:s17+$0xFFFFFFE0];
	_ =	sdelay $0x2  }
0x4f: {  	v46 =	vbroadcast v0, $0x6;
	v47 =	vbroadcast v1, $0x6;
	_ =	sdelay $0x1  }
0x50: {  	v2 =	vmul.f32 v2, v46;
	v3 =	vmul.f32 v3, v47;
	_ =	sdelay $0x1  }
0x51: {  	v2 =	vadd.f32 v3, v2;
	_ =	sdelay $0x1  }
0x52: {  	v2 =	vmul.f32 $5.000000000e-01, v2;
	_ =	sdelay $0x1  }
0x53: {  	[tilespmem:s16+$0xFFFFFFE0] =	vst v2;
	v2 =	vld [tilespmem:s16+$0xFFFFFFF0]  }
0x54: {  	v3 =	vld [tilespmem:s17+$0xFFFFFFF0];
	_ =	sdelay $0x2  }
0x55: {  	v48 =	vbroadcast v0, $0x7;
	v49 =	vbroadcast v1, $0x7;
	_ =	sdelay $0x1  }
0x56: {  	v2 =	vmul.f32 v2, v48;
	v3 =	vmul.f32 v3, v49;
	_ =	sdelay $0x1  }
0x57: {  	v2 =	vadd.f32 v3, v2;
	_ =	sdelay $0x1  }
0x58: {  	v2 =	vmul.f32 $5.000000000e-01, v2;
	_ =	sdelay $0x1  }
0x59: {  	[tilespmem:s16+$0xFFFFFFF0] =	vst v2;
	v2 =	vld [tilespmem:s16+$0x0]  }
0x5a: {  	v3 =	vld [tilespmem:s17+$0x0];
	_ =	sdelay $0x2  }
0x5b: {  	v50 =	vbroadcast v0, $0x8;
	v51 =	vbroadcast v1, $0x8;
	_ =	sdelay $0x1  }
0x5c: {  	v2 =	vmul.f32 v2, v50;
	v3 =	vmul.f32 v3, v51;
	_ =	sdelay $0x1  }
0x5d: {  	v2 =	vadd.f32 v3, v2;
	_ =	sdelay $0x1  }
0x5e: {  	v2 =	vmul.f32 $5.000000000e-01, v2;
	_ =	sdelay $0x1  }
0x5f: {  	[tilespmem:s16+$0x0] =	vst v2;
	v2 =	vld [tilespmem:s16+$0x10]  }
0x60: {  	v3 =	vld [tilespmem:s17+$0x10];
	_ =	sdelay $0x2  }
0x61: {  	v52 =	vbroadcast v0, $0x9;
	v53 =	vbroadcast v1, $0x9;
	_ =	sdelay $0x1  }
0x62: {  	v2 =	vmul.f32 v2, v52;
	v3 =	vmul.f32 v3, v53;
	_ =	sdelay $0x1  }
0x63: {  	v2 =	vadd.f32 v3, v2;
	_ =	sdelay $0x1  }
0x64: {  	v2 =	vmul.f32 $5.000000000e-01, v2;
	_ =	sdelay $0x1  }
0x65: {  	[tilespmem:s16+$0x10] =	vst v2;
	v2 =	vld [tilespmem:s16+$0x20]  }
0x66: {  	v3 =	vld [tilespmem:s17+$0x20];
	_ =	sdelay $0x2  }
0x67: {  	v54 =	vbroadcast v0, $0xA;
	v55 =	vbroadcast v1, $0xA;
	_ =	sdelay $0x1  }
0x68: {  	v2 =	vmul.f32 v2, v54;
	v3 =	vmul.f32 v3, v55;
	_ =	sdelay $0x1  }
0x69: {  	v2 =	vadd.f32 v3, v2;
	_ =	sdelay $0x1  }
0x6a: {  	v2 =	vmul.f32 $5.000000000e-01, v2;
	_ =	sdelay $0x1  }
0x6b: {  	[tilespmem:s16+$0x20] =	vst v2;
	v2 =	vld [tilespmem:s16+$0x30]  }
0x6c: {  	v3 =	vld [tilespmem:s17+$0x30];
	_ =	sdelay $0x2  }
0x6d: {  	v56 =	vbroadcast v0, $0xB;
	v57 =	vbroadcast v1, $0xB;
	_ =	sdelay $0x1  }
0x6e: {  	v2 =	vmul.f32 v2, v56;
	v3 =	vmul.f32 v3, v57;
	_ =	sdelay $0x1  }
0x6f: {  	v2 =	vadd.f32 v3, v2;
	_ =	sdelay $0x1  }
0x70: {  	v2 =	vmul.f32 $5.000000000e-01, v2;
	_ =	sdelay $0x1  }
0x71: {  	[tilespmem:s16+$0x30] =	vst v2;
	v2 =	vld [tilespmem:s16+$0x40]  }
0x72: {  	v3 =	vld [tilespmem:s17+$0x40];
	_ =	sdelay $0x2  }
0x73: {  	v58 =	vbroadcast v0, $0xC;
	v59 =	vbroadcast v1, $0xC;
	_ =	sdelay $0x1  }
0x74: {  	v2 =	vmul.f32 v2, v58;
	v3 =	vmul.f32 v3, v59;
	_ =	sdelay $0x1  }
0x75: {  	v2 =	vadd.f32 v3, v2;
	_ =	sdelay $0x1  }
0x76: {  	v2 =	vmul.f32 $5.000000000e-01, v2;
	_ =	sdelay $0x1  }
0x77: {  	[tilespmem:s16+$0x40] =	vst v2;
	v2 =	vld [tilespmem:s16+$0x50]  }
0x78: {  	v3 =	vld [tilespmem:s17+$0x50];
	_ =	sdelay $0x2  }
0x79: {  	v60 =	vbroadcast v0, $0xD;
	v61 =	vbroadcast v1, $0xD;
	_ =	sdelay $0x1  }
0x7a: {  	v2 =	vmul.f32 v2, v60;
	v3 =	vmul.f32 v3, v61;
	_ =	sdelay $0x1  }
0x7b: {  	v2 =	vadd.f32 v3, v2;
	_ =	sdelay $0x1  }
0x7c: {  	v2 =	vmul.f32 $5.000000000e-01, v2;
	_ =	sdelay $0x1  }
0x7d: {  	[tilespmem:s16+$0x50] =	vst v2;
	v2 =	vld [tilespmem:s16+$0x60]  }
0x7e: {  	v3 =	vld [tilespmem:s17+$0x60];
	_ =	sdelay $0x2  }
0x7f: {  	v62 =	vbroadcast v0, $0xE;
	v63 =	vbroadcast v1, $0xE;
	_ =	sdelay $0x1  }
0x80: {  	v2 =	vmul.f32 v2, v62;
	v3 =	vmul.f32 v3, v63;
	_ =	sdelay $0x1  }
0x81: {  	v2 =	vadd.f32 v3, v2;
	_ =	sdelay $0x1  }
0x82: {  	v2 =	vmul.f32 $5.000000000e-01, v2;
	_ =	sdelay $0x1  }
0x83: {  	[tilespmem:s16+$0x60] =	vst v2;
	v2 =	vld [tilespmem:s16+$0x70]  }
0x84: {  	v3 =	vld [tilespmem:s17+$0x70];
	_ =	sdelay $0x2  }
0x85: {  	v0 =	vbroadcast v0, $0xF;
	v1 =	vbroadcast v1, $0xF;
	_ =	sdelay $0x1  }
0x86: {  	v0 =	vmul.f32 v2, v0;
	v1 =	vmul.f32 v3, v1;
	_ =	sdelay $0x1  }
0x87: {  	v0 =	vadd.f32 v1, v0;
	_ =	sdelay $0x1  }
0x88: {  	s18 =	simm.s32 $0x40;
	s19 =	simm.s32 $0x80;
	v0 =	vmul.f32 $5.000000000e-01, v0  }
.LBB2_3:
0x89: {  	p0 =	sne.s32 s18, $0x3C0;
	s16 =	sadd.s32 $0x100, s16;
	s17 =	sadd.s32 $0x100, s17  }
0x8a: {  	s20 =	sshra.s32 s18, $0x2;
	s18 =	sadd.s32 $0x40, s18;
	[tilespmem:s19+$0x70] =	vst v0;
	s19 =	smov.u32 s16  }
0x8b: {  	v0 =	vld [tilespmem:s20+$0x2000]  }
0x8c: {  	v1 =	vld [tilespmem:s20+$0x2100];
	_ =	sdelay $0x3  }
0x8d: {  	v0 =	vmax.f32 v0, $1.000000000e+00  }
0x8e: {  	v1 =	vmax.f32 v1, $1.000000000e+00;
	(erf) = vrcp.f32 v0  }
0x8f: {  	(erf) = vrcp.f32 v1;
	_ =	sdelay $0x4  }
0x90: {  	v1 =	vld [tilespmem:s16+$0xFFFFFF80]  }
0x91: {  	v2 =	vld [tilespmem:s17+$0xFFFFFF80];
	_ =	sdelay $0x1  }
0x92: {  	v10 =	vpop (erf)  }
0x93: {  	v3 =	vbroadcast v10, $0x0;
	v11 =	vbroadcast v10, $0x1;
	v0 =	vpop (erf)  }
0x94: {  	v12 =	vbroadcast v10, $0x2;
	v4 =	vbroadcast v0, $0x0  }
0x95: {  	v13 =	vbroadcast v10, $0x3;
	v1 =	vmul.f32 v3, v1  }
0x96: {  	v14 =	vbroadcast v10, $0x4;
	v2 =	vmul.f32 v4, v2  }
0x97: {  	v15 =	vbroadcast v10, $0x5;
	v16 =	vbroadcast v10, $0x6  }
0x98: {  	v9 =	vbroadcast v10, $0x7;
	v8 =	vbroadcast v10, $0x8;
	v1 =	vadd.f32 v2, v1  }
0x99: {  	v7 =	vbroadcast v10, $0x9;
	v6 =	vbroadcast v10, $0xA  }
0x9a: {  	v5 =	vbroadcast v10, $0xB;
	v1 =	vmul.f32 $5.000000000e-01, v1  }
0x9b: {  	v3 =	vbroadcast v10, $0xD;
	v4 =	vbroadcast v10, $0xC  }
0x9c: {  	v2 =	vbroadcast v10, $0xE;
	[tilespmem:s16+$0xFFFFFF80] =	vst v1;
	v17 =	vld [tilespmem:s16+$0xFFFFFF90];
	v1 =	vbroadcast v10, $0xF  }
0x9d: {  	v10 =	vld [tilespmem:s17+$0xFFFFFF90];
	_ =	sdelay $0x1  }
0x9e: {  	v18 =	vbroadcast v0, $0x1;
	_ =	sdelay $0x1  }
0x9f: {  	v11 =	vmul.f32 v17, v11  }
0xa0: {  	v10 =	vmul.f32 v10, v18;
	_ =	sdelay $0x1  }
0xa1: {  	v10 =	vadd.f32 v10, v11;
	_ =	sdelay $0x1  }
0xa2: {  	v10 =	vmul.f32 $5.000000000e-01, v10;
	_ =	sdelay $0x1  }
0xa3: {  	[tilespmem:s16+$0xFFFFFF90] =	vst v10;
	v10 =	vld [tilespmem:s16+$0xFFFFFFA0]  }
0xa4: {  	v11 =	vld [tilespmem:s17+$0xFFFFFFA0];
	_ =	sdelay $0x1  }
0xa5: {  	v17 =	vbroadcast v0, $0x2;
	_ =	sdelay $0x1  }
0xa6: {  	v10 =	vmul.f32 v10, v12  }
0xa7: {  	v11 =	vmul.f32 v11, v17;
	_ =	sdelay $0x1  }
0xa8: {  	v10 =	vadd.f32 v11, v10;
	_ =	sdelay $0x1  }
0xa9: {  	v10 =	vmul.f32 $5.000000000e-01, v10;
	_ =	sdelay $0x1  }
0xaa: {  	[tilespmem:s16+$0xFFFFFFA0] =	vst v10;
	v10 =	vld [tilespmem:s16+$0xFFFFFFB0]  }
0xab: {  	v11 =	vld [tilespmem:s17+$0xFFFFFFB0];
	_ =	sdelay $0x1  }
0xac: {  	v12 =	vbroadcast v0, $0x3;
	_ =	sdelay $0x1  }
0xad: {  	v10 =	vmul.f32 v10, v13  }
0xae: {  	v11 =	vmul.f32 v11, v12;
	_ =	sdelay $0x1  }
0xaf: {  	v10 =	vadd.f32 v11, v10;
	_ =	sdelay $0x1  }
0xb0: {  	v10 =	vmul.f32 $5.000000000e-01, v10;
	_ =	sdelay $0x1  }
0xb1: {  	[tilespmem:s16+$0xFFFFFFB0] =	vst v10;
	v10 =	vld [tilespmem:s16+$0xFFFFFFC0]  }
0xb2: {  	v11 =	vld [tilespmem:s17+$0xFFFFFFC0];
	_ =	sdelay $0x1  }
0xb3: {  	v12 =	vbroadcast v0, $0x4;
	_ =	sdelay $0x1  }
0xb4: {  	v10 =	vmul.f32 v10, v14  }
0xb5: {  	v11 =	vmul.f32 v11, v12;
	_ =	sdelay $0x1  }
0xb6: {  	v10 =	vadd.f32 v11, v10;
	_ =	sdelay $0x1  }
0xb7: {  	v10 =	vmul.f32 $5.000000000e-01, v10;
	_ =	sdelay $0x1  }
0xb8: {  	[tilespmem:s16+$0xFFFFFFC0] =	vst v10;
	v10 =	vld [tilespmem:s16+$0xFFFFFFD0]  }
0xb9: {  	v11 =	vld [tilespmem:s17+$0xFFFFFFD0];
	_ =	sdelay $0x1  }
0xba: {  	v12 =	vbroadcast v0, $0x5;
	_ =	sdelay $0x1  }
0xbb: {  	v10 =	vmul.f32 v10, v15  }
0xbc: {  	v11 =	vmul.f32 v11, v12;
	_ =	sdelay $0x1  }
0xbd: {  	v10 =	vadd.f32 v11, v10;
	_ =	sdelay $0x1  }
0xbe: {  	v10 =	vmul.f32 $5.000000000e-01, v10;
	_ =	sdelay $0x1  }
0xbf: {  	[tilespmem:s16+$0xFFFFFFD0] =	vst v10;
	v10 =	vld [tilespmem:s16+$0xFFFFFFE0]  }
0xc0: {  	v11 =	vld [tilespmem:s17+$0xFFFFFFE0];
	_ =	sdelay $0x1  }
0xc1: {  	v12 =	vbroadcast v0, $0x6;
	_ =	sdelay $0x1  }
0xc2: {  	v10 =	vmul.f32 v10, v16  }
0xc3: {  	v11 =	vmul.f32 v11, v12;
	_ =	sdelay $0x1  }
0xc4: {  	v10 =	vadd.f32 v11, v10;
	_ =	sdelay $0x1  }
0xc5: {  	v10 =	vmul.f32 $5.000000000e-01, v10;
	_ =	sdelay $0x1  }
0xc6: {  	[tilespmem:s16+$0xFFFFFFE0] =	vst v10;
	v10 =	vld [tilespmem:s16+$0xFFFFFFF0]  }
0xc7: {  	v11 =	vld [tilespmem:s17+$0xFFFFFFF0];
	_ =	sdelay $0x1  }
0xc8: {  	v12 =	vbroadcast v0, $0x7;
	_ =	sdelay $0x1  }
0xc9: {  	v9 =	vmul.f32 v10, v9  }
0xca: {  	v10 =	vmul.f32 v11, v12;
	_ =	sdelay $0x1  }
0xcb: {  	v9 =	vadd.f32 v10, v9;
	_ =	sdelay $0x1  }
0xcc: {  	v9 =	vmul.f32 $5.000000000e-01, v9;
	_ =	sdelay $0x1  }
0xcd: {  	[tilespmem:s16+$0xFFFFFFF0] =	vst v9;
	v9 =	vld [tilespmem:s16+$0x0]  }
0xce: {  	v10 =	vld [tilespmem:s17+$0x0];
	_ =	sdelay $0x1  }
0xcf: {  	v11 =	vbroadcast v0, $0x8;
	_ =	sdelay $0x1  }
0xd0: {  	v8 =	vmul.f32 v9, v8  }
0xd1: {  	v9 =	vmul.f32 v10, v11;
	_ =	sdelay $0x1  }
0xd2: {  	v8 =	vadd.f32 v9, v8;
	_ =	sdelay $0x1  }
0xd3: {  	v8 =	vmul.f32 $5.000000000e-01, v8;
	_ =	sdelay $0x1  }
0xd4: {  	[tilespmem:s16+$0x0] =	vst v8;
	v8 =	vld [tilespmem:s16+$0x10]  }
0xd5: {  	v9 =	vld [tilespmem:s17+$0x10];
	_ =	sdelay $0x1  }
0xd6: {  	v10 =	vbroadcast v0, $0x9;
	_ =	sdelay $0x1  }
0xd7: {  	v7 =	vmul.f32 v8, v7  }
0xd8: {  	v8 =	vmul.f32 v9, v10;
	_ =	sdelay $0x1  }
0xd9: {  	v7 =	vadd.f32 v8, v7;
	_ =	sdelay $0x1  }
0xda: {  	v7 =	vmul.f32 $5.000000000e-01, v7;
	_ =	sdelay $0x1  }
0xdb: {  	[tilespmem:s16+$0x10] =	vst v7;
	v7 =	vld [tilespmem:s16+$0x20]  }
0xdc: {  	v8 =	vld [tilespmem:s17+$0x20];
	_ =	sdelay $0x1  }
0xdd: {  	v9 =	vbroadcast v0, $0xA;
	_ =	sdelay $0x1  }
0xde: {  	v6 =	vmul.f32 v7, v6  }
0xdf: {  	v7 =	vmul.f32 v8, v9;
	_ =	sdelay $0x1  }
0xe0: {  	v6 =	vadd.f32 v7, v6;
	_ =	sdelay $0x1  }
0xe1: {  	v6 =	vmul.f32 $5.000000000e-01, v6;
	_ =	sdelay $0x1  }
0xe2: {  	[tilespmem:s16+$0x20] =	vst v6;
	v6 =	vld [tilespmem:s16+$0x30]  }
0xe3: {  	v7 =	vld [tilespmem:s17+$0x30];
	_ =	sdelay $0x1  }
0xe4: {  	v8 =	vbroadcast v0, $0xB;
	_ =	sdelay $0x1  }
0xe5: {  	v5 =	vmul.f32 v6, v5  }
0xe6: {  	v6 =	vmul.f32 v7, v8;
	_ =	sdelay $0x1  }
0xe7: {  	v5 =	vadd.f32 v6, v5;
	_ =	sdelay $0x1  }
0xe8: {  	v5 =	vmul.f32 $5.000000000e-01, v5;
	_ =	sdelay $0x1  }
0xe9: {  	[tilespmem:s16+$0x30] =	vst v5;
	v5 =	vld [tilespmem:s16+$0x40]  }
0xea: {  	v6 =	vld [tilespmem:s17+$0x40];
	_ =	sdelay $0x1  }
0xeb: {  	v7 =	vbroadcast v0, $0xC;
	_ =	sdelay $0x1  }
0xec: {  	v4 =	vmul.f32 v5, v4  }
0xed: {  	v5 =	vmul.f32 v6, v7;
	_ =	sdelay $0x1  }
0xee: {  	v4 =	vadd.f32 v5, v4;
	_ =	sdelay $0x1  }
0xef: {  	v4 =	vmul.f32 $5.000000000e-01, v4;
	_ =	sdelay $0x1  }
0xf0: {  	[tilespmem:s16+$0x40] =	vst v4;
	v4 =	vld [tilespmem:s16+$0x50]  }
0xf1: {  	v5 =	vld [tilespmem:s17+$0x50];
	_ =	sdelay $0x1  }
0xf2: {  	v6 =	vbroadcast v0, $0xD;
	_ =	sdelay $0x1  }
0xf3: {  	v3 =	vmul.f32 v4, v3  }
0xf4: {  	v4 =	vmul.f32 v5, v6;
	_ =	sdelay $0x1  }
0xf5: {  	v3 =	vadd.f32 v4, v3;
	_ =	sdelay $0x1  }
0xf6: {  	v3 =	vmul.f32 $5.000000000e-01, v3;
	_ =	sdelay $0x1  }
0xf7: {  	[tilespmem:s16+$0x50] =	vst v3;
	v3 =	vld [tilespmem:s16+$0x60]  }
0xf8: {  	v4 =	vld [tilespmem:s17+$0x60];
	_ =	sdelay $0x1  }
0xf9: {  	v5 =	vbroadcast v0, $0xE;
	_ =	sdelay $0x1  }
0xfa: {  	v2 =	vmul.f32 v3, v2  }
0xfb: {  	v3 =	vmul.f32 v4, v5;
	_ =	sdelay $0x1  }
0xfc: {  	v2 =	vadd.f32 v3, v2;
	_ =	sdelay $0x1  }
0xfd: {  	v2 =	vmul.f32 $5.000000000e-01, v2;
	_ =	sdelay $0x1  }
0xfe: {  	[tilespmem:s16+$0x60] =	vst v2;
	v2 =	vld [tilespmem:s16+$0x70]  }
0xff: {  	v3 =	vld [tilespmem:s17+$0x70];
	_ =	sdelay $0x1  }
0x100: {  	v0 =	vbroadcast v0, $0xF;
	_ =	sdelay $0x1  }
0x101: {  	v1 =	vmul.f32 v2, v1  }
.Ltmp0:
0x102: {  	v0 =	vmul.f32 v3, v0;
	(pc) =	sbr.rel @p0 .LBB2_3-.Ltmp0, $3  }
0x103: {  	_ = 	snop  }
0x104: {  	v0 =	vadd.f32 v0, v1;
	_ =	sdelay $0x1  }
0x105: {  	v0 =	vmul.f32 $5.000000000e-01, v0  }
0x106: {  	s14 =	sadd.s32 $0x1, s14  }
0x107: {  	p0 =	sne.s32 s14, s7  }
.Ltmp1:
0x108: {  	s15 =	sadd.s32 s1, s15;
	[tilespmem:s19+$0x70] =	vst v0;
	(pc) =	sbr.rel @p0 .LBB2_2-.Ltmp1, $4  }
0x109: {  	[hbm4b:s15+s3] =	stream.linear.scatter [tilespmem:s3], [sflag:$0x1], $0x1000, $0x38;
	[tilespmem:$0x2200] =	vst v63  }
0x10a: {  	_ =	swait.ge [sflag:s9], $0x1000  }
0x10b: {  	[sflag:s9] =	ssyncset.done $0x0  }
0x10c: {  	[sflag:s9] =	ssyncadd.s32 $0xFFFFF000  }
0x10d: {  	s13 =	sadd.s32 $0x1, s13  }
0x10e: {  	p0 =	sne.s32 s13, s8  }
.Ltmp2:
0x10f: {  	_ = 	snop;
	(pc) =	sbr.rel @p0 .LBB2_1-.Ltmp2, $1  }
0x110: {  	_ =	sdelay $0x3  }
0x111: {  	_ =	sfence.sel $0x180000  }
0x112: {  	[bflag:$0x0] =	sbarrier.arrive $0xFFFF  }
0x113: {  	p0 =	sne.s32 s2, $0x0;
	_ =	strace $0x9000004A  }
0x114: {  	s0 =	sadd.s32 @!p0 $0x100000, s0;
	[bflag:$0x2] =	sbarrier.arrive $0xFFFF  }
0x115: {  	[sflag:s0] =	ssyncadd.tile.s32 @!p0 $0x1;
	_ =	shalt  }
.Lfunc_end2:
_tile_overlayer_lowered:
.L_overlay_start_2:
0x116: {  	(tag) =	ssettag $0x2  }
0x117: {  	s0 =	rddreg [dreg:$0x0];
	s2 =	stileid.u32  }
0x118: {  	s1 =	rddreg [dreg:$0x1];
	p0 =	sne.s32 s2, $0x0  }
0x119: {  	s3 =	rddreg [dreg:$0x2];
	[bflag:$0x3] =	sbarrier.arrive $0xFFFF;
	s2 =	simm.s32 @!p0 $0x1C01  }
0x11a: {  	[timem:s3], [sflag:s2] =	dma.local @!p0 [hbm:s0], s1  }
0x11b: {  	s0 =	simm.s32 @!p0 $0x1  }
0x11c: {  	_ =	swait.ge @!p0 [sflag:s0], s1  }
0x11d: {  	s1 =	ssub.s32 @!p0 $0x0, s1;
	[sflag:s0] =	ssyncset.done @!p0 $0x0  }
0x11e: {  	[sflag:s0] =	ssyncadd.s32 @!p0 s1  }
0x11f: {  	[bflag:$0x3] =	sbarrier.arrive $0xFFFF  }
0x120: {  	_ =	shalt  }

</sc_bundles>
